<compile_context>
chip_gen: v7x
topology: tpu7x:2x2x1
jax: 0.10.2.dev20260603
libtpu: 0.0.44.dev20260713+nightly
codegen_flags: <defaults>
</compile_context>

<pallas_src>
import functools

import jax
import jax.numpy as jnp
from jax import lax
from jax.experimental import pallas as pl
from jax.experimental.pallas import tpu as pltpu
from jax.experimental.pallas import tpu_sc as plsc

_N = 10000
_E = 320000
_D = 128
_H = 128
_L = 56
_B = 100
_DEPTH = 3

_NC = 2
_NS = 16
_NT = _NC * _NS
_EPT = _E // _NT
_C = 80
_NCH = _EPT // _C
_ZT = 10
_ZR = _N // _ZT
_ZB = 200

_R = 2000


def _spmm(hn, pk3, zrows):
    mesh = plsc.VectorSubcoreMesh(core_axis_name="c", subcore_axis_name="s")

    @functools.partial(
        pl.kernel,
        mesh=mesh,
        out_type=jax.ShapeDtypeStruct((2, _N, _H), jnp.float32),
        scratch_types=[
            pltpu.VMEM((_NCH, _C), jnp.int32),
            pltpu.VMEM((3, _C), jnp.int32),
            pltpu.VMEM((3, _C), jnp.int32),
            pltpu.VMEM((_C, _H), jnp.float32),
            pltpu.VMEM((_C, _H), jnp.float32),
            pltpu.VMEM((_C, _H), jnp.float32),
            pltpu.VMEM_SHARED((_N, _H), jnp.float32),
            pltpu.SemaphoreType.DMA,
            pltpu.SemaphoreType.DMA,
            pltpu.SemaphoreType.DMA,
            pltpu.SemaphoreType.DMA,
            pltpu.SemaphoreType.DMA,
            pltpu.SemaphoreType.DMA,
        ],
    )
    def k(hn_hbm, pk_hbm, z_hbm, out_hbm, pk_v, si_v, di_v,
          r0, r1, r2, acc_sh, g0, g1, g2, s0, s1, s2):
        cid = lax.axis_index("c")
        sid = lax.axis_index("s")
        gid = sid * _NC + cid
        pltpu.sync_copy(pk_hbm.at[gid], pk_v)

        @pl.when(sid < _ZT)
        def _():
            @pl.loop(0, _ZR // _ZB)
            def _(kk):
                pltpu.sync_copy(
                    z_hbm, acc_sh.at[pl.ds(sid * _ZR + kk * _ZB, _ZB)])

        plsc.subcore_barrier()

        rows = (r0, r1, r2)
        gsem = (g0, g1, g2)
        ssem = (s0, s1, s2)

        def unpack(b, j):
            @pl.loop(0, _C // 16)
            def _(u):
                v = pk_v[j, pl.ds(u * 16, 16)]
                si_v[b, pl.ds(u * 16, 16)] = v >> 14
                di_v[b, pl.ds(u * 16, 16)] = v & 16383

        def issue_gather(b, j):
            unpack(b, j)
            pltpu.make_async_copy(hn_hbm.at[si_v.at[b]], rows[b],
                                  gsem[b]).start()

        def wait_gather(b):
            pltpu.make_async_copy(hn_hbm.at[si_v.at[b]], rows[b],
                                  gsem[b]).wait()

        def scatter_async(b):
            pltpu.make_async_copy(rows[b], acc_sh.at[di_v.at[b]],
                                  ssem[b]).start(add=True)

        def wait_scatter(b):
            pltpu.make_async_copy(rows[b], acc_sh.at[di_v.at[b]],
                                  ssem[b]).wait()

        def visit(j, off, first=False):
            b = off % 3
            b2 = (off + 2) % 3
            wait_gather(b)
            scatter_async(b)
            if not first:
                wait_scatter(b2)
            issue_gather(b2, j + 2)

        issue_gather(0, 0)
        issue_gather(1, 1)
        visit(0, 0, first=True)
        visit(1, 1)
        visit(2, 2)

        @pl.loop(1, (_NCH - 2) // 3)
        def _(i):
            visit(3 * i, 0)
            visit(3 * i + 1, 1)
            visit(3 * i + 2, 2)

        wait_gather(0)
        scatter_async(0)
        wait_gather(1)
        scatter_async(1)
        wait_scatter(2)
        wait_scatter(0)
        wait_scatter(1)

        plsc.subcore_barrier()

        @pl.when(sid < _ZT)
        def _():
            @pl.loop(0, _ZR // _ZB)
            def _(kk):
                o = sid * _ZR + kk * _ZB
                pltpu.sync_copy(acc_sh.at[pl.ds(o, _ZB)],
                                out_hbm.at[cid, pl.ds(o, _ZB)])

    return k(hn, pk3, zrows)


def _phase_a_body(x_ref, w_ref, xw_ref, hn_ref):
    xw = jnp.dot(x_ref[...], w_ref[...], preferred_element_type=jnp.float32)
    xw_ref[...] = xw
    hn_ref[...] = jax.nn.sigmoid(xw[:, :_H]) * jnp.tanh(xw[:, 2 * _H:])


def _phase_a(x, w_all):
    return pl.pallas_call(
        _phase_a_body,
        grid=(_N // _R,),
        in_specs=[
            pl.BlockSpec((_R, _D), lambda i: (i, 0)),
            pl.BlockSpec((_D, 3 * _H), lambda i: (0, 0)),
        ],
        out_specs=[
            pl.BlockSpec((_R, 3 * _H), lambda i: (i, 0)),
            pl.BlockSpec((_R, _H), lambda i: (i, 0)),
        ],
        out_shape=[
            jax.ShapeDtypeStruct((_N, 3 * _H), jnp.float32),
            jax.ShapeDtypeStruct((_N, _H), jnp.float32),
        ],
    )(x, w_all)


def _gru_body(xw_ref, hn_ref, p0_ref, p1_ref, uz_ref, ur_ref, uh_ref, out_ref):
    f32 = jnp.float32
    m = p0_ref[0] + p1_ref[0]
    xw = xw_ref[...]
    hn = hn_ref[...]
    z = jax.nn.sigmoid(
        xw[:, :_H] + jnp.dot(m, uz_ref[...], preferred_element_type=f32))
    r = jax.nn.sigmoid(
        xw[:, _H:2 * _H]
        + jnp.dot(hn, ur_ref[...], preferred_element_type=f32))
    g = jnp.tanh(
        xw[:, 2 * _H:]
        + jnp.dot(r * m, uh_ref[...], preferred_element_type=f32))
    out_ref[...] = (1.0 - z) * m + z * g


def _gru(xw, hn, parts, u_z, u_r, u_h):
    nb = _N // _R
    return pl.pallas_call(
        _gru_body,
        grid=(nb,),
        in_specs=[
            pl.BlockSpec((_R, 3 * _H), lambda i: (i, 0)),
            pl.BlockSpec((_R, _H), lambda i: (i, 0)),
            pl.BlockSpec((1, _R, _H), lambda i: (0, i, 0)),
            pl.BlockSpec((1, _R, _H), lambda i: (1, i, 0)),
            pl.BlockSpec((_H, _H), lambda i: (0, 0)),
            pl.BlockSpec((_H, _H), lambda i: (0, 0)),
            pl.BlockSpec((_H, _H), lambda i: (0, 0)),
        ],
        out_specs=pl.BlockSpec((_R, _H), lambda i: (i, 0)),
        out_shape=jax.ShapeDtypeStruct((_N, _H), jnp.float32),
    )(xw, hn, parts, parts, u_z, u_r, u_h)


def _final_body(x_ref, p_ref, wot_ref, wob_ref, tgm_ref, tgv_ref, eps_ref,
                out_ref):
    f32 = jnp.float32
    m = p_ref[0] + p_ref[1]
    nh = jax.nn.relu(
        jnp.dot(x_ref[...], wot_ref[...], preferred_element_type=f32)
        + jnp.dot(m, wob_ref[...], preferred_element_type=f32))
    npb = _N // _B
    rows = lax.broadcasted_iota(jnp.int32, (_B, _N), 0)
    cols = lax.broadcasted_iota(jnp.int32, (_B, _N), 1)
    pool = jnp.where(cols // npb == rows, 1.0 / npb, 0.0)
    gv = jnp.dot(pool, nh, preferred_element_type=f32)
    mean = jnp.dot(gv, tgm_ref[...], preferred_element_type=f32)
    logv = -jnp.abs(jnp.dot(gv, tgv_ref[...], preferred_element_type=f32))
    out_ref[...] = mean + jnp.exp(logv * 0.5) * eps_ref[...]


def _final(x, parts, wo_t, wo_b, tgm, tgv, eps):
    return pl.pallas_call(
        _final_body,
        out_shape=jax.ShapeDtypeStruct((_B, _L), jnp.float32),
    )(x, parts, wo_t, wo_b, tgm, tgv, eps)


def kernel(x, edge_index, W_z, U_z, W_r, U_r, W_h, U_h, W_o,
           T_mean, T_var, G_mean, G_var, eps_t, eps_g):
    src = edge_index[0].astype(jnp.int32)
    dst = edge_index[1].astype(jnp.int32)
    pk3 = (src * 16384 + dst).reshape(_NT, _NCH, _C)
    zrows = jnp.zeros((_ZB, _H), jnp.float32)
    w_all = jnp.concatenate([W_z, W_r, W_h], axis=1)

    xw, hn = _phase_a(x, w_all)
    for _ in range(_DEPTH - 1):
        parts = _spmm(hn, pk3, zrows)
        hn = _gru(xw, hn, parts, U_z, U_r, U_h)
    parts = _spmm(hn, pk3, zrows)

    wo_t = W_o[:_D]
    wo_b = W_o[_D:]
    tgm = jnp.concatenate([T_mean, G_mean], axis=1)
    tgv = jnp.concatenate([T_var, G_var], axis=1)
    eps = jnp.concatenate([eps_t, eps_g], axis=1)
    return _final(x, parts, wo_t, wo_b, tgm, tgv, eps)

# --- scband reference (transcript-rebuilt; emitter-appended) ---
"""Pipeline reference for scband-jtnnvae-7095285973773 (READ-ONLY COPY).

The authoritative reference and input builder live on the scoring server;
editing this copy changes nothing except your own understanding.
"""

import jax, jax.numpy as jnp
import numpy as np

N = 10000
E = 320000
D = 128
H = 128
L = 56
B = 100
DEPTH = 3

def setup_inputs(seed: int = 0) -> dict:
    key = jax.random.key(seed)
    ks = jax.random.split(key, 16)
    x = jax.random.normal(ks[0], (N, D), dtype=jnp.float32)
    edge_index = jax.random.randint(ks[1], (2, E), 0, N, dtype=jnp.int64)
    s = 0.05
    W_z = jax.random.normal(ks[2], (D, H), dtype=jnp.float32) * s
    U_z = jax.random.normal(ks[3], (H, H), dtype=jnp.float32) * s
    W_r = jax.random.normal(ks[4], (D, H), dtype=jnp.float32) * s
    U_r = jax.random.normal(ks[5], (H, H), dtype=jnp.float32) * s
    W_h = jax.random.normal(ks[6], (D, H), dtype=jnp.float32) * s
    U_h = jax.random.normal(ks[7], (H, H), dtype=jnp.float32) * s
    W_o = jax.random.normal(ks[8], (D + H, H), dtype=jnp.float32) * s
    T_mean = jax.random.normal(ks[9], (H, L // 2), dtype=jnp.float32) * s
    T_var = jax.random.normal(ks[10], (H, L // 2), dtype=jnp.float32) * s
    G_mean = jax.random.normal(ks[11], (H, L // 2), dtype=jnp.float32) * s
    G_var = jax.random.normal(ks[12], (H, L // 2), dtype=jnp.float32) * s
    eps_t = jax.random.normal(ks[13], (B, L // 2), dtype=jnp.float32)
    eps_g = jax.random.normal(ks[14], (B, L // 2), dtype=jnp.float32)
    return {"x": x, "edge_index": edge_index, "W_z": W_z, "U_z": U_z, "W_r": W_r,
            "U_r": U_r, "W_h": W_h, "U_h": U_h, "W_o": W_o, "T_mean": T_mean,
            "T_var": T_var, "G_mean": G_mean, "G_var": G_var, "eps_t": eps_t, "eps_g": eps_g}

def reference(x, edge_index, W_z, U_z, W_r, U_r, W_h, U_h, W_o,
              T_mean, T_var, G_mean, G_var, eps_t, eps_g):
    src = edge_index[0]
    dst = edge_index[1]
    x_src = jnp.take(x, src, axis=0)
    h = jnp.zeros((E, H), dtype=x.dtype)
    # JTNN-style GRU loopy message passing over `depth` timesteps
    for _ in range(DEPTH):
        node_msg = jax.ops.segment_sum(h, dst, num_segments=N)
        s_in = jnp.take(node_msg, src, axis=0)
        z = jax.nn.sigmoid(x_src @ W_z + s_in @ U_z)
        r = jax.nn.sigmoid(x_src @ W_r + h @ U_r)
        g = jnp.tanh(x_src @ W_h + (r * s_in) @ U_h)
        h = (1.0 - z) * s_in + z * g
    node_msg = jax.ops.segment_sum(h, dst, num_segments=N)
    node_h = jax.nn.relu(jnp.concatenate([x, node_msg], axis=1) @ W_o)
    # pool nodes per junction tree (B trees of N//B nodes)
    graph_vecs = node_h.reshape(B, N // B, H).mean(axis=1)
    tree_mean = graph_vecs @ T_mean
    tree_log_var = -jnp.abs(graph_vecs @ T_var)
    mol_mean = graph_vecs @ G_mean
    mol_log_var = -jnp.abs(graph_vecs @ G_var)
    z_mean = jnp.concatenate([tree_mean, mol_mean], axis=1)
    z_log_var = jnp.concatenate([tree_log_var, mol_log_var], axis=1)
    kl_loss = -0.5 * jnp.sum(1.0 + z_log_var - z_mean * z_mean - jnp.exp(z_log_var)) / B
    tree_vecs = tree_mean + jnp.exp(tree_log_var / 2.0) * eps_t
    mol_vecs = mol_mean + jnp.exp(mol_log_var / 2.0) * eps_g
    all_vec = jnp.concatenate([tree_vecs, mol_vecs], axis=1)
    # fold KL into the latent output so it stays differentiable end-to-end
    return all_vec + 0.0 * kl_loss

if __name__ == "__main__":
    import jax
    _d = setup_inputs()
    print(jax.jit(kernel)(*tuple(_d.values())))

</pallas_src>

<mosaic_0001>
#map = affine_map<(d0, d1) -> (0, 0)>
#map1 = affine_map<(d0, d1) -> (0, 0, 0)>
module attributes {stable_mosaic.version = 14 : i64} {
  func.func @k(%arg0: i32, %arg1: i32, %arg2: memref<10000x128xf32, #tpu.memory_space<hbm>>, %arg3: memref<32x125x80xi32, #tpu.memory_space<hbm>>, %arg4: memref<200x128xf32, #tpu.memory_space<hbm>>, %arg5: memref<2x10000x128xf32, #tpu.memory_space<hbm>>, %arg6: memref<125x80xi32, #tpu.memory_space<vmem>>, %arg7: memref<3x80xi32, #tpu.memory_space<vmem>>, %arg8: memref<3x80xi32, #tpu.memory_space<vmem>>, %arg9: memref<80x128xf32, #tpu.memory_space<vmem>>, %arg10: memref<80x128xf32, #tpu.memory_space<vmem>>, %arg11: memref<80x128xf32, #tpu.memory_space<vmem>>, %arg12: memref<10000x128xf32, #tpu.memory_space<vmem_shared>>, %arg13: memref<!tpu.dma_semaphore, #tpu.memory_space<semaphore_mem>>, %arg14: memref<!tpu.dma_semaphore, #tpu.memory_space<semaphore_mem>>, %arg15: memref<!tpu.dma_semaphore, #tpu.memory_space<semaphore_mem>>, %arg16: memref<!tpu.dma_semaphore, #tpu.memory_space<semaphore_mem>>, %arg17: memref<!tpu.dma_semaphore, #tpu.memory_space<semaphore_mem>>, %arg18: memref<!tpu.dma_semaphore, #tpu.memory_space<semaphore_mem>>) attributes {dimension_semantics = [#tpu.dimension_semantics<core_parallel>, #tpu.dimension_semantics<subcore_parallel>], iteration_bounds = array<i64: 2, 16>, scalar_prefetch = 0 : i64, scratch_operands = 13 : i64, tpu.core_type = #tpu.core_type<sc_vector_subcore>, window_params = [{transform_indices = #map}, {transform_indices = #map1}, {transform_indices = #map}, {transform_indices = #map1}]} {
    %mul3A = arith.constant 2 : i32
    %mul3A_0 = arith.muli %arg1, %mul3A : i32
    %add3A = arith.addi %mul3A_0, %arg0 : i32
    "tpu.region"() ({
      %run_scoped3A = tpu.sem_alloc : memref<!tpu.dma_semaphore, #tpu.memory_space<semaphore_mem>>
      %dma_start3A_176 = arith.constant 0 : i32
      %dma_start3A_177 = arith.constant 0 : i32
      %dma_start3A_178 = tpu.memref_slice %arg3[%add3A, %dma_start3A_176, %dma_start3A_177] : memref<32x125x80xi32, #tpu.memory_space<hbm>> -> memref<1x125x80xi32, #tpu.memory_space<hbm>>
      %dma_start3A_179 = tpu.memref_squeeze %dma_start3A_178 : memref<1x125x80xi32, #tpu.memory_space<hbm>> -> memref<125x80xi32, #tpu.memory_space<hbm>>
      %dma_start3A_180 = arith.constant 0 : i32
      %dma_start3A_181 = arith.constant 0 : i32
      %dma_start3A_182 = tpu.memref_slice %arg3[%add3A, %dma_start3A_180, %dma_start3A_181] : memref<32x125x80xi32, #tpu.memory_space<hbm>> -> memref<1x125x80xi32, #tpu.memory_space<hbm>>
      %dma_start3A_183 = tpu.memref_squeeze %dma_start3A_182 : memref<1x125x80xi32, #tpu.memory_space<hbm>> -> memref<125x80xi32, #tpu.memory_space<hbm>>
      tpu.enqueue_dma source(%dma_start3A_183 : memref<125x80xi32, #tpu.memory_space<hbm>>) target(%arg6 : memref<125x80xi32, #tpu.memory_space<vmem>>) target_semaphore(%run_scoped3A : memref<!tpu.dma_semaphore, #tpu.memory_space<semaphore_mem>>)
      %dma_wait3A_184 = arith.constant 0 : i32
      %dma_wait3A_185 = arith.constant 0 : i32
      %dma_wait3A_186 = tpu.memref_slice %arg3[%add3A, %dma_wait3A_184, %dma_wait3A_185] : memref<32x125x80xi32, #tpu.memory_space<hbm>> -> memref<1x125x80xi32, #tpu.memory_space<hbm>>
      %dma_wait3A_187 = tpu.memref_squeeze %dma_wait3A_186 : memref<1x125x80xi32, #tpu.memory_space<hbm>> -> memref<125x80xi32, #tpu.memory_space<hbm>>
      %dma_wait3A_188 = arith.constant 0 : i32
      %dma_wait3A_189 = arith.constant 0 : i32
      %dma_wait3A_190 = tpu.memref_slice %arg3[%add3A, %dma_wait3A_188, %dma_wait3A_189] : memref<32x125x80xi32, #tpu.memory_space<hbm>> -> memref<1x125x80xi32, #tpu.memory_space<hbm>>
      %dma_wait3A_191 = tpu.memref_squeeze %dma_wait3A_190 : memref<1x125x80xi32, #tpu.memory_space<hbm>> -> memref<125x80xi32, #tpu.memory_space<hbm>>
      tpu.wait_dma2 semaphore(%run_scoped3A : memref<!tpu.dma_semaphore, #tpu.memory_space<semaphore_mem>>) src(%dma_wait3A_191 : memref<125x80xi32, #tpu.memory_space<hbm>>) dst(%arg6 : memref<125x80xi32, #tpu.memory_space<vmem>>)
      tpu.yield
    }) : () -> ()
    %lt3A = arith.constant 10 : i32
    %lt3A_1 = arith.cmpi slt, %arg1, %lt3A : i32
    %convert_element_type3A = arith.extui %lt3A_1 : i1 to i32
    %cond3A = arith.constant 0 : i32
    %cond3A_2 = arith.cmpi ne, %convert_element_type3A, %cond3A : i32
    scf.if %cond3A_2 {
      %scan3A_176 = arith.constant 0 : i32
      %scan3A_177 = arith.constant 5 : i32
      %scan3A_178 = arith.addi %scan3A_176, %scan3A_177 : i32
      %scan3A_179 = arith.constant 1 : i32
      scf.for %scan3A_181 = %scan3A_176 to %scan3A_178 step %scan3A_179  : i32 {
        %mul3A_182 = arith.constant 1 : i32
        %mul3A_183 = arith.muli %scan3A_181, %mul3A_182 : i32
        %add3A_184 = arith.constant 0 : i32
        %add3A_185 = arith.addi %add3A_184, %mul3A_183 : i32
        %mul3A_186 = arith.constant 1000 : i32
        %mul3A_187 = arith.muli %arg1, %mul3A_186 : i32
        %mul3A_188 = arith.constant 200 : i32
        %mul3A_189 = arith.muli %add3A_185, %mul3A_188 : i32
        %add3A_190 = arith.addi %mul3A_187, %mul3A_189 : i32
        "tpu.region"() ({
          %run_scoped3A = tpu.sem_alloc : memref<!tpu.dma_semaphore, #tpu.memory_space<semaphore_mem>>
          %dma_start3A_191 = arith.constant 0 : i32
          %dma_start3A_192 = tpu.memref_slice %arg12[%add3A_190, %dma_start3A_191] : memref<10000x128xf32, #tpu.memory_space<vmem_shared>> -> memref<200x128xf32, #tpu.memory_space<vmem_shared>>
          tpu.enqueue_dma source(%arg4 : memref<200x128xf32, #tpu.memory_space<hbm>>) target(%dma_start3A_192 : memref<200x128xf32, #tpu.memory_space<vmem_shared>>) target_semaphore(%run_scoped3A : memref<!tpu.dma_semaphore, #tpu.memory_space<semaphore_mem>>)
          %dma_wait3A_193 = arith.constant 0 : i32
          %dma_wait3A_194 = tpu.memref_slice %arg12[%add3A_190, %dma_wait3A_193] : memref<10000x128xf32, #tpu.memory_space<vmem_shared>> -> memref<200x128xf32, #tpu.memory_space<vmem_shared>>
          tpu.wait_dma2 semaphore(%run_scoped3A : memref<!tpu.dma_semaphore, #tpu.memory_space<semaphore_mem>>) src(%arg4 : memref<200x128xf32, #tpu.memory_space<hbm>>) dst(%dma_wait3A_194 : memref<200x128xf32, #tpu.memory_space<vmem_shared>>)
          tpu.yield
        }) : () -> ()
      }
      %scan3A_180 = arith.constant 5 : i32
    } else {
    }
    %barrier3A = arith.constant 0 : index
    tpu.barrier barrier_id(%barrier3A)
    %scan3A = arith.constant 0 : i32
    %scan3A_3 = arith.constant 5 : i32
    %scan3A_4 = arith.addi %scan3A, %scan3A_3 : i32
    %scan3A_5 = arith.constant 1 : i32
    scf.for %scan3A_176 = %scan3A to %scan3A_4 step %scan3A_5  : i32 {
      %mul3A_177 = arith.constant 1 : i32
      %mul3A_178 = arith.muli %scan3A_176, %mul3A_177 : i32
      %add3A_179 = arith.constant 0 : i32
      %add3A_180 = arith.addi %add3A_179, %mul3A_178 : i32
      %mul3A_181 = arith.constant 16 : i32
      %mul3A_182 = arith.muli %add3A_180, %mul3A_181 : i32
      %get3A = arith.constant 0 : i32
      %get3A_183 = arith.index_cast %get3A : i32 to index
      %get3A_184 = arith.index_cast %mul3A_182 : i32 to index
      %get3A_185 = tpu.vector_load %arg6[%get3A_183, %get3A_184] {strides = array<i32>} : memref<125x80xi32, #tpu.memory_space<vmem>>, vector<1x16xi32>,
      %get3A_186 = vector.shape_cast %get3A_185 : vector<1x16xi32> to vector<16xi32>
      %shift_right_arithmetic3A = arith.constant 14 : i32
      %shift_right_arithmetic3A_187 = vector.broadcast %shift_right_arithmetic3A : i32 to vector<16xi32>
      %shift_right_arithmetic3A_188 = arith.shrsi %get3A_186, %shift_right_arithmetic3A_187 : vector<16xi32>
      %mul3A_189 = arith.constant 16 : i32
      %mul3A_190 = arith.muli %add3A_180, %mul3A_189 : i32
      %swap3A = arith.constant 0 : i32
      %swap3A_191 = arith.index_cast %swap3A : i32 to index
      %swap3A_192 = arith.index_cast %mul3A_190 : i32 to index
      %swap3A_193 = tpu.vector_load %arg7[%swap3A_191, %swap3A_192] {strides = array<i32>} : memref<3x80xi32, #tpu.memory_space<vmem>>, vector<1x16xi32>,
      %swap3A_194 = vector.shape_cast %swap3A_193 : vector<1x16xi32> to vector<16xi32>
      %swap3A_195 = vector.shape_cast %shift_right_arithmetic3A_188 : vector<16xi32> to vector<1x16xi32>
      tpu.vector_store %arg7[%swap3A_191, %swap3A_192], %swap3A_195 {strides = array<i32>} : memref<3x80xi32, #tpu.memory_space<vmem>>, vector<1x16xi32>,
      %and3A = arith.constant 16383 : i32
      %and3A_196 = vector.broadcast %and3A : i32 to vector<16xi32>
      %and3A_197 = arith.andi %get3A_186, %and3A_196 : vector<16xi32>
      %mul3A_198 = arith.constant 16 : i32
      %mul3A_199 = arith.muli %add3A_180, %mul3A_198 : i32
      %swap3A_200 = arith.constant 0 : i32
      %swap3A_201 = arith.index_cast %swap3A_200 : i32 to index
      %swap3A_202 = arith.index_cast %mul3A_199 : i32 to index
      %swap3A_203 = tpu.vector_load %arg8[%swap3A_201, %swap3A_202] {strides = array<i32>} : memref<3x80xi32, #tpu.memory_space<vmem>>, vector<1x16xi32>,
      %swap3A_204 = vector.shape_cast %swap3A_203 : vector<1x16xi32> to vector<16xi32>
      %swap3A_205 = vector.shape_cast %and3A_197 : vector<16xi32> to vector<1x16xi32>
      tpu.vector_store %arg8[%swap3A_201, %swap3A_202], %swap3A_205 {strides = array<i32>} : memref<3x80xi32, #tpu.memory_space<vmem>>, vector<1x16xi32>,
    }
    %scan3A_6 = arith.constant 5 : i32
    %dma_start3A = arith.constant 0 : i32
    %dma_start3A_7 = arith.constant 0 : i32
    %dma_start3A_8 = tpu.memref_slice %arg7[%dma_start3A, %dma_start3A_7] : memref<3x80xi32, #tpu.memory_space<vmem>> -> memref<1x80xi32, #tpu.memory_space<vmem>>
    %dma_start3A_9 = tpu.memref_squeeze %dma_start3A_8 : memref<1x80xi32, #tpu.memory_space<vmem>> -> memref<80xi32, #tpu.memory_space<vmem>>
    %dma_start3A_10 = arith.constant 0 : i32
    %dma_start3A_11 = arith.constant 0 : i32
    %dma_start3A_12 = tpu.memref_slice %arg2[%dma_start3A_10, %dma_start3A_11] : memref<10000x128xf32, #tpu.memory_space<hbm>> -> memref<10000x128xf32, #tpu.memory_space<hbm>>
    tpu.enqueue_indirect_dma source(%dma_start3A_12 : memref<10000x128xf32, #tpu.memory_space<hbm>>) target(%arg9 : memref<80x128xf32, #tpu.memory_space<vmem>>) offsets(%dma_start3A_9 : memref<80xi32, #tpu.memory_space<vmem>>) semaphore(%arg13 : memref<!tpu.dma_semaphore, #tpu.memory_space<semaphore_mem>>)
    %scan3A_13 = arith.constant 0 : i32
    %scan3A_14 = arith.constant 5 : i32
    %scan3A_15 = arith.addi %scan3A_13, %scan3A_14 : i32
    %scan3A_16 = arith.constant 1 : i32
    scf.for %scan3A_176 = %scan3A_13 to %scan3A_15 step %scan3A_16  : i32 {
      %mul3A_177 = arith.constant 1 : i32
      %mul3A_178 = arith.muli %scan3A_176, %mul3A_177 : i32
      %add3A_179 = arith.constant 0 : i32
      %add3A_180 = arith.addi %add3A_179, %mul3A_178 : i32
      %mul3A_181 = arith.constant 16 : i32
      %mul3A_182 = arith.muli %add3A_180, %mul3A_181 : i32
      %get3A = arith.constant 1 : i32
      %get3A_183 = arith.index_cast %get3A : i32 to index
      %get3A_184 = arith.index_cast %mul3A_182 : i32 to index
      %get3A_185 = tpu.vector_load %arg6[%get3A_183, %get3A_184] {strides = array<i32>} : memref<125x80xi32, #tpu.memory_space<vmem>>, vector<1x16xi32>,
      %get3A_186 = vector.shape_cast %get3A_185 : vector<1x16xi32> to vector<16xi32>
      %shift_right_arithmetic3A = arith.constant 14 : i32
      %shift_right_arithmetic3A_187 = vector.broadcast %shift_right_arithmetic3A : i32 to vector<16xi32>
      %shift_right_arithmetic3A_188 = arith.shrsi %get3A_186, %shift_right_arithmetic3A_187 : vector<16xi32>
      %mul3A_189 = arith.constant 16 : i32
      %mul3A_190 = arith.muli %add3A_180, %mul3A_189 : i32
      %swap3A = arith.constant 1 : i32
      %swap3A_191 = arith.index_cast %swap3A : i32 to index
      %swap3A_192 = arith.index_cast %mul3A_190 : i32 to index
      %swap3A_193 = tpu.vector_load %arg7[%swap3A_191, %swap3A_192] {strides = array<i32>} : memref<3x80xi32, #tpu.memory_space<vmem>>, vector<1x16xi32>,
      %swap3A_194 = vector.shape_cast %swap3A_193 : vector<1x16xi32> to vector<16xi32>
      %swap3A_195 = vector.shape_cast %shift_right_arithmetic3A_188 : vector<16xi32> to vector<1x16xi32>
      tpu.vector_store %arg7[%swap3A_191, %swap3A_192], %swap3A_195 {strides = array<i32>} : memref<3x80xi32, #tpu.memory_space<vmem>>, vector<1x16xi32>,
      %and3A = arith.constant 16383 : i32
      %and3A_196 = vector.broadcast %and3A : i32 to vector<16xi32>
      %and3A_197 = arith.andi %get3A_186, %and3A_196 : vector<16xi32>
      %mul3A_198 = arith.constant 16 : i32
      %mul3A_199 = arith.muli %add3A_180, %mul3A_198 : i32
      %swap3A_200 = arith.constant 1 : i32
      %swap3A_201 = arith.index_cast %swap3A_200 : i32 to index
      %swap3A_202 = arith.index_cast %mul3A_199 : i32 to index
      %swap3A_203 = tpu.vector_load %arg8[%swap3A_201, %swap3A_202] {strides = array<i32>} : memref<3x80xi32, #tpu.memory_space<vmem>>, vector<1x16xi32>,
      %swap3A_204 = vector.shape_cast %swap3A_203 : vector<1x16xi32> to vector<16xi32>
      %swap3A_205 = vector.shape_cast %and3A_197 : vector<16xi32> to vector<1x16xi32>
      tpu.vector_store %arg8[%swap3A_201, %swap3A_202], %swap3A_205 {strides = array<i32>} : memref<3x80xi32, #tpu.memory_space<vmem>>, vector<1x16xi32>,
    }
    %scan3A_17 = arith.constant 5 : i32
    %dma_start3A_18 = arith.constant 1 : i32
    %dma_start3A_19 = arith.constant 0 : i32
    %dma_start3A_20 = tpu.memref_slice %arg7[%dma_start3A_18, %dma_start3A_19] : memref<3x80xi32, #tpu.memory_space<vmem>> -> memref<1x80xi32, #tpu.memory_space<vmem>>
    %dma_start3A_21 = tpu.memref_squeeze %dma_start3A_20 : memref<1x80xi32, #tpu.memory_space<vmem>> -> memref<80xi32, #tpu.memory_space<vmem>>
    %dma_start3A_22 = arith.constant 0 : i32
    %dma_start3A_23 = arith.constant 0 : i32
    %dma_start3A_24 = tpu.memref_slice %arg2[%dma_start3A_22, %dma_start3A_23] : memref<10000x128xf32, #tpu.memory_space<hbm>> -> memref<10000x128xf32, #tpu.memory_space<hbm>>
    tpu.enqueue_indirect_dma source(%dma_start3A_24 : memref<10000x128xf32, #tpu.memory_space<hbm>>) target(%arg10 : memref<80x128xf32, #tpu.memory_space<vmem>>) offsets(%dma_start3A_21 : memref<80xi32, #tpu.memory_space<vmem>>) semaphore(%arg14 : memref<!tpu.dma_semaphore, #tpu.memory_space<semaphore_mem>>)
    %dma_wait3A = arith.constant 0 : i32
    %dma_wait3A_25 = arith.constant 0 : i32
    %dma_wait3A_26 = tpu.memref_slice %arg7[%dma_wait3A, %dma_wait3A_25] : memref<3x80xi32, #tpu.memory_space<vmem>> -> memref<1x80xi32, #tpu.memory_space<vmem>>
    %dma_wait3A_27 = tpu.memref_squeeze %dma_wait3A_26 : memref<1x80xi32, #tpu.memory_space<vmem>> -> memref<80xi32, #tpu.memory_space<vmem>>
    %dma_wait3A_28 = arith.constant 0 : i32
    %dma_wait3A_29 = arith.constant 0 : i32
    %dma_wait3A_30 = tpu.memref_slice %arg2[%dma_wait3A_28, %dma_wait3A_29] : memref<10000x128xf32, #tpu.memory_space<hbm>> -> memref<10000x128xf32, #tpu.memory_space<hbm>>
    tpu.wait_indirect_dma semaphore(%arg13 : memref<!tpu.dma_semaphore, #tpu.memory_space<semaphore_mem>>) src(%dma_wait3A_30 : memref<10000x128xf32, #tpu.memory_space<hbm>>) dst(%arg9 : memref<80x128xf32, #tpu.memory_space<vmem>>)
    %dma_start3A_31 = arith.constant 0 : i32
    %dma_start3A_32 = arith.constant 0 : i32
    %dma_start3A_33 = tpu.memref_slice %arg8[%dma_start3A_31, %dma_start3A_32] : memref<3x80xi32, #tpu.memory_space<vmem>> -> memref<1x80xi32, #tpu.memory_space<vmem>>
    %dma_start3A_34 = tpu.memref_squeeze %dma_start3A_33 : memref<1x80xi32, #tpu.memory_space<vmem>> -> memref<80xi32, #tpu.memory_space<vmem>>
    %dma_start3A_35 = arith.constant 0 : i32
    %dma_start3A_36 = arith.constant 0 : i32
    %dma_start3A_37 = tpu.memref_slice %arg12[%dma_start3A_35, %dma_start3A_36] : memref<10000x128xf32, #tpu.memory_space<vmem_shared>> -> memref<10000x128xf32, #tpu.memory_space<vmem_shared>>
    tpu.enqueue_indirect_dma source(%arg9 : memref<80x128xf32, #tpu.memory_space<vmem>>) target(%dma_start3A_37 : memref<10000x128xf32, #tpu.memory_space<vmem_shared>>) offsets(%dma_start3A_34 : memref<80xi32, #tpu.memory_space<vmem>>) semaphore(%arg16 : memref<!tpu.dma_semaphore, #tpu.memory_space<semaphore_mem>>) {add = true}
    %scan3A_38 = arith.constant 0 : i32
    %scan3A_39 = arith.constant 5 : i32
    %scan3A_40 = arith.addi %scan3A_38, %scan3A_39 : i32
    %scan3A_41 = arith.constant 1 : i32
    scf.for %scan3A_176 = %scan3A_38 to %scan3A_40 step %scan3A_41  : i32 {
      %mul3A_177 = arith.constant 1 : i32
      %mul3A_178 = arith.muli %scan3A_176, %mul3A_177 : i32
      %add3A_179 = arith.constant 0 : i32
      %add3A_180 = arith.addi %add3A_179, %mul3A_178 : i32
      %mul3A_181 = arith.constant 16 : i32
      %mul3A_182 = arith.muli %add3A_180, %mul3A_181 : i32
      %get3A = arith.constant 2 : i32
      %get3A_183 = arith.index_cast %get3A : i32 to index
      %get3A_184 = arith.index_cast %mul3A_182 : i32 to index
      %get3A_185 = tpu.vector_load %arg6[%get3A_183, %get3A_184] {strides = array<i32>} : memref<125x80xi32, #tpu.memory_space<vmem>>, vector<1x16xi32>,
      %get3A_186 = vector.shape_cast %get3A_185 : vector<1x16xi32> to vector<16xi32>
      %shift_right_arithmetic3A = arith.constant 14 : i32
      %shift_right_arithmetic3A_187 = vector.broadcast %shift_right_arithmetic3A : i32 to vector<16xi32>
      %shift_right_arithmetic3A_188 = arith.shrsi %get3A_186, %shift_right_arithmetic3A_187 : vector<16xi32>
      %mul3A_189 = arith.constant 16 : i32
      %mul3A_190 = arith.muli %add3A_180, %mul3A_189 : i32
      %swap3A = arith.constant 2 : i32
      %swap3A_191 = arith.index_cast %swap3A : i32 to index
      %swap3A_192 = arith.index_cast %mul3A_190 : i32 to index
      %swap3A_193 = tpu.vector_load %arg7[%swap3A_191, %swap3A_192] {strides = array<i32>} : memref<3x80xi32, #tpu.memory_space<vmem>>, vector<1x16xi32>,
      %swap3A_194 = vector.shape_cast %swap3A_193 : vector<1x16xi32> to vector<16xi32>
      %swap3A_195 = vector.shape_cast %shift_right_arithmetic3A_188 : vector<16xi32> to vector<1x16xi32>
      tpu.vector_store %arg7[%swap3A_191, %swap3A_192], %swap3A_195 {strides = array<i32>} : memref<3x80xi32, #tpu.memory_space<vmem>>, vector<1x16xi32>,
      %and3A = arith.constant 16383 : i32
      %and3A_196 = vector.broadcast %and3A : i32 to vector<16xi32>
      %and3A_197 = arith.andi %get3A_186, %and3A_196 : vector<16xi32>
      %mul3A_198 = arith.constant 16 : i32
      %mul3A_199 = arith.muli %add3A_180, %mul3A_198 : i32
      %swap3A_200 = arith.constant 2 : i32
      %swap3A_201 = arith.index_cast %swap3A_200 : i32 to index
      %swap3A_202 = arith.index_cast %mul3A_199 : i32 to index
      %swap3A_203 = tpu.vector_load %arg8[%swap3A_201, %swap3A_202] {strides = array<i32>} : memref<3x80xi32, #tpu.memory_space<vmem>>, vector<1x16xi32>,
      %swap3A_204 = vector.shape_cast %swap3A_203 : vector<1x16xi32> to vector<16xi32>
      %swap3A_205 = vector.shape_cast %and3A_197 : vector<16xi32> to vector<1x16xi32>
      tpu.vector_store %arg8[%swap3A_201, %swap3A_202], %swap3A_205 {strides = array<i32>} : memref<3x80xi32, #tpu.memory_space<vmem>>, vector<1x16xi32>,
    }
    %scan3A_42 = arith.constant 5 : i32
    %dma_start3A_43 = arith.constant 2 : i32
    %dma_start3A_44 = arith.constant 0 : i32
    %dma_start3A_45 = tpu.memref_slice %arg7[%dma_start3A_43, %dma_start3A_44] : memref<3x80xi32, #tpu.memory_space<vmem>> -> memref<1x80xi32, #tpu.memory_space<vmem>>
    %dma_start3A_46 = tpu.memref_squeeze %dma_start3A_45 : memref<1x80xi32, #tpu.memory_space<vmem>> -> memref<80xi32, #tpu.memory_space<vmem>>
    %dma_start3A_47 = arith.constant 0 : i32
    %dma_start3A_48 = arith.constant 0 : i32
    %dma_start3A_49 = tpu.memref_slice %arg2[%dma_start3A_47, %dma_start3A_48] : memref<10000x128xf32, #tpu.memory_space<hbm>> -> memref<10000x128xf32, #tpu.memory_space<hbm>>
    tpu.enqueue_indirect_dma source(%dma_start3A_49 : memref<10000x128xf32, #tpu.memory_space<hbm>>) target(%arg11 : memref<80x128xf32, #tpu.memory_space<vmem>>) offsets(%dma_start3A_46 : memref<80xi32, #tpu.memory_space<vmem>>) semaphore(%arg15 : memref<!tpu.dma_semaphore, #tpu.memory_space<semaphore_mem>>)
    %dma_wait3A_50 = arith.constant 1 : i32
    %dma_wait3A_51 = arith.constant 0 : i32
    %dma_wait3A_52 = tpu.memref_slice %arg7[%dma_wait3A_50, %dma_wait3A_51] : memref<3x80xi32, #tpu.memory_space<vmem>> -> memref<1x80xi32, #tpu.memory_space<vmem>>
    %dma_wait3A_53 = tpu.memref_squeeze %dma_wait3A_52 : memref<1x80xi32, #tpu.memory_space<vmem>> -> memref<80xi32, #tpu.memory_space<vmem>>
    %dma_wait3A_54 = arith.constant 0 : i32
    %dma_wait3A_55 = arith.constant 0 : i32
    %dma_wait3A_56 = tpu.memref_slice %arg2[%dma_wait3A_54, %dma_wait3A_55] : memref<10000x128xf32, #tpu.memory_space<hbm>> -> memref<10000x128xf32, #tpu.memory_space<hbm>>
    tpu.wait_indirect_dma semaphore(%arg14 : memref<!tpu.dma_semaphore, #tpu.memory_space<semaphore_mem>>) src(%dma_wait3A_56 : memref<10000x128xf32, #tpu.memory_space<hbm>>) dst(%arg10 : memref<80x128xf32, #tpu.memory_space<vmem>>)
    %dma_start3A_57 = arith.constant 1 : i32
    %dma_start3A_58 = arith.constant 0 : i32
    %dma_start3A_59 = tpu.memref_slice %arg8[%dma_start3A_57, %dma_start3A_58] : memref<3x80xi32, #tpu.memory_space<vmem>> -> memref<1x80xi32, #tpu.memory_space<vmem>>
    %dma_start3A_60 = tpu.memref_squeeze %dma_start3A_59 : memref<1x80xi32, #tpu.memory_space<vmem>> -> memref<80xi32, #tpu.memory_space<vmem>>
    %dma_start3A_61 = arith.constant 0 : i32
    %dma_start3A_62 = arith.constant 0 : i32
    %dma_start3A_63 = tpu.memref_slice %arg12[%dma_start3A_61, %dma_start3A_62] : memref<10000x128xf32, #tpu.memory_space<vmem_shared>> -> memref<10000x128xf32, #tpu.memory_space<vmem_shared>>
    tpu.enqueue_indirect_dma source(%arg10 : memref<80x128xf32, #tpu.memory_space<vmem>>) target(%dma_start3A_63 : memref<10000x128xf32, #tpu.memory_space<vmem_shared>>) offsets(%dma_start3A_60 : memref<80xi32, #tpu.memory_space<vmem>>) semaphore(%arg17 : memref<!tpu.dma_semaphore, #tpu.memory_space<semaphore_mem>>) {add = true}
    %dma_wait3A_64 = arith.constant 0 : i32
    %dma_wait3A_65 = arith.constant 0 : i32
    %dma_wait3A_66 = tpu.memref_slice %arg8[%dma_wait3A_64, %dma_wait3A_65] : memref<3x80xi32, #tpu.memory_space<vmem>> -> memref<1x80xi32, #tpu.memory_space<vmem>>
    %dma_wait3A_67 = tpu.memref_squeeze %dma_wait3A_66 : memref<1x80xi32, #tpu.memory_space<vmem>> -> memref<80xi32, #tpu.memory_space<vmem>>
    %dma_wait3A_68 = arith.constant 0 : i32
    %dma_wait3A_69 = arith.constant 0 : i32
    %dma_wait3A_70 = tpu.memref_slice %arg12[%dma_wait3A_68, %dma_wait3A_69] : memref<10000x128xf32, #tpu.memory_space<vmem_shared>> -> memref<10000x128xf32, #tpu.memory_space<vmem_shared>>
    tpu.wait_indirect_dma semaphore(%arg16 : memref<!tpu.dma_semaphore, #tpu.memory_space<semaphore_mem>>) src(%arg9 : memref<80x128xf32, #tpu.memory_space<vmem>>) dst(%dma_wait3A_70 : memref<10000x128xf32, #tpu.memory_space<vmem_shared>>)
    %scan3A_71 = arith.constant 0 : i32
    %scan3A_72 = arith.constant 5 : i32
    %scan3A_73 = arith.addi %scan3A_71, %scan3A_72 : i32
    %scan3A_74 = arith.constant 1 : i32
    scf.for %scan3A_176 = %scan3A_71 to %scan3A_73 step %scan3A_74  : i32 {
      %mul3A_177 = arith.constant 1 : i32
      %mul3A_178 = arith.muli %scan3A_176, %mul3A_177 : i32
      %add3A_179 = arith.constant 0 : i32
      %add3A_180 = arith.addi %add3A_179, %mul3A_178 : i32
      %mul3A_181 = arith.constant 16 : i32
      %mul3A_182 = arith.muli %add3A_180, %mul3A_181 : i32
      %get3A = arith.constant 3 : i32
      %get3A_183 = arith.index_cast %get3A : i32 to index
      %get3A_184 = arith.index_cast %mul3A_182 : i32 to index
      %get3A_185 = tpu.vector_load %arg6[%get3A_183, %get3A_184] {strides = array<i32>} : memref<125x80xi32, #tpu.memory_space<vmem>>, vector<1x16xi32>,
      %get3A_186 = vector.shape_cast %get3A_185 : vector<1x16xi32> to vector<16xi32>
      %shift_right_arithmetic3A = arith.constant 14 : i32
      %shift_right_arithmetic3A_187 = vector.broadcast %shift_right_arithmetic3A : i32 to vector<16xi32>
      %shift_right_arithmetic3A_188 = arith.shrsi %get3A_186, %shift_right_arithmetic3A_187 : vector<16xi32>
      %mul3A_189 = arith.constant 16 : i32
      %mul3A_190 = arith.muli %add3A_180, %mul3A_189 : i32
      %swap3A = arith.constant 0 : i32
      %swap3A_191 = arith.index_cast %swap3A : i32 to index
      %swap3A_192 = arith.index_cast %mul3A_190 : i32 to index
      %swap3A_193 = tpu.vector_load %arg7[%swap3A_191, %swap3A_192] {strides = array<i32>} : memref<3x80xi32, #tpu.memory_space<vmem>>, vector<1x16xi32>,
      %swap3A_194 = vector.shape_cast %swap3A_193 : vector<1x16xi32> to vector<16xi32>
      %swap3A_195 = vector.shape_cast %shift_right_arithmetic3A_188 : vector<16xi32> to vector<1x16xi32>
      tpu.vector_store %arg7[%swap3A_191, %swap3A_192], %swap3A_195 {strides = array<i32>} : memref<3x80xi32, #tpu.memory_space<vmem>>, vector<1x16xi32>,
      %and3A = arith.constant 16383 : i32
      %and3A_196 = vector.broadcast %and3A : i32 to vector<16xi32>
      %and3A_197 = arith.andi %get3A_186, %and3A_196 : vector<16xi32>
      %mul3A_198 = arith.constant 16 : i32
      %mul3A_199 = arith.muli %add3A_180, %mul3A_198 : i32
      %swap3A_200 = arith.constant 0 : i32
      %swap3A_201 = arith.index_cast %swap3A_200 : i32 to index
      %swap3A_202 = arith.index_cast %mul3A_199 : i32 to index
      %swap3A_203 = tpu.vector_load %arg8[%swap3A_201, %swap3A_202] {strides = array<i32>} : memref<3x80xi32, #tpu.memory_space<vmem>>, vector<1x16xi32>,
      %swap3A_204 = vector.shape_cast %swap3A_203 : vector<1x16xi32> to vector<16xi32>
      %swap3A_205 = vector.shape_cast %and3A_197 : vector<16xi32> to vector<1x16xi32>
      tpu.vector_store %arg8[%swap3A_201, %swap3A_202], %swap3A_205 {strides = array<i32>} : memref<3x80xi32, #tpu.memory_space<vmem>>, vector<1x16xi32>,
    }
    %scan3A_75 = arith.constant 5 : i32
    %dma_start3A_76 = arith.constant 0 : i32
    %dma_start3A_77 = arith.constant 0 : i32
    %dma_start3A_78 = tpu.memref_slice %arg7[%dma_start3A_76, %dma_start3A_77] : memref<3x80xi32, #tpu.memory_space<vmem>> -> memref<1x80xi32, #tpu.memory_space<vmem>>
    %dma_start3A_79 = tpu.memref_squeeze %dma_start3A_78 : memref<1x80xi32, #tpu.memory_space<vmem>> -> memref<80xi32, #tpu.memory_space<vmem>>
    %dma_start3A_80 = arith.constant 0 : i32
    %dma_start3A_81 = arith.constant 0 : i32
    %dma_start3A_82 = tpu.memref_slice %arg2[%dma_start3A_80, %dma_start3A_81] : memref<10000x128xf32, #tpu.memory_space<hbm>> -> memref<10000x128xf32, #tpu.memory_space<hbm>>
    tpu.enqueue_indirect_dma source(%dma_start3A_82 : memref<10000x128xf32, #tpu.memory_space<hbm>>) target(%arg9 : memref<80x128xf32, #tpu.memory_space<vmem>>) offsets(%dma_start3A_79 : memref<80xi32, #tpu.memory_space<vmem>>) semaphore(%arg13 : memref<!tpu.dma_semaphore, #tpu.memory_space<semaphore_mem>>)
    %dma_wait3A_83 = arith.constant 2 : i32
    %dma_wait3A_84 = arith.constant 0 : i32
    %dma_wait3A_85 = tpu.memref_slice %arg7[%dma_wait3A_83, %dma_wait3A_84] : memref<3x80xi32, #tpu.memory_space<vmem>> -> memref<1x80xi32, #tpu.memory_space<vmem>>
    %dma_wait3A_86 = tpu.memref_squeeze %dma_wait3A_85 : memref<1x80xi32, #tpu.memory_space<vmem>> -> memref<80xi32, #tpu.memory_space<vmem>>
    %dma_wait3A_87 = arith.constant 0 : i32
    %dma_wait3A_88 = arith.constant 0 : i32
    %dma_wait3A_89 = tpu.memref_slice %arg2[%dma_wait3A_87, %dma_wait3A_88] : memref<10000x128xf32, #tpu.memory_space<hbm>> -> memref<10000x128xf32, #tpu.memory_space<hbm>>
    tpu.wait_indirect_dma semaphore(%arg15 : memref<!tpu.dma_semaphore, #tpu.memory_space<semaphore_mem>>) src(%dma_wait3A_89 : memref<10000x128xf32, #tpu.memory_space<hbm>>) dst(%arg11 : memref<80x128xf32, #tpu.memory_space<vmem>>)
    %dma_start3A_90 = arith.constant 2 : i32
    %dma_start3A_91 = arith.constant 0 : i32
    %dma_start3A_92 = tpu.memref_slice %arg8[%dma_start3A_90, %dma_start3A_91] : memref<3x80xi32, #tpu.memory_space<vmem>> -> memref<1x80xi32, #tpu.memory_space<vmem>>
    %dma_start3A_93 = tpu.memref_squeeze %dma_start3A_92 : memref<1x80xi32, #tpu.memory_space<vmem>> -> memref<80xi32, #tpu.memory_space<vmem>>
    %dma_start3A_94 = arith.constant 0 : i32
    %dma_start3A_95 = arith.constant 0 : i32
    %dma_start3A_96 = tpu.memref_slice %arg12[%dma_start3A_94, %dma_start3A_95] : memref<10000x128xf32, #tpu.memory_space<vmem_shared>> -> memref<10000x128xf32, #tpu.memory_space<vmem_shared>>
    tpu.enqueue_indirect_dma source(%arg11 : memref<80x128xf32, #tpu.memory_space<vmem>>) target(%dma_start3A_96 : memref<10000x128xf32, #tpu.memory_space<vmem_shared>>) offsets(%dma_start3A_93 : memref<80xi32, #tpu.memory_space<vmem>>) semaphore(%arg18 : memref<!tpu.dma_semaphore, #tpu.memory_space<semaphore_mem>>) {add = true}
    %dma_wait3A_97 = arith.constant 1 : i32
    %dma_wait3A_98 = arith.constant 0 : i32
    %dma_wait3A_99 = tpu.memref_slice %arg8[%dma_wait3A_97, %dma_wait3A_98] : memref<3x80xi32, #tpu.memory_space<vmem>> -> memref<1x80xi32, #tpu.memory_space<vmem>>
    %dma_wait3A_100 = tpu.memref_squeeze %dma_wait3A_99 : memref<1x80xi32, #tpu.memory_space<vmem>> -> memref<80xi32, #tpu.memory_space<vmem>>
    %dma_wait3A_101 = arith.constant 0 : i32
    %dma_wait3A_102 = arith.constant 0 : i32
    %dma_wait3A_103 = tpu.memref_slice %arg12[%dma_wait3A_101, %dma_wait3A_102] : memref<10000x128xf32, #tpu.memory_space<vmem_shared>> -> memref<10000x128xf32, #tpu.memory_space<vmem_shared>>
    tpu.wait_indirect_dma semaphore(%arg17 : memref<!tpu.dma_semaphore, #tpu.memory_space<semaphore_mem>>) src(%arg10 : memref<80x128xf32, #tpu.memory_space<vmem>>) dst(%dma_wait3A_103 : memref<10000x128xf32, #tpu.memory_space<vmem_shared>>)
    %scan3A_104 = arith.constant 0 : i32
    %scan3A_105 = arith.constant 5 : i32
    %scan3A_106 = arith.addi %scan3A_104, %scan3A_105 : i32
    %scan3A_107 = arith.constant 1 : i32
    scf.for %scan3A_176 = %scan3A_104 to %scan3A_106 step %scan3A_107  : i32 {
      %mul3A_177 = arith.constant 1 : i32
      %mul3A_178 = arith.muli %scan3A_176, %mul3A_177 : i32
      %add3A_179 = arith.constant 0 : i32
      %add3A_180 = arith.addi %add3A_179, %mul3A_178 : i32
      %mul3A_181 = arith.constant 16 : i32
      %mul3A_182 = arith.muli %add3A_180, %mul3A_181 : i32
      %get3A = arith.constant 4 : i32
      %get3A_183 = arith.index_cast %get3A : i32 to index
      %get3A_184 = arith.index_cast %mul3A_182 : i32 to index
      %get3A_185 = tpu.vector_load %arg6[%get3A_183, %get3A_184] {strides = array<i32>} : memref<125x80xi32, #tpu.memory_space<vmem>>, vector<1x16xi32>,
      %get3A_186 = vector.shape_cast %get3A_185 : vector<1x16xi32> to vector<16xi32>
      %shift_right_arithmetic3A = arith.constant 14 : i32
      %shift_right_arithmetic3A_187 = vector.broadcast %shift_right_arithmetic3A : i32 to vector<16xi32>
      %shift_right_arithmetic3A_188 = arith.shrsi %get3A_186, %shift_right_arithmetic3A_187 : vector<16xi32>
      %mul3A_189 = arith.constant 16 : i32
      %mul3A_190 = arith.muli %add3A_180, %mul3A_189 : i32
      %swap3A = arith.constant 1 : i32
      %swap3A_191 = arith.index_cast %swap3A : i32 to index
      %swap3A_192 = arith.index_cast %mul3A_190 : i32 to index
      %swap3A_193 = tpu.vector_load %arg7[%swap3A_191, %swap3A_192] {strides = array<i32>} : memref<3x80xi32, #tpu.memory_space<vmem>>, vector<1x16xi32>,
      %swap3A_194 = vector.shape_cast %swap3A_193 : vector<1x16xi32> to vector<16xi32>
      %swap3A_195 = vector.shape_cast %shift_right_arithmetic3A_188 : vector<16xi32> to vector<1x16xi32>
      tpu.vector_store %arg7[%swap3A_191, %swap3A_192], %swap3A_195 {strides = array<i32>} : memref<3x80xi32, #tpu.memory_space<vmem>>, vector<1x16xi32>,
      %and3A = arith.constant 16383 : i32
      %and3A_196 = vector.broadcast %and3A : i32 to vector<16xi32>
      %and3A_197 = arith.andi %get3A_186, %and3A_196 : vector<16xi32>
      %mul3A_198 = arith.constant 16 : i32
      %mul3A_199 = arith.muli %add3A_180, %mul3A_198 : i32
      %swap3A_200 = arith.constant 1 : i32
      %swap3A_201 = arith.index_cast %swap3A_200 : i32 to index
      %swap3A_202 = arith.index_cast %mul3A_199 : i32 to index
      %swap3A_203 = tpu.vector_load %arg8[%swap3A_201, %swap3A_202] {strides = array<i32>} : memref<3x80xi32, #tpu.memory_space<vmem>>, vector<1x16xi32>,
      %swap3A_204 = vector.shape_cast %swap3A_203 : vector<1x16xi32> to vector<16xi32>
      %swap3A_205 = vector.shape_cast %and3A_197 : vector<16xi32> to vector<1x16xi32>
      tpu.vector_store %arg8[%swap3A_201, %swap3A_202], %swap3A_205 {strides = array<i32>} : memref<3x80xi32, #tpu.memory_space<vmem>>, vector<1x16xi32>,
    }
    %scan3A_108 = arith.constant 5 : i32
    %dma_start3A_109 = arith.constant 1 : i32
    %dma_start3A_110 = arith.constant 0 : i32
    %dma_start3A_111 = tpu.memref_slice %arg7[%dma_start3A_109, %dma_start3A_110] : memref<3x80xi32, #tpu.memory_space<vmem>> -> memref<1x80xi32, #tpu.memory_space<vmem>>
    %dma_start3A_112 = tpu.memref_squeeze %dma_start3A_111 : memref<1x80xi32, #tpu.memory_space<vmem>> -> memref<80xi32, #tpu.memory_space<vmem>>
    %dma_start3A_113 = arith.constant 0 : i32
    %dma_start3A_114 = arith.constant 0 : i32
    %dma_start3A_115 = tpu.memref_slice %arg2[%dma_start3A_113, %dma_start3A_114] : memref<10000x128xf32, #tpu.memory_space<hbm>> -> memref<10000x128xf32, #tpu.memory_space<hbm>>
    tpu.enqueue_indirect_dma source(%dma_start3A_115 : memref<10000x128xf32, #tpu.memory_space<hbm>>) target(%arg10 : memref<80x128xf32, #tpu.memory_space<vmem>>) offsets(%dma_start3A_112 : memref<80xi32, #tpu.memory_space<vmem>>) semaphore(%arg14 : memref<!tpu.dma_semaphore, #tpu.memory_space<semaphore_mem>>)
    %scan3A_116 = arith.constant 0 : i32
    %scan3A_117 = arith.constant 40 : i32
    %scan3A_118 = arith.addi %scan3A_116, %scan3A_117 : i32
    %scan3A_119 = arith.constant 1 : i32
    scf.for %scan3A_176 = %scan3A_116 to %scan3A_118 step %scan3A_119  : i32 {
      %mul3A_177 = arith.constant 1 : i32
      %mul3A_178 = arith.muli %scan3A_176, %mul3A_177 : i32
      %add3A_179 = arith.constant 1 : i32
      %add3A_180 = arith.addi %add3A_179, %mul3A_178 : i32
      %mul3A_181 = arith.constant 3 : i32
      %mul3A_182 = arith.muli %mul3A_181, %add3A_180 : i32
      %dma_wait3A_183 = arith.constant 0 : i32
      %dma_wait3A_184 = arith.constant 0 : i32
      %dma_wait3A_185 = tpu.memref_slice %arg7[%dma_wait3A_183, %dma_wait3A_184] : memref<3x80xi32, #tpu.memory_space<vmem>> -> memref<1x80xi32, #tpu.memory_space<vmem>>
      %dma_wait3A_186 = tpu.memref_squeeze %dma_wait3A_185 : memref<1x80xi32, #tpu.memory_space<vmem>> -> memref<80xi32, #tpu.memory_space<vmem>>
      %dma_wait3A_187 = arith.constant 0 : i32
      %dma_wait3A_188 = arith.constant 0 : i32
      %dma_wait3A_189 = tpu.memref_slice %arg2[%dma_wait3A_187, %dma_wait3A_188] : memref<10000x128xf32, #tpu.memory_space<hbm>> -> memref<10000x128xf32, #tpu.memory_space<hbm>>
      tpu.wait_indirect_dma semaphore(%arg13 : memref<!tpu.dma_semaphore, #tpu.memory_space<semaphore_mem>>) src(%dma_wait3A_189 : memref<10000x128xf32, #tpu.memory_space<hbm>>) dst(%arg9 : memref<80x128xf32, #tpu.memory_space<vmem>>)
      %dma_start3A_190 = arith.constant 0 : i32
      %dma_start3A_191 = arith.constant 0 : i32
      %dma_start3A_192 = tpu.memref_slice %arg8[%dma_start3A_190, %dma_start3A_191] : memref<3x80xi32, #tpu.memory_space<vmem>> -> memref<1x80xi32, #tpu.memory_space<vmem>>
      %dma_start3A_193 = tpu.memref_squeeze %dma_start3A_192 : memref<1x80xi32, #tpu.memory_space<vmem>> -> memref<80xi32, #tpu.memory_space<vmem>>
      %dma_start3A_194 = arith.constant 0 : i32
      %dma_start3A_195 = arith.constant 0 : i32
      %dma_start3A_196 = tpu.memref_slice %arg12[%dma_start3A_194, %dma_start3A_195] : memref<10000x128xf32, #tpu.memory_space<vmem_shared>> -> memref<10000x128xf32, #tpu.memory_space<vmem_shared>>
      tpu.enqueue_indirect_dma source(%arg9 : memref<80x128xf32, #tpu.memory_space<vmem>>) target(%dma_start3A_196 : memref<10000x128xf32, #tpu.memory_space<vmem_shared>>) offsets(%dma_start3A_193 : memref<80xi32, #tpu.memory_space<vmem>>) semaphore(%arg16 : memref<!tpu.dma_semaphore, #tpu.memory_space<semaphore_mem>>) {add = true}
      %dma_wait3A_197 = arith.constant 2 : i32
      %dma_wait3A_198 = arith.constant 0 : i32
      %dma_wait3A_199 = tpu.memref_slice %arg8[%dma_wait3A_197, %dma_wait3A_198] : memref<3x80xi32, #tpu.memory_space<vmem>> -> memref<1x80xi32, #tpu.memory_space<vmem>>
      %dma_wait3A_200 = tpu.memref_squeeze %dma_wait3A_199 : memref<1x80xi32, #tpu.memory_space<vmem>> -> memref<80xi32, #tpu.memory_space<vmem>>
      %dma_wait3A_201 = arith.constant 0 : i32
      %dma_wait3A_202 = arith.constant 0 : i32
      %dma_wait3A_203 = tpu.memref_slice %arg12[%dma_wait3A_201, %dma_wait3A_202] : memref<10000x128xf32, #tpu.memory_space<vmem_shared>> -> memref<10000x128xf32, #tpu.memory_space<vmem_shared>>
      tpu.wait_indirect_dma semaphore(%arg18 : memref<!tpu.dma_semaphore, #tpu.memory_space<semaphore_mem>>) src(%arg11 : memref<80x128xf32, #tpu.memory_space<vmem>>) dst(%dma_wait3A_203 : memref<10000x128xf32, #tpu.memory_space<vmem_shared>>)
      %add3A_204 = arith.constant 2 : i32
      %add3A_205 = arith.addi %mul3A_182, %add3A_204 : i32
      %scan3A_206 = arith.constant 0 : i32
      %scan3A_207 = arith.constant 5 : i32
      %scan3A_208 = arith.addi %scan3A_206, %scan3A_207 : i32
      %scan3A_209 = arith.constant 1 : i32
      scf.for %scan3A_296 = %scan3A_206 to %scan3A_208 step %scan3A_209  : i32 {
        %mul3A_297 = arith.constant 1 : i32
        %mul3A_298 = arith.muli %scan3A_296, %mul3A_297 : i32
        %add3A_299 = arith.constant 0 : i32
        %add3A_300 = arith.addi %add3A_299, %mul3A_298 : i32
        %mul3A_301 = arith.constant 16 : i32
        %mul3A_302 = arith.muli %add3A_300, %mul3A_301 : i32
        %get3A = arith.index_cast %add3A_205 : i32 to index
        %get3A_303 = arith.index_cast %mul3A_302 : i32 to index
        %get3A_304 = tpu.vector_load %arg6[%get3A, %get3A_303] {strides = array<i32>} : memref<125x80xi32, #tpu.memory_space<vmem>>, vector<1x16xi32>,
        %get3A_305 = vector.shape_cast %get3A_304 : vector<1x16xi32> to vector<16xi32>
        %shift_right_arithmetic3A = arith.constant 14 : i32
        %shift_right_arithmetic3A_306 = vector.broadcast %shift_right_arithmetic3A : i32 to vector<16xi32>
        %shift_right_arithmetic3A_307 = arith.shrsi %get3A_305, %shift_right_arithmetic3A_306 : vector<16xi32>
        %mul3A_308 = arith.constant 16 : i32
        %mul3A_309 = arith.muli %add3A_300, %mul3A_308 : i32
        %swap3A = arith.constant 2 : i32
        %swap3A_310 = arith.index_cast %swap3A : i32 to index
        %swap3A_311 = arith.index_cast %mul3A_309 : i32 to index
        %swap3A_312 = tpu.vector_load %arg7[%swap3A_310, %swap3A_311] {strides = array<i32>} : memref<3x80xi32, #tpu.memory_space<vmem>>, vector<1x16xi32>,
        %swap3A_313 = vector.shape_cast %swap3A_312 : vector<1x16xi32> to vector<16xi32>
        %swap3A_314 = vector.shape_cast %shift_right_arithmetic3A_307 : vector<16xi32> to vector<1x16xi32>
        tpu.vector_store %arg7[%swap3A_310, %swap3A_311], %swap3A_314 {strides = array<i32>} : memref<3x80xi32, #tpu.memory_space<vmem>>, vector<1x16xi32>,
        %and3A = arith.constant 16383 : i32
        %and3A_315 = vector.broadcast %and3A : i32 to vector<16xi32>
        %and3A_316 = arith.andi %get3A_305, %and3A_315 : vector<16xi32>
        %mul3A_317 = arith.constant 16 : i32
        %mul3A_318 = arith.muli %add3A_300, %mul3A_317 : i32
        %swap3A_319 = arith.constant 2 : i32
        %swap3A_320 = arith.index_cast %swap3A_319 : i32 to index
        %swap3A_321 = arith.index_cast %mul3A_318 : i32 to index
        %swap3A_322 = tpu.vector_load %arg8[%swap3A_320, %swap3A_321] {strides = array<i32>} : memref<3x80xi32, #tpu.memory_space<vmem>>, vector<1x16xi32>,
        %swap3A_323 = vector.shape_cast %swap3A_322 : vector<1x16xi32> to vector<16xi32>
        %swap3A_324 = vector.shape_cast %and3A_316 : vector<16xi32> to vector<1x16xi32>
        tpu.vector_store %arg8[%swap3A_320, %swap3A_321], %swap3A_324 {strides = array<i32>} : memref<3x80xi32, #tpu.memory_space<vmem>>, vector<1x16xi32>,
      }
      %scan3A_210 = arith.constant 5 : i32
      %dma_start3A_211 = arith.constant 2 : i32
      %dma_start3A_212 = arith.constant 0 : i32
      %dma_start3A_213 = tpu.memref_slice %arg7[%dma_start3A_211, %dma_start3A_212] : memref<3x80xi32, #tpu.memory_space<vmem>> -> memref<1x80xi32, #tpu.memory_space<vmem>>
      %dma_start3A_214 = tpu.memref_squeeze %dma_start3A_213 : memref<1x80xi32, #tpu.memory_space<vmem>> -> memref<80xi32, #tpu.memory_space<vmem>>
      %dma_start3A_215 = arith.constant 0 : i32
      %dma_start3A_216 = arith.constant 0 : i32
      %dma_start3A_217 = tpu.memref_slice %arg2[%dma_start3A_215, %dma_start3A_216] : memref<10000x128xf32, #tpu.memory_space<hbm>> -> memref<10000x128xf32, #tpu.memory_space<hbm>>
      tpu.enqueue_indirect_dma source(%dma_start3A_217 : memref<10000x128xf32, #tpu.memory_space<hbm>>) target(%arg11 : memref<80x128xf32, #tpu.memory_space<vmem>>) offsets(%dma_start3A_214 : memref<80xi32, #tpu.memory_space<vmem>>) semaphore(%arg15 : memref<!tpu.dma_semaphore, #tpu.memory_space<semaphore_mem>>)
      %mul3A_218 = arith.constant 3 : i32
      %mul3A_219 = arith.muli %mul3A_218, %add3A_180 : i32
      %add3A_220 = arith.constant 1 : i32
      %add3A_221 = arith.addi %mul3A_219, %add3A_220 : i32
      %dma_wait3A_222 = arith.constant 1 : i32
      %dma_wait3A_223 = arith.constant 0 : i32
      %dma_wait3A_224 = tpu.memref_slice %arg7[%dma_wait3A_222, %dma_wait3A_223] : memref<3x80xi32, #tpu.memory_space<vmem>> -> memref<1x80xi32, #tpu.memory_space<vmem>>
      %dma_wait3A_225 = tpu.memref_squeeze %dma_wait3A_224 : memref<1x80xi32, #tpu.memory_space<vmem>> -> memref<80xi32, #tpu.memory_space<vmem>>
      %dma_wait3A_226 = arith.constant 0 : i32
      %dma_wait3A_227 = arith.constant 0 : i32
      %dma_wait3A_228 = tpu.memref_slice %arg2[%dma_wait3A_226, %dma_wait3A_227] : memref<10000x128xf32, #tpu.memory_space<hbm>> -> memref<10000x128xf32, #tpu.memory_space<hbm>>
      tpu.wait_indirect_dma semaphore(%arg14 : memref<!tpu.dma_semaphore, #tpu.memory_space<semaphore_mem>>) src(%dma_wait3A_228 : memref<10000x128xf32, #tpu.memory_space<hbm>>) dst(%arg10 : memref<80x128xf32, #tpu.memory_space<vmem>>)
      %dma_start3A_229 = arith.constant 1 : i32
      %dma_start3A_230 = arith.constant 0 : i32
      %dma_start3A_231 = tpu.memref_slice %arg8[%dma_start3A_229, %dma_start3A_230] : memref<3x80xi32, #tpu.memory_space<vmem>> -> memref<1x80xi32, #tpu.memory_space<vmem>>
      %dma_start3A_232 = tpu.memref_squeeze %dma_start3A_231 : memref<1x80xi32, #tpu.memory_space<vmem>> -> memref<80xi32, #tpu.memory_space<vmem>>
      %dma_start3A_233 = arith.constant 0 : i32
      %dma_start3A_234 = arith.constant 0 : i32
      %dma_start3A_235 = tpu.memref_slice %arg12[%dma_start3A_233, %dma_start3A_234] : memref<10000x128xf32, #tpu.memory_space<vmem_shared>> -> memref<10000x128xf32, #tpu.memory_space<vmem_shared>>
      tpu.enqueue_indirect_dma source(%arg10 : memref<80x128xf32, #tpu.memory_space<vmem>>) target(%dma_start3A_235 : memref<10000x128xf32, #tpu.memory_space<vmem_shared>>) offsets(%dma_start3A_232 : memref<80xi32, #tpu.memory_space<vmem>>) semaphore(%arg17 : memref<!tpu.dma_semaphore, #tpu.memory_space<semaphore_mem>>) {add = true}
      %dma_wait3A_236 = arith.constant 0 : i32
      %dma_wait3A_237 = arith.constant 0 : i32
      %dma_wait3A_238 = tpu.memref_slice %arg8[%dma_wait3A_236, %dma_wait3A_237] : memref<3x80xi32, #tpu.memory_space<vmem>> -> memref<1x80xi32, #tpu.memory_space<vmem>>
      %dma_wait3A_239 = tpu.memref_squeeze %dma_wait3A_238 : memref<1x80xi32, #tpu.memory_space<vmem>> -> memref<80xi32, #tpu.memory_space<vmem>>
      %dma_wait3A_240 = arith.constant 0 : i32
      %dma_wait3A_241 = arith.constant 0 : i32
      %dma_wait3A_242 = tpu.memref_slice %arg12[%dma_wait3A_240, %dma_wait3A_241] : memref<10000x128xf32, #tpu.memory_space<vmem_shared>> -> memref<10000x128xf32, #tpu.memory_space<vmem_shared>>
      tpu.wait_indirect_dma semaphore(%arg16 : memref<!tpu.dma_semaphore, #tpu.memory_space<semaphore_mem>>) src(%arg9 : memref<80x128xf32, #tpu.memory_space<vmem>>) dst(%dma_wait3A_242 : memref<10000x128xf32, #tpu.memory_space<vmem_shared>>)
      %add3A_243 = arith.constant 2 : i32
      %add3A_244 = arith.addi %add3A_221, %add3A_243 : i32
      %scan3A_245 = arith.constant 0 : i32
      %scan3A_246 = arith.constant 5 : i32
      %scan3A_247 = arith.addi %scan3A_245, %scan3A_246 : i32
      %scan3A_248 = arith.constant 1 : i32
      scf.for %scan3A_296 = %scan3A_245 to %scan3A_247 step %scan3A_248  : i32 {
        %mul3A_297 = arith.constant 1 : i32
        %mul3A_298 = arith.muli %scan3A_296, %mul3A_297 : i32
        %add3A_299 = arith.constant 0 : i32
        %add3A_300 = arith.addi %add3A_299, %mul3A_298 : i32
        %mul3A_301 = arith.constant 16 : i32
        %mul3A_302 = arith.muli %add3A_300, %mul3A_301 : i32
        %get3A = arith.index_cast %add3A_244 : i32 to index
        %get3A_303 = arith.index_cast %mul3A_302 : i32 to index
        %get3A_304 = tpu.vector_load %arg6[%get3A, %get3A_303] {strides = array<i32>} : memref<125x80xi32, #tpu.memory_space<vmem>>, vector<1x16xi32>,
        %get3A_305 = vector.shape_cast %get3A_304 : vector<1x16xi32> to vector<16xi32>
        %shift_right_arithmetic3A = arith.constant 14 : i32
        %shift_right_arithmetic3A_306 = vector.broadcast %shift_right_arithmetic3A : i32 to vector<16xi32>
        %shift_right_arithmetic3A_307 = arith.shrsi %get3A_305, %shift_right_arithmetic3A_306 : vector<16xi32>
        %mul3A_308 = arith.constant 16 : i32
        %mul3A_309 = arith.muli %add3A_300, %mul3A_308 : i32
        %swap3A = arith.constant 0 : i32
        %swap3A_310 = arith.index_cast %swap3A : i32 to index
        %swap3A_311 = arith.index_cast %mul3A_309 : i32 to index
        %swap3A_312 = tpu.vector_load %arg7[%swap3A_310, %swap3A_311] {strides = array<i32>} : memref<3x80xi32, #tpu.memory_space<vmem>>, vector<1x16xi32>,
        %swap3A_313 = vector.shape_cast %swap3A_312 : vector<1x16xi32> to vector<16xi32>
        %swap3A_314 = vector.shape_cast %shift_right_arithmetic3A_307 : vector<16xi32> to vector<1x16xi32>
        tpu.vector_store %arg7[%swap3A_310, %swap3A_311], %swap3A_314 {strides = array<i32>} : memref<3x80xi32, #tpu.memory_space<vmem>>, vector<1x16xi32>,
        %and3A = arith.constant 16383 : i32
        %and3A_315 = vector.broadcast %and3A : i32 to vector<16xi32>
        %and3A_316 = arith.andi %get3A_305, %and3A_315 : vector<16xi32>
        %mul3A_317 = arith.constant 16 : i32
        %mul3A_318 = arith.muli %add3A_300, %mul3A_317 : i32
        %swap3A_319 = arith.constant 0 : i32
        %swap3A_320 = arith.index_cast %swap3A_319 : i32 to index
        %swap3A_321 = arith.index_cast %mul3A_318 : i32 to index
        %swap3A_322 = tpu.vector_load %arg8[%swap3A_320, %swap3A_321] {strides = array<i32>} : memref<3x80xi32, #tpu.memory_space<vmem>>, vector<1x16xi32>,
        %swap3A_323 = vector.shape_cast %swap3A_322 : vector<1x16xi32> to vector<16xi32>
        %swap3A_324 = vector.shape_cast %and3A_316 : vector<16xi32> to vector<1x16xi32>
        tpu.vector_store %arg8[%swap3A_320, %swap3A_321], %swap3A_324 {strides = array<i32>} : memref<3x80xi32, #tpu.memory_space<vmem>>, vector<1x16xi32>,
      }
      %scan3A_249 = arith.constant 5 : i32
      %dma_start3A_250 = arith.constant 0 : i32
      %dma_start3A_251 = arith.constant 0 : i32
      %dma_start3A_252 = tpu.memref_slice %arg7[%dma_start3A_250, %dma_start3A_251] : memref<3x80xi32, #tpu.memory_space<vmem>> -> memref<1x80xi32, #tpu.memory_space<vmem>>
      %dma_start3A_253 = tpu.memref_squeeze %dma_start3A_252 : memref<1x80xi32, #tpu.memory_space<vmem>> -> memref<80xi32, #tpu.memory_space<vmem>>
      %dma_start3A_254 = arith.constant 0 : i32
      %dma_start3A_255 = arith.constant 0 : i32
      %dma_start3A_256 = tpu.memref_slice %arg2[%dma_start3A_254, %dma_start3A_255] : memref<10000x128xf32, #tpu.memory_space<hbm>> -> memref<10000x128xf32, #tpu.memory_space<hbm>>
      tpu.enqueue_indirect_dma source(%dma_start3A_256 : memref<10000x128xf32, #tpu.memory_space<hbm>>) target(%arg9 : memref<80x128xf32, #tpu.memory_space<vmem>>) offsets(%dma_start3A_253 : memref<80xi32, #tpu.memory_space<vmem>>) semaphore(%arg13 : memref<!tpu.dma_semaphore, #tpu.memory_space<semaphore_mem>>)
      %mul3A_257 = arith.constant 3 : i32
      %mul3A_258 = arith.muli %mul3A_257, %add3A_180 : i32
      %add3A_259 = arith.constant 2 : i32
      %add3A_260 = arith.addi %mul3A_258, %add3A_259 : i32
      %dma_wait3A_261 = arith.constant 2 : i32
      %dma_wait3A_262 = arith.constant 0 : i32
      %dma_wait3A_263 = tpu.memref_slice %arg7[%dma_wait3A_261, %dma_wait3A_262] : memref<3x80xi32, #tpu.memory_space<vmem>> -> memref<1x80xi32, #tpu.memory_space<vmem>>
      %dma_wait3A_264 = tpu.memref_squeeze %dma_wait3A_263 : memref<1x80xi32, #tpu.memory_space<vmem>> -> memref<80xi32, #tpu.memory_space<vmem>>
      %dma_wait3A_265 = arith.constant 0 : i32
      %dma_wait3A_266 = arith.constant 0 : i32
      %dma_wait3A_267 = tpu.memref_slice %arg2[%dma_wait3A_265, %dma_wait3A_266] : memref<10000x128xf32, #tpu.memory_space<hbm>> -> memref<10000x128xf32, #tpu.memory_space<hbm>>
      tpu.wait_indirect_dma semaphore(%arg15 : memref<!tpu.dma_semaphore, #tpu.memory_space<semaphore_mem>>) src(%dma_wait3A_267 : memref<10000x128xf32, #tpu.memory_space<hbm>>) dst(%arg11 : memref<80x128xf32, #tpu.memory_space<vmem>>)
      %dma_start3A_268 = arith.constant 2 : i32
      %dma_start3A_269 = arith.constant 0 : i32
      %dma_start3A_270 = tpu.memref_slice %arg8[%dma_start3A_268, %dma_start3A_269] : memref<3x80xi32, #tpu.memory_space<vmem>> -> memref<1x80xi32, #tpu.memory_space<vmem>>
      %dma_start3A_271 = tpu.memref_squeeze %dma_start3A_270 : memref<1x80xi32, #tpu.memory_space<vmem>> -> memref<80xi32, #tpu.memory_space<vmem>>
      %dma_start3A_272 = arith.constant 0 : i32
      %dma_start3A_273 = arith.constant 0 : i32
      %dma_start3A_274 = tpu.memref_slice %arg12[%dma_start3A_272, %dma_start3A_273] : memref<10000x128xf32, #tpu.memory_space<vmem_shared>> -> memref<10000x128xf32, #tpu.memory_space<vmem_shared>>
      tpu.enqueue_indirect_dma source(%arg11 : memref<80x128xf32, #tpu.memory_space<vmem>>) target(%dma_start3A_274 : memref<10000x128xf32, #tpu.memory_space<vmem_shared>>) offsets(%dma_start3A_271 : memref<80xi32, #tpu.memory_space<vmem>>) semaphore(%arg18 : memref<!tpu.dma_semaphore, #tpu.memory_space<semaphore_mem>>) {add = true}
      %dma_wait3A_275 = arith.constant 1 : i32
      %dma_wait3A_276 = arith.constant 0 : i32
      %dma_wait3A_277 = tpu.memref_slice %arg8[%dma_wait3A_275, %dma_wait3A_276] : memref<3x80xi32, #tpu.memory_space<vmem>> -> memref<1x80xi32, #tpu.memory_space<vmem>>
      %dma_wait3A_278 = tpu.memref_squeeze %dma_wait3A_277 : memref<1x80xi32, #tpu.memory_space<vmem>> -> memref<80xi32, #tpu.memory_space<vmem>>
      %dma_wait3A_279 = arith.constant 0 : i32
      %dma_wait3A_280 = arith.constant 0 : i32
      %dma_wait3A_281 = tpu.memref_slice %arg12[%dma_wait3A_279, %dma_wait3A_280] : memref<10000x128xf32, #tpu.memory_space<vmem_shared>> -> memref<10000x128xf32, #tpu.memory_space<vmem_shared>>
      tpu.wait_indirect_dma semaphore(%arg17 : memref<!tpu.dma_semaphore, #tpu.memory_space<semaphore_mem>>) src(%arg10 : memref<80x128xf32, #tpu.memory_space<vmem>>) dst(%dma_wait3A_281 : memref<10000x128xf32, #tpu.memory_space<vmem_shared>>)
      %add3A_282 = arith.constant 2 : i32
      %add3A_283 = arith.addi %add3A_260, %add3A_282 : i32
      %scan3A_284 = arith.constant 0 : i32
      %scan3A_285 = arith.constant 5 : i32
      %scan3A_286 = arith.addi %scan3A_284, %scan3A_285 : i32
      %scan3A_287 = arith.constant 1 : i32
      scf.for %scan3A_296 = %scan3A_284 to %scan3A_286 step %scan3A_287  : i32 {
        %mul3A_297 = arith.constant 1 : i32
        %mul3A_298 = arith.muli %scan3A_296, %mul3A_297 : i32
        %add3A_299 = arith.constant 0 : i32
        %add3A_300 = arith.addi %add3A_299, %mul3A_298 : i32
        %mul3A_301 = arith.constant 16 : i32
        %mul3A_302 = arith.muli %add3A_300, %mul3A_301 : i32
        %get3A = arith.index_cast %add3A_283 : i32 to index
        %get3A_303 = arith.index_cast %mul3A_302 : i32 to index
        %get3A_304 = tpu.vector_load %arg6[%get3A, %get3A_303] {strides = array<i32>} : memref<125x80xi32, #tpu.memory_space<vmem>>, vector<1x16xi32>,
        %get3A_305 = vector.shape_cast %get3A_304 : vector<1x16xi32> to vector<16xi32>
        %shift_right_arithmetic3A = arith.constant 14 : i32
        %shift_right_arithmetic3A_306 = vector.broadcast %shift_right_arithmetic3A : i32 to vector<16xi32>
        %shift_right_arithmetic3A_307 = arith.shrsi %get3A_305, %shift_right_arithmetic3A_306 : vector<16xi32>
        %mul3A_308 = arith.constant 16 : i32
        %mul3A_309 = arith.muli %add3A_300, %mul3A_308 : i32
        %swap3A = arith.constant 1 : i32
        %swap3A_310 = arith.index_cast %swap3A : i32 to index
        %swap3A_311 = arith.index_cast %mul3A_309 : i32 to index
        %swap3A_312 = tpu.vector_load %arg7[%swap3A_310, %swap3A_311] {strides = array<i32>} : memref<3x80xi32, #tpu.memory_space<vmem>>, vector<1x16xi32>,
        %swap3A_313 = vector.shape_cast %swap3A_312 : vector<1x16xi32> to vector<16xi32>
        %swap3A_314 = vector.shape_cast %shift_right_arithmetic3A_307 : vector<16xi32> to vector<1x16xi32>
        tpu.vector_store %arg7[%swap3A_310, %swap3A_311], %swap3A_314 {strides = array<i32>} : memref<3x80xi32, #tpu.memory_space<vmem>>, vector<1x16xi32>,
        %and3A = arith.constant 16383 : i32
        %and3A_315 = vector.broadcast %and3A : i32 to vector<16xi32>
        %and3A_316 = arith.andi %get3A_305, %and3A_315 : vector<16xi32>
        %mul3A_317 = arith.constant 16 : i32
        %mul3A_318 = arith.muli %add3A_300, %mul3A_317 : i32
        %swap3A_319 = arith.constant 1 : i32
        %swap3A_320 = arith.index_cast %swap3A_319 : i32 to index
        %swap3A_321 = arith.index_cast %mul3A_318 : i32 to index
        %swap3A_322 = tpu.vector_load %arg8[%swap3A_320, %swap3A_321] {strides = array<i32>} : memref<3x80xi32, #tpu.memory_space<vmem>>, vector<1x16xi32>,
        %swap3A_323 = vector.shape_cast %swap3A_322 : vector<1x16xi32> to vector<16xi32>
        %swap3A_324 = vector.shape_cast %and3A_316 : vector<16xi32> to vector<1x16xi32>
        tpu.vector_store %arg8[%swap3A_320, %swap3A_321], %swap3A_324 {strides = array<i32>} : memref<3x80xi32, #tpu.memory_space<vmem>>, vector<1x16xi32>,
      }
      %scan3A_288 = arith.constant 5 : i32
      %dma_start3A_289 = arith.constant 1 : i32
      %dma_start3A_290 = arith.constant 0 : i32
      %dma_start3A_291 = tpu.memref_slice %arg7[%dma_start3A_289, %dma_start3A_290] : memref<3x80xi32, #tpu.memory_space<vmem>> -> memref<1x80xi32, #tpu.memory_space<vmem>>
      %dma_start3A_292 = tpu.memref_squeeze %dma_start3A_291 : memref<1x80xi32, #tpu.memory_space<vmem>> -> memref<80xi32, #tpu.memory_space<vmem>>
      %dma_start3A_293 = arith.constant 0 : i32
      %dma_start3A_294 = arith.constant 0 : i32
      %dma_start3A_295 = tpu.memref_slice %arg2[%dma_start3A_293, %dma_start3A_294] : memref<10000x128xf32, #tpu.memory_space<hbm>> -> memref<10000x128xf32, #tpu.memory_space<hbm>>
      tpu.enqueue_indirect_dma source(%dma_start3A_295 : memref<10000x128xf32, #tpu.memory_space<hbm>>) target(%arg10 : memref<80x128xf32, #tpu.memory_space<vmem>>) offsets(%dma_start3A_292 : memref<80xi32, #tpu.memory_space<vmem>>) semaphore(%arg14 : memref<!tpu.dma_semaphore, #tpu.memory_space<semaphore_mem>>)
    }
    %scan3A_120 = arith.constant 40 : i32
    %dma_wait3A_121 = arith.constant 0 : i32
    %dma_wait3A_122 = arith.constant 0 : i32
    %dma_wait3A_123 = tpu.memref_slice %arg7[%dma_wait3A_121, %dma_wait3A_122] : memref<3x80xi32, #tpu.memory_space<vmem>> -> memref<1x80xi32, #tpu.memory_space<vmem>>
    %dma_wait3A_124 = tpu.memref_squeeze %dma_wait3A_123 : memref<1x80xi32, #tpu.memory_space<vmem>> -> memref<80xi32, #tpu.memory_space<vmem>>
    %dma_wait3A_125 = arith.constant 0 : i32
    %dma_wait3A_126 = arith.constant 0 : i32
    %dma_wait3A_127 = tpu.memref_slice %arg2[%dma_wait3A_125, %dma_wait3A_126] : memref<10000x128xf32, #tpu.memory_space<hbm>> -> memref<10000x128xf32, #tpu.memory_space<hbm>>
    tpu.wait_indirect_dma semaphore(%arg13 : memref<!tpu.dma_semaphore, #tpu.memory_space<semaphore_mem>>) src(%dma_wait3A_127 : memref<10000x128xf32, #tpu.memory_space<hbm>>) dst(%arg9 : memref<80x128xf32, #tpu.memory_space<vmem>>)
    %dma_start3A_128 = arith.constant 0 : i32
    %dma_start3A_129 = arith.constant 0 : i32
    %dma_start3A_130 = tpu.memref_slice %arg8[%dma_start3A_128, %dma_start3A_129] : memref<3x80xi32, #tpu.memory_space<vmem>> -> memref<1x80xi32, #tpu.memory_space<vmem>>
    %dma_start3A_131 = tpu.memref_squeeze %dma_start3A_130 : memref<1x80xi32, #tpu.memory_space<vmem>> -> memref<80xi32, #tpu.memory_space<vmem>>
    %dma_start3A_132 = arith.constant 0 : i32
    %dma_start3A_133 = arith.constant 0 : i32
    %dma_start3A_134 = tpu.memref_slice %arg12[%dma_start3A_132, %dma_start3A_133] : memref<10000x128xf32, #tpu.memory_space<vmem_shared>> -> memref<10000x128xf32, #tpu.memory_space<vmem_shared>>
    tpu.enqueue_indirect_dma source(%arg9 : memref<80x128xf32, #tpu.memory_space<vmem>>) target(%dma_start3A_134 : memref<10000x128xf32, #tpu.memory_space<vmem_shared>>) offsets(%dma_start3A_131 : memref<80xi32, #tpu.memory_space<vmem>>) semaphore(%arg16 : memref<!tpu.dma_semaphore, #tpu.memory_space<semaphore_mem>>) {add = true}
    %dma_wait3A_135 = arith.constant 1 : i32
    %dma_wait3A_136 = arith.constant 0 : i32
    %dma_wait3A_137 = tpu.memref_slice %arg7[%dma_wait3A_135, %dma_wait3A_136] : memref<3x80xi32, #tpu.memory_space<vmem>> -> memref<1x80xi32, #tpu.memory_space<vmem>>
    %dma_wait3A_138 = tpu.memref_squeeze %dma_wait3A_137 : memref<1x80xi32, #tpu.memory_space<vmem>> -> memref<80xi32, #tpu.memory_space<vmem>>
    %dma_wait3A_139 = arith.constant 0 : i32
    %dma_wait3A_140 = arith.constant 0 : i32
    %dma_wait3A_141 = tpu.memref_slice %arg2[%dma_wait3A_139, %dma_wait3A_140] : memref<10000x128xf32, #tpu.memory_space<hbm>> -> memref<10000x128xf32, #tpu.memory_space<hbm>>
    tpu.wait_indirect_dma semaphore(%arg14 : memref<!tpu.dma_semaphore, #tpu.memory_space<semaphore_mem>>) src(%dma_wait3A_141 : memref<10000x128xf32, #tpu.memory_space<hbm>>) dst(%arg10 : memref<80x128xf32, #tpu.memory_space<vmem>>)
    %dma_start3A_142 = arith.constant 1 : i32
    %dma_start3A_143 = arith.constant 0 : i32
    %dma_start3A_144 = tpu.memref_slice %arg8[%dma_start3A_142, %dma_start3A_143] : memref<3x80xi32, #tpu.memory_space<vmem>> -> memref<1x80xi32, #tpu.memory_space<vmem>>
    %dma_start3A_145 = tpu.memref_squeeze %dma_start3A_144 : memref<1x80xi32, #tpu.memory_space<vmem>> -> memref<80xi32, #tpu.memory_space<vmem>>
    %dma_start3A_146 = arith.constant 0 : i32
    %dma_start3A_147 = arith.constant 0 : i32
    %dma_start3A_148 = tpu.memref_slice %arg12[%dma_start3A_146, %dma_start3A_147] : memref<10000x128xf32, #tpu.memory_space<vmem_shared>> -> memref<10000x128xf32, #tpu.memory_space<vmem_shared>>
    tpu.enqueue_indirect_dma source(%arg10 : memref<80x128xf32, #tpu.memory_space<vmem>>) target(%dma_start3A_148 : memref<10000x128xf32, #tpu.memory_space<vmem_shared>>) offsets(%dma_start3A_145 : memref<80xi32, #tpu.memory_space<vmem>>) semaphore(%arg17 : memref<!tpu.dma_semaphore, #tpu.memory_space<semaphore_mem>>) {add = true}
    %dma_wait3A_149 = arith.constant 2 : i32
    %dma_wait3A_150 = arith.constant 0 : i32
    %dma_wait3A_151 = tpu.memref_slice %arg8[%dma_wait3A_149, %dma_wait3A_150] : memref<3x80xi32, #tpu.memory_space<vmem>> -> memref<1x80xi32, #tpu.memory_space<vmem>>
    %dma_wait3A_152 = tpu.memref_squeeze %dma_wait3A_151 : memref<1x80xi32, #tpu.memory_space<vmem>> -> memref<80xi32, #tpu.memory_space<vmem>>
    %dma_wait3A_153 = arith.constant 0 : i32
    %dma_wait3A_154 = arith.constant 0 : i32
    %dma_wait3A_155 = tpu.memref_slice %arg12[%dma_wait3A_153, %dma_wait3A_154] : memref<10000x128xf32, #tpu.memory_space<vmem_shared>> -> memref<10000x128xf32, #tpu.memory_space<vmem_shared>>
    tpu.wait_indirect_dma semaphore(%arg18 : memref<!tpu.dma_semaphore, #tpu.memory_space<semaphore_mem>>) src(%arg11 : memref<80x128xf32, #tpu.memory_space<vmem>>) dst(%dma_wait3A_155 : memref<10000x128xf32, #tpu.memory_space<vmem_shared>>)
    %dma_wait3A_156 = arith.constant 0 : i32
    %dma_wait3A_157 = arith.constant 0 : i32
    %dma_wait3A_158 = tpu.memref_slice %arg8[%dma_wait3A_156, %dma_wait3A_157] : memref<3x80xi32, #tpu.memory_space<vmem>> -> memref<1x80xi32, #tpu.memory_space<vmem>>
    %dma_wait3A_159 = tpu.memref_squeeze %dma_wait3A_158 : memref<1x80xi32, #tpu.memory_space<vmem>> -> memref<80xi32, #tpu.memory_space<vmem>>
    %dma_wait3A_160 = arith.constant 0 : i32
    %dma_wait3A_161 = arith.constant 0 : i32
    %dma_wait3A_162 = tpu.memref_slice %arg12[%dma_wait3A_160, %dma_wait3A_161] : memref<10000x128xf32, #tpu.memory_space<vmem_shared>> -> memref<10000x128xf32, #tpu.memory_space<vmem_shared>>
    tpu.wait_indirect_dma semaphore(%arg16 : memref<!tpu.dma_semaphore, #tpu.memory_space<semaphore_mem>>) src(%arg9 : memref<80x128xf32, #tpu.memory_space<vmem>>) dst(%dma_wait3A_162 : memref<10000x128xf32, #tpu.memory_space<vmem_shared>>)
    %dma_wait3A_163 = arith.constant 1 : i32
    %dma_wait3A_164 = arith.constant 0 : i32
    %dma_wait3A_165 = tpu.memref_slice %arg8[%dma_wait3A_163, %dma_wait3A_164] : memref<3x80xi32, #tpu.memory_space<vmem>> -> memref<1x80xi32, #tpu.memory_space<vmem>>
    %dma_wait3A_166 = tpu.memref_squeeze %dma_wait3A_165 : memref<1x80xi32, #tpu.memory_space<vmem>> -> memref<80xi32, #tpu.memory_space<vmem>>
    %dma_wait3A_167 = arith.constant 0 : i32
    %dma_wait3A_168 = arith.constant 0 : i32
    %dma_wait3A_169 = tpu.memref_slice %arg12[%dma_wait3A_167, %dma_wait3A_168] : memref<10000x128xf32, #tpu.memory_space<vmem_shared>> -> memref<10000x128xf32, #tpu.memory_space<vmem_shared>>
    tpu.wait_indirect_dma semaphore(%arg17 : memref<!tpu.dma_semaphore, #tpu.memory_space<semaphore_mem>>) src(%arg10 : memref<80x128xf32, #tpu.memory_space<vmem>>) dst(%dma_wait3A_169 : memref<10000x128xf32, #tpu.memory_space<vmem_shared>>)
    %barrier3A_170 = arith.constant 0 : index
    tpu.barrier barrier_id(%barrier3A_170)
    %lt3A_171 = arith.constant 10 : i32
    %lt3A_172 = arith.cmpi slt, %arg1, %lt3A_171 : i32
    %convert_element_type3A_173 = arith.extui %lt3A_172 : i1 to i32
    %cond3A_174 = arith.constant 0 : i32
    %cond3A_175 = arith.cmpi ne, %convert_element_type3A_173, %cond3A_174 : i32
    scf.if %cond3A_175 {
      %scan3A_176 = arith.constant 0 : i32
      %scan3A_177 = arith.constant 5 : i32
      %scan3A_178 = arith.addi %scan3A_176, %scan3A_177 : i32
      %scan3A_179 = arith.constant 1 : i32
      scf.for %scan3A_181 = %scan3A_176 to %scan3A_178 step %scan3A_179  : i32 {
        %mul3A_182 = arith.constant 1 : i32
        %mul3A_183 = arith.muli %scan3A_181, %mul3A_182 : i32
        %add3A_184 = arith.constant 0 : i32
        %add3A_185 = arith.addi %add3A_184, %mul3A_183 : i32
        %mul3A_186 = arith.constant 1000 : i32
        %mul3A_187 = arith.muli %arg1, %mul3A_186 : i32
        %mul3A_188 = arith.constant 200 : i32
        %mul3A_189 = arith.muli %add3A_185, %mul3A_188 : i32
        %add3A_190 = arith.addi %mul3A_187, %mul3A_189 : i32
        "tpu.region"() ({
          %run_scoped3A = tpu.sem_alloc : memref<!tpu.dma_semaphore, #tpu.memory_space<semaphore_mem>>
          %dma_start3A_191 = arith.constant 0 : i32
          %dma_start3A_192 = tpu.memref_slice %arg5[%arg0, %add3A_190, %dma_start3A_191] : memref<2x10000x128xf32, #tpu.memory_space<hbm>> -> memref<1x200x128xf32, #tpu.memory_space<hbm>>
          %dma_start3A_193 = tpu.memref_squeeze %dma_start3A_192 : memref<1x200x128xf32, #tpu.memory_space<hbm>> -> memref<200x128xf32, #tpu.memory_space<hbm>>
          %dma_start3A_194 = arith.constant 0 : i32
          %dma_start3A_195 = tpu.memref_slice %arg12[%add3A_190, %dma_start3A_194] : memref<10000x128xf32, #tpu.memory_space<vmem_shared>> -> memref<200x128xf32, #tpu.memory_space<vmem_shared>>
          tpu.enqueue_dma source(%dma_start3A_195 : memref<200x128xf32, #tpu.memory_space<vmem_shared>>) target(%dma_start3A_193 : memref<200x128xf32, #tpu.memory_space<hbm>>) target_semaphore(%run_scoped3A : memref<!tpu.dma_semaphore, #tpu.memory_space<semaphore_mem>>)
          %dma_wait3A_196 = arith.constant 0 : i32
          %dma_wait3A_197 = tpu.memref_slice %arg5[%arg0, %add3A_190, %dma_wait3A_196] : memref<2x10000x128xf32, #tpu.memory_space<hbm>> -> memref<1x200x128xf32, #tpu.memory_space<hbm>>
          %dma_wait3A_198 = tpu.memref_squeeze %dma_wait3A_197 : memref<1x200x128xf32, #tpu.memory_space<hbm>> -> memref<200x128xf32, #tpu.memory_space<hbm>>
          %dma_wait3A_199 = arith.constant 0 : i32
          %dma_wait3A_200 = tpu.memref_slice %arg12[%add3A_190, %dma_wait3A_199] : memref<10000x128xf32, #tpu.memory_space<vmem_shared>> -> memref<200x128xf32, #tpu.memory_space<vmem_shared>>
          tpu.wait_dma2 semaphore(%run_scoped3A : memref<!tpu.dma_semaphore, #tpu.memory_space<semaphore_mem>>) src(%dma_wait3A_200 : memref<200x128xf32, #tpu.memory_space<vmem_shared>>) dst(%dma_wait3A_198 : memref<200x128xf32, #tpu.memory_space<hbm>>)
          tpu.yield
        }) : () -> ()
      }
      %scan3A_180 = arith.constant 5 : i32
    } else {
    }
    return
  }
}

#map = affine_map<(d0, d1) -> (0, 0)>
#map1 = affine_map<(d0, d1) -> (0, 0, 0)>
module attributes {stable_mosaic.version = 14 : i64} {
  func.func @k(%arg0: i32, %arg1: i32, %arg2: memref<10000x128xf32, #tpu.memory_space<hbm>>, %arg3: memref<32x125x80xi32, #tpu.memory_space<hbm>>, %arg4: memref<200x128xf32, #tpu.memory_space<hbm>>, %arg5: memref<2x10000x128xf32, #tpu.memory_space<hbm>>, %arg6: memref<125x80xi32, #tpu.memory_space<vmem>>, %arg7: memref<3x80xi32, #tpu.memory_space<vmem>>, %arg8: memref<3x80xi32, #tpu.memory_space<vmem>>, %arg9: memref<80x128xf32, #tpu.memory_space<vmem>>, %arg10: memref<80x128xf32, #tpu.memory_space<vmem>>, %arg11: memref<80x128xf32, #tpu.memory_space<vmem>>, %arg12: memref<10000x128xf32, #tpu.memory_space<vmem_shared>>, %arg13: memref<!tpu.dma_semaphore, #tpu.memory_space<semaphore_mem>>, %arg14: memref<!tpu.dma_semaphore, #tpu.memory_space<semaphore_mem>>, %arg15: memref<!tpu.dma_semaphore, #tpu.memory_space<semaphore_mem>>, %arg16: memref<!tpu.dma_semaphore, #tpu.memory_space<semaphore_mem>>, %arg17: memref<!tpu.dma_semaphore, #tpu.memory_space<semaphore_mem>>, %arg18: memref<!tpu.dma_semaphore, #tpu.memory_space<semaphore_mem>>) attributes {dimension_semantics = [#tpu.dimension_semantics<core_parallel>, #tpu.dimension_semantics<subcore_parallel>], iteration_bounds = array<i64: 2, 16>, scalar_prefetch = 0 : i64, scratch_operands = 13 : i64, tpu.core_type = #tpu.core_type<sc_vector_subcore>, window_params = [{transform_indices = #map}, {transform_indices = #map1}, {transform_indices = #map}, {transform_indices = #map1}]} {
    %mul3A = arith.constant 2 : i32
    %mul3A_0 = arith.muli %arg1, %mul3A : i32
    %add3A = arith.addi %mul3A_0, %arg0 : i32
    "tpu.region"() ({
      %run_scoped3A = tpu.sem_alloc : memref<!tpu.dma_semaphore, #tpu.memory_space<semaphore_mem>>
      %dma_start3A_176 = arith.constant 0 : i32
      %dma_start3A_177 = arith.constant 0 : i32
      %dma_start3A_178 = tpu.memref_slice %arg3[%add3A, %dma_start3A_176, %dma_start3A_177] : memref<32x125x80xi32, #tpu.memory_space<hbm>> -> memref<1x125x80xi32, #tpu.memory_space<hbm>>
      %dma_start3A_179 = tpu.memref_squeeze %dma_start3A_178 : memref<1x125x80xi32, #tpu.memory_space<hbm>> -> memref<125x80xi32, #tpu.memory_space<hbm>>
      %dma_start3A_180 = arith.constant 0 : i32
      %dma_start3A_181 = arith.constant 0 : i32
      %dma_start3A_182 = tpu.memref_slice %arg3[%add3A, %dma_start3A_180, %dma_start3A_181] : memref<32x125x80xi32, #tpu.memory_space<hbm>> -> memref<1x125x80xi32, #tpu.memory_space<hbm>>
      %dma_start3A_183 = tpu.memref_squeeze %dma_start3A_182 : memref<1x125x80xi32, #tpu.memory_space<hbm>> -> memref<125x80xi32, #tpu.memory_space<hbm>>
      tpu.enqueue_dma source(%dma_start3A_183 : memref<125x80xi32, #tpu.memory_space<hbm>>) target(%arg6 : memref<125x80xi32, #tpu.memory_space<vmem>>) target_semaphore(%run_scoped3A : memref<!tpu.dma_semaphore, #tpu.memory_space<semaphore_mem>>)
      %dma_wait3A_184 = arith.constant 0 : i32
      %dma_wait3A_185 = arith.constant 0 : i32
      %dma_wait3A_186 = tpu.memref_slice %arg3[%add3A, %dma_wait3A_184, %dma_wait3A_185] : memref<32x125x80xi32, #tpu.memory_space<hbm>> -> memref<1x125x80xi32, #tpu.memory_space<hbm>>
      %dma_wait3A_187 = tpu.memref_squeeze %dma_wait3A_186 : memref<1x125x80xi32, #tpu.memory_space<hbm>> -> memref<125x80xi32, #tpu.memory_space<hbm>>
      %dma_wait3A_188 = arith.constant 0 : i32
      %dma_wait3A_189 = arith.constant 0 : i32
      %dma_wait3A_190 = tpu.memref_slice %arg3[%add3A, %dma_wait3A_188, %dma_wait3A_189] : memref<32x125x80xi32, #tpu.memory_space<hbm>> -> memref<1x125x80xi32, #tpu.memory_space<hbm>>
      %dma_wait3A_191 = tpu.memref_squeeze %dma_wait3A_190 : memref<1x125x80xi32, #tpu.memory_space<hbm>> -> memref<125x80xi32, #tpu.memory_space<hbm>>
      tpu.wait_dma2 semaphore(%run_scoped3A : memref<!tpu.dma_semaphore, #tpu.memory_space<semaphore_mem>>) src(%dma_wait3A_191 : memref<125x80xi32, #tpu.memory_space<hbm>>) dst(%arg6 : memref<125x80xi32, #tpu.memory_space<vmem>>)
      tpu.yield
    }) : () -> ()
    %lt3A = arith.constant 10 : i32
    %lt3A_1 = arith.cmpi slt, %arg1, %lt3A : i32
    %convert_element_type3A = arith.extui %lt3A_1 : i1 to i32
    %cond3A = arith.constant 0 : i32
    %cond3A_2 = arith.cmpi ne, %convert_element_type3A, %cond3A : i32
    scf.if %cond3A_2 {
      %scan3A_176 = arith.constant 0 : i32
      %scan3A_177 = arith.constant 5 : i32
      %scan3A_178 = arith.addi %scan3A_176, %scan3A_177 : i32
      %scan3A_179 = arith.constant 1 : i32
      scf.for %scan3A_181 = %scan3A_176 to %scan3A_178 step %scan3A_179  : i32 {
        %mul3A_182 = arith.constant 1 : i32
        %mul3A_183 = arith.muli %scan3A_181, %mul3A_182 : i32
        %add3A_184 = arith.constant 0 : i32
        %add3A_185 = arith.addi %add3A_184, %mul3A_183 : i32
        %mul3A_186 = arith.constant 1000 : i32
        %mul3A_187 = arith.muli %arg1, %mul3A_186 : i32
        %mul3A_188 = arith.constant 200 : i32
        %mul3A_189 = arith.muli %add3A_185, %mul3A_188 : i32
        %add3A_190 = arith.addi %mul3A_187, %mul3A_189 : i32
        "tpu.region"() ({
          %run_scoped3A = tpu.sem_alloc : memref<!tpu.dma_semaphore, #tpu.memory_space<semaphore_mem>>
          %dma_start3A_191 = arith.constant 0 : i32
          %dma_start3A_192 = tpu.memref_slice %arg12[%add3A_190, %dma_start3A_191] : memref<10000x128xf32, #tpu.memory_space<vmem_shared>> -> memref<200x128xf32, #tpu.memory_space<vmem_shared>>
          tpu.enqueue_dma source(%arg4 : memref<200x128xf32, #tpu.memory_space<hbm>>) target(%dma_start3A_192 : memref<200x128xf32, #tpu.memory_space<vmem_shared>>) target_semaphore(%run_scoped3A : memref<!tpu.dma_semaphore, #tpu.memory_space<semaphore_mem>>)
          %dma_wait3A_193 = arith.constant 0 : i32
          %dma_wait3A_194 = tpu.memref_slice %arg12[%add3A_190, %dma_wait3A_193] : memref<10000x128xf32, #tpu.memory_space<vmem_shared>> -> memref<200x128xf32, #tpu.memory_space<vmem_shared>>
          tpu.wait_dma2 semaphore(%run_scoped3A : memref<!tpu.dma_semaphore, #tpu.memory_space<semaphore_mem>>) src(%arg4 : memref<200x128xf32, #tpu.memory_space<hbm>>) dst(%dma_wait3A_194 : memref<200x128xf32, #tpu.memory_space<vmem_shared>>)
          tpu.yield
        }) : () -> ()
      }
      %scan3A_180 = arith.constant 5 : i32
    } else {
    }
    %barrier3A = arith.constant 0 : index
    tpu.barrier barrier_id(%barrier3A)
    %scan3A = arith.constant 0 : i32
    %scan3A_3 = arith.constant 5 : i32
    %scan3A_4 = arith.addi %scan3A, %scan3A_3 : i32
    %scan3A_5 = arith.constant 1 : i32
    scf.for %scan3A_176 = %scan3A to %scan3A_4 step %scan3A_5  : i32 {
      %mul3A_177 = arith.constant 1 : i32
      %mul3A_178 = arith.muli %scan3A_176, %mul3A_177 : i32
      %add3A_179 = arith.constant 0 : i32
      %add3A_180 = arith.addi %add3A_179, %mul3A_178 : i32
      %mul3A_181 = arith.constant 16 : i32
      %mul3A_182 = arith.muli %add3A_180, %mul3A_181 : i32
      %get3A = arith.constant 0 : i32
      %get3A_183 = arith.index_cast %get3A : i32 to index
      %get3A_184 = arith.index_cast %mul3A_182 : i32 to index
      %get3A_185 = tpu.vector_load %arg6[%get3A_183, %get3A_184] {strides = array<i32>} : memref<125x80xi32, #tpu.memory_space<vmem>>, vector<1x16xi32>,
      %get3A_186 = vector.shape_cast %get3A_185 : vector<1x16xi32> to vector<16xi32>
      %shift_right_arithmetic3A = arith.constant 14 : i32
      %shift_right_arithmetic3A_187 = vector.broadcast %shift_right_arithmetic3A : i32 to vector<16xi32>
      %shift_right_arithmetic3A_188 = arith.shrsi %get3A_186, %shift_right_arithmetic3A_187 : vector<16xi32>
      %mul3A_189 = arith.constant 16 : i32
      %mul3A_190 = arith.muli %add3A_180, %mul3A_189 : i32
      %swap3A = arith.constant 0 : i32
      %swap3A_191 = arith.index_cast %swap3A : i32 to index
      %swap3A_192 = arith.index_cast %mul3A_190 : i32 to index
      %swap3A_193 = tpu.vector_load %arg7[%swap3A_191, %swap3A_192] {strides = array<i32>} : memref<3x80xi32, #tpu.memory_space<vmem>>, vector<1x16xi32>,
      %swap3A_194 = vector.shape_cast %swap3A_193 : vector<1x16xi32> to vector<16xi32>
      %swap3A_195 = vector.shape_cast %shift_right_arithmetic3A_188 : vector<16xi32> to vector<1x16xi32>
      tpu.vector_store %arg7[%swap3A_191, %swap3A_192], %swap3A_195 {strides = array<i32>} : memref<3x80xi32, #tpu.memory_space<vmem>>, vector<1x16xi32>,
      %and3A = arith.constant 16383 : i32
      %and3A_196 = vector.broadcast %and3A : i32 to vector<16xi32>
      %and3A_197 = arith.andi %get3A_186, %and3A_196 : vector<16xi32>
      %mul3A_198 = arith.constant 16 : i32
      %mul3A_199 = arith.muli %add3A_180, %mul3A_198 : i32
      %swap3A_200 = arith.constant 0 : i32
      %swap3A_201 = arith.index_cast %swap3A_200 : i32 to index
      %swap3A_202 = arith.index_cast %mul3A_199 : i32 to index
      %swap3A_203 = tpu.vector_load %arg8[%swap3A_201, %swap3A_202] {strides = array<i32>} : memref<3x80xi32, #tpu.memory_space<vmem>>, vector<1x16xi32>,
      %swap3A_204 = vector.shape_cast %swap3A_203 : vector<1x16xi32> to vector<16xi32>
      %swap3A_205 = vector.shape_cast %and3A_197 : vector<16xi32> to vector<1x16xi32>
      tpu.vector_store %arg8[%swap3A_201, %swap3A_202], %swap3A_205 {strides = array<i32>} : memref<3x80xi32, #tpu.memory_space<vmem>>, vector<1x16xi32>,
    }
    %scan3A_6 = arith.constant 5 : i32
    %dma_start3A = arith.constant 0 : i32
    %dma_start3A_7 = arith.constant 0 : i32
    %dma_start3A_8 = tpu.memref_slice %arg7[%dma_start3A, %dma_start3A_7] : memref<3x80xi32, #tpu.memory_space<vmem>> -> memref<1x80xi32, #tpu.memory_space<vmem>>
    %dma_start3A_9 = tpu.memref_squeeze %dma_start3A_8 : memref<1x80xi32, #tpu.memory_space<vmem>> -> memref<80xi32, #tpu.memory_space<vmem>>
    %dma_start3A_10 = arith.constant 0 : i32
    %dma_start3A_11 = arith.constant 0 : i32
    %dma_start3A_12 = tpu.memref_slice %arg2[%dma_start3A_10, %dma_start3A_11] : memref<10000x128xf32, #tpu.memory_space<hbm>> -> memref<10000x128xf32, #tpu.memory_space<hbm>>
    tpu.enqueue_indirect_dma source(%dma_start3A_12 : memref<10000x128xf32, #tpu.memory_space<hbm>>) target(%arg9 : memref<80x128xf32, #tpu.memory_space<vmem>>) offsets(%dma_start3A_9 : memref<80xi32, #tpu.memory_space<vmem>>) semaphore(%arg13 : memref<!tpu.dma_semaphore, #tpu.memory_space<semaphore_mem>>)
    %scan3A_13 = arith.constant 0 : i32
    %scan3A_14 = arith.constant 5 : i32
    %scan3A_15 = arith.addi %scan3A_13, %scan3A_14 : i32
    %scan3A_16 = arith.constant 1 : i32
    scf.for %scan3A_176 = %scan3A_13 to %scan3A_15 step %scan3A_16  : i32 {
      %mul3A_177 = arith.constant 1 : i32
      %mul3A_178 = arith.muli %scan3A_176, %mul3A_177 : i32
      %add3A_179 = arith.constant 0 : i32
      %add3A_180 = arith.addi %add3A_179, %mul3A_178 : i32
      %mul3A_181 = arith.constant 16 : i32
      %mul3A_182 = arith.muli %add3A_180, %mul3A_181 : i32
      %get3A = arith.constant 1 : i32
      %get3A_183 = arith.index_cast %get3A : i32 to index
      %get3A_184 = arith.index_cast %mul3A_182 : i32 to index
      %get3A_185 = tpu.vector_load %arg6[%get3A_183, %get3A_184] {strides = array<i32>} : memref<125x80xi32, #tpu.memory_space<vmem>>, vector<1x16xi32>,
      %get3A_186 = vector.shape_cast %get3A_185 : vector<1x16xi32> to vector<16xi32>
      %shift_right_arithmetic3A = arith.constant 14 : i32
      %shift_right_arithmetic3A_187 = vector.broadcast %shift_right_arithmetic3A : i32 to vector<16xi32>
      %shift_right_arithmetic3A_188 = arith.shrsi %get3A_186, %shift_right_arithmetic3A_187 : vector<16xi32>
      %mul3A_189 = arith.constant 16 : i32
      %mul3A_190 = arith.muli %add3A_180, %mul3A_189 : i32
      %swap3A = arith.constant 1 : i32
      %swap3A_191 = arith.index_cast %swap3A : i32 to index
      %swap3A_192 = arith.index_cast %mul3A_190 : i32 to index
      %swap3A_193 = tpu.vector_load %arg7[%swap3A_191, %swap3A_192] {strides = array<i32>} : memref<3x80xi32, #tpu.memory_space<vmem>>, vector<1x16xi32>,
      %swap3A_194 = vector.shape_cast %swap3A_193 : vector<1x16xi32> to vector<16xi32>
      %swap3A_195 = vector.shape_cast %shift_right_arithmetic3A_188 : vector<16xi32> to vector<1x16xi32>
      tpu.vector_store %arg7[%swap3A_191, %swap3A_192], %swap3A_195 {strides = array<i32>} : memref<3x80xi32, #tpu.memory_space<vmem>>, vector<1x16xi32>,
      %and3A = arith.constant 16383 : i32
      %and3A_196 = vector.broadcast %and3A : i32 to vector<16xi32>
      %and3A_197 = arith.andi %get3A_186, %and3A_196 : vector<16xi32>
      %mul3A_198 = arith.constant 16 : i32
      %mul3A_199 = arith.muli %add3A_180, %mul3A_198 : i32
      %swap3A_200 = arith.constant 1 : i32
      %swap3A_201 = arith.index_cast %swap3A_200 : i32 to index
      %swap3A_202 = arith.index_cast %mul3A_199 : i32 to index
      %swap3A_203 = tpu.vector_load %arg8[%swap3A_201, %swap3A_202] {strides = array<i32>} : memref<3x80xi32, #tpu.memory_space<vmem>>, vector<1x16xi32>,
      %swap3A_204 = vector.shape_cast %swap3A_203 : vector<1x16xi32> to vector<16xi32>
      %swap3A_205 = vector.shape_cast %and3A_197 : vector<16xi32> to vector<1x16xi32>
      tpu.vector_store %arg8[%swap3A_201, %swap3A_202], %swap3A_205 {strides = array<i32>} : memref<3x80xi32, #tpu.memory_space<vmem>>, vector<1x16xi32>,
    }
    %scan3A_17 = arith.constant 5 : i32
    %dma_start3A_18 = arith.constant 1 : i32
    %dma_start3A_19 = arith.constant 0 : i32
    %dma_start3A_20 = tpu.memref_slice %arg7[%dma_start3A_18, %dma_start3A_19] : memref<3x80xi32, #tpu.memory_space<vmem>> -> memref<1x80xi32, #tpu.memory_space<vmem>>
    %dma_start3A_21 = tpu.memref_squeeze %dma_start3A_20 : memref<1x80xi32, #tpu.memory_space<vmem>> -> memref<80xi32, #tpu.memory_space<vmem>>
    %dma_start3A_22 = arith.constant 0 : i32
    %dma_start3A_23 = arith.constant 0 : i32
    %dma_start3A_24 = tpu.memref_slice %arg2[%dma_start3A_22, %dma_start3A_23] : memref<10000x128xf32, #tpu.memory_space<hbm>> -> memref<10000x128xf32, #tpu.memory_space<hbm>>
    tpu.enqueue_indirect_dma source(%dma_start3A_24 : memref<10000x128xf32, #tpu.memory_space<hbm>>) target(%arg10 : memref<80x128xf32, #tpu.memory_space<vmem>>) offsets(%dma_start3A_21 : memref<80xi32, #tpu.memory_space<vmem>>) semaphore(%arg14 : memref<!tpu.dma_semaphore, #tpu.memory_space<semaphore_mem>>)
    %dma_wait3A = arith.constant 0 : i32
    %dma_wait3A_25 = arith.constant 0 : i32
    %dma_wait3A_26 = tpu.memref_slice %arg7[%dma_wait3A, %dma_wait3A_25] : memref<3x80xi32, #tpu.memory_space<vmem>> -> memref<1x80xi32, #tpu.memory_space<vmem>>
    %dma_wait3A_27 = tpu.memref_squeeze %dma_wait3A_26 : memref<1x80xi32, #tpu.memory_space<vmem>> -> memref<80xi32, #tpu.memory_space<vmem>>
    %dma_wait3A_28 = arith.constant 0 : i32
    %dma_wait3A_29 = arith.constant 0 : i32
    %dma_wait3A_30 = tpu.memref_slice %arg2[%dma_wait3A_28, %dma_wait3A_29] : memref<10000x128xf32, #tpu.memory_space<hbm>> -> memref<10000x128xf32, #tpu.memory_space<hbm>>
    tpu.wait_indirect_dma semaphore(%arg13 : memref<!tpu.dma_semaphore, #tpu.memory_space<semaphore_mem>>) src(%dma_wait3A_30 : memref<10000x128xf32, #tpu.memory_space<hbm>>) dst(%arg9 : memref<80x128xf32, #tpu.memory_space<vmem>>)
    %dma_start3A_31 = arith.constant 0 : i32
    %dma_start3A_32 = arith.constant 0 : i32
    %dma_start3A_33 = tpu.memref_slice %arg8[%dma_start3A_31, %dma_start3A_32] : memref<3x80xi32, #tpu.memory_space<vmem>> -> memref<1x80xi32, #tpu.memory_space<vmem>>
    %dma_start3A_34 = tpu.memref_squeeze %dma_start3A_33 : memref<1x80xi32, #tpu.memory_space<vmem>> -> memref<80xi32, #tpu.memory_space<vmem>>
    %dma_start3A_35 = arith.constant 0 : i32
    %dma_start3A_36 = arith.constant 0 : i32
    %dma_start3A_37 = tpu.memref_slice %arg12[%dma_start3A_35, %dma_start3A_36] : memref<10000x128xf32, #tpu.memory_space<vmem_shared>> -> memref<10000x128xf32, #tpu.memory_space<vmem_shared>>
    tpu.enqueue_indirect_dma source(%arg9 : memref<80x128xf32, #tpu.memory_space<vmem>>) target(%dma_start3A_37 : memref<10000x128xf32, #tpu.memory_space<vmem_shared>>) offsets(%dma_start3A_34 : memref<80xi32, #tpu.memory_space<vmem>>) semaphore(%arg16 : memref<!tpu.dma_semaphore, #tpu.memory_space<semaphore_mem>>) {add = true}
    %scan3A_38 = arith.constant 0 : i32
    %scan3A_39 = arith.constant 5 : i32
    %scan3A_40 = arith.addi %scan3A_38, %scan3A_39 : i32
    %scan3A_41 = arith.constant 1 : i32
    scf.for %scan3A_176 = %scan3A_38 to %scan3A_40 step %scan3A_41  : i32 {
      %mul3A_177 = arith.constant 1 : i32
      %mul3A_178 = arith.muli %scan3A_176, %mul3A_177 : i32
      %add3A_179 = arith.constant 0 : i32
      %add3A_180 = arith.addi %add3A_179, %mul3A_178 : i32
      %mul3A_181 = arith.constant 16 : i32
      %mul3A_182 = arith.muli %add3A_180, %mul3A_181 : i32
      %get3A = arith.constant 2 : i32
      %get3A_183 = arith.index_cast %get3A : i32 to index
      %get3A_184 = arith.index_cast %mul3A_182 : i32 to index
      %get3A_185 = tpu.vector_load %arg6[%get3A_183, %get3A_184] {strides = array<i32>} : memref<125x80xi32, #tpu.memory_space<vmem>>, vector<1x16xi32>,
      %get3A_186 = vector.shape_cast %get3A_185 : vector<1x16xi32> to vector<16xi32>
      %shift_right_arithmetic3A = arith.constant 14 : i32
      %shift_right_arithmetic3A_187 = vector.broadcast %shift_right_arithmetic3A : i32 to vector<16xi32>
      %shift_right_arithmetic3A_188 = arith.shrsi %get3A_186, %shift_right_arithmetic3A_187 : vector<16xi32>
      %mul3A_189 = arith.constant 16 : i32
      %mul3A_190 = arith.muli %add3A_180, %mul3A_189 : i32
      %swap3A = arith.constant 2 : i32
      %swap3A_191 = arith.index_cast %swap3A : i32 to index
      %swap3A_192 = arith.index_cast %mul3A_190 : i32 to index
      %swap3A_193 = tpu.vector_load %arg7[%swap3A_191, %swap3A_192] {strides = array<i32>} : memref<3x80xi32, #tpu.memory_space<vmem>>, vector<1x16xi32>,
      %swap3A_194 = vector.shape_cast %swap3A_193 : vector<1x16xi32> to vector<16xi32>
      %swap3A_195 = vector.shape_cast %shift_right_arithmetic3A_188 : vector<16xi32> to vector<1x16xi32>
      tpu.vector_store %arg7[%swap3A_191, %swap3A_192], %swap3A_195 {strides = array<i32>} : memref<3x80xi32, #tpu.memory_space<vmem>>, vector<1x16xi32>,
      %and3A = arith.constant 16383 : i32
      %and3A_196 = vector.broadcast %and3A : i32 to vector<16xi32>
      %and3A_197 = arith.andi %get3A_186, %and3A_196 : vector<16xi32>
      %mul3A_198 = arith.constant 16 : i32
      %mul3A_199 = arith.muli %add3A_180, %mul3A_198 : i32
      %swap3A_200 = arith.constant 2 : i32
      %swap3A_201 = arith.index_cast %swap3A_200 : i32 to index
      %swap3A_202 = arith.index_cast %mul3A_199 : i32 to index
      %swap3A_203 = tpu.vector_load %arg8[%swap3A_201, %swap3A_202] {strides = array<i32>} : memref<3x80xi32, #tpu.memory_space<vmem>>, vector<1x16xi32>,
      %swap3A_204 = vector.shape_cast %swap3A_203 : vector<1x16xi32> to vector<16xi32>
      %swap3A_205 = vector.shape_cast %and3A_197 : vector<16xi32> to vector<1x16xi32>
      tpu.vector_store %arg8[%swap3A_201, %swap3A_202], %swap3A_205 {strides = array<i32>} : memref<3x80xi32, #tpu.memory_space<vmem>>, vector<1x16xi32>,
    }
    %scan3A_42 = arith.constant 5 : i32
    %dma_start3A_43 = arith.constant 2 : i32
    %dma_start3A_44 = arith.constant 0 : i32
    %dma_start3A_45 = tpu.memref_slice %arg7[%dma_start3A_43, %dma_start3A_44] : memref<3x80xi32, #tpu.memory_space<vmem>> -> memref<1x80xi32, #tpu.memory_space<vmem>>
    %dma_start3A_46 = tpu.memref_squeeze %dma_start3A_45 : memref<1x80xi32, #tpu.memory_space<vmem>> -> memref<80xi32, #tpu.memory_space<vmem>>
    %dma_start3A_47 = arith.constant 0 : i32
    %dma_start3A_48 = arith.constant 0 : i32
    %dma_start3A_49 = tpu.memref_slice %arg2[%dma_start3A_47, %dma_start3A_48] : memref<10000x128xf32, #tpu.memory_space<hbm>> -> memref<10000x128xf32, #tpu.memory_space<hbm>>
    tpu.enqueue_indirect_dma source(%dma_start3A_49 : memref<10000x128xf32, #tpu.memory_space<hbm>>) target(%arg11 : memref<80x128xf32, #tpu.memory_space<vmem>>) offsets(%dma_start3A_46 : memref<80xi32, #tpu.memory_space<vmem>>) semaphore(%arg15 : memref<!tpu.dma_semaphore, #tpu.memory_space<semaphore_mem>>)
    %dma_wait3A_50 = arith.constant 1 : i32
    %dma_wait3A_51 = arith.constant 0 : i32
    %dma_wait3A_52 = tpu.memref_slice %arg7[%dma_wait3A_50, %dma_wait3A_51] : memref<3x80xi32, #tpu.memory_space<vmem>> -> memref<1x80xi32, #tpu.memory_space<vmem>>
    %dma_wait3A_53 = tpu.memref_squeeze %dma_wait3A_52 : memref<1x80xi32, #tpu.memory_space<vmem>> -> memref<80xi32, #tpu.memory_space<vmem>>
    %dma_wait3A_54 = arith.constant 0 : i32
    %dma_wait3A_55 = arith.constant 0 : i32
    %dma_wait3A_56 = tpu.memref_slice %arg2[%dma_wait3A_54, %dma_wait3A_55] : memref<10000x128xf32, #tpu.memory_space<hbm>> -> memref<10000x128xf32, #tpu.memory_space<hbm>>
    tpu.wait_indirect_dma semaphore(%arg14 : memref<!tpu.dma_semaphore, #tpu.memory_space<semaphore_mem>>) src(%dma_wait3A_56 : memref<10000x128xf32, #tpu.memory_space<hbm>>) dst(%arg10 : memref<80x128xf32, #tpu.memory_space<vmem>>)
    %dma_start3A_57 = arith.constant 1 : i32
    %dma_start3A_58 = arith.constant 0 : i32
    %dma_start3A_59 = tpu.memref_slice %arg8[%dma_start3A_57, %dma_start3A_58] : memref<3x80xi32, #tpu.memory_space<vmem>> -> memref<1x80xi32, #tpu.memory_space<vmem>>
    %dma_start3A_60 = tpu.memref_squeeze %dma_start3A_59 : memref<1x80xi32, #tpu.memory_space<vmem>> -> memref<80xi32, #tpu.memory_space<vmem>>
    %dma_start3A_61 = arith.constant 0 : i32
    %dma_start3A_62 = arith.constant 0 : i32
    %dma_start3A_63 = tpu.memref_slice %arg12[%dma_start3A_61, %dma_start3A_62] : memref<10000x128xf32, #tpu.memory_space<vmem_shared>> -> memref<10000x128xf32, #tpu.memory_space<vmem_shared>>
    tpu.enqueue_indirect_dma source(%arg10 : memref<80x128xf32, #tpu.memory_space<vmem>>) target(%dma_start3A_63 : memref<10000x128xf32, #tpu.memory_space<vmem_shared>>) offsets(%dma_start3A_60 : memref<80xi32, #tpu.memory_space<vmem>>) semaphore(%arg17 : memref<!tpu.dma_semaphore, #tpu.memory_space<semaphore_mem>>) {add = true}
    %dma_wait3A_64 = arith.constant 0 : i32
    %dma_wait3A_65 = arith.constant 0 : i32
    %dma_wait3A_66 = tpu.memref_slice %arg8[%dma_wait3A_64, %dma_wait3A_65] : memref<3x80xi32, #tpu.memory_space<vmem>> -> memref<1x80xi32, #tpu.memory_space<vmem>>
    %dma_wait3A_67 = tpu.memref_squeeze %dma_wait3A_66 : memref<1x80xi32, #tpu.memory_space<vmem>> -> memref<80xi32, #tpu.memory_space<vmem>>
    %dma_wait3A_68 = arith.constant 0 : i32
    %dma_wait3A_69 = arith.constant 0 : i32
    %dma_wait3A_70 = tpu.memref_slice %arg12[%dma_wait3A_68, %dma_wait3A_69] : memref<10000x128xf32, #tpu.memory_space<vmem_shared>> -> memref<10000x128xf32, #tpu.memory_space<vmem_shared>>
    tpu.wait_indirect_dma semaphore(%arg16 : memref<!tpu.dma_semaphore, #tpu.memory_space<semaphore_mem>>) src(%arg9 : memref<80x128xf32, #tpu.memory_space<vmem>>) dst(%dma_wait3A_70 : memref<10000x128xf32, #tpu.memory_space<vmem_shared>>)
    %scan3A_71 = arith.constant 0 : i32
    %scan3A_72 = arith.constant 5 : i32
    %scan3A_73 = arith.addi %scan3A_71, %scan3A_72 : i32
    %scan3A_74 = arith.constant 1 : i32
    scf.for %scan3A_176 = %scan3A_71 to %scan3A_73 step %scan3A_74  : i32 {
      %mul3A_177 = arith.constant 1 : i32
      %mul3A_178 = arith.muli %scan3A_176, %mul3A_177 : i32
      %add3A_179 = arith.constant 0 : i32
      %add3A_180 = arith.addi %add3A_179, %mul3A_178 : i32
      %mul3A_181 = arith.constant 16 : i32
      %mul3A_182 = arith.muli %add3A_180, %mul3A_181 : i32
      %get3A = arith.constant 3 : i32
      %get3A_183 = arith.index_cast %get3A : i32 to index
      %get3A_184 = arith.index_cast %mul3A_182 : i32 to index
      %get3A_185 = tpu.vector_load %arg6[%get3A_183, %get3A_184] {strides = array<i32>} : memref<125x80xi32, #tpu.memory_space<vmem>>, vector<1x16xi32>,
      %get3A_186 = vector.shape_cast %get3A_185 : vector<1x16xi32> to vector<16xi32>
      %shift_right_arithmetic3A = arith.constant 14 : i32
      %shift_right_arithmetic3A_187 = vector.broadcast %shift_right_arithmetic3A : i32 to vector<16xi32>
      %shift_right_arithmetic3A_188 = arith.shrsi %get3A_186, %shift_right_arithmetic3A_187 : vector<16xi32>
      %mul3A_189 = arith.constant 16 : i32
      %mul3A_190 = arith.muli %add3A_180, %mul3A_189 : i32
      %swap3A = arith.constant 0 : i32
      %swap3A_191 = arith.index_cast %swap3A : i32 to index
      %swap3A_192 = arith.index_cast %mul3A_190 : i32 to index
      %swap3A_193 = tpu.vector_load %arg7[%swap3A_191, %swap3A_192] {strides = array<i32>} : memref<3x80xi32, #tpu.memory_space<vmem>>, vector<1x16xi32>,
      %swap3A_194 = vector.shape_cast %swap3A_193 : vector<1x16xi32> to vector<16xi32>
      %swap3A_195 = vector.shape_cast %shift_right_arithmetic3A_188 : vector<16xi32> to vector<1x16xi32>
      tpu.vector_store %arg7[%swap3A_191, %swap3A_192], %swap3A_195 {strides = array<i32>} : memref<3x80xi32, #tpu.memory_space<vmem>>, vector<1x16xi32>,
      %and3A = arith.constant 16383 : i32
      %and3A_196 = vector.broadcast %and3A : i32 to vector<16xi32>
      %and3A_197 = arith.andi %get3A_186, %and3A_196 : vector<16xi32>
      %mul3A_198 = arith.constant 16 : i32
      %mul3A_199 = arith.muli %add3A_180, %mul3A_198 : i32
      %swap3A_200 = arith.constant 0 : i32
      %swap3A_201 = arith.index_cast %swap3A_200 : i32 to index
      %swap3A_202 = arith.index_cast %mul3A_199 : i32 to index
      %swap3A_203 = tpu.vector_load %arg8[%swap3A_201, %swap3A_202] {strides = array<i32>} : memref<3x80xi32, #tpu.memory_space<vmem>>, vector<1x16xi32>,
      %swap3A_204 = vector.shape_cast %swap3A_203 : vector<1x16xi32> to vector<16xi32>
      %swap3A_205 = vector.shape_cast %and3A_197 : vector<16xi32> to vector<1x16xi32>
      tpu.vector_store %arg8[%swap3A_201, %swap3A_202], %swap3A_205 {strides = array<i32>} : memref<3x80xi32, #tpu.memory_space<vmem>>, vector<1x16xi32>,
    }
    %scan3A_75 = arith.constant 5 : i32
    %dma_start3A_76 = arith.constant 0 : i32
    %dma_start3A_77 = arith.constant 0 : i32
    %dma_start3A_78 = tpu.memref_slice %arg7[%dma_start3A_76, %dma_start3A_77] : memref<3x80xi32, #tpu.memory_space<vmem>> -> memref<1x80xi32, #tpu.memory_space<vmem>>
    %dma_start3A_79 = tpu.memref_squeeze %dma_start3A_78 : memref<1x80xi32, #tpu.memory_space<vmem>> -> memref<80xi32, #tpu.memory_space<vmem>>
    %dma_start3A_80 = arith.constant 0 : i32
    %dma_start3A_81 = arith.constant 0 : i32
    %dma_start3A_82 = tpu.memref_slice %arg2[%dma_start3A_80, %dma_start3A_81] : memref<10000x128xf32, #tpu.memory_space<hbm>> -> memref<10000x128xf32, #tpu.memory_space<hbm>>
    tpu.enqueue_indirect_dma source(%dma_start3A_82 : memref<10000x128xf32, #tpu.memory_space<hbm>>) target(%arg9 : memref<80x128xf32, #tpu.memory_space<vmem>>) offsets(%dma_start3A_79 : memref<80xi32, #tpu.memory_space<vmem>>) semaphore(%arg13 : memref<!tpu.dma_semaphore, #tpu.memory_space<semaphore_mem>>)
    %dma_wait3A_83 = arith.constant 2 : i32
    %dma_wait3A_84 = arith.constant 0 : i32
    %dma_wait3A_85 = tpu.memref_slice %arg7[%dma_wait3A_83, %dma_wait3A_84] : memref<3x80xi32, #tpu.memory_space<vmem>> -> memref<1x80xi32, #tpu.memory_space<vmem>>
    %dma_wait3A_86 = tpu.memref_squeeze %dma_wait3A_85 : memref<1x80xi32, #tpu.memory_space<vmem>> -> memref<80xi32, #tpu.memory_space<vmem>>
    %dma_wait3A_87 = arith.constant 0 : i32
    %dma_wait3A_88 = arith.constant 0 : i32
    %dma_wait3A_89 = tpu.memref_slice %arg2[%dma_wait3A_87, %dma_wait3A_88] : memref<10000x128xf32, #tpu.memory_space<hbm>> -> memref<10000x128xf32, #tpu.memory_space<hbm>>
    tpu.wait_indirect_dma semaphore(%arg15 : memref<!tpu.dma_semaphore, #tpu.memory_space<semaphore_mem>>) src(%dma_wait3A_89 : memref<10000x128xf32, #tpu.memory_space<hbm>>) dst(%arg11 : memref<80x128xf32, #tpu.memory_space<vmem>>)
    %dma_start3A_90 = arith.constant 2 : i32
    %dma_start3A_91 = arith.constant 0 : i32
    %dma_start3A_92 = tpu.memref_slice %arg8[%dma_start3A_90, %dma_start3A_91] : memref<3x80xi32, #tpu.memory_space<vmem>> -> memref<1x80xi32, #tpu.memory_space<vmem>>
    %dma_start3A_93 = tpu.memref_squeeze %dma_start3A_92 : memref<1x80xi32, #tpu.memory_space<vmem>> -> memref<80xi32, #tpu.memory_space<vmem>>
    %dma_start3A_94 = arith.constant 0 : i32
    %dma_start3A_95 = arith.constant 0 : i32
    %dma_start3A_96 = tpu.memref_slice %arg12[%dma_start3A_94, %dma_start3A_95] : memref<10000x128xf32, #tpu.memory_space<vmem_shared>> -> memref<10000x128xf32, #tpu.memory_space<vmem_shared>>
    tpu.enqueue_indirect_dma source(%arg11 : memref<80x128xf32, #tpu.memory_space<vmem>>) target(%dma_start3A_96 : memref<10000x128xf32, #tpu.memory_space<vmem_shared>>) offsets(%dma_start3A_93 : memref<80xi32, #tpu.memory_space<vmem>>) semaphore(%arg18 : memref<!tpu.dma_semaphore, #tpu.memory_space<semaphore_mem>>) {add = true}
    %dma_wait3A_97 = arith.constant 1 : i32
    %dma_wait3A_98 = arith.constant 0 : i32
    %dma_wait3A_99 = tpu.memref_slice %arg8[%dma_wait3A_97, %dma_wait3A_98] : memref<3x80xi32, #tpu.memory_space<vmem>> -> memref<1x80xi32, #tpu.memory_space<vmem>>
    %dma_wait3A_100 = tpu.memref_squeeze %dma_wait3A_99 : memref<1x80xi32, #tpu.memory_space<vmem>> -> memref<80xi32, #tpu.memory_space<vmem>>
    %dma_wait3A_101 = arith.constant 0 : i32
    %dma_wait3A_102 = arith.constant 0 : i32
    %dma_wait3A_103 = tpu.memref_slice %arg12[%dma_wait3A_101, %dma_wait3A_102] : memref<10000x128xf32, #tpu.memory_space<vmem_shared>> -> memref<10000x128xf32, #tpu.memory_space<vmem_shared>>
    tpu.wait_indirect_dma semaphore(%arg17 : memref<!tpu.dma_semaphore, #tpu.memory_space<semaphore_mem>>) src(%arg10 : memref<80x128xf32, #tpu.memory_space<vmem>>) dst(%dma_wait3A_103 : memref<10000x128xf32, #tpu.memory_space<vmem_shared>>)
    %scan3A_104 = arith.constant 0 : i32
    %scan3A_105 = arith.constant 5 : i32
    %scan3A_106 = arith.addi %scan3A_104, %scan3A_105 : i32
    %scan3A_107 = arith.constant 1 : i32
    scf.for %scan3A_176 = %scan3A_104 to %scan3A_106 step %scan3A_107  : i32 {
      %mul3A_177 = arith.constant 1 : i32
      %mul3A_178 = arith.muli %scan3A_176, %mul3A_177 : i32
      %add3A_179 = arith.constant 0 : i32
      %add3A_180 = arith.addi %add3A_179, %mul3A_178 : i32
      %mul3A_181 = arith.constant 16 : i32
      %mul3A_182 = arith.muli %add3A_180, %mul3A_181 : i32
      %get3A = arith.constant 4 : i32
      %get3A_183 = arith.index_cast %get3A : i32 to index
      %get3A_184 = arith.index_cast %mul3A_182 : i32 to index
      %get3A_185 = tpu.vector_load %arg6[%get3A_183, %get3A_184] {strides = array<i32>} : memref<125x80xi32, #tpu.memory_space<vmem>>, vector<1x16xi32>,
      %get3A_186 = vector.shape_cast %get3A_185 : vector<1x16xi32> to vector<16xi32>
      %shift_right_arithmetic3A = arith.constant 14 : i32
      %shift_right_arithmetic3A_187 = vector.broadcast %shift_right_arithmetic3A : i32 to vector<16xi32>
      %shift_right_arithmetic3A_188 = arith.shrsi %get3A_186, %shift_right_arithmetic3A_187 : vector<16xi32>
      %mul3A_189 = arith.constant 16 : i32
      %mul3A_190 = arith.muli %add3A_180, %mul3A_189 : i32
      %swap3A = arith.constant 1 : i32
      %swap3A_191 = arith.index_cast %swap3A : i32 to index
      %swap3A_192 = arith.index_cast %mul3A_190 : i32 to index
      %swap3A_193 = tpu.vector_load %arg7[%swap3A_191, %swap3A_192] {strides = array<i32>} : memref<3x80xi32, #tpu.memory_space<vmem>>, vector<1x16xi32>,
      %swap3A_194 = vector.shape_cast %swap3A_193 : vector<1x16xi32> to vector<16xi32>
      %swap3A_195 = vector.shape_cast %shift_right_arithmetic3A_188 : vector<16xi32> to vector<1x16xi32>
      tpu.vector_store %arg7[%swap3A_191, %swap3A_192], %swap3A_195 {strides = array<i32>} : memref<3x80xi32, #tpu.memory_space<vmem>>, vector<1x16xi32>,
      %and3A = arith.constant 16383 : i32
      %and3A_196 = vector.broadcast %and3A : i32 to vector<16xi32>
      %and3A_197 = arith.andi %get3A_186, %and3A_196 : vector<16xi32>
      %mul3A_198 = arith.constant 16 : i32
      %mul3A_199 = arith.muli %add3A_180, %mul3A_198 : i32
      %swap3A_200 = arith.constant 1 : i32
      %swap3A_201 = arith.index_cast %swap3A_200 : i32 to index
      %swap3A_202 = arith.index_cast %mul3A_199 : i32 to index
      %swap3A_203 = tpu.vector_load %arg8[%swap3A_201, %swap3A_202] {strides = array<i32>} : memref<3x80xi32, #tpu.memory_space<vmem>>, vector<1x16xi32>,
      %swap3A_204 = vector.shape_cast %swap3A_203 : vector<1x16xi32> to vector<16xi32>
      %swap3A_205 = vector.shape_cast %and3A_197 : vector<16xi32> to vector<1x16xi32>
      tpu.vector_store %arg8[%swap3A_201, %swap3A_202], %swap3A_205 {strides = array<i32>} : memref<3x80xi32, #tpu.memory_space<vmem>>, vector<1x16xi32>,
    }
    %scan3A_108 = arith.constant 5 : i32
    %dma_start3A_109 = arith.constant 1 : i32
    %dma_start3A_110 = arith.constant 0 : i32
    %dma_start3A_111 = tpu.memref_slice %arg7[%dma_start3A_109, %dma_start3A_110] : memref<3x80xi32, #tpu.memory_space<vmem>> -> memref<1x80xi32, #tpu.memory_space<vmem>>
    %dma_start3A_112 = tpu.memref_squeeze %dma_start3A_111 : memref<1x80xi32, #tpu.memory_space<vmem>> -> memref<80xi32, #tpu.memory_space<vmem>>
    %dma_start3A_113 = arith.constant 0 : i32
    %dma_start3A_114 = arith.constant 0 : i32
    %dma_start3A_115 = tpu.memref_slice %arg2[%dma_start3A_113, %dma_start3A_114] : memref<10000x128xf32, #tpu.memory_space<hbm>> -> memref<10000x128xf32, #tpu.memory_space<hbm>>
    tpu.enqueue_indirect_dma source(%dma_start3A_115 : memref<10000x128xf32, #tpu.memory_space<hbm>>) target(%arg10 : memref<80x128xf32, #tpu.memory_space<vmem>>) offsets(%dma_start3A_112 : memref<80xi32, #tpu.memory_space<vmem>>) semaphore(%arg14 : memref<!tpu.dma_semaphore, #tpu.memory_space<semaphore_mem>>)
    %scan3A_116 = arith.constant 0 : i32
    %scan3A_117 = arith.constant 40 : i32
    %scan3A_118 = arith.addi %scan3A_116, %scan3A_117 : i32
    %scan3A_119 = arith.constant 1 : i32
    scf.for %scan3A_176 = %scan3A_116 to %scan3A_118 step %scan3A_119  : i32 {
      %mul3A_177 = arith.constant 1 : i32
      %mul3A_178 = arith.muli %scan3A_176, %mul3A_177 : i32
      %add3A_179 = arith.constant 1 : i32
      %add3A_180 = arith.addi %add3A_179, %mul3A_178 : i32
      %mul3A_181 = arith.constant 3 : i32
      %mul3A_182 = arith.muli %mul3A_181, %add3A_180 : i32
      %dma_wait3A_183 = arith.constant 0 : i32
      %dma_wait3A_184 = arith.constant 0 : i32
      %dma_wait3A_185 = tpu.memref_slice %arg7[%dma_wait3A_183, %dma_wait3A_184] : memref<3x80xi32, #tpu.memory_space<vmem>> -> memref<1x80xi32, #tpu.memory_space<vmem>>
      %dma_wait3A_186 = tpu.memref_squeeze %dma_wait3A_185 : memref<1x80xi32, #tpu.memory_space<vmem>> -> memref<80xi32, #tpu.memory_space<vmem>>
      %dma_wait3A_187 = arith.constant 0 : i32
      %dma_wait3A_188 = arith.constant 0 : i32
      %dma_wait3A_189 = tpu.memref_slice %arg2[%dma_wait3A_187, %dma_wait3A_188] : memref<10000x128xf32, #tpu.memory_space<hbm>> -> memref<10000x128xf32, #tpu.memory_space<hbm>>
      tpu.wait_indirect_dma semaphore(%arg13 : memref<!tpu.dma_semaphore, #tpu.memory_space<semaphore_mem>>) src(%dma_wait3A_189 : memref<10000x128xf32, #tpu.memory_space<hbm>>) dst(%arg9 : memref<80x128xf32, #tpu.memory_space<vmem>>)
      %dma_start3A_190 = arith.constant 0 : i32
      %dma_start3A_191 = arith.constant 0 : i32
      %dma_start3A_192 = tpu.memref_slice %arg8[%dma_start3A_190, %dma_start3A_191] : memref<3x80xi32, #tpu.memory_space<vmem>> -> memref<1x80xi32, #tpu.memory_space<vmem>>
      %dma_start3A_193 = tpu.memref_squeeze %dma_start3A_192 : memref<1x80xi32, #tpu.memory_space<vmem>> -> memref<80xi32, #tpu.memory_space<vmem>>
      %dma_start3A_194 = arith.constant 0 : i32
      %dma_start3A_195 = arith.constant 0 : i32
      %dma_start3A_196 = tpu.memref_slice %arg12[%dma_start3A_194, %dma_start3A_195] : memref<10000x128xf32, #tpu.memory_space<vmem_shared>> -> memref<10000x128xf32, #tpu.memory_space<vmem_shared>>
      tpu.enqueue_indirect_dma source(%arg9 : memref<80x128xf32, #tpu.memory_space<vmem>>) target(%dma_start3A_196 : memref<10000x128xf32, #tpu.memory_space<vmem_shared>>) offsets(%dma_start3A_193 : memref<80xi32, #tpu.memory_space<vmem>>) semaphore(%arg16 : memref<!tpu.dma_semaphore, #tpu.memory_space<semaphore_mem>>) {add = true}
      %dma_wait3A_197 = arith.constant 2 : i32
      %dma_wait3A_198 = arith.constant 0 : i32
      %dma_wait3A_199 = tpu.memref_slice %arg8[%dma_wait3A_197, %dma_wait3A_198] : memref<3x80xi32, #tpu.memory_space<vmem>> -> memref<1x80xi32, #tpu.memory_space<vmem>>
      %dma_wait3A_200 = tpu.memref_squeeze %dma_wait3A_199 : memref<1x80xi32, #tpu.memory_space<vmem>> -> memref<80xi32, #tpu.memory_space<vmem>>
      %dma_wait3A_201 = arith.constant 0 : i32
      %dma_wait3A_202 = arith.constant 0 : i32
      %dma_wait3A_203 = tpu.memref_slice %arg12[%dma_wait3A_201, %dma_wait3A_202] : memref<10000x128xf32, #tpu.memory_space<vmem_shared>> -> memref<10000x128xf32, #tpu.memory_space<vmem_shared>>
      tpu.wait_indirect_dma semaphore(%arg18 : memref<!tpu.dma_semaphore, #tpu.memory_space<semaphore_mem>>) src(%arg11 : memref<80x128xf32, #tpu.memory_space<vmem>>) dst(%dma_wait3A_203 : memref<10000x128xf32, #tpu.memory_space<vmem_shared>>)
      %add3A_204 = arith.constant 2 : i32
      %add3A_205 = arith.addi %mul3A_182, %add3A_204 : i32
      %scan3A_206 = arith.constant 0 : i32
      %scan3A_207 = arith.constant 5 : i32
      %scan3A_208 = arith.addi %scan3A_206, %scan3A_207 : i32
      %scan3A_209 = arith.constant 1 : i32
      scf.for %scan3A_296 = %scan3A_206 to %scan3A_208 step %scan3A_209  : i32 {
        %mul3A_297 = arith.constant 1 : i32
        %mul3A_298 = arith.muli %scan3A_296, %mul3A_297 : i32
        %add3A_299 = arith.constant 0 : i32
        %add3A_300 = arith.addi %add3A_299, %mul3A_298 : i32
        %mul3A_301 = arith.constant 16 : i32
        %mul3A_302 = arith.muli %add3A_300, %mul3A_301 : i32
        %get3A = arith.index_cast %add3A_205 : i32 to index
        %get3A_303 = arith.index_cast %mul3A_302 : i32 to index
        %get3A_304 = tpu.vector_load %arg6[%get3A, %get3A_303] {strides = array<i32>} : memref<125x80xi32, #tpu.memory_space<vmem>>, vector<1x16xi32>,
        %get3A_305 = vector.shape_cast %get3A_304 : vector<1x16xi32> to vector<16xi32>
        %shift_right_arithmetic3A = arith.constant 14 : i32
        %shift_right_arithmetic3A_306 = vector.broadcast %shift_right_arithmetic3A : i32 to vector<16xi32>
        %shift_right_arithmetic3A_307 = arith.shrsi %get3A_305, %shift_right_arithmetic3A_306 : vector<16xi32>
        %mul3A_308 = arith.constant 16 : i32
        %mul3A_309 = arith.muli %add3A_300, %mul3A_308 : i32
        %swap3A = arith.constant 2 : i32
        %swap3A_310 = arith.index_cast %swap3A : i32 to index
        %swap3A_311 = arith.index_cast %mul3A_309 : i32 to index
        %swap3A_312 = tpu.vector_load %arg7[%swap3A_310, %swap3A_311] {strides = array<i32>} : memref<3x80xi32, #tpu.memory_space<vmem>>, vector<1x16xi32>,
        %swap3A_313 = vector.shape_cast %swap3A_312 : vector<1x16xi32> to vector<16xi32>
        %swap3A_314 = vector.shape_cast %shift_right_arithmetic3A_307 : vector<16xi32> to vector<1x16xi32>
        tpu.vector_store %arg7[%swap3A_310, %swap3A_311], %swap3A_314 {strides = array<i32>} : memref<3x80xi32, #tpu.memory_space<vmem>>, vector<1x16xi32>,
        %and3A = arith.constant 16383 : i32
        %and3A_315 = vector.broadcast %and3A : i32 to vector<16xi32>
        %and3A_316 = arith.andi %get3A_305, %and3A_315 : vector<16xi32>
        %mul3A_317 = arith.constant 16 : i32
        %mul3A_318 = arith.muli %add3A_300, %mul3A_317 : i32
        %swap3A_319 = arith.constant 2 : i32
        %swap3A_320 = arith.index_cast %swap3A_319 : i32 to index
        %swap3A_321 = arith.index_cast %mul3A_318 : i32 to index
        %swap3A_322 = tpu.vector_load %arg8[%swap3A_320, %swap3A_321] {strides = array<i32>} : memref<3x80xi32, #tpu.memory_space<vmem>>, vector<1x16xi32>,
        %swap3A_323 = vector.shape_cast %swap3A_322 : vector<1x16xi32> to vector<16xi32>
        %swap3A_324 = vector.shape_cast %and3A_316 : vector<16xi32> to vector<1x16xi32>
        tpu.vector_store %arg8[%swap3A_320, %swap3A_321], %swap3A_324 {strides = array<i32>} : memref<3x80xi32, #tpu.memory_space<vmem>>, vector<1x16xi32>,
      }
      %scan3A_210 = arith.constant 5 : i32
      %dma_start3A_211 = arith.constant 2 : i32
      %dma_start3A_212 = arith.constant 0 : i32
      %dma_start3A_213 = tpu.memref_slice %arg7[%dma_start3A_211, %dma_start3A_212] : memref<3x80xi32, #tpu.memory_space<vmem>> -> memref<1x80xi32, #tpu.memory_space<vmem>>
      %dma_start3A_214 = tpu.memref_squeeze %dma_start3A_213 : memref<1x80xi32, #tpu.memory_space<vmem>> -> memref<80xi32, #tpu.memory_space<vmem>>
      %dma_start3A_215 = arith.constant 0 : i32
      %dma_start3A_216 = arith.constant 0 : i32
      %dma_start3A_217 = tpu.memref_slice %arg2[%dma_start3A_215, %dma_start3A_216] : memref<10000x128xf32, #tpu.memory_space<hbm>> -> memref<10000x128xf32, #tpu.memory_space<hbm>>
      tpu.enqueue_indirect_dma source(%dma_start3A_217 : memref<10000x128xf32, #tpu.memory_space<hbm>>) target(%arg11 : memref<80x128xf32, #tpu.memory_space<vmem>>) offsets(%dma_start3A_214 : memref<80xi32, #tpu.memory_space<vmem>>) semaphore(%arg15 : memref<!tpu.dma_semaphore, #tpu.memory_space<semaphore_mem>>)
      %mul3A_218 = arith.constant 3 : i32
      %mul3A_219 = arith.muli %mul3A_218, %add3A_180 : i32
      %add3A_220 = arith.constant 1 : i32
      %add3A_221 = arith.addi %mul3A_219, %add3A_220 : i32
      %dma_wait3A_222 = arith.constant 1 : i32
      %dma_wait3A_223 = arith.constant 0 : i32
      %dma_wait3A_224 = tpu.memref_slice %arg7[%dma_wait3A_222, %dma_wait3A_223] : memref<3x80xi32, #tpu.memory_space<vmem>> -> memref<1x80xi32, #tpu.memory_space<vmem>>
      %dma_wait3A_225 = tpu.memref_squeeze %dma_wait3A_224 : memref<1x80xi32, #tpu.memory_space<vmem>> -> memref<80xi32, #tpu.memory_space<vmem>>
      %dma_wait3A_226 = arith.constant 0 : i32
      %dma_wait3A_227 = arith.constant 0 : i32
      %dma_wait3A_228 = tpu.memref_slice %arg2[%dma_wait3A_226, %dma_wait3A_227] : memref<10000x128xf32, #tpu.memory_space<hbm>> -> memref<10000x128xf32, #tpu.memory_space<hbm>>
      tpu.wait_indirect_dma semaphore(%arg14 : memref<!tpu.dma_semaphore, #tpu.memory_space<semaphore_mem>>) src(%dma_wait3A_228 : memref<10000x128xf32, #tpu.memory_space<hbm>>) dst(%arg10 : memref<80x128xf32, #tpu.memory_space<vmem>>)
      %dma_start3A_229 = arith.constant 1 : i32
      %dma_start3A_230 = arith.constant 0 : i32
      %dma_start3A_231 = tpu.memref_slice %arg8[%dma_start3A_229, %dma_start3A_230] : memref<3x80xi32, #tpu.memory_space<vmem>> -> memref<1x80xi32, #tpu.memory_space<vmem>>
      %dma_start3A_232 = tpu.memref_squeeze %dma_start3A_231 : memref<1x80xi32, #tpu.memory_space<vmem>> -> memref<80xi32, #tpu.memory_space<vmem>>
      %dma_start3A_233 = arith.constant 0 : i32
      %dma_start3A_234 = arith.constant 0 : i32
      %dma_start3A_235 = tpu.memref_slice %arg12[%dma_start3A_233, %dma_start3A_234] : memref<10000x128xf32, #tpu.memory_space<vmem_shared>> -> memref<10000x128xf32, #tpu.memory_space<vmem_shared>>
      tpu.enqueue_indirect_dma source(%arg10 : memref<80x128xf32, #tpu.memory_space<vmem>>) target(%dma_start3A_235 : memref<10000x128xf32, #tpu.memory_space<vmem_shared>>) offsets(%dma_start3A_232 : memref<80xi32, #tpu.memory_space<vmem>>) semaphore(%arg17 : memref<!tpu.dma_semaphore, #tpu.memory_space<semaphore_mem>>) {add = true}
      %dma_wait3A_236 = arith.constant 0 : i32
      %dma_wait3A_237 = arith.constant 0 : i32
      %dma_wait3A_238 = tpu.memref_slice %arg8[%dma_wait3A_236, %dma_wait3A_237] : memref<3x80xi32, #tpu.memory_space<vmem>> -> memref<1x80xi32, #tpu.memory_space<vmem>>
      %dma_wait3A_239 = tpu.memref_squeeze %dma_wait3A_238 : memref<1x80xi32, #tpu.memory_space<vmem>> -> memref<80xi32, #tpu.memory_space<vmem>>
      %dma_wait3A_240 = arith.constant 0 : i32
      %dma_wait3A_241 = arith.constant 0 : i32
      %dma_wait3A_242 = tpu.memref_slice %arg12[%dma_wait3A_240, %dma_wait3A_241] : memref<10000x128xf32, #tpu.memory_space<vmem_shared>> -> memref<10000x128xf32, #tpu.memory_space<vmem_shared>>
      tpu.wait_indirect_dma semaphore(%arg16 : memref<!tpu.dma_semaphore, #tpu.memory_space<semaphore_mem>>) src(%arg9 : memref<80x128xf32, #tpu.memory_space<vmem>>) dst(%dma_wait3A_242 : memref<10000x128xf32, #tpu.memory_space<vmem_shared>>)
      %add3A_243 = arith.constant 2 : i32
      %add3A_244 = arith.addi %add3A_221, %add3A_243 : i32
      %scan3A_245 = arith.constant 0 : i32
      %scan3A_246 = arith.constant 5 : i32
      %scan3A_247 = arith.addi %scan3A_245, %scan3A_246 : i32
      %scan3A_248 = arith.constant 1 : i32
      scf.for %scan3A_296 = %scan3A_245 to %scan3A_247 step %scan3A_248  : i32 {
        %mul3A_297 = arith.constant 1 : i32
        %mul3A_298 = arith.muli %scan3A_296, %mul3A_297 : i32
        %add3A_299 = arith.constant 0 : i32
        %add3A_300 = arith.addi %add3A_299, %mul3A_298 : i32
        %mul3A_301 = arith.constant 16 : i32
        %mul3A_302 = arith.muli %add3A_300, %mul3A_301 : i32
        %get3A = arith.index_cast %add3A_244 : i32 to index
        %get3A_303 = arith.index_cast %mul3A_302 : i32 to index
        %get3A_304 = tpu.vector_load %arg6[%get3A, %get3A_303] {strides = array<i32>} : memref<125x80xi32, #tpu.memory_space<vmem>>, vector<1x16xi32>,
        %get3A_305 = vector.shape_cast %get3A_304 : vector<1x16xi32> to vector<16xi32>
        %shift_right_arithmetic3A = arith.constant 14 : i32
        %shift_right_arithmetic3A_306 = vector.broadcast %shift_right_arithmetic3A : i32 to vector<16xi32>
        %shift_right_arithmetic3A_307 = arith.shrsi %get3A_305, %shift_right_arithmetic3A_306 : vector<16xi32>
        %mul3A_308 = arith.constant 16 : i32
        %mul3A_309 = arith.muli %add3A_300, %mul3A_308 : i32
        %swap3A = arith.constant 0 : i32
        %swap3A_310 = arith.index_cast %swap3A : i32 to index
        %swap3A_311 = arith.index_cast %mul3A_309 : i32 to index
        %swap3A_312 = tpu.vector_load %arg7[%swap3A_310, %swap3A_311] {strides = array<i32>} : memref<3x80xi32, #tpu.memory_space<vmem>>, vector<1x16xi32>,
        %swap3A_313 = vector.shape_cast %swap3A_312 : vector<1x16xi32> to vector<16xi32>
        %swap3A_314 = vector.shape_cast %shift_right_arithmetic3A_307 : vector<16xi32> to vector<1x16xi32>
        tpu.vector_store %arg7[%swap3A_310, %swap3A_311], %swap3A_314 {strides = array<i32>} : memref<3x80xi32, #tpu.memory_space<vmem>>, vector<1x16xi32>,
        %and3A = arith.constant 16383 : i32
        %and3A_315 = vector.broadcast %and3A : i32 to vector<16xi32>
        %and3A_316 = arith.andi %get3A_305, %and3A_315 : vector<16xi32>
        %mul3A_317 = arith.constant 16 : i32
        %mul3A_318 = arith.muli %add3A_300, %mul3A_317 : i32
        %swap3A_319 = arith.constant 0 : i32
        %swap3A_320 = arith.index_cast %swap3A_319 : i32 to index
        %swap3A_321 = arith.index_cast %mul3A_318 : i32 to index
        %swap3A_322 = tpu.vector_load %arg8[%swap3A_320, %swap3A_321] {strides = array<i32>} : memref<3x80xi32, #tpu.memory_space<vmem>>, vector<1x16xi32>,
        %swap3A_323 = vector.shape_cast %swap3A_322 : vector<1x16xi32> to vector<16xi32>
        %swap3A_324 = vector.shape_cast %and3A_316 : vector<16xi32> to vector<1x16xi32>
        tpu.vector_store %arg8[%swap3A_320, %swap3A_321], %swap3A_324 {strides = array<i32>} : memref<3x80xi32, #tpu.memory_space<vmem>>, vector<1x16xi32>,
      }
      %scan3A_249 = arith.constant 5 : i32
      %dma_start3A_250 = arith.constant 0 : i32
      %dma_start3A_251 = arith.constant 0 : i32
      %dma_start3A_252 = tpu.memref_slice %arg7[%dma_start3A_250, %dma_start3A_251] : memref<3x80xi32, #tpu.memory_space<vmem>> -> memref<1x80xi32, #tpu.memory_space<vmem>>
      %dma_start3A_253 = tpu.memref_squeeze %dma_start3A_252 : memref<1x80xi32, #tpu.memory_space<vmem>> -> memref<80xi32, #tpu.memory_space<vmem>>
      %dma_start3A_254 = arith.constant 0 : i32
      %dma_start3A_255 = arith.constant 0 : i32
      %dma_start3A_256 = tpu.memref_slice %arg2[%dma_start3A_254, %dma_start3A_255] : memref<10000x128xf32, #tpu.memory_space<hbm>> -> memref<10000x128xf32, #tpu.memory_space<hbm>>
      tpu.enqueue_indirect_dma source(%dma_start3A_256 : memref<10000x128xf32, #tpu.memory_space<hbm>>) target(%arg9 : memref<80x128xf32, #tpu.memory_space<vmem>>) offsets(%dma_start3A_253 : memref<80xi32, #tpu.memory_space<vmem>>) semaphore(%arg13 : memref<!tpu.dma_semaphore, #tpu.memory_space<semaphore_mem>>)
      %mul3A_257 = arith.constant 3 : i32
      %mul3A_258 = arith.muli %mul3A_257, %add3A_180 : i32
      %add3A_259 = arith.constant 2 : i32
      %add3A_260 = arith.addi %mul3A_258, %add3A_259 : i32
      %dma_wait3A_261 = arith.constant 2 : i32
      %dma_wait3A_262 = arith.constant 0 : i32
      %dma_wait3A_263 = tpu.memref_slice %arg7[%dma_wait3A_261, %dma_wait3A_262] : memref<3x80xi32, #tpu.memory_space<vmem>> -> memref<1x80xi32, #tpu.memory_space<vmem>>
      %dma_wait3A_264 = tpu.memref_squeeze %dma_wait3A_263 : memref<1x80xi32, #tpu.memory_space<vmem>> -> memref<80xi32, #tpu.memory_space<vmem>>
      %dma_wait3A_265 = arith.constant 0 : i32
      %dma_wait3A_266 = arith.constant 0 : i32
      %dma_wait3A_267 = tpu.memref_slice %arg2[%dma_wait3A_265, %dma_wait3A_266] : memref<10000x128xf32, #tpu.memory_space<hbm>> -> memref<10000x128xf32, #tpu.memory_space<hbm>>
      tpu.wait_indirect_dma semaphore(%arg15 : memref<!tpu.dma_semaphore, #tpu.memory_space<semaphore_mem>>) src(%dma_wait3A_267 : memref<10000x128xf32, #tpu.memory_space<hbm>>) dst(%arg11 : memref<80x128xf32, #tpu.memory_space<vmem>>)
      %dma_start3A_268 = arith.constant 2 : i32
      %dma_start3A_269 = arith.constant 0 : i32
      %dma_start3A_270 = tpu.memref_slice %arg8[%dma_start3A_268, %dma_start3A_269] : memref<3x80xi32, #tpu.memory_space<vmem>> -> memref<1x80xi32, #tpu.memory_space<vmem>>
      %dma_start3A_271 = tpu.memref_squeeze %dma_start3A_270 : memref<1x80xi32, #tpu.memory_space<vmem>> -> memref<80xi32, #tpu.memory_space<vmem>>
      %dma_start3A_272 = arith.constant 0 : i32
      %dma_start3A_273 = arith.constant 0 : i32
      %dma_start3A_274 = tpu.memref_slice %arg12[%dma_start3A_272, %dma_start3A_273] : memref<10000x128xf32, #tpu.memory_space<vmem_shared>> -> memref<10000x128xf32, #tpu.memory_space<vmem_shared>>
      tpu.enqueue_indirect_dma source(%arg11 : memref<80x128xf32, #tpu.memory_space<vmem>>) target(%dma_start3A_274 : memref<10000x128xf32, #tpu.memory_space<vmem_shared>>) offsets(%dma_start3A_271 : memref<80xi32, #tpu.memory_space<vmem>>) semaphore(%arg18 : memref<!tpu.dma_semaphore, #tpu.memory_space<semaphore_mem>>) {add = true}
      %dma_wait3A_275 = arith.constant 1 : i32
      %dma_wait3A_276 = arith.constant 0 : i32
      %dma_wait3A_277 = tpu.memref_slice %arg8[%dma_wait3A_275, %dma_wait3A_276] : memref<3x80xi32, #tpu.memory_space<vmem>> -> memref<1x80xi32, #tpu.memory_space<vmem>>
      %dma_wait3A_278 = tpu.memref_squeeze %dma_wait3A_277 : memref<1x80xi32, #tpu.memory_space<vmem>> -> memref<80xi32, #tpu.memory_space<vmem>>
      %dma_wait3A_279 = arith.constant 0 : i32
      %dma_wait3A_280 = arith.constant 0 : i32
      %dma_wait3A_281 = tpu.memref_slice %arg12[%dma_wait3A_279, %dma_wait3A_280] : memref<10000x128xf32, #tpu.memory_space<vmem_shared>> -> memref<10000x128xf32, #tpu.memory_space<vmem_shared>>
      tpu.wait_indirect_dma semaphore(%arg17 : memref<!tpu.dma_semaphore, #tpu.memory_space<semaphore_mem>>) src(%arg10 : memref<80x128xf32, #tpu.memory_space<vmem>>) dst(%dma_wait3A_281 : memref<10000x128xf32, #tpu.memory_space<vmem_shared>>)
      %add3A_282 = arith.constant 2 : i32
      %add3A_283 = arith.addi %add3A_260, %add3A_282 : i32
      %scan3A_284 = arith.constant 0 : i32
      %scan3A_285 = arith.constant 5 : i32
      %scan3A_286 = arith.addi %scan3A_284, %scan3A_285 : i32
      %scan3A_287 = arith.constant 1 : i32
      scf.for %scan3A_296 = %scan3A_284 to %scan3A_286 step %scan3A_287  : i32 {
        %mul3A_297 = arith.constant 1 : i32
        %mul3A_298 = arith.muli %scan3A_296, %mul3A_297 : i32
        %add3A_299 = arith.constant 0 : i32
        %add3A_300 = arith.addi %add3A_299, %mul3A_298 : i32
        %mul3A_301 = arith.constant 16 : i32
        %mul3A_302 = arith.muli %add3A_300, %mul3A_301 : i32
        %get3A = arith.index_cast %add3A_283 : i32 to index
        %get3A_303 = arith.index_cast %mul3A_302 : i32 to index
        %get3A_304 = tpu.vector_load %arg6[%get3A, %get3A_303] {strides = array<i32>} : memref<125x80xi32, #tpu.memory_space<vmem>>, vector<1x16xi32>,
        %get3A_305 = vector.shape_cast %get3A_304 : vector<1x16xi32> to vector<16xi32>
        %shift_right_arithmetic3A = arith.constant 14 : i32
        %shift_right_arithmetic3A_306 = vector.broadcast %shift_right_arithmetic3A : i32 to vector<16xi32>
        %shift_right_arithmetic3A_307 = arith.shrsi %get3A_305, %shift_right_arithmetic3A_306 : vector<16xi32>
        %mul3A_308 = arith.constant 16 : i32
        %mul3A_309 = arith.muli %add3A_300, %mul3A_308 : i32
        %swap3A = arith.constant 1 : i32
        %swap3A_310 = arith.index_cast %swap3A : i32 to index
        %swap3A_311 = arith.index_cast %mul3A_309 : i32 to index
        %swap3A_312 = tpu.vector_load %arg7[%swap3A_310, %swap3A_311] {strides = array<i32>} : memref<3x80xi32, #tpu.memory_space<vmem>>, vector<1x16xi32>,
        %swap3A_313 = vector.shape_cast %swap3A_312 : vector<1x16xi32> to vector<16xi32>
        %swap3A_314 = vector.shape_cast %shift_right_arithmetic3A_307 : vector<16xi32> to vector<1x16xi32>
        tpu.vector_store %arg7[%swap3A_310, %swap3A_311], %swap3A_314 {strides = array<i32>} : memref<3x80xi32, #tpu.memory_space<vmem>>, vector<1x16xi32>,
        %and3A = arith.constant 16383 : i32
        %and3A_315 = vector.broadcast %and3A : i32 to vector<16xi32>
        %and3A_316 = arith.andi %get3A_305, %and3A_315 : vector<16xi32>
        %mul3A_317 = arith.constant 16 : i32
        %mul3A_318 = arith.muli %add3A_300, %mul3A_317 : i32
        %swap3A_319 = arith.constant 1 : i32
        %swap3A_320 = arith.index_cast %swap3A_319 : i32 to index
        %swap3A_321 = arith.index_cast %mul3A_318 : i32 to index
        %swap3A_322 = tpu.vector_load %arg8[%swap3A_320, %swap3A_321] {strides = array<i32>} : memref<3x80xi32, #tpu.memory_space<vmem>>, vector<1x16xi32>,
        %swap3A_323 = vector.shape_cast %swap3A_322 : vector<1x16xi32> to vector<16xi32>
        %swap3A_324 = vector.shape_cast %and3A_316 : vector<16xi32> to vector<1x16xi32>
        tpu.vector_store %arg8[%swap3A_320, %swap3A_321], %swap3A_324 {strides = array<i32>} : memref<3x80xi32, #tpu.memory_space<vmem>>, vector<1x16xi32>,
      }
      %scan3A_288 = arith.constant 5 : i32
      %dma_start3A_289 = arith.constant 1 : i32
      %dma_start3A_290 = arith.constant 0 : i32
      %dma_start3A_291 = tpu.memref_slice %arg7[%dma_start3A_289, %dma_start3A_290] : memref<3x80xi32, #tpu.memory_space<vmem>> -> memref<1x80xi32, #tpu.memory_space<vmem>>
      %dma_start3A_292 = tpu.memref_squeeze %dma_start3A_291 : memref<1x80xi32, #tpu.memory_space<vmem>> -> memref<80xi32, #tpu.memory_space<vmem>>
      %dma_start3A_293 = arith.constant 0 : i32
      %dma_start3A_294 = arith.constant 0 : i32
      %dma_start3A_295 = tpu.memref_slice %arg2[%dma_start3A_293, %dma_start3A_294] : memref<10000x128xf32, #tpu.memory_space<hbm>> -> memref<10000x128xf32, #tpu.memory_space<hbm>>
      tpu.enqueue_indirect_dma source(%dma_start3A_295 : memref<10000x128xf32, #tpu.memory_space<hbm>>) target(%arg10 : memref<80x128xf32, #tpu.memory_space<vmem>>) offsets(%dma_start3A_292 : memref<80xi32, #tpu.memory_space<vmem>>) semaphore(%arg14 : memref<!tpu.dma_semaphore, #tpu.memory_space<semaphore_mem>>)
    }
    %scan3A_120 = arith.constant 40 : i32
    %dma_wait3A_121 = arith.constant 0 : i32
    %dma_wait3A_122 = arith.constant 0 : i32
    %dma_wait3A_123 = tpu.memref_slice %arg7[%dma_wait3A_121, %dma_wait3A_122] : memref<3x80xi32, #tpu.memory_space<vmem>> -> memref<1x80xi32, #tpu.memory_space<vmem>>
    %dma_wait3A_124 = tpu.memref_squeeze %dma_wait3A_123 : memref<1x80xi32, #tpu.memory_space<vmem>> -> memref<80xi32, #tpu.memory_space<vmem>>
    %dma_wait3A_125 = arith.constant 0 : i32
    %dma_wait3A_126 = arith.constant 0 : i32
    %dma_wait3A_127 = tpu.memref_slice %arg2[%dma_wait3A_125, %dma_wait3A_126] : memref<10000x128xf32, #tpu.memory_space<hbm>> -> memref<10000x128xf32, #tpu.memory_space<hbm>>
    tpu.wait_indirect_dma semaphore(%arg13 : memref<!tpu.dma_semaphore, #tpu.memory_space<semaphore_mem>>) src(%dma_wait3A_127 : memref<10000x128xf32, #tpu.memory_space<hbm>>) dst(%arg9 : memref<80x128xf32, #tpu.memory_space<vmem>>)
    %dma_start3A_128 = arith.constant 0 : i32
    %dma_start3A_129 = arith.constant 0 : i32
    %dma_start3A_130 = tpu.memref_slice %arg8[%dma_start3A_128, %dma_start3A_129] : memref<3x80xi32, #tpu.memory_space<vmem>> -> memref<1x80xi32, #tpu.memory_space<vmem>>
    %dma_start3A_131 = tpu.memref_squeeze %dma_start3A_130 : memref<1x80xi32, #tpu.memory_space<vmem>> -> memref<80xi32, #tpu.memory_space<vmem>>
    %dma_start3A_132 = arith.constant 0 : i32
    %dma_start3A_133 = arith.constant 0 : i32
    %dma_start3A_134 = tpu.memref_slice %arg12[%dma_start3A_132, %dma_start3A_133] : memref<10000x128xf32, #tpu.memory_space<vmem_shared>> -> memref<10000x128xf32, #tpu.memory_space<vmem_shared>>
    tpu.enqueue_indirect_dma source(%arg9 : memref<80x128xf32, #tpu.memory_space<vmem>>) target(%dma_start3A_134 : memref<10000x128xf32, #tpu.memory_space<vmem_shared>>) offsets(%dma_start3A_131 : memref<80xi32, #tpu.memory_space<vmem>>) semaphore(%arg16 : memref<!tpu.dma_semaphore, #tpu.memory_space<semaphore_mem>>) {add = true}
    %dma_wait3A_135 = arith.constant 1 : i32
    %dma_wait3A_136 = arith.constant 0 : i32
    %dma_wait3A_137 = tpu.memref_slice %arg7[%dma_wait3A_135, %dma_wait3A_136] : memref<3x80xi32, #tpu.memory_space<vmem>> -> memref<1x80xi32, #tpu.memory_space<vmem>>
    %dma_wait3A_138 = tpu.memref_squeeze %dma_wait3A_137 : memref<1x80xi32, #tpu.memory_space<vmem>> -> memref<80xi32, #tpu.memory_space<vmem>>
    %dma_wait3A_139 = arith.constant 0 : i32
    %dma_wait3A_140 = arith.constant 0 : i32
    %dma_wait3A_141 = tpu.memref_slice %arg2[%dma_wait3A_139, %dma_wait3A_140] : memref<10000x128xf32, #tpu.memory_space<hbm>> -> memref<10000x128xf32, #tpu.memory_space<hbm>>
    tpu.wait_indirect_dma semaphore(%arg14 : memref<!tpu.dma_semaphore, #tpu.memory_space<semaphore_mem>>) src(%dma_wait3A_141 : memref<10000x128xf32, #tpu.memory_space<hbm>>) dst(%arg10 : memref<80x128xf32, #tpu.memory_space<vmem>>)
    %dma_start3A_142 = arith.constant 1 : i32
    %dma_start3A_143 = arith.constant 0 : i32
    %dma_start3A_144 = tpu.memref_slice %arg8[%dma_start3A_142, %dma_start3A_143] : memref<3x80xi32, #tpu.memory_space<vmem>> -> memref<1x80xi32, #tpu.memory_space<vmem>>
    %dma_start3A_145 = tpu.memref_squeeze %dma_start3A_144 : memref<1x80xi32, #tpu.memory_space<vmem>> -> memref<80xi32, #tpu.memory_space<vmem>>
    %dma_start3A_146 = arith.constant 0 : i32
    %dma_start3A_147 = arith.constant 0 : i32
    %dma_start3A_148 = tpu.memref_slice %arg12[%dma_start3A_146, %dma_start3A_147] : memref<10000x128xf32, #tpu.memory_space<vmem_shared>> -> memref<10000x128xf32, #tpu.memory_space<vmem_shared>>
    tpu.enqueue_indirect_dma source(%arg10 : memref<80x128xf32, #tpu.memory_space<vmem>>) target(%dma_start3A_148 : memref<10000x128xf32, #tpu.memory_space<vmem_shared>>) offsets(%dma_start3A_145 : memref<80xi32, #tpu.memory_space<vmem>>) semaphore(%arg17 : memref<!tpu.dma_semaphore, #tpu.memory_space<semaphore_mem>>) {add = true}
    %dma_wait3A_149 = arith.constant 2 : i32
    %dma_wait3A_150 = arith.constant 0 : i32
    %dma_wait3A_151 = tpu.memref_slice %arg8[%dma_wait3A_149, %dma_wait3A_150] : memref<3x80xi32, #tpu.memory_space<vmem>> -> memref<1x80xi32, #tpu.memory_space<vmem>>
    %dma_wait3A_152 = tpu.memref_squeeze %dma_wait3A_151 : memref<1x80xi32, #tpu.memory_space<vmem>> -> memref<80xi32, #tpu.memory_space<vmem>>
    %dma_wait3A_153 = arith.constant 0 : i32
    %dma_wait3A_154 = arith.constant 0 : i32
    %dma_wait3A_155 = tpu.memref_slice %arg12[%dma_wait3A_153, %dma_wait3A_154] : memref<10000x128xf32, #tpu.memory_space<vmem_shared>> -> memref<10000x128xf32, #tpu.memory_space<vmem_shared>>
    tpu.wait_indirect_dma semaphore(%arg18 : memref<!tpu.dma_semaphore, #tpu.memory_space<semaphore_mem>>) src(%arg11 : memref<80x128xf32, #tpu.memory_space<vmem>>) dst(%dma_wait3A_155 : memref<10000x128xf32, #tpu.memory_space<vmem_shared>>)
    %dma_wait3A_156 = arith.constant 0 : i32
    %dma_wait3A_157 = arith.constant 0 : i32
    %dma_wait3A_158 = tpu.memref_slice %arg8[%dma_wait3A_156, %dma_wait3A_157] : memref<3x80xi32, #tpu.memory_space<vmem>> -> memref<1x80xi32, #tpu.memory_space<vmem>>
    %dma_wait3A_159 = tpu.memref_squeeze %dma_wait3A_158 : memref<1x80xi32, #tpu.memory_space<vmem>> -> memref<80xi32, #tpu.memory_space<vmem>>
    %dma_wait3A_160 = arith.constant 0 : i32
    %dma_wait3A_161 = arith.constant 0 : i32
    %dma_wait3A_162 = tpu.memref_slice %arg12[%dma_wait3A_160, %dma_wait3A_161] : memref<10000x128xf32, #tpu.memory_space<vmem_shared>> -> memref<10000x128xf32, #tpu.memory_space<vmem_shared>>
    tpu.wait_indirect_dma semaphore(%arg16 : memref<!tpu.dma_semaphore, #tpu.memory_space<semaphore_mem>>) src(%arg9 : memref<80x128xf32, #tpu.memory_space<vmem>>) dst(%dma_wait3A_162 : memref<10000x128xf32, #tpu.memory_space<vmem_shared>>)
    %dma_wait3A_163 = arith.constant 1 : i32
    %dma_wait3A_164 = arith.constant 0 : i32
    %dma_wait3A_165 = tpu.memref_slice %arg8[%dma_wait3A_163, %dma_wait3A_164] : memref<3x80xi32, #tpu.memory_space<vmem>> -> memref<1x80xi32, #tpu.memory_space<vmem>>
    %dma_wait3A_166 = tpu.memref_squeeze %dma_wait3A_165 : memref<1x80xi32, #tpu.memory_space<vmem>> -> memref<80xi32, #tpu.memory_space<vmem>>
    %dma_wait3A_167 = arith.constant 0 : i32
    %dma_wait3A_168 = arith.constant 0 : i32
    %dma_wait3A_169 = tpu.memref_slice %arg12[%dma_wait3A_167, %dma_wait3A_168] : memref<10000x128xf32, #tpu.memory_space<vmem_shared>> -> memref<10000x128xf32, #tpu.memory_space<vmem_shared>>
    tpu.wait_indirect_dma semaphore(%arg17 : memref<!tpu.dma_semaphore, #tpu.memory_space<semaphore_mem>>) src(%arg10 : memref<80x128xf32, #tpu.memory_space<vmem>>) dst(%dma_wait3A_169 : memref<10000x128xf32, #tpu.memory_space<vmem_shared>>)
    %barrier3A_170 = arith.constant 0 : index
    tpu.barrier barrier_id(%barrier3A_170)
    %lt3A_171 = arith.constant 10 : i32
    %lt3A_172 = arith.cmpi slt, %arg1, %lt3A_171 : i32
    %convert_element_type3A_173 = arith.extui %lt3A_172 : i1 to i32
    %cond3A_174 = arith.constant 0 : i32
    %cond3A_175 = arith.cmpi ne, %convert_element_type3A_173, %cond3A_174 : i32
    scf.if %cond3A_175 {
      %scan3A_176 = arith.constant 0 : i32
      %scan3A_177 = arith.constant 5 : i32
      %scan3A_178 = arith.addi %scan3A_176, %scan3A_177 : i32
      %scan3A_179 = arith.constant 1 : i32
      scf.for %scan3A_181 = %scan3A_176 to %scan3A_178 step %scan3A_179  : i32 {
        %mul3A_182 = arith.constant 1 : i32
        %mul3A_183 = arith.muli %scan3A_181, %mul3A_182 : i32
        %add3A_184 = arith.constant 0 : i32
        %add3A_185 = arith.addi %add3A_184, %mul3A_183 : i32
        %mul3A_186 = arith.constant 1000 : i32
        %mul3A_187 = arith.muli %arg1, %mul3A_186 : i32
        %mul3A_188 = arith.constant 200 : i32
        %mul3A_189 = arith.muli %add3A_185, %mul3A_188 : i32
        %add3A_190 = arith.addi %mul3A_187, %mul3A_189 : i32
        "tpu.region"() ({
          %run_scoped3A = tpu.sem_alloc : memref<!tpu.dma_semaphore, #tpu.memory_space<semaphore_mem>>
          %dma_start3A_191 = arith.constant 0 : i32
          %dma_start3A_192 = tpu.memref_slice %arg5[%arg0, %add3A_190, %dma_start3A_191] : memref<2x10000x128xf32, #tpu.memory_space<hbm>> -> memref<1x200x128xf32, #tpu.memory_space<hbm>>
          %dma_start3A_193 = tpu.memref_squeeze %dma_start3A_192 : memref<1x200x128xf32, #tpu.memory_space<hbm>> -> memref<200x128xf32, #tpu.memory_space<hbm>>
          %dma_start3A_194 = arith.constant 0 : i32
          %dma_start3A_195 = tpu.memref_slice %arg12[%add3A_190, %dma_start3A_194] : memref<10000x128xf32, #tpu.memory_space<vmem_shared>> -> memref<200x128xf32, #tpu.memory_space<vmem_shared>>
          tpu.enqueue_dma source(%dma_start3A_195 : memref<200x128xf32, #tpu.memory_space<vmem_shared>>) target(%dma_start3A_193 : memref<200x128xf32, #tpu.memory_space<hbm>>) target_semaphore(%run_scoped3A : memref<!tpu.dma_semaphore, #tpu.memory_space<semaphore_mem>>)
          %dma_wait3A_196 = arith.constant 0 : i32
          %dma_wait3A_197 = tpu.memref_slice %arg5[%arg0, %add3A_190, %dma_wait3A_196] : memref<2x10000x128xf32, #tpu.memory_space<hbm>> -> memref<1x200x128xf32, #tpu.memory_space<hbm>>
          %dma_wait3A_198 = tpu.memref_squeeze %dma_wait3A_197 : memref<1x200x128xf32, #tpu.memory_space<hbm>> -> memref<200x128xf32, #tpu.memory_space<hbm>>
          %dma_wait3A_199 = arith.constant 0 : i32
          %dma_wait3A_200 = tpu.memref_slice %arg12[%add3A_190, %dma_wait3A_199] : memref<10000x128xf32, #tpu.memory_space<vmem_shared>> -> memref<200x128xf32, #tpu.memory_space<vmem_shared>>
          tpu.wait_dma2 semaphore(%run_scoped3A : memref<!tpu.dma_semaphore, #tpu.memory_space<semaphore_mem>>) src(%dma_wait3A_200 : memref<200x128xf32, #tpu.memory_space<vmem_shared>>) dst(%dma_wait3A_198 : memref<200x128xf32, #tpu.memory_space<hbm>>)
          tpu.yield
        }) : () -> ()
      }
      %scan3A_180 = arith.constant 5 : i32
    } else {
    }
    return
  }
}

#map = affine_map<(d0, d1) -> (0, 0)>
#map1 = affine_map<(d0, d1) -> (0, 0, 0)>
module attributes {stable_mosaic.version = 14 : i64} {
  func.func @k(%arg0: i32, %arg1: i32, %arg2: memref<10000x128xf32, #tpu.memory_space<hbm>>, %arg3: memref<32x125x80xi32, #tpu.memory_space<hbm>>, %arg4: memref<200x128xf32, #tpu.memory_space<hbm>>, %arg5: memref<2x10000x128xf32, #tpu.memory_space<hbm>>, %arg6: memref<125x80xi32, #tpu.memory_space<vmem>>, %arg7: memref<3x80xi32, #tpu.memory_space<vmem>>, %arg8: memref<3x80xi32, #tpu.memory_space<vmem>>, %arg9: memref<80x128xf32, #tpu.memory_space<vmem>>, %arg10: memref<80x128xf32, #tpu.memory_space<vmem>>, %arg11: memref<80x128xf32, #tpu.memory_space<vmem>>, %arg12: memref<10000x128xf32, #tpu.memory_space<vmem_shared>>, %arg13: memref<!tpu.dma_semaphore, #tpu.memory_space<semaphore_mem>>, %arg14: memref<!tpu.dma_semaphore, #tpu.memory_space<semaphore_mem>>, %arg15: memref<!tpu.dma_semaphore, #tpu.memory_space<semaphore_mem>>, %arg16: memref<!tpu.dma_semaphore, #tpu.memory_space<semaphore_mem>>, %arg17: memref<!tpu.dma_semaphore, #tpu.memory_space<semaphore_mem>>, %arg18: memref<!tpu.dma_semaphore, #tpu.memory_space<semaphore_mem>>) attributes {dimension_semantics = [#tpu.dimension_semantics<core_parallel>, #tpu.dimension_semantics<subcore_parallel>], iteration_bounds = array<i64: 2, 16>, scalar_prefetch = 0 : i64, scratch_operands = 13 : i64, tpu.core_type = #tpu.core_type<sc_vector_subcore>, window_params = [{transform_indices = #map}, {transform_indices = #map1}, {transform_indices = #map}, {transform_indices = #map1}]} {
    %mul3A = arith.constant 2 : i32
    %mul3A_0 = arith.muli %arg1, %mul3A : i32
    %add3A = arith.addi %mul3A_0, %arg0 : i32
    "tpu.region"() ({
      %run_scoped3A = tpu.sem_alloc : memref<!tpu.dma_semaphore, #tpu.memory_space<semaphore_mem>>
      %dma_start3A_176 = arith.constant 0 : i32
      %dma_start3A_177 = arith.constant 0 : i32
      %dma_start3A_178 = tpu.memref_slice %arg3[%add3A, %dma_start3A_176, %dma_start3A_177] : memref<32x125x80xi32, #tpu.memory_space<hbm>> -> memref<1x125x80xi32, #tpu.memory_space<hbm>>
      %dma_start3A_179 = tpu.memref_squeeze %dma_start3A_178 : memref<1x125x80xi32, #tpu.memory_space<hbm>> -> memref<125x80xi32, #tpu.memory_space<hbm>>
      %dma_start3A_180 = arith.constant 0 : i32
      %dma_start3A_181 = arith.constant 0 : i32
      %dma_start3A_182 = tpu.memref_slice %arg3[%add3A, %dma_start3A_180, %dma_start3A_181] : memref<32x125x80xi32, #tpu.memory_space<hbm>> -> memref<1x125x80xi32, #tpu.memory_space<hbm>>
      %dma_start3A_183 = tpu.memref_squeeze %dma_start3A_182 : memref<1x125x80xi32, #tpu.memory_space<hbm>> -> memref<125x80xi32, #tpu.memory_space<hbm>>
      tpu.enqueue_dma source(%dma_start3A_183 : memref<125x80xi32, #tpu.memory_space<hbm>>) target(%arg6 : memref<125x80xi32, #tpu.memory_space<vmem>>) target_semaphore(%run_scoped3A : memref<!tpu.dma_semaphore, #tpu.memory_space<semaphore_mem>>)
      %dma_wait3A_184 = arith.constant 0 : i32
      %dma_wait3A_185 = arith.constant 0 : i32
      %dma_wait3A_186 = tpu.memref_slice %arg3[%add3A, %dma_wait3A_184, %dma_wait3A_185] : memref<32x125x80xi32, #tpu.memory_space<hbm>> -> memref<1x125x80xi32, #tpu.memory_space<hbm>>
      %dma_wait3A_187 = tpu.memref_squeeze %dma_wait3A_186 : memref<1x125x80xi32, #tpu.memory_space<hbm>> -> memref<125x80xi32, #tpu.memory_space<hbm>>
      %dma_wait3A_188 = arith.constant 0 : i32
      %dma_wait3A_189 = arith.constant 0 : i32
      %dma_wait3A_190 = tpu.memref_slice %arg3[%add3A, %dma_wait3A_188, %dma_wait3A_189] : memref<32x125x80xi32, #tpu.memory_space<hbm>> -> memref<1x125x80xi32, #tpu.memory_space<hbm>>
      %dma_wait3A_191 = tpu.memref_squeeze %dma_wait3A_190 : memref<1x125x80xi32, #tpu.memory_space<hbm>> -> memref<125x80xi32, #tpu.memory_space<hbm>>
      tpu.wait_dma2 semaphore(%run_scoped3A : memref<!tpu.dma_semaphore, #tpu.memory_space<semaphore_mem>>) src(%dma_wait3A_191 : memref<125x80xi32, #tpu.memory_space<hbm>>) dst(%arg6 : memref<125x80xi32, #tpu.memory_space<vmem>>)
      tpu.yield
    }) : () -> ()
    %lt3A = arith.constant 10 : i32
    %lt3A_1 = arith.cmpi slt, %arg1, %lt3A : i32
    %convert_element_type3A = arith.extui %lt3A_1 : i1 to i32
    %cond3A = arith.constant 0 : i32
    %cond3A_2 = arith.cmpi ne, %convert_element_type3A, %cond3A : i32
    scf.if %cond3A_2 {
      %scan3A_176 = arith.constant 0 : i32
      %scan3A_177 = arith.constant 5 : i32
      %scan3A_178 = arith.addi %scan3A_176, %scan3A_177 : i32
      %scan3A_179 = arith.constant 1 : i32
      scf.for %scan3A_181 = %scan3A_176 to %scan3A_178 step %scan3A_179  : i32 {
        %mul3A_182 = arith.constant 1 : i32
        %mul3A_183 = arith.muli %scan3A_181, %mul3A_182 : i32
        %add3A_184 = arith.constant 0 : i32
        %add3A_185 = arith.addi %add3A_184, %mul3A_183 : i32
        %mul3A_186 = arith.constant 1000 : i32
        %mul3A_187 = arith.muli %arg1, %mul3A_186 : i32
        %mul3A_188 = arith.constant 200 : i32
        %mul3A_189 = arith.muli %add3A_185, %mul3A_188 : i32
        %add3A_190 = arith.addi %mul3A_187, %mul3A_189 : i32
        "tpu.region"() ({
          %run_scoped3A = tpu.sem_alloc : memref<!tpu.dma_semaphore, #tpu.memory_space<semaphore_mem>>
          %dma_start3A_191 = arith.constant 0 : i32
          %dma_start3A_192 = tpu.memref_slice %arg12[%add3A_190, %dma_start3A_191] : memref<10000x128xf32, #tpu.memory_space<vmem_shared>> -> memref<200x128xf32, #tpu.memory_space<vmem_shared>>
          tpu.enqueue_dma source(%arg4 : memref<200x128xf32, #tpu.memory_space<hbm>>) target(%dma_start3A_192 : memref<200x128xf32, #tpu.memory_space<vmem_shared>>) target_semaphore(%run_scoped3A : memref<!tpu.dma_semaphore, #tpu.memory_space<semaphore_mem>>)
          %dma_wait3A_193 = arith.constant 0 : i32
          %dma_wait3A_194 = tpu.memref_slice %arg12[%add3A_190, %dma_wait3A_193] : memref<10000x128xf32, #tpu.memory_space<vmem_shared>> -> memref<200x128xf32, #tpu.memory_space<vmem_shared>>
          tpu.wait_dma2 semaphore(%run_scoped3A : memref<!tpu.dma_semaphore, #tpu.memory_space<semaphore_mem>>) src(%arg4 : memref<200x128xf32, #tpu.memory_space<hbm>>) dst(%dma_wait3A_194 : memref<200x128xf32, #tpu.memory_space<vmem_shared>>)
          tpu.yield
        }) : () -> ()
      }
      %scan3A_180 = arith.constant 5 : i32
    } else {
    }
    %barrier3A = arith.constant 0 : index
    tpu.barrier barrier_id(%barrier3A)
    %scan3A = arith.constant 0 : i32
    %scan3A_3 = arith.constant 5 : i32
    %scan3A_4 = arith.addi %scan3A, %scan3A_3 : i32
    %scan3A_5 = arith.constant 1 : i32
    scf.for %scan3A_176 = %scan3A to %scan3A_4 step %scan3A_5  : i32 {
      %mul3A_177 = arith.constant 1 : i32
      %mul3A_178 = arith.muli %scan3A_176, %mul3A_177 : i32
      %add3A_179 = arith.constant 0 : i32
      %add3A_180 = arith.addi %add3A_179, %mul3A_178 : i32
      %mul3A_181 = arith.constant 16 : i32
      %mul3A_182 = arith.muli %add3A_180, %mul3A_181 : i32
      %get3A = arith.constant 0 : i32
      %get3A_183 = arith.index_cast %get3A : i32 to index
      %get3A_184 = arith.index_cast %mul3A_182 : i32 to index
      %get3A_185 = tpu.vector_load %arg6[%get3A_183, %get3A_184] {strides = array<i32>} : memref<125x80xi32, #tpu.memory_space<vmem>>, vector<1x16xi32>,
      %get3A_186 = vector.shape_cast %get3A_185 : vector<1x16xi32> to vector<16xi32>
      %shift_right_arithmetic3A = arith.constant 14 : i32
      %shift_right_arithmetic3A_187 = vector.broadcast %shift_right_arithmetic3A : i32 to vector<16xi32>
      %shift_right_arithmetic3A_188 = arith.shrsi %get3A_186, %shift_right_arithmetic3A_187 : vector<16xi32>
      %mul3A_189 = arith.constant 16 : i32
      %mul3A_190 = arith.muli %add3A_180, %mul3A_189 : i32
      %swap3A = arith.constant 0 : i32
      %swap3A_191 = arith.index_cast %swap3A : i32 to index
      %swap3A_192 = arith.index_cast %mul3A_190 : i32 to index
      %swap3A_193 = tpu.vector_load %arg7[%swap3A_191, %swap3A_192] {strides = array<i32>} : memref<3x80xi32, #tpu.memory_space<vmem>>, vector<1x16xi32>,
      %swap3A_194 = vector.shape_cast %swap3A_193 : vector<1x16xi32> to vector<16xi32>
      %swap3A_195 = vector.shape_cast %shift_right_arithmetic3A_188 : vector<16xi32> to vector<1x16xi32>
      tpu.vector_store %arg7[%swap3A_191, %swap3A_192], %swap3A_195 {strides = array<i32>} : memref<3x80xi32, #tpu.memory_space<vmem>>, vector<1x16xi32>,
      %and3A = arith.constant 16383 : i32
      %and3A_196 = vector.broadcast %and3A : i32 to vector<16xi32>
      %and3A_197 = arith.andi %get3A_186, %and3A_196 : vector<16xi32>
      %mul3A_198 = arith.constant 16 : i32
      %mul3A_199 = arith.muli %add3A_180, %mul3A_198 : i32
      %swap3A_200 = arith.constant 0 : i32
      %swap3A_201 = arith.index_cast %swap3A_200 : i32 to index
      %swap3A_202 = arith.index_cast %mul3A_199 : i32 to index
      %swap3A_203 = tpu.vector_load %arg8[%swap3A_201, %swap3A_202] {strides = array<i32>} : memref<3x80xi32, #tpu.memory_space<vmem>>, vector<1x16xi32>,
      %swap3A_204 = vector.shape_cast %swap3A_203 : vector<1x16xi32> to vector<16xi32>
      %swap3A_205 = vector.shape_cast %and3A_197 : vector<16xi32> to vector<1x16xi32>
      tpu.vector_store %arg8[%swap3A_201, %swap3A_202], %swap3A_205 {strides = array<i32>} : memref<3x80xi32, #tpu.memory_space<vmem>>, vector<1x16xi32>,
    }
    %scan3A_6 = arith.constant 5 : i32
    %dma_start3A = arith.constant 0 : i32
    %dma_start3A_7 = arith.constant 0 : i32
    %dma_start3A_8 = tpu.memref_slice %arg7[%dma_start3A, %dma_start3A_7] : memref<3x80xi32, #tpu.memory_space<vmem>> -> memref<1x80xi32, #tpu.memory_space<vmem>>
    %dma_start3A_9 = tpu.memref_squeeze %dma_start3A_8 : memref<1x80xi32, #tpu.memory_space<vmem>> -> memref<80xi32, #tpu.memory_space<vmem>>
    %dma_start3A_10 = arith.constant 0 : i32
    %dma_start3A_11 = arith.constant 0 : i32
    %dma_start3A_12 = tpu.memref_slice %arg2[%dma_start3A_10, %dma_start3A_11] : memref<10000x128xf32, #tpu.memory_space<hbm>> -> memref<10000x128xf32, #tpu.memory_space<hbm>>
    tpu.enqueue_indirect_dma source(%dma_start3A_12 : memref<10000x128xf32, #tpu.memory_space<hbm>>) target(%arg9 : memref<80x128xf32, #tpu.memory_space<vmem>>) offsets(%dma_start3A_9 : memref<80xi32, #tpu.memory_space<vmem>>) semaphore(%arg13 : memref<!tpu.dma_semaphore, #tpu.memory_space<semaphore_mem>>)
    %scan3A_13 = arith.constant 0 : i32
    %scan3A_14 = arith.constant 5 : i32
    %scan3A_15 = arith.addi %scan3A_13, %scan3A_14 : i32
    %scan3A_16 = arith.constant 1 : i32
    scf.for %scan3A_176 = %scan3A_13 to %scan3A_15 step %scan3A_16  : i32 {
      %mul3A_177 = arith.constant 1 : i32
      %mul3A_178 = arith.muli %scan3A_176, %mul3A_177 : i32
      %add3A_179 = arith.constant 0 : i32
      %add3A_180 = arith.addi %add3A_179, %mul3A_178 : i32
      %mul3A_181 = arith.constant 16 : i32
      %mul3A_182 = arith.muli %add3A_180, %mul3A_181 : i32
      %get3A = arith.constant 1 : i32
      %get3A_183 = arith.index_cast %get3A : i32 to index
      %get3A_184 = arith.index_cast %mul3A_182 : i32 to index
      %get3A_185 = tpu.vector_load %arg6[%get3A_183, %get3A_184] {strides = array<i32>} : memref<125x80xi32, #tpu.memory_space<vmem>>, vector<1x16xi32>,
      %get3A_186 = vector.shape_cast %get3A_185 : vector<1x16xi32> to vector<16xi32>
      %shift_right_arithmetic3A = arith.constant 14 : i32
      %shift_right_arithmetic3A_187 = vector.broadcast %shift_right_arithmetic3A : i32 to vector<16xi32>
      %shift_right_arithmetic3A_188 = arith.shrsi %get3A_186, %shift_right_arithmetic3A_187 : vector<16xi32>
      %mul3A_189 = arith.constant 16 : i32
      %mul3A_190 = arith.muli %add3A_180, %mul3A_189 : i32
      %swap3A = arith.constant 1 : i32
      %swap3A_191 = arith.index_cast %swap3A : i32 to index
      %swap3A_192 = arith.index_cast %mul3A_190 : i32 to index
      %swap3A_193 = tpu.vector_load %arg7[%swap3A_191, %swap3A_192] {strides = array<i32>} : memref<3x80xi32, #tpu.memory_space<vmem>>, vector<1x16xi32>,
      %swap3A_194 = vector.shape_cast %swap3A_193 : vector<1x16xi32> to vector<16xi32>
      %swap3A_195 = vector.shape_cast %shift_right_arithmetic3A_188 : vector<16xi32> to vector<1x16xi32>
      tpu.vector_store %arg7[%swap3A_191, %swap3A_192], %swap3A_195 {strides = array<i32>} : memref<3x80xi32, #tpu.memory_space<vmem>>, vector<1x16xi32>,
      %and3A = arith.constant 16383 : i32
      %and3A_196 = vector.broadcast %and3A : i32 to vector<16xi32>
      %and3A_197 = arith.andi %get3A_186, %and3A_196 : vector<16xi32>
      %mul3A_198 = arith.constant 16 : i32
      %mul3A_199 = arith.muli %add3A_180, %mul3A_198 : i32
      %swap3A_200 = arith.constant 1 : i32
      %swap3A_201 = arith.index_cast %swap3A_200 : i32 to index
      %swap3A_202 = arith.index_cast %mul3A_199 : i32 to index
      %swap3A_203 = tpu.vector_load %arg8[%swap3A_201, %swap3A_202] {strides = array<i32>} : memref<3x80xi32, #tpu.memory_space<vmem>>, vector<1x16xi32>,
      %swap3A_204 = vector.shape_cast %swap3A_203 : vector<1x16xi32> to vector<16xi32>
      %swap3A_205 = vector.shape_cast %and3A_197 : vector<16xi32> to vector<1x16xi32>
      tpu.vector_store %arg8[%swap3A_201, %swap3A_202], %swap3A_205 {strides = array<i32>} : memref<3x80xi32, #tpu.memory_space<vmem>>, vector<1x16xi32>,
    }
    %scan3A_17 = arith.constant 5 : i32
    %dma_start3A_18 = arith.constant 1 : i32
    %dma_start3A_19 = arith.constant 0 : i32
    %dma_start3A_20 = tpu.memref_slice %arg7[%dma_start3A_18, %dma_start3A_19] : memref<3x80xi32, #tpu.memory_space<vmem>> -> memref<1x80xi32, #tpu.memory_space<vmem>>
    %dma_start3A_21 = tpu.memref_squeeze %dma_start3A_20 : memref<1x80xi32, #tpu.memory_space<vmem>> -> memref<80xi32, #tpu.memory_space<vmem>>
    %dma_start3A_22 = arith.constant 0 : i32
    %dma_start3A_23 = arith.constant 0 : i32
    %dma_start3A_24 = tpu.memref_slice %arg2[%dma_start3A_22, %dma_start3A_23] : memref<10000x128xf32, #tpu.memory_space<hbm>> -> memref<10000x128xf32, #tpu.memory_space<hbm>>
    tpu.enqueue_indirect_dma source(%dma_start3A_24 : memref<10000x128xf32, #tpu.memory_space<hbm>>) target(%arg10 : memref<80x128xf32, #tpu.memory_space<vmem>>) offsets(%dma_start3A_21 : memref<80xi32, #tpu.memory_space<vmem>>) semaphore(%arg14 : memref<!tpu.dma_semaphore, #tpu.memory_space<semaphore_mem>>)
    %dma_wait3A = arith.constant 0 : i32
    %dma_wait3A_25 = arith.constant 0 : i32
    %dma_wait3A_26 = tpu.memref_slice %arg7[%dma_wait3A, %dma_wait3A_25] : memref<3x80xi32, #tpu.memory_space<vmem>> -> memref<1x80xi32, #tpu.memory_space<vmem>>
    %dma_wait3A_27 = tpu.memref_squeeze %dma_wait3A_26 : memref<1x80xi32, #tpu.memory_space<vmem>> -> memref<80xi32, #tpu.memory_space<vmem>>
    %dma_wait3A_28 = arith.constant 0 : i32
    %dma_wait3A_29 = arith.constant 0 : i32
    %dma_wait3A_30 = tpu.memref_slice %arg2[%dma_wait3A_28, %dma_wait3A_29] : memref<10000x128xf32, #tpu.memory_space<hbm>> -> memref<10000x128xf32, #tpu.memory_space<hbm>>
    tpu.wait_indirect_dma semaphore(%arg13 : memref<!tpu.dma_semaphore, #tpu.memory_space<semaphore_mem>>) src(%dma_wait3A_30 : memref<10000x128xf32, #tpu.memory_space<hbm>>) dst(%arg9 : memref<80x128xf32, #tpu.memory_space<vmem>>)
    %dma_start3A_31 = arith.constant 0 : i32
    %dma_start3A_32 = arith.constant 0 : i32
    %dma_start3A_33 = tpu.memref_slice %arg8[%dma_start3A_31, %dma_start3A_32] : memref<3x80xi32, #tpu.memory_space<vmem>> -> memref<1x80xi32, #tpu.memory_space<vmem>>
    %dma_start3A_34 = tpu.memref_squeeze %dma_start3A_33 : memref<1x80xi32, #tpu.memory_space<vmem>> -> memref<80xi32, #tpu.memory_space<vmem>>
    %dma_start3A_35 = arith.constant 0 : i32
    %dma_start3A_36 = arith.constant 0 : i32
    %dma_start3A_37 = tpu.memref_slice %arg12[%dma_start3A_35, %dma_start3A_36] : memref<10000x128xf32, #tpu.memory_space<vmem_shared>> -> memref<10000x128xf32, #tpu.memory_space<vmem_shared>>
    tpu.enqueue_indirect_dma source(%arg9 : memref<80x128xf32, #tpu.memory_space<vmem>>) target(%dma_start3A_37 : memref<10000x128xf32, #tpu.memory_space<vmem_shared>>) offsets(%dma_start3A_34 : memref<80xi32, #tpu.memory_space<vmem>>) semaphore(%arg16 : memref<!tpu.dma_semaphore, #tpu.memory_space<semaphore_mem>>) {add = true}
    %scan3A_38 = arith.constant 0 : i32
    %scan3A_39 = arith.constant 5 : i32
    %scan3A_40 = arith.addi %scan3A_38, %scan3A_39 : i32
    %scan3A_41 = arith.constant 1 : i32
    scf.for %scan3A_176 = %scan3A_38 to %scan3A_40 step %scan3A_41  : i32 {
      %mul3A_177 = arith.constant 1 : i32
      %mul3A_178 = arith.muli %scan3A_176, %mul3A_177 : i32
      %add3A_179 = arith.constant 0 : i32
      %add3A_180 = arith.addi %add3A_179, %mul3A_178 : i32
      %mul3A_181 = arith.constant 16 : i32
      %mul3A_182 = arith.muli %add3A_180, %mul3A_181 : i32
      %get3A = arith.constant 2 : i32
      %get3A_183 = arith.index_cast %get3A : i32 to index
      %get3A_184 = arith.index_cast %mul3A_182 : i32 to index
      %get3A_185 = tpu.vector_load %arg6[%get3A_183, %get3A_184] {strides = array<i32>} : memref<125x80xi32, #tpu.memory_space<vmem>>, vector<1x16xi32>,
      %get3A_186 = vector.shape_cast %get3A_185 : vector<1x16xi32> to vector<16xi32>
      %shift_right_arithmetic3A = arith.constant 14 : i32
      %shift_right_arithmetic3A_187 = vector.broadcast %shift_right_arithmetic3A : i32 to vector<16xi32>
      %shift_right_arithmetic3A_188 = arith.shrsi %get3A_186, %shift_right_arithmetic3A_187 : vector<16xi32>
      %mul3A_189 = arith.constant 16 : i32
      %mul3A_190 = arith.muli %add3A_180, %mul3A_189 : i32
      %swap3A = arith.constant 2 : i32
      %swap3A_191 = arith.index_cast %swap3A : i32 to index
      %swap3A_192 = arith.index_cast %mul3A_190 : i32 to index
      %swap3A_193 = tpu.vector_load %arg7[%swap3A_191, %swap3A_192] {strides = array<i32>} : memref<3x80xi32, #tpu.memory_space<vmem>>, vector<1x16xi32>,
      %swap3A_194 = vector.shape_cast %swap3A_193 : vector<1x16xi32> to vector<16xi32>
      %swap3A_195 = vector.shape_cast %shift_right_arithmetic3A_188 : vector<16xi32> to vector<1x16xi32>
      tpu.vector_store %arg7[%swap3A_191, %swap3A_192], %swap3A_195 {strides = array<i32>} : memref<3x80xi32, #tpu.memory_space<vmem>>, vector<1x16xi32>,
      %and3A = arith.constant 16383 : i32
      %and3A_196 = vector.broadcast %and3A : i32 to vector<16xi32>
      %and3A_197 = arith.andi %get3A_186, %and3A_196 : vector<16xi32>
      %mul3A_198 = arith.constant 16 : i32
      %mul3A_199 = arith.muli %add3A_180, %mul3A_198 : i32
      %swap3A_200 = arith.constant 2 : i32
      %swap3A_201 = arith.index_cast %swap3A_200 : i32 to index
      %swap3A_202 = arith.index_cast %mul3A_199 : i32 to index
      %swap3A_203 = tpu.vector_load %arg8[%swap3A_201, %swap3A_202] {strides = array<i32>} : memref<3x80xi32, #tpu.memory_space<vmem>>, vector<1x16xi32>,
      %swap3A_204 = vector.shape_cast %swap3A_203 : vector<1x16xi32> to vector<16xi32>
      %swap3A_205 = vector.shape_cast %and3A_197 : vector<16xi32> to vector<1x16xi32>
      tpu.vector_store %arg8[%swap3A_201, %swap3A_202], %swap3A_205 {strides = array<i32>} : memref<3x80xi32, #tpu.memory_space<vmem>>, vector<1x16xi32>,
    }
    %scan3A_42 = arith.constant 5 : i32
    %dma_start3A_43 = arith.constant 2 : i32
    %dma_start3A_44 = arith.constant 0 : i32
    %dma_start3A_45 = tpu.memref_slice %arg7[%dma_start3A_43, %dma_start3A_44] : memref<3x80xi32, #tpu.memory_space<vmem>> -> memref<1x80xi32, #tpu.memory_space<vmem>>
    %dma_start3A_46 = tpu.memref_squeeze %dma_start3A_45 : memref<1x80xi32, #tpu.memory_space<vmem>> -> memref<80xi32, #tpu.memory_space<vmem>>
    %dma_start3A_47 = arith.constant 0 : i32
    %dma_start3A_48 = arith.constant 0 : i32
    %dma_start3A_49 = tpu.memref_slice %arg2[%dma_start3A_47, %dma_start3A_48] : memref<10000x128xf32, #tpu.memory_space<hbm>> -> memref<10000x128xf32, #tpu.memory_space<hbm>>
    tpu.enqueue_indirect_dma source(%dma_start3A_49 : memref<10000x128xf32, #tpu.memory_space<hbm>>) target(%arg11 : memref<80x128xf32, #tpu.memory_space<vmem>>) offsets(%dma_start3A_46 : memref<80xi32, #tpu.memory_space<vmem>>) semaphore(%arg15 : memref<!tpu.dma_semaphore, #tpu.memory_space<semaphore_mem>>)
    %dma_wait3A_50 = arith.constant 1 : i32
    %dma_wait3A_51 = arith.constant 0 : i32
    %dma_wait3A_52 = tpu.memref_slice %arg7[%dma_wait3A_50, %dma_wait3A_51] : memref<3x80xi32, #tpu.memory_space<vmem>> -> memref<1x80xi32, #tpu.memory_space<vmem>>
    %dma_wait3A_53 = tpu.memref_squeeze %dma_wait3A_52 : memref<1x80xi32, #tpu.memory_space<vmem>> -> memref<80xi32, #tpu.memory_space<vmem>>
    %dma_wait3A_54 = arith.constant 0 : i32
    %dma_wait3A_55 = arith.constant 0 : i32
    %dma_wait3A_56 = tpu.memref_slice %arg2[%dma_wait3A_54, %dma_wait3A_55] : memref<10000x128xf32, #tpu.memory_space<hbm>> -> memref<10000x128xf32, #tpu.memory_space<hbm>>
    tpu.wait_indirect_dma semaphore(%arg14 : memref<!tpu.dma_semaphore, #tpu.memory_space<semaphore_mem>>) src(%dma_wait3A_56 : memref<10000x128xf32, #tpu.memory_space<hbm>>) dst(%arg10 : memref<80x128xf32, #tpu.memory_space<vmem>>)
    %dma_start3A_57 = arith.constant 1 : i32
    %dma_start3A_58 = arith.constant 0 : i32
    %dma_start3A_59 = tpu.memref_slice %arg8[%dma_start3A_57, %dma_start3A_58] : memref<3x80xi32, #tpu.memory_space<vmem>> -> memref<1x80xi32, #tpu.memory_space<vmem>>
    %dma_start3A_60 = tpu.memref_squeeze %dma_start3A_59 : memref<1x80xi32, #tpu.memory_space<vmem>> -> memref<80xi32, #tpu.memory_space<vmem>>
    %dma_start3A_61 = arith.constant 0 : i32
    %dma_start3A_62 = arith.constant 0 : i32
    %dma_start3A_63 = tpu.memref_slice %arg12[%dma_start3A_61, %dma_start3A_62] : memref<10000x128xf32, #tpu.memory_space<vmem_shared>> -> memref<10000x128xf32, #tpu.memory_space<vmem_shared>>
    tpu.enqueue_indirect_dma source(%arg10 : memref<80x128xf32, #tpu.memory_space<vmem>>) target(%dma_start3A_63 : memref<10000x128xf32, #tpu.memory_space<vmem_shared>>) offsets(%dma_start3A_60 : memref<80xi32, #tpu.memory_space<vmem>>) semaphore(%arg17 : memref<!tpu.dma_semaphore, #tpu.memory_space<semaphore_mem>>) {add = true}
    %dma_wait3A_64 = arith.constant 0 : i32
    %dma_wait3A_65 = arith.constant 0 : i32
    %dma_wait3A_66 = tpu.memref_slice %arg8[%dma_wait3A_64, %dma_wait3A_65] : memref<3x80xi32, #tpu.memory_space<vmem>> -> memref<1x80xi32, #tpu.memory_space<vmem>>
    %dma_wait3A_67 = tpu.memref_squeeze %dma_wait3A_66 : memref<1x80xi32, #tpu.memory_space<vmem>> -> memref<80xi32, #tpu.memory_space<vmem>>
    %dma_wait3A_68 = arith.constant 0 : i32
    %dma_wait3A_69 = arith.constant 0 : i32
    %dma_wait3A_70 = tpu.memref_slice %arg12[%dma_wait3A_68, %dma_wait3A_69] : memref<10000x128xf32, #tpu.memory_space<vmem_shared>> -> memref<10000x128xf32, #tpu.memory_space<vmem_shared>>
    tpu.wait_indirect_dma semaphore(%arg16 : memref<!tpu.dma_semaphore, #tpu.memory_space<semaphore_mem>>) src(%arg9 : memref<80x128xf32, #tpu.memory_space<vmem>>) dst(%dma_wait3A_70 : memref<10000x128xf32, #tpu.memory_space<vmem_shared>>)
    %scan3A_71 = arith.constant 0 : i32
    %scan3A_72 = arith.constant 5 : i32
    %scan3A_73 = arith.addi %scan3A_71, %scan3A_72 : i32
    %scan3A_74 = arith.constant 1 : i32
    scf.for %scan3A_176 = %scan3A_71 to %scan3A_73 step %scan3A_74  : i32 {
      %mul3A_177 = arith.constant 1 : i32
      %mul3A_178 = arith.muli %scan3A_176, %mul3A_177 : i32
      %add3A_179 = arith.constant 0 : i32
      %add3A_180 = arith.addi %add3A_179, %mul3A_178 : i32
      %mul3A_181 = arith.constant 16 : i32
      %mul3A_182 = arith.muli %add3A_180, %mul3A_181 : i32
      %get3A = arith.constant 3 : i32
      %get3A_183 = arith.index_cast %get3A : i32 to index
      %get3A_184 = arith.index_cast %mul3A_182 : i32 to index
      %get3A_185 = tpu.vector_load %arg6[%get3A_183, %get3A_184] {strides = array<i32>} : memref<125x80xi32, #tpu.memory_space<vmem>>, vector<1x16xi32>,
      %get3A_186 = vector.shape_cast %get3A_185 : vector<1x16xi32> to vector<16xi32>
      %shift_right_arithmetic3A = arith.constant 14 : i32
      %shift_right_arithmetic3A_187 = vector.broadcast %shift_right_arithmetic3A : i32 to vector<16xi32>
      %shift_right_arithmetic3A_188 = arith.shrsi %get3A_186, %shift_right_arithmetic3A_187 : vector<16xi32>
      %mul3A_189 = arith.constant 16 : i32
      %mul3A_190 = arith.muli %add3A_180, %mul3A_189 : i32
      %swap3A = arith.constant 0 : i32
      %swap3A_191 = arith.index_cast %swap3A : i32 to index
      %swap3A_192 = arith.index_cast %mul3A_190 : i32 to index
      %swap3A_193 = tpu.vector_load %arg7[%swap3A_191, %swap3A_192] {strides = array<i32>} : memref<3x80xi32, #tpu.memory_space<vmem>>, vector<1x16xi32>,
      %swap3A_194 = vector.shape_cast %swap3A_193 : vector<1x16xi32> to vector<16xi32>
      %swap3A_195 = vector.shape_cast %shift_right_arithmetic3A_188 : vector<16xi32> to vector<1x16xi32>
      tpu.vector_store %arg7[%swap3A_191, %swap3A_192], %swap3A_195 {strides = array<i32>} : memref<3x80xi32, #tpu.memory_space<vmem>>, vector<1x16xi32>,
      %and3A = arith.constant 16383 : i32
      %and3A_196 = vector.broadcast %and3A : i32 to vector<16xi32>
      %and3A_197 = arith.andi %get3A_186, %and3A_196 : vector<16xi32>
      %mul3A_198 = arith.constant 16 : i32
      %mul3A_199 = arith.muli %add3A_180, %mul3A_198 : i32
      %swap3A_200 = arith.constant 0 : i32
      %swap3A_201 = arith.index_cast %swap3A_200 : i32 to index
      %swap3A_202 = arith.index_cast %mul3A_199 : i32 to index
      %swap3A_203 = tpu.vector_load %arg8[%swap3A_201, %swap3A_202] {strides = array<i32>} : memref<3x80xi32, #tpu.memory_space<vmem>>, vector<1x16xi32>,
      %swap3A_204 = vector.shape_cast %swap3A_203 : vector<1x16xi32> to vector<16xi32>
      %swap3A_205 = vector.shape_cast %and3A_197 : vector<16xi32> to vector<1x16xi32>
      tpu.vector_store %arg8[%swap3A_201, %swap3A_202], %swap3A_205 {strides = array<i32>} : memref<3x80xi32, #tpu.memory_space<vmem>>, vector<1x16xi32>,
    }
    %scan3A_75 = arith.constant 5 : i32
    %dma_start3A_76 = arith.constant 0 : i32
    %dma_start3A_77 = arith.constant 0 : i32
    %dma_start3A_78 = tpu.memref_slice %arg7[%dma_start3A_76, %dma_start3A_77] : memref<3x80xi32, #tpu.memory_space<vmem>> -> memref<1x80xi32, #tpu.memory_space<vmem>>
    %dma_start3A_79 = tpu.memref_squeeze %dma_start3A_78 : memref<1x80xi32, #tpu.memory_space<vmem>> -> memref<80xi32, #tpu.memory_space<vmem>>
    %dma_start3A_80 = arith.constant 0 : i32
    %dma_start3A_81 = arith.constant 0 : i32
    %dma_start3A_82 = tpu.memref_slice %arg2[%dma_start3A_80, %dma_start3A_81] : memref<10000x128xf32, #tpu.memory_space<hbm>> -> memref<10000x128xf32, #tpu.memory_space<hbm>>
    tpu.enqueue_indirect_dma source(%dma_start3A_82 : memref<10000x128xf32, #tpu.memory_space<hbm>>) target(%arg9 : memref<80x128xf32, #tpu.memory_space<vmem>>) offsets(%dma_start3A_79 : memref<80xi32, #tpu.memory_space<vmem>>) semaphore(%arg13 : memref<!tpu.dma_semaphore, #tpu.memory_space<semaphore_mem>>)
    %dma_wait3A_83 = arith.constant 2 : i32
    %dma_wait3A_84 = arith.constant 0 : i32
    %dma_wait3A_85 = tpu.memref_slice %arg7[%dma_wait3A_83, %dma_wait3A_84] : memref<3x80xi32, #tpu.memory_space<vmem>> -> memref<1x80xi32, #tpu.memory_space<vmem>>
    %dma_wait3A_86 = tpu.memref_squeeze %dma_wait3A_85 : memref<1x80xi32, #tpu.memory_space<vmem>> -> memref<80xi32, #tpu.memory_space<vmem>>
    %dma_wait3A_87 = arith.constant 0 : i32
    %dma_wait3A_88 = arith.constant 0 : i32
    %dma_wait3A_89 = tpu.memref_slice %arg2[%dma_wait3A_87, %dma_wait3A_88] : memref<10000x128xf32, #tpu.memory_space<hbm>> -> memref<10000x128xf32, #tpu.memory_space<hbm>>
    tpu.wait_indirect_dma semaphore(%arg15 : memref<!tpu.dma_semaphore, #tpu.memory_space<semaphore_mem>>) src(%dma_wait3A_89 : memref<10000x128xf32, #tpu.memory_space<hbm>>) dst(%arg11 : memref<80x128xf32, #tpu.memory_space<vmem>>)
    %dma_start3A_90 = arith.constant 2 : i32
    %dma_start3A_91 = arith.constant 0 : i32
    %dma_start3A_92 = tpu.memref_slice %arg8[%dma_start3A_90, %dma_start3A_91] : memref<3x80xi32, #tpu.memory_space<vmem>> -> memref<1x80xi32, #tpu.memory_space<vmem>>
    %dma_start3A_93 = tpu.memref_squeeze %dma_start3A_92 : memref<1x80xi32, #tpu.memory_space<vmem>> -> memref<80xi32, #tpu.memory_space<vmem>>
    %dma_start3A_94 = arith.constant 0 : i32
    %dma_start3A_95 = arith.constant 0 : i32
    %dma_start3A_96 = tpu.memref_slice %arg12[%dma_start3A_94, %dma_start3A_95] : memref<10000x128xf32, #tpu.memory_space<vmem_shared>> -> memref<10000x128xf32, #tpu.memory_space<vmem_shared>>
    tpu.enqueue_indirect_dma source(%arg11 : memref<80x128xf32, #tpu.memory_space<vmem>>) target(%dma_start3A_96 : memref<10000x128xf32, #tpu.memory_space<vmem_shared>>) offsets(%dma_start3A_93 : memref<80xi32, #tpu.memory_space<vmem>>) semaphore(%arg18 : memref<!tpu.dma_semaphore, #tpu.memory_space<semaphore_mem>>) {add = true}
    %dma_wait3A_97 = arith.constant 1 : i32
    %dma_wait3A_98 = arith.constant 0 : i32
    %dma_wait3A_99 = tpu.memref_slice %arg8[%dma_wait3A_97, %dma_wait3A_98] : memref<3x80xi32, #tpu.memory_space<vmem>> -> memref<1x80xi32, #tpu.memory_space<vmem>>
    %dma_wait3A_100 = tpu.memref_squeeze %dma_wait3A_99 : memref<1x80xi32, #tpu.memory_space<vmem>> -> memref<80xi32, #tpu.memory_space<vmem>>
    %dma_wait3A_101 = arith.constant 0 : i32
    %dma_wait3A_102 = arith.constant 0 : i32
    %dma_wait3A_103 = tpu.memref_slice %arg12[%dma_wait3A_101, %dma_wait3A_102] : memref<10000x128xf32, #tpu.memory_space<vmem_shared>> -> memref<10000x128xf32, #tpu.memory_space<vmem_shared>>
    tpu.wait_indirect_dma semaphore(%arg17 : memref<!tpu.dma_semaphore, #tpu.memory_space<semaphore_mem>>) src(%arg10 : memref<80x128xf32, #tpu.memory_space<vmem>>) dst(%dma_wait3A_103 : memref<10000x128xf32, #tpu.memory_space<vmem_shared>>)
    %scan3A_104 = arith.constant 0 : i32
    %scan3A_105 = arith.constant 5 : i32
    %scan3A_106 = arith.addi %scan3A_104, %scan3A_105 : i32
    %scan3A_107 = arith.constant 1 : i32
    scf.for %scan3A_176 = %scan3A_104 to %scan3A_106 step %scan3A_107  : i32 {
      %mul3A_177 = arith.constant 1 : i32
      %mul3A_178 = arith.muli %scan3A_176, %mul3A_177 : i32
      %add3A_179 = arith.constant 0 : i32
      %add3A_180 = arith.addi %add3A_179, %mul3A_178 : i32
      %mul3A_181 = arith.constant 16 : i32
      %mul3A_182 = arith.muli %add3A_180, %mul3A_181 : i32
      %get3A = arith.constant 4 : i32
      %get3A_183 = arith.index_cast %get3A : i32 to index
      %get3A_184 = arith.index_cast %mul3A_182 : i32 to index
      %get3A_185 = tpu.vector_load %arg6[%get3A_183, %get3A_184] {strides = array<i32>} : memref<125x80xi32, #tpu.memory_space<vmem>>, vector<1x16xi32>,
      %get3A_186 = vector.shape_cast %get3A_185 : vector<1x16xi32> to vector<16xi32>
      %shift_right_arithmetic3A = arith.constant 14 : i32
      %shift_right_arithmetic3A_187 = vector.broadcast %shift_right_arithmetic3A : i32 to vector<16xi32>
      %shift_right_arithmetic3A_188 = arith.shrsi %get3A_186, %shift_right_arithmetic3A_187 : vector<16xi32>
      %mul3A_189 = arith.constant 16 : i32
      %mul3A_190 = arith.muli %add3A_180, %mul3A_189 : i32
      %swap3A = arith.constant 1 : i32
      %swap3A_191 = arith.index_cast %swap3A : i32 to index
      %swap3A_192 = arith.index_cast %mul3A_190 : i32 to index
      %swap3A_193 = tpu.vector_load %arg7[%swap3A_191, %swap3A_192] {strides = array<i32>} : memref<3x80xi32, #tpu.memory_space<vmem>>, vector<1x16xi32>,
      %swap3A_194 = vector.shape_cast %swap3A_193 : vector<1x16xi32> to vector<16xi32>
      %swap3A_195 = vector.shape_cast %shift_right_arithmetic3A_188 : vector<16xi32> to vector<1x16xi32>
      tpu.vector_store %arg7[%swap3A_191, %swap3A_192], %swap3A_195 {strides = array<i32>} : memref<3x80xi32, #tpu.memory_space<vmem>>, vector<1x16xi32>,
      %and3A = arith.constant 16383 : i32
      %and3A_196 = vector.broadcast %and3A : i32 to vector<16xi32>
      %and3A_197 = arith.andi %get3A_186, %and3A_196 : vector<16xi32>
      %mul3A_198 = arith.constant 16 : i32
      %mul3A_199 = arith.muli %add3A_180, %mul3A_198 : i32
      %swap3A_200 = arith.constant 1 : i32
      %swap3A_201 = arith.index_cast %swap3A_200 : i32 to index
      %swap3A_202 = arith.index_cast %mul3A_199 : i32 to index
      %swap3A_203 = tpu.vector_load %arg8[%swap3A_201, %swap3A_202] {strides = array<i32>} : memref<3x80xi32, #tpu.memory_space<vmem>>, vector<1x16xi32>,
      %swap3A_204 = vector.shape_cast %swap3A_203 : vector<1x16xi32> to vector<16xi32>
      %swap3A_205 = vector.shape_cast %and3A_197 : vector<16xi32> to vector<1x16xi32>
      tpu.vector_store %arg8[%swap3A_201, %swap3A_202], %swap3A_205 {strides = array<i32>} : memref<3x80xi32, #tpu.memory_space<vmem>>, vector<1x16xi32>,
    }
    %scan3A_108 = arith.constant 5 : i32
    %dma_start3A_109 = arith.constant 1 : i32
    %dma_start3A_110 = arith.constant 0 : i32
    %dma_start3A_111 = tpu.memref_slice %arg7[%dma_start3A_109, %dma_start3A_110] : memref<3x80xi32, #tpu.memory_space<vmem>> -> memref<1x80xi32, #tpu.memory_space<vmem>>
    %dma_start3A_112 = tpu.memref_squeeze %dma_start3A_111 : memref<1x80xi32, #tpu.memory_space<vmem>> -> memref<80xi32, #tpu.memory_space<vmem>>
    %dma_start3A_113 = arith.constant 0 : i32
    %dma_start3A_114 = arith.constant 0 : i32
    %dma_start3A_115 = tpu.memref_slice %arg2[%dma_start3A_113, %dma_start3A_114] : memref<10000x128xf32, #tpu.memory_space<hbm>> -> memref<10000x128xf32, #tpu.memory_space<hbm>>
    tpu.enqueue_indirect_dma source(%dma_start3A_115 : memref<10000x128xf32, #tpu.memory_space<hbm>>) target(%arg10 : memref<80x128xf32, #tpu.memory_space<vmem>>) offsets(%dma_start3A_112 : memref<80xi32, #tpu.memory_space<vmem>>) semaphore(%arg14 : memref<!tpu.dma_semaphore, #tpu.memory_space<semaphore_mem>>)
    %scan3A_116 = arith.constant 0 : i32
    %scan3A_117 = arith.constant 40 : i32
    %scan3A_118 = arith.addi %scan3A_116, %scan3A_117 : i32
    %scan3A_119 = arith.constant 1 : i32
    scf.for %scan3A_176 = %scan3A_116 to %scan3A_118 step %scan3A_119  : i32 {
      %mul3A_177 = arith.constant 1 : i32
      %mul3A_178 = arith.muli %scan3A_176, %mul3A_177 : i32
      %add3A_179 = arith.constant 1 : i32
      %add3A_180 = arith.addi %add3A_179, %mul3A_178 : i32
      %mul3A_181 = arith.constant 3 : i32
      %mul3A_182 = arith.muli %mul3A_181, %add3A_180 : i32
      %dma_wait3A_183 = arith.constant 0 : i32
      %dma_wait3A_184 = arith.constant 0 : i32
      %dma_wait3A_185 = tpu.memref_slice %arg7[%dma_wait3A_183, %dma_wait3A_184] : memref<3x80xi32, #tpu.memory_space<vmem>> -> memref<1x80xi32, #tpu.memory_space<vmem>>
      %dma_wait3A_186 = tpu.memref_squeeze %dma_wait3A_185 : memref<1x80xi32, #tpu.memory_space<vmem>> -> memref<80xi32, #tpu.memory_space<vmem>>
      %dma_wait3A_187 = arith.constant 0 : i32
      %dma_wait3A_188 = arith.constant 0 : i32
      %dma_wait3A_189 = tpu.memref_slice %arg2[%dma_wait3A_187, %dma_wait3A_188] : memref<10000x128xf32, #tpu.memory_space<hbm>> -> memref<10000x128xf32, #tpu.memory_space<hbm>>
      tpu.wait_indirect_dma semaphore(%arg13 : memref<!tpu.dma_semaphore, #tpu.memory_space<semaphore_mem>>) src(%dma_wait3A_189 : memref<10000x128xf32, #tpu.memory_space<hbm>>) dst(%arg9 : memref<80x128xf32, #tpu.memory_space<vmem>>)
      %dma_start3A_190 = arith.constant 0 : i32
      %dma_start3A_191 = arith.constant 0 : i32
      %dma_start3A_192 = tpu.memref_slice %arg8[%dma_start3A_190, %dma_start3A_191] : memref<3x80xi32, #tpu.memory_space<vmem>> -> memref<1x80xi32, #tpu.memory_space<vmem>>
      %dma_start3A_193 = tpu.memref_squeeze %dma_start3A_192 : memref<1x80xi32, #tpu.memory_space<vmem>> -> memref<80xi32, #tpu.memory_space<vmem>>
      %dma_start3A_194 = arith.constant 0 : i32
      %dma_start3A_195 = arith.constant 0 : i32
      %dma_start3A_196 = tpu.memref_slice %arg12[%dma_start3A_194, %dma_start3A_195] : memref<10000x128xf32, #tpu.memory_space<vmem_shared>> -> memref<10000x128xf32, #tpu.memory_space<vmem_shared>>
      tpu.enqueue_indirect_dma source(%arg9 : memref<80x128xf32, #tpu.memory_space<vmem>>) target(%dma_start3A_196 : memref<10000x128xf32, #tpu.memory_space<vmem_shared>>) offsets(%dma_start3A_193 : memref<80xi32, #tpu.memory_space<vmem>>) semaphore(%arg16 : memref<!tpu.dma_semaphore, #tpu.memory_space<semaphore_mem>>) {add = true}
      %dma_wait3A_197 = arith.constant 2 : i32
      %dma_wait3A_198 = arith.constant 0 : i32
      %dma_wait3A_199 = tpu.memref_slice %arg8[%dma_wait3A_197, %dma_wait3A_198] : memref<3x80xi32, #tpu.memory_space<vmem>> -> memref<1x80xi32, #tpu.memory_space<vmem>>
      %dma_wait3A_200 = tpu.memref_squeeze %dma_wait3A_199 : memref<1x80xi32, #tpu.memory_space<vmem>> -> memref<80xi32, #tpu.memory_space<vmem>>
      %dma_wait3A_201 = arith.constant 0 : i32
      %dma_wait3A_202 = arith.constant 0 : i32
      %dma_wait3A_203 = tpu.memref_slice %arg12[%dma_wait3A_201, %dma_wait3A_202] : memref<10000x128xf32, #tpu.memory_space<vmem_shared>> -> memref<10000x128xf32, #tpu.memory_space<vmem_shared>>
      tpu.wait_indirect_dma semaphore(%arg18 : memref<!tpu.dma_semaphore, #tpu.memory_space<semaphore_mem>>) src(%arg11 : memref<80x128xf32, #tpu.memory_space<vmem>>) dst(%dma_wait3A_203 : memref<10000x128xf32, #tpu.memory_space<vmem_shared>>)
      %add3A_204 = arith.constant 2 : i32
      %add3A_205 = arith.addi %mul3A_182, %add3A_204 : i32
      %scan3A_206 = arith.constant 0 : i32
      %scan3A_207 = arith.constant 5 : i32
      %scan3A_208 = arith.addi %scan3A_206, %scan3A_207 : i32
      %scan3A_209 = arith.constant 1 : i32
      scf.for %scan3A_296 = %scan3A_206 to %scan3A_208 step %scan3A_209  : i32 {
        %mul3A_297 = arith.constant 1 : i32
        %mul3A_298 = arith.muli %scan3A_296, %mul3A_297 : i32
        %add3A_299 = arith.constant 0 : i32
        %add3A_300 = arith.addi %add3A_299, %mul3A_298 : i32
        %mul3A_301 = arith.constant 16 : i32
        %mul3A_302 = arith.muli %add3A_300, %mul3A_301 : i32
        %get3A = arith.index_cast %add3A_205 : i32 to index
        %get3A_303 = arith.index_cast %mul3A_302 : i32 to index
        %get3A_304 = tpu.vector_load %arg6[%get3A, %get3A_303] {strides = array<i32>} : memref<125x80xi32, #tpu.memory_space<vmem>>, vector<1x16xi32>,
        %get3A_305 = vector.shape_cast %get3A_304 : vector<1x16xi32> to vector<16xi32>
        %shift_right_arithmetic3A = arith.constant 14 : i32
        %shift_right_arithmetic3A_306 = vector.broadcast %shift_right_arithmetic3A : i32 to vector<16xi32>
        %shift_right_arithmetic3A_307 = arith.shrsi %get3A_305, %shift_right_arithmetic3A_306 : vector<16xi32>
        %mul3A_308 = arith.constant 16 : i32
        %mul3A_309 = arith.muli %add3A_300, %mul3A_308 : i32
        %swap3A = arith.constant 2 : i32
        %swap3A_310 = arith.index_cast %swap3A : i32 to index
        %swap3A_311 = arith.index_cast %mul3A_309 : i32 to index
        %swap3A_312 = tpu.vector_load %arg7[%swap3A_310, %swap3A_311] {strides = array<i32>} : memref<3x80xi32, #tpu.memory_space<vmem>>, vector<1x16xi32>,
        %swap3A_313 = vector.shape_cast %swap3A_312 : vector<1x16xi32> to vector<16xi32>
        %swap3A_314 = vector.shape_cast %shift_right_arithmetic3A_307 : vector<16xi32> to vector<1x16xi32>
        tpu.vector_store %arg7[%swap3A_310, %swap3A_311], %swap3A_314 {strides = array<i32>} : memref<3x80xi32, #tpu.memory_space<vmem>>, vector<1x16xi32>,
        %and3A = arith.constant 16383 : i32
        %and3A_315 = vector.broadcast %and3A : i32 to vector<16xi32>
        %and3A_316 = arith.andi %get3A_305, %and3A_315 : vector<16xi32>
        %mul3A_317 = arith.constant 16 : i32
        %mul3A_318 = arith.muli %add3A_300, %mul3A_317 : i32
        %swap3A_319 = arith.constant 2 : i32
        %swap3A_320 = arith.index_cast %swap3A_319 : i32 to index
        %swap3A_321 = arith.index_cast %mul3A_318 : i32 to index
        %swap3A_322 = tpu.vector_load %arg8[%swap3A_320, %swap3A_321] {strides = array<i32>} : memref<3x80xi32, #tpu.memory_space<vmem>>, vector<1x16xi32>,
        %swap3A_323 = vector.shape_cast %swap3A_322 : vector<1x16xi32> to vector<16xi32>
        %swap3A_324 = vector.shape_cast %and3A_316 : vector<16xi32> to vector<1x16xi32>
        tpu.vector_store %arg8[%swap3A_320, %swap3A_321], %swap3A_324 {strides = array<i32>} : memref<3x80xi32, #tpu.memory_space<vmem>>, vector<1x16xi32>,
      }
      %scan3A_210 = arith.constant 5 : i32
      %dma_start3A_211 = arith.constant 2 : i32
      %dma_start3A_212 = arith.constant 0 : i32
      %dma_start3A_213 = tpu.memref_slice %arg7[%dma_start3A_211, %dma_start3A_212] : memref<3x80xi32, #tpu.memory_space<vmem>> -> memref<1x80xi32, #tpu.memory_space<vmem>>
      %dma_start3A_214 = tpu.memref_squeeze %dma_start3A_213 : memref<1x80xi32, #tpu.memory_space<vmem>> -> memref<80xi32, #tpu.memory_space<vmem>>
      %dma_start3A_215 = arith.constant 0 : i32
      %dma_start3A_216 = arith.constant 0 : i32
      %dma_start3A_217 = tpu.memref_slice %arg2[%dma_start3A_215, %dma_start3A_216] : memref<10000x128xf32, #tpu.memory_space<hbm>> -> memref<10000x128xf32, #tpu.memory_space<hbm>>
      tpu.enqueue_indirect_dma source(%dma_start3A_217 : memref<10000x128xf32, #tpu.memory_space<hbm>>) target(%arg11 : memref<80x128xf32, #tpu.memory_space<vmem>>) offsets(%dma_start3A_214 : memref<80xi32, #tpu.memory_space<vmem>>) semaphore(%arg15 : memref<!tpu.dma_semaphore, #tpu.memory_space<semaphore_mem>>)
      %mul3A_218 = arith.constant 3 : i32
      %mul3A_219 = arith.muli %mul3A_218, %add3A_180 : i32
      %add3A_220 = arith.constant 1 : i32
      %add3A_221 = arith.addi %mul3A_219, %add3A_220 : i32
      %dma_wait3A_222 = arith.constant 1 : i32
      %dma_wait3A_223 = arith.constant 0 : i32
      %dma_wait3A_224 = tpu.memref_slice %arg7[%dma_wait3A_222, %dma_wait3A_223] : memref<3x80xi32, #tpu.memory_space<vmem>> -> memref<1x80xi32, #tpu.memory_space<vmem>>
      %dma_wait3A_225 = tpu.memref_squeeze %dma_wait3A_224 : memref<1x80xi32, #tpu.memory_space<vmem>> -> memref<80xi32, #tpu.memory_space<vmem>>
      %dma_wait3A_226 = arith.constant 0 : i32
      %dma_wait3A_227 = arith.constant 0 : i32
      %dma_wait3A_228 = tpu.memref_slice %arg2[%dma_wait3A_226, %dma_wait3A_227] : memref<10000x128xf32, #tpu.memory_space<hbm>> -> memref<10000x128xf32, #tpu.memory_space<hbm>>
      tpu.wait_indirect_dma semaphore(%arg14 : memref<!tpu.dma_semaphore, #tpu.memory_space<semaphore_mem>>) src(%dma_wait3A_228 : memref<10000x128xf32, #tpu.memory_space<hbm>>) dst(%arg10 : memref<80x128xf32, #tpu.memory_space<vmem>>)
      %dma_start3A_229 = arith.constant 1 : i32
      %dma_start3A_230 = arith.constant 0 : i32
      %dma_start3A_231 = tpu.memref_slice %arg8[%dma_start3A_229, %dma_start3A_230] : memref<3x80xi32, #tpu.memory_space<vmem>> -> memref<1x80xi32, #tpu.memory_space<vmem>>
      %dma_start3A_232 = tpu.memref_squeeze %dma_start3A_231 : memref<1x80xi32, #tpu.memory_space<vmem>> -> memref<80xi32, #tpu.memory_space<vmem>>
      %dma_start3A_233 = arith.constant 0 : i32
      %dma_start3A_234 = arith.constant 0 : i32
      %dma_start3A_235 = tpu.memref_slice %arg12[%dma_start3A_233, %dma_start3A_234] : memref<10000x128xf32, #tpu.memory_space<vmem_shared>> -> memref<10000x128xf32, #tpu.memory_space<vmem_shared>>
      tpu.enqueue_indirect_dma source(%arg10 : memref<80x128xf32, #tpu.memory_space<vmem>>) target(%dma_start3A_235 : memref<10000x128xf32, #tpu.memory_space<vmem_shared>>) offsets(%dma_start3A_232 : memref<80xi32, #tpu.memory_space<vmem>>) semaphore(%arg17 : memref<!tpu.dma_semaphore, #tpu.memory_space<semaphore_mem>>) {add = true}
      %dma_wait3A_236 = arith.constant 0 : i32
      %dma_wait3A_237 = arith.constant 0 : i32
      %dma_wait3A_238 = tpu.memref_slice %arg8[%dma_wait3A_236, %dma_wait3A_237] : memref<3x80xi32, #tpu.memory_space<vmem>> -> memref<1x80xi32, #tpu.memory_space<vmem>>
      %dma_wait3A_239 = tpu.memref_squeeze %dma_wait3A_238 : memref<1x80xi32, #tpu.memory_space<vmem>> -> memref<80xi32, #tpu.memory_space<vmem>>
      %dma_wait3A_240 = arith.constant 0 : i32
      %dma_wait3A_241 = arith.constant 0 : i32
      %dma_wait3A_242 = tpu.memref_slice %arg12[%dma_wait3A_240, %dma_wait3A_241] : memref<10000x128xf32, #tpu.memory_space<vmem_shared>> -> memref<10000x128xf32, #tpu.memory_space<vmem_shared>>
      tpu.wait_indirect_dma semaphore(%arg16 : memref<!tpu.dma_semaphore, #tpu.memory_space<semaphore_mem>>) src(%arg9 : memref<80x128xf32, #tpu.memory_space<vmem>>) dst(%dma_wait3A_242 : memref<10000x128xf32, #tpu.memory_space<vmem_shared>>)
      %add3A_243 = arith.constant 2 : i32
      %add3A_244 = arith.addi %add3A_221, %add3A_243 : i32
      %scan3A_245 = arith.constant 0 : i32
      %scan3A_246 = arith.constant 5 : i32
      %scan3A_247 = arith.addi %scan3A_245, %scan3A_246 : i32
      %scan3A_248 = arith.constant 1 : i32
      scf.for %scan3A_296 = %scan3A_245 to %scan3A_247 step %scan3A_248  : i32 {
        %mul3A_297 = arith.constant 1 : i32
        %mul3A_298 = arith.muli %scan3A_296, %mul3A_297 : i32
        %add3A_299 = arith.constant 0 : i32
        %add3A_300 = arith.addi %add3A_299, %mul3A_298 : i32
        %mul3A_301 = arith.constant 16 : i32
        %mul3A_302 = arith.muli %add3A_300, %mul3A_301 : i32
        %get3A = arith.index_cast %add3A_244 : i32 to index
        %get3A_303 = arith.index_cast %mul3A_302 : i32 to index
        %get3A_304 = tpu.vector_load %arg6[%get3A, %get3A_303] {strides = array<i32>} : memref<125x80xi32, #tpu.memory_space<vmem>>, vector<1x16xi32>,
        %get3A_305 = vector.shape_cast %get3A_304 : vector<1x16xi32> to vector<16xi32>
        %shift_right_arithmetic3A = arith.constant 14 : i32
        %shift_right_arithmetic3A_306 = vector.broadcast %shift_right_arithmetic3A : i32 to vector<16xi32>
        %shift_right_arithmetic3A_307 = arith.shrsi %get3A_305, %shift_right_arithmetic3A_306 : vector<16xi32>
        %mul3A_308 = arith.constant 16 : i32
        %mul3A_309 = arith.muli %add3A_300, %mul3A_308 : i32
        %swap3A = arith.constant 0 : i32
        %swap3A_310 = arith.index_cast %swap3A : i32 to index
        %swap3A_311 = arith.index_cast %mul3A_309 : i32 to index
        %swap3A_312 = tpu.vector_load %arg7[%swap3A_310, %swap3A_311] {strides = array<i32>} : memref<3x80xi32, #tpu.memory_space<vmem>>, vector<1x16xi32>,
        %swap3A_313 = vector.shape_cast %swap3A_312 : vector<1x16xi32> to vector<16xi32>
        %swap3A_314 = vector.shape_cast %shift_right_arithmetic3A_307 : vector<16xi32> to vector<1x16xi32>
        tpu.vector_store %arg7[%swap3A_310, %swap3A_311], %swap3A_314 {strides = array<i32>} : memref<3x80xi32, #tpu.memory_space<vmem>>, vector<1x16xi32>,
        %and3A = arith.constant 16383 : i32
        %and3A_315 = vector.broadcast %and3A : i32 to vector<16xi32>
        %and3A_316 = arith.andi %get3A_305, %and3A_315 : vector<16xi32>
        %mul3A_317 = arith.constant 16 : i32
        %mul3A_318 = arith.muli %add3A_300, %mul3A_317 : i32
        %swap3A_319 = arith.constant 0 : i32
        %swap3A_320 = arith.index_cast %swap3A_319 : i32 to index
        %swap3A_321 = arith.index_cast %mul3A_318 : i32 to index
        %swap3A_322 = tpu.vector_load %arg8[%swap3A_320, %swap3A_321] {strides = array<i32>} : memref<3x80xi32, #tpu.memory_space<vmem>>, vector<1x16xi32>,
        %swap3A_323 = vector.shape_cast %swap3A_322 : vector<1x16xi32> to vector<16xi32>
        %swap3A_324 = vector.shape_cast %and3A_316 : vector<16xi32> to vector<1x16xi32>
        tpu.vector_store %arg8[%swap3A_320, %swap3A_321], %swap3A_324 {strides = array<i32>} : memref<3x80xi32, #tpu.memory_space<vmem>>, vector<1x16xi32>,
      }
      %scan3A_249 = arith.constant 5 : i32
      %dma_start3A_250 = arith.constant 0 : i32
      %dma_start3A_251 = arith.constant 0 : i32
      %dma_start3A_252 = tpu.memref_slice %arg7[%dma_start3A_250, %dma_start3A_251] : memref<3x80xi32, #tpu.memory_space<vmem>> -> memref<1x80xi32, #tpu.memory_space<vmem>>
      %dma_start3A_253 = tpu.memref_squeeze %dma_start3A_252 : memref<1x80xi32, #tpu.memory_space<vmem>> -> memref<80xi32, #tpu.memory_space<vmem>>
      %dma_start3A_254 = arith.constant 0 : i32
      %dma_start3A_255 = arith.constant 0 : i32
      %dma_start3A_256 = tpu.memref_slice %arg2[%dma_start3A_254, %dma_start3A_255] : memref<10000x128xf32, #tpu.memory_space<hbm>> -> memref<10000x128xf32, #tpu.memory_space<hbm>>
      tpu.enqueue_indirect_dma source(%dma_start3A_256 : memref<10000x128xf32, #tpu.memory_space<hbm>>) target(%arg9 : memref<80x128xf32, #tpu.memory_space<vmem>>) offsets(%dma_start3A_253 : memref<80xi32, #tpu.memory_space<vmem>>) semaphore(%arg13 : memref<!tpu.dma_semaphore, #tpu.memory_space<semaphore_mem>>)
      %mul3A_257 = arith.constant 3 : i32
      %mul3A_258 = arith.muli %mul3A_257, %add3A_180 : i32
      %add3A_259 = arith.constant 2 : i32
      %add3A_260 = arith.addi %mul3A_258, %add3A_259 : i32
      %dma_wait3A_261 = arith.constant 2 : i32
      %dma_wait3A_262 = arith.constant 0 : i32
      %dma_wait3A_263 = tpu.memref_slice %arg7[%dma_wait3A_261, %dma_wait3A_262] : memref<3x80xi32, #tpu.memory_space<vmem>> -> memref<1x80xi32, #tpu.memory_space<vmem>>
      %dma_wait3A_264 = tpu.memref_squeeze %dma_wait3A_263 : memref<1x80xi32, #tpu.memory_space<vmem>> -> memref<80xi32, #tpu.memory_space<vmem>>
      %dma_wait3A_265 = arith.constant 0 : i32
      %dma_wait3A_266 = arith.constant 0 : i32
      %dma_wait3A_267 = tpu.memref_slice %arg2[%dma_wait3A_265, %dma_wait3A_266] : memref<10000x128xf32, #tpu.memory_space<hbm>> -> memref<10000x128xf32, #tpu.memory_space<hbm>>
      tpu.wait_indirect_dma semaphore(%arg15 : memref<!tpu.dma_semaphore, #tpu.memory_space<semaphore_mem>>) src(%dma_wait3A_267 : memref<10000x128xf32, #tpu.memory_space<hbm>>) dst(%arg11 : memref<80x128xf32, #tpu.memory_space<vmem>>)
      %dma_start3A_268 = arith.constant 2 : i32
      %dma_start3A_269 = arith.constant 0 : i32
      %dma_start3A_270 = tpu.memref_slice %arg8[%dma_start3A_268, %dma_start3A_269] : memref<3x80xi32, #tpu.memory_space<vmem>> -> memref<1x80xi32, #tpu.memory_space<vmem>>
      %dma_start3A_271 = tpu.memref_squeeze %dma_start3A_270 : memref<1x80xi32, #tpu.memory_space<vmem>> -> memref<80xi32, #tpu.memory_space<vmem>>
      %dma_start3A_272 = arith.constant 0 : i32
      %dma_start3A_273 = arith.constant 0 : i32
      %dma_start3A_274 = tpu.memref_slice %arg12[%dma_start3A_272, %dma_start3A_273] : memref<10000x128xf32, #tpu.memory_space<vmem_shared>> -> memref<10000x128xf32, #tpu.memory_space<vmem_shared>>
      tpu.enqueue_indirect_dma source(%arg11 : memref<80x128xf32, #tpu.memory_space<vmem>>) target(%dma_start3A_274 : memref<10000x128xf32, #tpu.memory_space<vmem_shared>>) offsets(%dma_start3A_271 : memref<80xi32, #tpu.memory_space<vmem>>) semaphore(%arg18 : memref<!tpu.dma_semaphore, #tpu.memory_space<semaphore_mem>>) {add = true}
      %dma_wait3A_275 = arith.constant 1 : i32
      %dma_wait3A_276 = arith.constant 0 : i32
      %dma_wait3A_277 = tpu.memref_slice %arg8[%dma_wait3A_275, %dma_wait3A_276] : memref<3x80xi32, #tpu.memory_space<vmem>> -> memref<1x80xi32, #tpu.memory_space<vmem>>
      %dma_wait3A_278 = tpu.memref_squeeze %dma_wait3A_277 : memref<1x80xi32, #tpu.memory_space<vmem>> -> memref<80xi32, #tpu.memory_space<vmem>>
      %dma_wait3A_279 = arith.constant 0 : i32
      %dma_wait3A_280 = arith.constant 0 : i32
      %dma_wait3A_281 = tpu.memref_slice %arg12[%dma_wait3A_279, %dma_wait3A_280] : memref<10000x128xf32, #tpu.memory_space<vmem_shared>> -> memref<10000x128xf32, #tpu.memory_space<vmem_shared>>
      tpu.wait_indirect_dma semaphore(%arg17 : memref<!tpu.dma_semaphore, #tpu.memory_space<semaphore_mem>>) src(%arg10 : memref<80x128xf32, #tpu.memory_space<vmem>>) dst(%dma_wait3A_281 : memref<10000x128xf32, #tpu.memory_space<vmem_shared>>)
      %add3A_282 = arith.constant 2 : i32
      %add3A_283 = arith.addi %add3A_260, %add3A_282 : i32
      %scan3A_284 = arith.constant 0 : i32
      %scan3A_285 = arith.constant 5 : i32
      %scan3A_286 = arith.addi %scan3A_284, %scan3A_285 : i32
      %scan3A_287 = arith.constant 1 : i32
      scf.for %scan3A_296 = %scan3A_284 to %scan3A_286 step %scan3A_287  : i32 {
        %mul3A_297 = arith.constant 1 : i32
        %mul3A_298 = arith.muli %scan3A_296, %mul3A_297 : i32
        %add3A_299 = arith.constant 0 : i32
        %add3A_300 = arith.addi %add3A_299, %mul3A_298 : i32
        %mul3A_301 = arith.constant 16 : i32
        %mul3A_302 = arith.muli %add3A_300, %mul3A_301 : i32
        %get3A = arith.index_cast %add3A_283 : i32 to index
        %get3A_303 = arith.index_cast %mul3A_302 : i32 to index
        %get3A_304 = tpu.vector_load %arg6[%get3A, %get3A_303] {strides = array<i32>} : memref<125x80xi32, #tpu.memory_space<vmem>>, vector<1x16xi32>,
        %get3A_305 = vector.shape_cast %get3A_304 : vector<1x16xi32> to vector<16xi32>
        %shift_right_arithmetic3A = arith.constant 14 : i32
        %shift_right_arithmetic3A_306 = vector.broadcast %shift_right_arithmetic3A : i32 to vector<16xi32>
        %shift_right_arithmetic3A_307 = arith.shrsi %get3A_305, %shift_right_arithmetic3A_306 : vector<16xi32>
        %mul3A_308 = arith.constant 16 : i32
        %mul3A_309 = arith.muli %add3A_300, %mul3A_308 : i32
        %swap3A = arith.constant 1 : i32
        %swap3A_310 = arith.index_cast %swap3A : i32 to index
        %swap3A_311 = arith.index_cast %mul3A_309 : i32 to index
        %swap3A_312 = tpu.vector_load %arg7[%swap3A_310, %swap3A_311] {strides = array<i32>} : memref<3x80xi32, #tpu.memory_space<vmem>>, vector<1x16xi32>,
        %swap3A_313 = vector.shape_cast %swap3A_312 : vector<1x16xi32> to vector<16xi32>
        %swap3A_314 = vector.shape_cast %shift_right_arithmetic3A_307 : vector<16xi32> to vector<1x16xi32>
        tpu.vector_store %arg7[%swap3A_310, %swap3A_311], %swap3A_314 {strides = array<i32>} : memref<3x80xi32, #tpu.memory_space<vmem>>, vector<1x16xi32>,
        %and3A = arith.constant 16383 : i32
        %and3A_315 = vector.broadcast %and3A : i32 to vector<16xi32>
        %and3A_316 = arith.andi %get3A_305, %and3A_315 : vector<16xi32>
        %mul3A_317 = arith.constant 16 : i32
        %mul3A_318 = arith.muli %add3A_300, %mul3A_317 : i32
        %swap3A_319 = arith.constant 1 : i32
        %swap3A_320 = arith.index_cast %swap3A_319 : i32 to index
        %swap3A_321 = arith.index_cast %mul3A_318 : i32 to index
        %swap3A_322 = tpu.vector_load %arg8[%swap3A_320, %swap3A_321] {strides = array<i32>} : memref<3x80xi32, #tpu.memory_space<vmem>>, vector<1x16xi32>,
        %swap3A_323 = vector.shape_cast %swap3A_322 : vector<1x16xi32> to vector<16xi32>
        %swap3A_324 = vector.shape_cast %and3A_316 : vector<16xi32> to vector<1x16xi32>
        tpu.vector_store %arg8[%swap3A_320, %swap3A_321], %swap3A_324 {strides = array<i32>} : memref<3x80xi32, #tpu.memory_space<vmem>>, vector<1x16xi32>,
      }
      %scan3A_288 = arith.constant 5 : i32
      %dma_start3A_289 = arith.constant 1 : i32
      %dma_start3A_290 = arith.constant 0 : i32
      %dma_start3A_291 = tpu.memref_slice %arg7[%dma_start3A_289, %dma_start3A_290] : memref<3x80xi32, #tpu.memory_space<vmem>> -> memref<1x80xi32, #tpu.memory_space<vmem>>
      %dma_start3A_292 = tpu.memref_squeeze %dma_start3A_291 : memref<1x80xi32, #tpu.memory_space<vmem>> -> memref<80xi32, #tpu.memory_space<vmem>>
      %dma_start3A_293 = arith.constant 0 : i32
      %dma_start3A_294 = arith.constant 0 : i32
      %dma_start3A_295 = tpu.memref_slice %arg2[%dma_start3A_293, %dma_start3A_294] : memref<10000x128xf32, #tpu.memory_space<hbm>> -> memref<10000x128xf32, #tpu.memory_space<hbm>>
      tpu.enqueue_indirect_dma source(%dma_start3A_295 : memref<10000x128xf32, #tpu.memory_space<hbm>>) target(%arg10 : memref<80x128xf32, #tpu.memory_space<vmem>>) offsets(%dma_start3A_292 : memref<80xi32, #tpu.memory_space<vmem>>) semaphore(%arg14 : memref<!tpu.dma_semaphore, #tpu.memory_space<semaphore_mem>>)
    }
    %scan3A_120 = arith.constant 40 : i32
    %dma_wait3A_121 = arith.constant 0 : i32
    %dma_wait3A_122 = arith.constant 0 : i32
    %dma_wait3A_123 = tpu.memref_slice %arg7[%dma_wait3A_121, %dma_wait3A_122] : memref<3x80xi32, #tpu.memory_space<vmem>> -> memref<1x80xi32, #tpu.memory_space<vmem>>
    %dma_wait3A_124 = tpu.memref_squeeze %dma_wait3A_123 : memref<1x80xi32, #tpu.memory_space<vmem>> -> memref<80xi32, #tpu.memory_space<vmem>>
    %dma_wait3A_125 = arith.constant 0 : i32
    %dma_wait3A_126 = arith.constant 0 : i32
    %dma_wait3A_127 = tpu.memref_slice %arg2[%dma_wait3A_125, %dma_wait3A_126] : memref<10000x128xf32, #tpu.memory_space<hbm>> -> memref<10000x128xf32, #tpu.memory_space<hbm>>
    tpu.wait_indirect_dma semaphore(%arg13 : memref<!tpu.dma_semaphore, #tpu.memory_space<semaphore_mem>>) src(%dma_wait3A_127 : memref<10000x128xf32, #tpu.memory_space<hbm>>) dst(%arg9 : memref<80x128xf32, #tpu.memory_space<vmem>>)
    %dma_start3A_128 = arith.constant 0 : i32
    %dma_start3A_129 = arith.constant 0 : i32
    %dma_start3A_130 = tpu.memref_slice %arg8[%dma_start3A_128, %dma_start3A_129] : memref<3x80xi32, #tpu.memory_space<vmem>> -> memref<1x80xi32, #tpu.memory_space<vmem>>
    %dma_start3A_131 = tpu.memref_squeeze %dma_start3A_130 : memref<1x80xi32, #tpu.memory_space<vmem>> -> memref<80xi32, #tpu.memory_space<vmem>>
    %dma_start3A_132 = arith.constant 0 : i32
    %dma_start3A_133 = arith.constant 0 : i32
    %dma_start3A_134 = tpu.memref_slice %arg12[%dma_start3A_132, %dma_start3A_133] : memref<10000x128xf32, #tpu.memory_space<vmem_shared>> -> memref<10000x128xf32, #tpu.memory_space<vmem_shared>>
    tpu.enqueue_indirect_dma source(%arg9 : memref<80x128xf32, #tpu.memory_space<vmem>>) target(%dma_start3A_134 : memref<10000x128xf32, #tpu.memory_space<vmem_shared>>) offsets(%dma_start3A_131 : memref<80xi32, #tpu.memory_space<vmem>>) semaphore(%arg16 : memref<!tpu.dma_semaphore, #tpu.memory_space<semaphore_mem>>) {add = true}
    %dma_wait3A_135 = arith.constant 1 : i32
    %dma_wait3A_136 = arith.constant 0 : i32
    %dma_wait3A_137 = tpu.memref_slice %arg7[%dma_wait3A_135, %dma_wait3A_136] : memref<3x80xi32, #tpu.memory_space<vmem>> -> memref<1x80xi32, #tpu.memory_space<vmem>>
    %dma_wait3A_138 = tpu.memref_squeeze %dma_wait3A_137 : memref<1x80xi32, #tpu.memory_space<vmem>> -> memref<80xi32, #tpu.memory_space<vmem>>
    %dma_wait3A_139 = arith.constant 0 : i32
    %dma_wait3A_140 = arith.constant 0 : i32
    %dma_wait3A_141 = tpu.memref_slice %arg2[%dma_wait3A_139, %dma_wait3A_140] : memref<10000x128xf32, #tpu.memory_space<hbm>> -> memref<10000x128xf32, #tpu.memory_space<hbm>>
    tpu.wait_indirect_dma semaphore(%arg14 : memref<!tpu.dma_semaphore, #tpu.memory_space<semaphore_mem>>) src(%dma_wait3A_141 : memref<10000x128xf32, #tpu.memory_space<hbm>>) dst(%arg10 : memref<80x128xf32, #tpu.memory_space<vmem>>)
    %dma_start3A_142 = arith.constant 1 : i32
    %dma_start3A_143 = arith.constant 0 : i32
    %dma_start3A_144 = tpu.memref_slice %arg8[%dma_start3A_142, %dma_start3A_143] : memref<3x80xi32, #tpu.memory_space<vmem>> -> memref<1x80xi32, #tpu.memory_space<vmem>>
    %dma_start3A_145 = tpu.memref_squeeze %dma_start3A_144 : memref<1x80xi32, #tpu.memory_space<vmem>> -> memref<80xi32, #tpu.memory_space<vmem>>
    %dma_start3A_146 = arith.constant 0 : i32
    %dma_start3A_147 = arith.constant 0 : i32
    %dma_start3A_148 = tpu.memref_slice %arg12[%dma_start3A_146, %dma_start3A_147] : memref<10000x128xf32, #tpu.memory_space<vmem_shared>> -> memref<10000x128xf32, #tpu.memory_space<vmem_shared>>
    tpu.enqueue_indirect_dma source(%arg10 : memref<80x128xf32, #tpu.memory_space<vmem>>) target(%dma_start3A_148 : memref<10000x128xf32, #tpu.memory_space<vmem_shared>>) offsets(%dma_start3A_145 : memref<80xi32, #tpu.memory_space<vmem>>) semaphore(%arg17 : memref<!tpu.dma_semaphore, #tpu.memory_space<semaphore_mem>>) {add = true}
    %dma_wait3A_149 = arith.constant 2 : i32
    %dma_wait3A_150 = arith.constant 0 : i32
    %dma_wait3A_151 = tpu.memref_slice %arg8[%dma_wait3A_149, %dma_wait3A_150] : memref<3x80xi32, #tpu.memory_space<vmem>> -> memref<1x80xi32, #tpu.memory_space<vmem>>
    %dma_wait3A_152 = tpu.memref_squeeze %dma_wait3A_151 : memref<1x80xi32, #tpu.memory_space<vmem>> -> memref<80xi32, #tpu.memory_space<vmem>>
    %dma_wait3A_153 = arith.constant 0 : i32
    %dma_wait3A_154 = arith.constant 0 : i32
    %dma_wait3A_155 = tpu.memref_slice %arg12[%dma_wait3A_153, %dma_wait3A_154] : memref<10000x128xf32, #tpu.memory_space<vmem_shared>> -> memref<10000x128xf32, #tpu.memory_space<vmem_shared>>
    tpu.wait_indirect_dma semaphore(%arg18 : memref<!tpu.dma_semaphore, #tpu.memory_space<semaphore_mem>>) src(%arg11 : memref<80x128xf32, #tpu.memory_space<vmem>>) dst(%dma_wait3A_155 : memref<10000x128xf32, #tpu.memory_space<vmem_shared>>)
    %dma_wait3A_156 = arith.constant 0 : i32
    %dma_wait3A_157 = arith.constant 0 : i32
    %dma_wait3A_158 = tpu.memref_slice %arg8[%dma_wait3A_156, %dma_wait3A_157] : memref<3x80xi32, #tpu.memory_space<vmem>> -> memref<1x80xi32, #tpu.memory_space<vmem>>
    %dma_wait3A_159 = tpu.memref_squeeze %dma_wait3A_158 : memref<1x80xi32, #tpu.memory_space<vmem>> -> memref<80xi32, #tpu.memory_space<vmem>>
    %dma_wait3A_160 = arith.constant 0 : i32
    %dma_wait3A_161 = arith.constant 0 : i32
    %dma_wait3A_162 = tpu.memref_slice %arg12[%dma_wait3A_160, %dma_wait3A_161] : memref<10000x128xf32, #tpu.memory_space<vmem_shared>> -> memref<10000x128xf32, #tpu.memory_space<vmem_shared>>
    tpu.wait_indirect_dma semaphore(%arg16 : memref<!tpu.dma_semaphore, #tpu.memory_space<semaphore_mem>>) src(%arg9 : memref<80x128xf32, #tpu.memory_space<vmem>>) dst(%dma_wait3A_162 : memref<10000x128xf32, #tpu.memory_space<vmem_shared>>)
    %dma_wait3A_163 = arith.constant 1 : i32
    %dma_wait3A_164 = arith.constant 0 : i32
    %dma_wait3A_165 = tpu.memref_slice %arg8[%dma_wait3A_163, %dma_wait3A_164] : memref<3x80xi32, #tpu.memory_space<vmem>> -> memref<1x80xi32, #tpu.memory_space<vmem>>
    %dma_wait3A_166 = tpu.memref_squeeze %dma_wait3A_165 : memref<1x80xi32, #tpu.memory_space<vmem>> -> memref<80xi32, #tpu.memory_space<vmem>>
    %dma_wait3A_167 = arith.constant 0 : i32
    %dma_wait3A_168 = arith.constant 0 : i32
    %dma_wait3A_169 = tpu.memref_slice %arg12[%dma_wait3A_167, %dma_wait3A_168] : memref<10000x128xf32, #tpu.memory_space<vmem_shared>> -> memref<10000x128xf32, #tpu.memory_space<vmem_shared>>
    tpu.wait_indirect_dma semaphore(%arg17 : memref<!tpu.dma_semaphore, #tpu.memory_space<semaphore_mem>>) src(%arg10 : memref<80x128xf32, #tpu.memory_space<vmem>>) dst(%dma_wait3A_169 : memref<10000x128xf32, #tpu.memory_space<vmem_shared>>)
    %barrier3A_170 = arith.constant 0 : index
    tpu.barrier barrier_id(%barrier3A_170)
    %lt3A_171 = arith.constant 10 : i32
    %lt3A_172 = arith.cmpi slt, %arg1, %lt3A_171 : i32
    %convert_element_type3A_173 = arith.extui %lt3A_172 : i1 to i32
    %cond3A_174 = arith.constant 0 : i32
    %cond3A_175 = arith.cmpi ne, %convert_element_type3A_173, %cond3A_174 : i32
    scf.if %cond3A_175 {
      %scan3A_176 = arith.constant 0 : i32
      %scan3A_177 = arith.constant 5 : i32
      %scan3A_178 = arith.addi %scan3A_176, %scan3A_177 : i32
      %scan3A_179 = arith.constant 1 : i32
      scf.for %scan3A_181 = %scan3A_176 to %scan3A_178 step %scan3A_179  : i32 {
        %mul3A_182 = arith.constant 1 : i32
        %mul3A_183 = arith.muli %scan3A_181, %mul3A_182 : i32
        %add3A_184 = arith.constant 0 : i32
        %add3A_185 = arith.addi %add3A_184, %mul3A_183 : i32
        %mul3A_186 = arith.constant 1000 : i32
        %mul3A_187 = arith.muli %arg1, %mul3A_186 : i32
        %mul3A_188 = arith.constant 200 : i32
        %mul3A_189 = arith.muli %add3A_185, %mul3A_188 : i32
        %add3A_190 = arith.addi %mul3A_187, %mul3A_189 : i32
        "tpu.region"() ({
          %run_scoped3A = tpu.sem_alloc : memref<!tpu.dma_semaphore, #tpu.memory_space<semaphore_mem>>
          %dma_start3A_191 = arith.constant 0 : i32
          %dma_start3A_192 = tpu.memref_slice %arg5[%arg0, %add3A_190, %dma_start3A_191] : memref<2x10000x128xf32, #tpu.memory_space<hbm>> -> memref<1x200x128xf32, #tpu.memory_space<hbm>>
          %dma_start3A_193 = tpu.memref_squeeze %dma_start3A_192 : memref<1x200x128xf32, #tpu.memory_space<hbm>> -> memref<200x128xf32, #tpu.memory_space<hbm>>
          %dma_start3A_194 = arith.constant 0 : i32
          %dma_start3A_195 = tpu.memref_slice %arg12[%add3A_190, %dma_start3A_194] : memref<10000x128xf32, #tpu.memory_space<vmem_shared>> -> memref<200x128xf32, #tpu.memory_space<vmem_shared>>
          tpu.enqueue_dma source(%dma_start3A_195 : memref<200x128xf32, #tpu.memory_space<vmem_shared>>) target(%dma_start3A_193 : memref<200x128xf32, #tpu.memory_space<hbm>>) target_semaphore(%run_scoped3A : memref<!tpu.dma_semaphore, #tpu.memory_space<semaphore_mem>>)
          %dma_wait3A_196 = arith.constant 0 : i32
          %dma_wait3A_197 = tpu.memref_slice %arg5[%arg0, %add3A_190, %dma_wait3A_196] : memref<2x10000x128xf32, #tpu.memory_space<hbm>> -> memref<1x200x128xf32, #tpu.memory_space<hbm>>
          %dma_wait3A_198 = tpu.memref_squeeze %dma_wait3A_197 : memref<1x200x128xf32, #tpu.memory_space<hbm>> -> memref<200x128xf32, #tpu.memory_space<hbm>>
          %dma_wait3A_199 = arith.constant 0 : i32
          %dma_wait3A_200 = tpu.memref_slice %arg12[%add3A_190, %dma_wait3A_199] : memref<10000x128xf32, #tpu.memory_space<vmem_shared>> -> memref<200x128xf32, #tpu.memory_space<vmem_shared>>
          tpu.wait_dma2 semaphore(%run_scoped3A : memref<!tpu.dma_semaphore, #tpu.memory_space<semaphore_mem>>) src(%dma_wait3A_200 : memref<200x128xf32, #tpu.memory_space<vmem_shared>>) dst(%dma_wait3A_198 : memref<200x128xf32, #tpu.memory_space<hbm>>)
          tpu.yield
        }) : () -> ()
      }
      %scan3A_180 = arith.constant 5 : i32
    } else {
    }
    return
  }
}

module attributes {stable_mosaic.version = 14 : i64} {
  func.func @_phase_a_body(%arg0: i32, %arg1: memref<2000x128xf32, #tpu.memory_space<vmem>>, %arg2: memref<128x384xf32, #tpu.memory_space<vmem>>, %arg3: memref<2000x384xf32, #tpu.memory_space<vmem>>, %arg4: memref<2000x128xf32, #tpu.memory_space<vmem>>) attributes {dimension_semantics = [#tpu.dimension_semantics<arbitrary>], iteration_bounds = array<i64: 5>, scalar_prefetch = 0 : i64, scratch_operands = 0 : i64, tpu.core_type = #tpu.core_type<tc>, window_params = [{transform_indices = @transform_0, window_bounds = array<i64: 2000, 128>}, {pipeline_mode = #tpu.pipeline_mode<synchronous>, transform_indices = @transform_1, window_bounds = array<i64: 128, 384>}, {transform_indices = @transform_2, window_bounds = array<i64: 2000, 384>}, {transform_indices = @transform_3, window_bounds = array<i64: 2000, 128>}]} {
    %get3A = arith.constant 0 : index
    %get3A_0 = arith.constant 0 : index
    %get3A_1 = vector.load %arg1[%get3A, %get3A_0] : memref<2000x128xf32, #tpu.memory_space<vmem>>, vector<2000x128xf32>
    %get3A_2 = arith.constant 0 : index
    %get3A_3 = arith.constant 0 : index
    %get3A_4 = vector.load %arg2[%get3A_2, %get3A_3] : memref<128x384xf32, #tpu.memory_space<vmem>>, vector<128x384xf32>
    %dot_general3A = arith.constant dense<0.000000e+00> : vector<2000x384xf32>
    %dot_general3A_5 = tpu.matmul %get3A_1, %get3A_4, %dot_general3A {dimension_numbers = #tpu.dot_dimension_numbers<[1], [0], [0], [1], [0, 0, 1, 1], [], []>, transpose_lhs_hint = false} : vector<2000x128xf32>, vector<128x384xf32>, vector<2000x384xf32> -> vector<2000x384xf32>
    %swap3A = arith.constant 0 : index
    %swap3A_6 = arith.constant 0 : index
    %swap3A_7 = vector.load %arg3[%swap3A, %swap3A_6] : memref<2000x384xf32, #tpu.memory_space<vmem>>, vector<2000x384xf32>
    tpu.vector_store %arg3[%swap3A, %swap3A_6], %dot_general3A_5 {strides = array<i32>} : memref<2000x384xf32, #tpu.memory_space<vmem>>, vector<2000x384xf32>,
    %slice3A = vector.extract_strided_slice %dot_general3A_5 {offsets = [0, 0], sizes = [2000, 128], strides = [1, 1]} : vector<2000x384xf32> to vector<2000x128xf32>
    %logistic3A = arith.negf %slice3A : vector<2000x128xf32>
    %logistic3A_8 = math.exp %logistic3A : vector<2000x128xf32>
    %logistic3A_9 = arith.constant 1.000000e+00 : f32
    %logistic3A_10 = vector.broadcast %logistic3A_9 : f32 to vector<2000x128xf32>
    %logistic3A_11 = arith.addf %logistic3A_10, %logistic3A_8 : vector<2000x128xf32>
    %logistic3A_12 = arith.divf %logistic3A_10, %logistic3A_11 : vector<2000x128xf32>
    %slice3A_13 = vector.extract_strided_slice %dot_general3A_5 {offsets = [0, 256], sizes = [2000, 128], strides = [1, 1]} : vector<2000x384xf32> to vector<2000x128xf32>
    %tanh3A = math.tanh %slice3A_13 : vector<2000x128xf32>
    %mul3A = arith.mulf %logistic3A_12, %tanh3A : vector<2000x128xf32>
    %swap3A_14 = arith.constant 0 : index
    %swap3A_15 = arith.constant 0 : index
    %swap3A_16 = vector.load %arg4[%swap3A_14, %swap3A_15] : memref<2000x128xf32, #tpu.memory_space<vmem>>, vector<2000x128xf32>
    tpu.vector_store %arg4[%swap3A_14, %swap3A_15], %mul3A {strides = array<i32>} : memref<2000x128xf32, #tpu.memory_space<vmem>>, vector<2000x128xf32>,
    return
  }
  func.func @transform_0(%arg0: i32) -> (i32, i32) {
    %c0_i32 = arith.constant 0 : i32
    %c0_i32_0 = arith.constant 0 : i32
    return %arg0, %c0_i32 : i32, i32
  }
  func.func @transform_1(%arg0: i32) -> (i32, i32) {
    %c0_i32 = arith.constant 0 : i32
    %c0_i32_0 = arith.constant 0 : i32
    %c0_i32_1 = arith.constant 0 : i32
    return %c0_i32, %c0_i32_0 : i32, i32
  }
  func.func @transform_2(%arg0: i32) -> (i32, i32) {
    %c0_i32 = arith.constant 0 : i32
    %c0_i32_0 = arith.constant 0 : i32
    return %arg0, %c0_i32 : i32, i32
  }
  func.func @transform_3(%arg0: i32) -> (i32, i32) {
    %c0_i32 = arith.constant 0 : i32
    %c0_i32_0 = arith.constant 0 : i32
    return %arg0, %c0_i32 : i32, i32
  }
}

module attributes {stable_mosaic.version = 14 : i64} {
  func.func @_gru_body(%arg0: i32, %arg1: memref<2000x384xf32, #tpu.memory_space<vmem>>, %arg2: memref<2000x128xf32, #tpu.memory_space<vmem>>, %arg3: memref<1x2000x128xf32, #tpu.memory_space<vmem>>, %arg4: memref<1x2000x128xf32, #tpu.memory_space<vmem>>, %arg5: memref<128x128xf32, #tpu.memory_space<vmem>>, %arg6: memref<128x128xf32, #tpu.memory_space<vmem>>, %arg7: memref<128x128xf32, #tpu.memory_space<vmem>>, %arg8: memref<2000x128xf32, #tpu.memory_space<vmem>>) attributes {dimension_semantics = [#tpu.dimension_semantics<arbitrary>], iteration_bounds = array<i64: 5>, scalar_prefetch = 0 : i64, scratch_operands = 0 : i64, tpu.core_type = #tpu.core_type<tc>, window_params = [{transform_indices = @transform_0, window_bounds = array<i64: 2000, 384>}, {transform_indices = @transform_1, window_bounds = array<i64: 2000, 128>}, {transform_indices = @transform_2, window_bounds = array<i64: 1, 2000, 128>}, {transform_indices = @transform_3, window_bounds = array<i64: 1, 2000, 128>}, {pipeline_mode = #tpu.pipeline_mode<synchronous>, transform_indices = @transform_4, window_bounds = array<i64: 128, 128>}, {pipeline_mode = #tpu.pipeline_mode<synchronous>, transform_indices = @transform_5, window_bounds = array<i64: 128, 128>}, {pipeline_mode = #tpu.pipeline_mode<synchronous>, transform_indices = @transform_6, window_bounds = array<i64: 128, 128>}, {transform_indices = @transform_7, window_bounds = array<i64: 2000, 128>}]} {
    %get3A = arith.constant 0 : index
    %get3A_0 = arith.constant 0 : index
    %get3A_1 = arith.constant 0 : index
    %get3A_2 = vector.load %arg3[%get3A, %get3A_0, %get3A_1] : memref<1x2000x128xf32, #tpu.memory_space<vmem>>, vector<1x2000x128xf32>
    %get3A_3 = vector.shape_cast %get3A_2 : vector<1x2000x128xf32> to vector<2000x128xf32>
    %get3A_4 = arith.constant 0 : index
    %get3A_5 = arith.constant 0 : index
    %get3A_6 = arith.constant 0 : index
    %get3A_7 = vector.load %arg4[%get3A_4, %get3A_5, %get3A_6] : memref<1x2000x128xf32, #tpu.memory_space<vmem>>, vector<1x2000x128xf32>
    %get3A_8 = vector.shape_cast %get3A_7 : vector<1x2000x128xf32> to vector<2000x128xf32>
    %add3A = arith.addf %get3A_3, %get3A_8 : vector<2000x128xf32>
    %get3A_9 = arith.constant 0 : index
    %get3A_10 = arith.constant 0 : index
    %get3A_11 = vector.load %arg1[%get3A_9, %get3A_10] : memref<2000x384xf32, #tpu.memory_space<vmem>>, vector<2000x384xf32>
    %get3A_12 = arith.constant 0 : index
    %get3A_13 = arith.constant 0 : index
    %get3A_14 = vector.load %arg2[%get3A_12, %get3A_13] : memref<2000x128xf32, #tpu.memory_space<vmem>>, vector<2000x128xf32>
    %slice3A = vector.extract_strided_slice %get3A_11 {offsets = [0, 0], sizes = [2000, 128], strides = [1, 1]} : vector<2000x384xf32> to vector<2000x128xf32>
    %get3A_15 = arith.constant 0 : index
    %get3A_16 = arith.constant 0 : index
    %get3A_17 = vector.load %arg5[%get3A_15, %get3A_16] : memref<128x128xf32, #tpu.memory_space<vmem>>, vector<128x128xf32>
    %dot_general3A = arith.constant dense<0.000000e+00> : vector<2000x128xf32>
    %dot_general3A_18 = tpu.matmul %add3A, %get3A_17, %dot_general3A {dimension_numbers = #tpu.dot_dimension_numbers<[1], [0], [0], [1], [0, 0, 1, 1], [], []>, transpose_lhs_hint = false} : vector<2000x128xf32>, vector<128x128xf32>, vector<2000x128xf32> -> vector<2000x128xf32>
    %add3A_19 = arith.addf %slice3A, %dot_general3A_18 : vector<2000x128xf32>
    %logistic3A = arith.negf %add3A_19 : vector<2000x128xf32>
    %logistic3A_20 = math.exp %logistic3A : vector<2000x128xf32>
    %logistic3A_21 = arith.constant 1.000000e+00 : f32
    %logistic3A_22 = vector.broadcast %logistic3A_21 : f32 to vector<2000x128xf32>
    %logistic3A_23 = arith.addf %logistic3A_22, %logistic3A_20 : vector<2000x128xf32>
    %logistic3A_24 = arith.divf %logistic3A_22, %logistic3A_23 : vector<2000x128xf32>
    %slice3A_25 = vector.extract_strided_slice %get3A_11 {offsets = [0, 128], sizes = [2000, 128], strides = [1, 1]} : vector<2000x384xf32> to vector<2000x128xf32>
    %get3A_26 = arith.constant 0 : index
    %get3A_27 = arith.constant 0 : index
    %get3A_28 = vector.load %arg6[%get3A_26, %get3A_27] : memref<128x128xf32, #tpu.memory_space<vmem>>, vector<128x128xf32>
    %dot_general3A_29 = arith.constant dense<0.000000e+00> : vector<2000x128xf32>
    %dot_general3A_30 = tpu.matmul %get3A_14, %get3A_28, %dot_general3A_29 {dimension_numbers = #tpu.dot_dimension_numbers<[1], [0], [0], [1], [0, 0, 1, 1], [], []>, transpose_lhs_hint = false} : vector<2000x128xf32>, vector<128x128xf32>, vector<2000x128xf32> -> vector<2000x128xf32>
    %add3A_31 = arith.addf %slice3A_25, %dot_general3A_30 : vector<2000x128xf32>
    %logistic3A_32 = arith.negf %add3A_31 : vector<2000x128xf32>
    %logistic3A_33 = math.exp %logistic3A_32 : vector<2000x128xf32>
    %logistic3A_34 = arith.constant 1.000000e+00 : f32
    %logistic3A_35 = vector.broadcast %logistic3A_34 : f32 to vector<2000x128xf32>
    %logistic3A_36 = arith.addf %logistic3A_35, %logistic3A_33 : vector<2000x128xf32>
    %logistic3A_37 = arith.divf %logistic3A_35, %logistic3A_36 : vector<2000x128xf32>
    %slice3A_38 = vector.extract_strided_slice %get3A_11 {offsets = [0, 256], sizes = [2000, 128], strides = [1, 1]} : vector<2000x384xf32> to vector<2000x128xf32>
    %mul3A = arith.mulf %logistic3A_37, %add3A : vector<2000x128xf32>
    %get3A_39 = arith.constant 0 : index
    %get3A_40 = arith.constant 0 : index
    %get3A_41 = vector.load %arg7[%get3A_39, %get3A_40] : memref<128x128xf32, #tpu.memory_space<vmem>>, vector<128x128xf32>
    %dot_general3A_42 = arith.constant dense<0.000000e+00> : vector<2000x128xf32>
    %dot_general3A_43 = tpu.matmul %mul3A, %get3A_41, %dot_general3A_42 {dimension_numbers = #tpu.dot_dimension_numbers<[1], [0], [0], [1], [0, 0, 1, 1], [], []>, transpose_lhs_hint = false} : vector<2000x128xf32>, vector<128x128xf32>, vector<2000x128xf32> -> vector<2000x128xf32>
    %add3A_44 = arith.addf %slice3A_38, %dot_general3A_43 : vector<2000x128xf32>
    %tanh3A = math.tanh %add3A_44 : vector<2000x128xf32>
    %sub3A = arith.constant 1.000000e+00 : f32
    %sub3A_45 = vector.broadcast %sub3A : f32 to vector<2000x128xf32>
    %sub3A_46 = arith.subf %sub3A_45, %logistic3A_24 : vector<2000x128xf32>
    %mul3A_47 = arith.mulf %sub3A_46, %add3A : vector<2000x128xf32>
    %mul3A_48 = arith.mulf %logistic3A_24, %tanh3A : vector<2000x128xf32>
    %add3A_49 = arith.addf %mul3A_47, %mul3A_48 : vector<2000x128xf32>
    %swap3A = arith.constant 0 : index
    %swap3A_50 = arith.constant 0 : index
    %swap3A_51 = vector.load %arg8[%swap3A, %swap3A_50] : memref<2000x128xf32, #tpu.memory_space<vmem>>, vector<2000x128xf32>
    tpu.vector_store %arg8[%swap3A, %swap3A_50], %add3A_49 {strides = array<i32>} : memref<2000x128xf32, #tpu.memory_space<vmem>>, vector<2000x128xf32>,
    return
  }
  func.func @transform_0(%arg0: i32) -> (i32, i32) {
    %c0_i32 = arith.constant 0 : i32
    %c0_i32_0 = arith.constant 0 : i32
    return %arg0, %c0_i32 : i32, i32
  }
  func.func @transform_1(%arg0: i32) -> (i32, i32) {
    %c0_i32 = arith.constant 0 : i32
    %c0_i32_0 = arith.constant 0 : i32
    return %arg0, %c0_i32 : i32, i32
  }
  func.func @transform_2(%arg0: i32) -> (i32, i32, i32) {
    %c0_i32 = arith.constant 0 : i32
    %c0_i32_0 = arith.constant 0 : i32
    %c0_i32_1 = arith.constant 0 : i32
    return %c0_i32, %arg0, %c0_i32_0 : i32, i32, i32
  }
  func.func @transform_3(%arg0: i32) -> (i32, i32, i32) {
    %c1_i32 = arith.constant 1 : i32
    %c0_i32 = arith.constant 0 : i32
    %c0_i32_0 = arith.constant 0 : i32
    return %c1_i32, %arg0, %c0_i32 : i32, i32, i32
  }
  func.func @transform_4(%arg0: i32) -> (i32, i32) {
    %c0_i32 = arith.constant 0 : i32
    %c0_i32_0 = arith.constant 0 : i32
    %c0_i32_1 = arith.constant 0 : i32
    return %c0_i32, %c0_i32_0 : i32, i32
  }
  func.func @transform_5(%arg0: i32) -> (i32, i32) {
    %c0_i32 = arith.constant 0 : i32
    %c0_i32_0 = arith.constant 0 : i32
    %c0_i32_1 = arith.constant 0 : i32
    return %c0_i32, %c0_i32_0 : i32, i32
  }
  func.func @transform_6(%arg0: i32) -> (i32, i32) {
    %c0_i32 = arith.constant 0 : i32
    %c0_i32_0 = arith.constant 0 : i32
    %c0_i32_1 = arith.constant 0 : i32
    return %c0_i32, %c0_i32_0 : i32, i32
  }
  func.func @transform_7(%arg0: i32) -> (i32, i32) {
    %c0_i32 = arith.constant 0 : i32
    %c0_i32_0 = arith.constant 0 : i32
    return %arg0, %c0_i32 : i32, i32
  }
}

module attributes {stable_mosaic.version = 14 : i64} {
  func.func @_final_body(%arg0: memref<10000x128xf32, #tpu.memory_space<vmem>>, %arg1: memref<2x10000x128xf32, #tpu.memory_space<vmem>>, %arg2: memref<128x128xf32, #tpu.memory_space<vmem>>, %arg3: memref<128x128xf32, #tpu.memory_space<vmem>>, %arg4: memref<128x56xf32, #tpu.memory_space<vmem>>, %arg5: memref<128x56xf32, #tpu.memory_space<vmem>>, %arg6: memref<100x56xf32, #tpu.memory_space<vmem>>, %arg7: memref<100x56xf32, #tpu.memory_space<vmem>>) attributes {dimension_semantics = [], scalar_prefetch = 0 : i64, scratch_operands = 0 : i64, tpu.core_type = #tpu.core_type<tc>} {
    %get3A = arith.constant 0 : index
    %get3A_0 = arith.constant 0 : index
    %get3A_1 = arith.constant 0 : index
    %get3A_2 = vector.load %arg1[%get3A, %get3A_0, %get3A_1] : memref<2x10000x128xf32, #tpu.memory_space<vmem>>, vector<1x10000x128xf32>
    %get3A_3 = vector.shape_cast %get3A_2 : vector<1x10000x128xf32> to vector<10000x128xf32>
    %get3A_4 = arith.constant 1 : index
    %get3A_5 = arith.constant 0 : index
    %get3A_6 = arith.constant 0 : index
    %get3A_7 = vector.load %arg1[%get3A_4, %get3A_5, %get3A_6] : memref<2x10000x128xf32, #tpu.memory_space<vmem>>, vector<1x10000x128xf32>
    %get3A_8 = vector.shape_cast %get3A_7 : vector<1x10000x128xf32> to vector<10000x128xf32>
    %add3A = arith.addf %get3A_3, %get3A_8 : vector<10000x128xf32>
    %get3A_9 = arith.constant 0 : index
    %get3A_10 = arith.constant 0 : index
    %get3A_11 = vector.load %arg0[%get3A_9, %get3A_10] : memref<10000x128xf32, #tpu.memory_space<vmem>>, vector<10000x128xf32>
    %get3A_12 = arith.constant 0 : index
    %get3A_13 = arith.constant 0 : index
    %get3A_14 = vector.load %arg2[%get3A_12, %get3A_13] : memref<128x128xf32, #tpu.memory_space<vmem>>, vector<128x128xf32>
    %dot_general3A = arith.constant dense<0.000000e+00> : vector<10000x128xf32>
    %dot_general3A_15 = tpu.matmul %get3A_11, %get3A_14, %dot_general3A {dimension_numbers = #tpu.dot_dimension_numbers<[1], [0], [0], [1], [0, 0, 1, 1], [], []>, transpose_lhs_hint = false} : vector<10000x128xf32>, vector<128x128xf32>, vector<10000x128xf32> -> vector<10000x128xf32>
    %get3A_16 = arith.constant 0 : index
    %get3A_17 = arith.constant 0 : index
    %get3A_18 = vector.load %arg3[%get3A_16, %get3A_17] : memref<128x128xf32, #tpu.memory_space<vmem>>, vector<128x128xf32>
    %dot_general3A_19 = arith.constant dense<0.000000e+00> : vector<10000x128xf32>
    %dot_general3A_20 = tpu.matmul %add3A, %get3A_18, %dot_general3A_19 {dimension_numbers = #tpu.dot_dimension_numbers<[1], [0], [0], [1], [0, 0, 1, 1], [], []>, transpose_lhs_hint = false} : vector<10000x128xf32>, vector<128x128xf32>, vector<10000x128xf32> -> vector<10000x128xf32>
    %add3A_21 = arith.addf %dot_general3A_15, %dot_general3A_20 : vector<10000x128xf32>
    %max3A = arith.constant 0.000000e+00 : f32
    %max3A_22 = vector.broadcast %max3A : f32 to vector<10000x128xf32>
    %max3A_23 = arith.maximumf %add3A_21, %max3A_22 : vector<10000x128xf32>
    %iota3A = tpu.iota {dimensions = array<i32: 0>} : vector<100x10000xi32>
    %iota3A_24 = tpu.iota {dimensions = array<i32: 1>} : vector<100x10000xi32>
    %jit3A = arith.constant 100 : i32
    %div3A = vector.broadcast %jit3A : i32 to vector<100x10000xi32>
    %div3A_25 = arith.divsi %iota3A_24, %div3A : vector<100x10000xi32>
    %sign3A = arith.constant 0 : i32
    %sign3A_26 = vector.broadcast %sign3A : i32 to vector<100x10000xi32>
    %sign3A_27 = arith.cmpi sgt, %iota3A_24, %sign3A_26 : vector<100x10000xi32>
    %sign3A_28 = arith.extui %sign3A_27 : vector<100x10000xi1> to vector<100x10000xi32>
    %sign3A_29 = arith.constant 0 : i32
    %sign3A_30 = vector.broadcast %sign3A_29 : i32 to vector<100x10000xi32>
    %sign3A_31 = arith.cmpi slt, %iota3A_24, %sign3A_30 : vector<100x10000xi32>
    %sign3A_32 = arith.extui %sign3A_31 : vector<100x10000xi1> to vector<100x10000xi32>
    %sign3A_33 = arith.subi %sign3A_28, %sign3A_32 : vector<100x10000xi32>
    %sign3A_34 = arith.constant 0 : i32
    %sign3A_35 = arith.cmpi sgt, %jit3A, %sign3A_34 : i32
    %sign3A_36 = arith.extui %sign3A_35 : i1 to i32
    %sign3A_37 = arith.constant 0 : i32
    %sign3A_38 = arith.cmpi slt, %jit3A, %sign3A_37 : i32
    %sign3A_39 = arith.extui %sign3A_38 : i1 to i32
    %sign3A_40 = arith.subi %sign3A_36, %sign3A_39 : i32
    %ne3A = vector.broadcast %sign3A_40 : i32 to vector<100x10000xi32>
    %ne3A_41 = arith.cmpi ne, %sign3A_33, %ne3A : vector<100x10000xi32>
    %rem3A = vector.broadcast %jit3A : i32 to vector<100x10000xi32>
    %rem3A_42 = arith.remsi %iota3A_24, %rem3A : vector<100x10000xi32>
    %ne3A_43 = arith.constant 0 : i32
    %ne3A_44 = vector.broadcast %ne3A_43 : i32 to vector<100x10000xi32>
    %ne3A_45 = arith.cmpi ne, %rem3A_42, %ne3A_44 : vector<100x10000xi32>
    %and3A = arith.andi %ne3A_41, %ne3A_45 : vector<100x10000xi1>
    %sub3A = arith.constant 1 : i32
    %sub3A_46 = vector.broadcast %sub3A : i32 to vector<100x10000xi32>
    %sub3A_47 = arith.subi %div3A_25, %sub3A_46 : vector<100x10000xi32>
    %select_n3A = arith.select %and3A, %sub3A_47, %div3A_25 : vector<100x10000xi1>, vector<100x10000xi32>
    %eq3A = arith.cmpi eq, %select_n3A, %iota3A : vector<100x10000xi32>
    %jit3A_48 = arith.constant 0.00999999977 : f32
    %jit3A_49 = arith.constant 0.000000e+00 : f32
    %broadcast_in_dim3A = vector.broadcast %jit3A_48 : f32 to vector<100x10000xf32>
    %broadcast_in_dim3A_50 = vector.broadcast %jit3A_49 : f32 to vector<100x10000xf32>
    %select_n3A_51 = arith.select %eq3A, %broadcast_in_dim3A, %broadcast_in_dim3A_50 : vector<100x10000xi1>, vector<100x10000xf32>
    %dot_general3A_52 = arith.constant dense<0.000000e+00> : vector<100x128xf32>
    %dot_general3A_53 = tpu.matmul %select_n3A_51, %max3A_23, %dot_general3A_52 {dimension_numbers = #tpu.dot_dimension_numbers<[1], [0], [0], [1], [0, 0, 1, 1], [], []>, transpose_lhs_hint = false} : vector<100x10000xf32>, vector<10000x128xf32>, vector<100x128xf32> -> vector<100x128xf32>
    %get3A_54 = arith.constant 0 : index
    %get3A_55 = arith.constant 0 : index
    %get3A_56 = vector.load %arg4[%get3A_54, %get3A_55] : memref<128x56xf32, #tpu.memory_space<vmem>>, vector<128x56xf32>
    %dot_general3A_57 = arith.constant dense<0.000000e+00> : vector<100x56xf32>
    %dot_general3A_58 = tpu.matmul %dot_general3A_53, %get3A_56, %dot_general3A_57 {dimension_numbers = #tpu.dot_dimension_numbers<[1], [0], [0], [1], [0, 0, 1, 1], [], []>, transpose_lhs_hint = false} : vector<100x128xf32>, vector<128x56xf32>, vector<100x56xf32> -> vector<100x56xf32>
    %get3A_59 = arith.constant 0 : index
    %get3A_60 = arith.constant 0 : index
    %get3A_61 = vector.load %arg5[%get3A_59, %get3A_60] : memref<128x56xf32, #tpu.memory_space<vmem>>, vector<128x56xf32>
    %dot_general3A_62 = arith.constant dense<0.000000e+00> : vector<100x56xf32>
    %dot_general3A_63 = tpu.matmul %dot_general3A_53, %get3A_61, %dot_general3A_62 {dimension_numbers = #tpu.dot_dimension_numbers<[1], [0], [0], [1], [0, 0, 1, 1], [], []>, transpose_lhs_hint = false} : vector<100x128xf32>, vector<128x56xf32>, vector<100x56xf32> -> vector<100x56xf32>
    %abs3A = math.absf %dot_general3A_63 : vector<100x56xf32>
    %neg3A = arith.constant 0.000000e+00 : f32
    %neg3A_64 = vector.broadcast %neg3A : f32 to vector<100x56xf32>
    %neg3A_65 = arith.subf %neg3A_64, %abs3A : vector<100x56xf32>
    %mul3A = arith.constant 5.000000e-01 : f32
    %mul3A_66 = vector.broadcast %mul3A : f32 to vector<100x56xf32>
    %mul3A_67 = arith.mulf %neg3A_65, %mul3A_66 : vector<100x56xf32>
    %exp3A = math.exp %mul3A_67 : vector<100x56xf32>
    %get3A_68 = arith.constant 0 : index
    %get3A_69 = arith.constant 0 : index
    %get3A_70 = vector.load %arg6[%get3A_68, %get3A_69] : memref<100x56xf32, #tpu.memory_space<vmem>>, vector<100x56xf32>
    %mul3A_71 = arith.mulf %exp3A, %get3A_70 : vector<100x56xf32>
    %add3A_72 = arith.addf %dot_general3A_58, %mul3A_71 : vector<100x56xf32>
    %swap3A = arith.constant 0 : index
    %swap3A_73 = arith.constant 0 : index
    %swap3A_74 = vector.load %arg7[%swap3A, %swap3A_73] : memref<100x56xf32, #tpu.memory_space<vmem>>, vector<100x56xf32>
    tpu.vector_store %arg7[%swap3A, %swap3A_73], %add3A_72 {strides = array<i32>} : memref<100x56xf32, #tpu.memory_space<vmem>>, vector<100x56xf32>,
    return
  }
}

</mosaic_0001>

<sc_bundles>
// kernel: kernel.12.cloned.1.call-start
scs
__scs_entry_jumppad:
0x0: {  	(pc) =	sbr.rel $0x88, $3  }
0x1: {  	(tag) =	ssettag $0x0;
	lr =	simm.s32 $0x1  }
0x2: {  	[smem:$0x3F92] =	sst lr;
	_ =	strace $0xD0000000  }
0x3: {  	_ = 	snop  }
0x4: {  	_ = 	snop  }
0x5: {  	_ = 	snop  }
0x6: {  	_ = 	snop  }
0x7: {  	_ = 	snop  }
__scs_overlays_trampoline_lowered:
0x8: {  	[smem:$0x3FA1] =	sst s0  }
0x9: {  	[smem:$0x3FA2] =	sst s1  }
0xa: {  	[smem:$0x3FA3] =	sst s2  }
0xb: {  	[smem:$0x3FA4] =	sst s3  }
0xc: {  	[smem:$0x3FA5] =	sst s4  }
0xd: {  	[smem:$0x3FA6] =	sst s5  }
0xe: {  	[smem:$0x3FA7] =	sst s6  }
0xf: {  	[smem:$0x3FA8] =	sst s7  }
0x10: {  	[smem:$0x3FA9] =	sst s8  }
0x11: {  	[smem:$0x3FAA] =	sst s9;
	s0 =	simm.s32 @!p0 $0x0  }
0x12: {  	s1 =	sld [smem:$0x3F90];
	s0 =	simm.s32 @p0 $0x1  }
0x13: {  	[smem:$0x3FAB] =	sst s0;
	s0 =	simm.s32 @!p1 $0x0  }
0x14: {  	s2 =	sld [smem:$0x3F8F];
	s0 =	simm.s32 @p1 $0x1  }
0x15: {  	[smem:$0x3FAC] =	sst s0;
	s0 =	simm.s32 @!p2 $0x0  }
0x16: {  	s3 =	sld [smem:$0x3FDB];
	s0 =	simm.s32 @p2 $0x1  }
0x17: {  	s4 =	simm.s32 $0x1BF5;
	[smem:$0x3FAE] =	sst s0  }
0x18: {  	s0 =	sld [smem:$0x3F91];
	_ =	swait.ge [sflag:s4], $0x0  }
0x19: {  	s7 =	sld [smem:$0x3F92]  }
0x1a: {  	s8 =	sadd.s32 $0xFFFFE003, lr  }
0x1b: {  	s9 =	sadd.s32 $0xFFFFFEF7, lr;
	s5 =	simm.s32 $0xFFFFFFFF;
	p2 =	slt.u32 s8, $0xFFFFF086  }
0x1c: {  	p1 =	slt.u32 s9, $0xF7A;
	s5 =	simm.s32 @!p2 $0x0  }
0x1d: {  	s5 =	simm.s32 @p1 $0x1;
	p0 =	seq.s32 s7, s2  }
0x1e: {  	s7 =	smul.u32 @!p0 $0xF7A, s2;
	p2 =	seq.s32 @!p0 s5, $0x0  }
0x1f: {  	s9 =	smul.u32 $0xF7A, s1;
	s8 =	simm.s32 @!p0 $0x1BF5;
	p2 =	por !p2, p0  }
0x20: {  	[sflag:s8] =	ssyncset.s32 @!p0 $0xFFFFF086;
	s6 =	sadd.s32 @!p0 s3, s7;
	s7 =	simm.s32 @!p0 $0x108  }
0x21: {  	s3 =	sadd.s32 s3, s9;
	s6 =	sadd.s32 @!p0 $0x88, s6;
	s7 =	simm.s32 @p2 $0x1082  }
0x22: {  	[simem:s7], [sflag:s8] =	dma.local @!p0 [hbm:s6], $0xF7A  }
0x23: {  	s9 =	sor.u32 $0xD0000000, s2;
	s6 =	simm.s32 $0x108;
	_ =	swait.ge @!p0 [sflag:s8], $0x0  }
0x24: {  	s3 =	sadd.s32 $0x88, s3;
	s6 =	simm.s32 @!p1 $0x1082;
	[sflag:s4] =	ssyncset.s32 $0xFFFFF086  }
0x25: {  	[simem:s6], [sflag:s4] =	dma.local [hbm:s3], $0xF7A  }
0x26: {  	[smem:$0x3F92] =	sst s1;
	(tag) =	ssettag s2;
	_ =	strace s9  }
0x27: {  	s1 =	sld [smem:$0x3FA2]  }
0x28: {  	s2 =	sld [smem:$0x3FA3]  }
0x29: {  	s4 =	sld [smem:$0x3FA5]  }
0x2a: {  	p0 =	seq.s32 s5, $0x0;
	s5 =	sld [smem:$0x3FA6]  }
0x2b: {  	s6 =	sld [smem:$0x3FA7]  }
0x2c: {  	s7 =	sld [smem:$0x3FA8]  }
0x2d: {  	s3 =	simm.s32 $0x108;
	s8 =	sld [smem:$0x3FA9]  }
0x2e: {  	s3 =	simm.s32 @!p0 $0x1082;
	s9 =	sld [smem:$0x3FAA]  }
0x2f: {  	lr =	sadd.s32 s0, s3;
	s0 =	sld [smem:$0x3FA1]  }
0x30: {  	s3 =	sld [smem:$0x3FA4]  }
0x31: {  	[smem:$0x3FAD] =	sst s10  }
0x32: {  	s10 =	sld [smem:$0x3FAB];
	_ =	sdelay $0x3  }
0x33: {  	p0 =	seq.s32 s10, $0x1;
	s10 =	sld [smem:$0x3FAD];
	_ =	sdelay $0x3  }
0x34: {  	[smem:$0x3FAD] =	sst s10  }
0x35: {  	s10 =	sld [smem:$0x3FAC];
	_ =	sdelay $0x3  }
0x36: {  	p1 =	seq.s32 s10, $0x1;
	s10 =	sld [smem:$0x3FAD];
	_ =	sdelay $0x3  }
0x37: {  	[smem:$0x3FAD] =	sst s10  }
0x38: {  	s10 =	sld [smem:$0x3FAE]  }
0x39: {  	_ = 	snop;
	(pc) =	sbr.ind lr, $3  }
0x3a: {  	_ = 	snop  }
0x3b: {  	_ = 	snop  }
0x3c: {  	p2 =	seq.s32 s10, $0x1;
	s10 =	sld [smem:$0x3FAD]  }
0x3d: {  	_ =	shalt  }
0x3e: {  	_ =	shalt  }
0x3f: {  	_ =	shalt  }
0x40: {  	_ =	shalt  }
0x41: {  	_ =	shalt  }
0x42: {  	_ =	shalt  }
0x43: {  	_ =	shalt  }
0x44: {  	_ =	shalt  }
0x45: {  	_ =	shalt  }
0x46: {  	_ =	shalt  }
0x47: {  	_ =	shalt  }
0x48: {  	_ =	shalt  }
0x49: {  	_ =	shalt  }
0x4a: {  	_ =	shalt  }
0x4b: {  	_ =	shalt  }
0x4c: {  	_ =	shalt  }
0x4d: {  	_ =	shalt  }
0x4e: {  	_ =	shalt  }
0x4f: {  	_ =	shalt  }
0x50: {  	_ =	shalt  }
0x51: {  	_ =	shalt  }
0x52: {  	_ =	shalt  }
0x53: {  	_ =	shalt  }
0x54: {  	_ =	shalt  }
0x55: {  	_ =	shalt  }
0x56: {  	_ =	shalt  }
0x57: {  	_ =	shalt  }
0x58: {  	_ =	shalt  }
0x59: {  	_ =	shalt  }
0x5a: {  	_ =	shalt  }
0x5b: {  	_ =	shalt  }
0x5c: {  	_ =	shalt  }
0x5d: {  	_ =	shalt  }
0x5e: {  	_ =	shalt  }
0x5f: {  	_ =	shalt  }
0x60: {  	_ =	shalt  }
0x61: {  	_ =	shalt  }
0x62: {  	_ =	shalt  }
0x63: {  	_ =	shalt  }
0x64: {  	_ =	shalt  }
0x65: {  	_ =	shalt  }
0x66: {  	_ =	shalt  }
0x67: {  	_ =	shalt  }
0x68: {  	_ =	shalt  }
0x69: {  	_ =	shalt  }
0x6a: {  	_ =	shalt  }
0x6b: {  	_ =	shalt  }
0x6c: {  	_ =	shalt  }
0x6d: {  	_ =	shalt  }
0x6e: {  	_ =	shalt  }
0x6f: {  	_ =	shalt  }
0x70: {  	_ =	shalt  }
0x71: {  	_ =	shalt  }
0x72: {  	_ =	shalt  }
0x73: {  	_ =	shalt  }
0x74: {  	_ =	shalt  }
0x75: {  	_ =	shalt  }
0x76: {  	_ =	shalt  }
0x77: {  	_ =	shalt  }
0x78: {  	_ =	shalt  }
0x79: {  	_ =	shalt  }
0x7a: {  	_ =	shalt  }
0x7b: {  	_ =	shalt  }
0x7c: {  	_ =	shalt  }
0x7d: {  	_ =	shalt  }
0x7e: {  	_ =	shalt  }
0x7f: {  	_ =	shalt  }
0x80: {  	_ =	shalt  }
0x81: {  	_ =	shalt  }
0x82: {  	_ =	shalt  }
0x83: {  	_ =	shalt  }
0x84: {  	_ =	shalt  }
0x85: {  	_ =	shalt  }
0x86: {  	_ =	shalt  }
0x87: {  	_ =	shalt  }
.Lfunc_end0:
.L_simem_size_0:
called_computation.1_lowered:
.L_overlay_start_0:
0x88: {  	s2 =	sld [smem:$0x3FD9]  }
0x89: {  	s3 =	sld [smem:$0x3FFE];
	_ =	sdelay $0x1  }
0x8a: {  	s1 =	srdreg.scid  }
0x8b: {  	s0 =	sand.u32 $0x1, s1  }
0x8c: {  	s16 =	sshll.u32 s0, $0xA;
	s2 =	sadd.s32 s3, s2  }
0x8d: {  	s2 =	sadd.s32 s2, s16  }
0x8e: {  	[smem:$0x3FB9] =	sst s2  }
0x8f: {  	_ = 	snop  }
0x90: {  	(tm) =	ssettm $0x1  }
0x91: {  	s17 =	sld [smem:$0x3FFB];
	_ =	sdelay $0x3  }
0x92: {  	_ =	strace s17  }
0x93: {  	s2 =	sld [smem:$0x3FFC];
	_ =	sdelay $0x3  }
0x94: {  	_ =	strace s2  }
0x95: {  	s2 =	sld [smem:$0x3FFD];
	_ =	sdelay $0x3  }
0x96: {  	_ =	strace s2  }
0x97: {  	_ =	strace $0x8FFFFFFF  }
0x98: {  	s18 =	sld [smem:$0x3FDB];
	_ =	sdelay $0x1  }
0x99: {  	s19 =	simm.s32 $_scs_section_size  }
0x9a: {  	s4 =	simm.s32 $_size__tile_overlayer_lowered;
	s5 =	simm.s32 $_tile_overlayer_lowered  }
0x9b: {  	s22 =	simm.s32 $0x1BFF;
	s21 =	sshll.u32 s5, $0x1;
	s2 =	sadd.s32 s19, s18  }
0x9c: {  	s6 =	simm.s32 $0x0;
	s20 =	sshll.u32 s4, $0x1;
	s4 =	sadd.s32 s21, s2  }
0x9d: {  	[timem:s6], [sflag:s22] =	dma.local [hbm:s4], s20  }
0x9e: {  	_ =	swait.ge [sflag:s22], s20  }
0x9f: {  	s3 =	ssub.s32 $0x0, s20;
	[sflag:s22] =	ssyncset.done $0x0  }
0xa0: {  	[sflag:s22] =	ssyncadd.s32 s3;
	_ =	sdelay $0x1  }
0xa1: {  	s23 =	simm.s32 $0x1B8B  }
0xa2: {  	_ =	swait.ge [sflag:s23], $0x1  }
0xa3: {  	[sflag:s23] =	ssyncset.done $0x0  }
0xa4: {  	s25 =	simm.s32 $0x1B8E;
	s24 =	sld [smem:$0x3FFE];
	[sflag:s23] =	ssyncadd.s32 $0xFFFFFFFF  }
0xa5: {  	s26 =	simm.s32 $execute0_lowered;
	[smem:$0x3FD2] =	sst s25  }
0xa6: {  	s4 =	sshll.u32 s26, $0x1;
	_ =	strace $0x80000049;
	[dreg:$0x1] =	wrdreg $0xFFFFFFFF  }
0xa7: {  	s28 =	simm.s32 $_size_execute0_lowered;
	s2 =	sadd.s32 s2, s4;
	[dreg:$0x0] =	wrdreg $0x0  }
0xa8: {  	s4 =	sshll.u32 s28, $0x1;
	[dreg:$0x2] =	wrdreg s2  }
0xa9: {  	[dreg:$0x3] =	wrdreg s4  }
0xaa: {  	[dreg:$0x4] =	wrdreg $0xC0  }
0xab: {  	_ =	task [dreg:s6], $0x5FFFF  }
0xac: {  	[dreg:$0x1] =	wrdreg $0xFFFFFFFF  }
0xad: {  	[dreg:$0x0] =	wrdreg $0x60  }
0xae: {  	[dreg:$0x2] =	wrdreg s24  }
0xaf: {  	[dreg:$0x3] =	wrdreg $0xBC000  }
0xb0: {  	[dreg:$0x4] =	wrdreg $0x9  }
0xb1: {  	_ =	task.clear_ibuf [dreg:s6], $0x5FFFF;
	_ =	strace $0x90000049  }
0xb2: {  	s29 =	simm.s32 $0x9;
	_ =	strace $0x8000004B  }
0xb3: {  	_ =	swait.ge [sflag:s29], $0x1  }
0xb4: {  	[sflag:s29] =	ssyncadd.s32 $0xFFFFFFFF  }
0xb5: {  	_ =	strace $0x9000004B  }
0xb6: {  	_ =	sfence  }
0xb7: {  	s30 =	sld [smem:$0x0];
	_ =	sdelay $0x2  }
0xb8: {  	s31 =	sshll.u32 s1, $0xD;
	s1 =	sshrl.u32 s1, $0x2  }
0xb9: {  	s3 =	sand.u32 $0x4000, s31;
	s1 =	sadd.s32 s1, s30  }
0xba: {  	s0 =	sor.u32 s3, s0;
	s1 =	sshll.u32 s1, $0x11  }
0xbb: {  	s0 =	sor.u32 s1, s0  }
0xbc: {  	s0 =	sadd.s32 $0x8F2B, s0  }
0xbd: {  	[sflag:s0] =	ssyncadd.remote.s32 $0x1  }
0xbe: {  	_ =	sfence.sel $0xFFFF  }
0xbf: {  	[dreg:$0x0] =	wrdreg $0xFFFFFFFF;
	(pc) =	sbr.abs _section_cstart, $3  }
0xc0: {  	[dreg:$0x1] =	wrdreg $0xFFFFFFFF  }
0xc1: {  	_ =	task.clear_ibuf [dreg:s6], $0x2FFFF;
	_ =	strace $0x9FFFFFFF  }
0xc2: {  	(tm) =	ssettm $0x7FFFFFFF  }
0xc3: {  	_ =	shalt  }
tec
execute0_lowered:
.L_overlay_start_1:
0x0: {  	(tag) =	ssettag $0x1  }
0x1: {  	s0 =	rddreg [dreg:$0x0]  }
0x2: {  	s1 =	rddreg [dreg:$0x1];
	s2 =	srdreg.scid  }
0x3: {  	s3 =	simm.s32 $0x0;
	s16 =	stileid.u32;
	s28 =	simm.s32 $0x6C00  }
0x4: {  	s29 =	simm.s32 $0x1;
	s30 =	simm.s32 $0x4200;
	s31 =	simm.s32 $0x4100  }
0x5: {  	s2 =	sand.u32 $0x1, s2;
	[smem:$0x7FF] =	sst s3;
	s4 =	sadd.s32 $0x89200, s0  }
0x6: {  	s5 =	sadd.s32 $0xB0400, s0;
	s8 =	sshll.u32 s16, $0xC;
	s9 =	smul.u32 $0x7D000, s16  }
0x7: {  	s21 =	smul.u32 $0x1F400, s16;
	p0 =	sgt.u32 s16, $0x9;
	s19 =	sshll.u32 s2, $0xB  }
0x8: {  	_ =	strace $0x8000004A;
	s6 =	ssub.s32 $0x2, s2;
	s2 =	smul.u32 $0x138800, s2  }
0x9: {  	s3 =	sadd.s32 s19, s0;
	s7 =	sshrl.u32 s6, $0x1;
	s0 =	sadd.s32 $0xB1200, s0  }
0xa: {  	s20 =	sshrl.u32 s9, $0x2;
	s22 =	sadd.s32 $0x6400, s21;
	s24 =	sadd.s32 $0xC800, s21  }
0xb: {  	s14 =	sadd.s32 $0x12C00, s21;
	s19 =	simm.s32 $0x50;
	s6 =	ssub.s32 s6, s7  }
0xc: {  	s3 =	sadd.s32 s8, s3;
	s8 =	sadd.s32 s20, s1;
	s11 =	sadd.s32 s2, s21  }
0xd: {  	s12 =	sadd.s32 s2, s22;
	s9 =	sadd.s32 s22, s1;
	s25 =	sadd.s32 s2, s24  }
0xe: {  	s15 =	sadd.s32 s2, s14;
	s7 =	sadd.s32 $0x19000, s21;
	s20 =	simm.s32 $0x4000  }
0xf: {  	s21 =	simm.s32 $0x4400;
	s3 =	sadd.s32 $0x3E00, s3;
	s6 =	smax.u32 s6, $0x1  }
0x10: {  	s10 =	sadd.s32 $0x12C00, s8;
	s13 =	sadd.s32 $0x19000, s8;
	s11 =	sshrl.u32 s11, $0x3  }
0x11: {  	s12 =	sshrl.u32 s12, $0x3;
	s26 =	sshrl.u32 s15, $0x3;
	s2 =	sadd.s32 s2, s7  }
0x12: {  	s22 =	sshrl.u32 @!p0 s9, $0x3;
	s9 =	simm.s32 $0x4300;
	[dreg:$0x3] =	wrdreg s3  }
0x13: {  	[dreg:$0x4] =	wrdreg s6;
	s3 =	sadd.s32 $0x6400, s8;
	s11 =	sadd.s32 s0, s11  }
0x14: {  	s23 =	sadd.s32 s0, s12;
	s12 =	sshrl.u32 s25, $0x3;
	[dreg:$0x5] =	wrdreg s11  }
0x15: {  	s6 =	sadd.s32 $0xC800, s8;
	[dreg:$0x6] =	wrdreg s23;
	s12 =	sadd.s32 s0, s12  }
0x16: {  	s2 =	sshrl.u32 s2, $0x3;
	s11 =	sadd.s32 s24, s1;
	[dreg:$0x7] =	wrdreg s12  }
0x17: {  	s12 =	sadd.s32 s0, s26;
	s0 =	sadd.s32 s0, s2;
	s2 =	sshrl.u32 @!p0 s3, $0x3  }
0x18: {  	s23 =	sshrl.u32 @!p0 s11, $0x3;
	s26 =	simm.s32 $0x4080;
	s3 =	simm.s32 $0x4280  }
0x19: {  	s11 =	simm.s32 $0x6;
	[dreg:$0x8] =	wrdreg s12;
	s12 =	sadd.s32 s14, s1  }
0x1a: {  	[dreg:$0x9] =	wrdreg s0;
	s0 =	sadd.s32 s7, s1;
	s14 =	simm.s32 $0x7  }
0x1b: {  	[dreg:$0xa] =	wrdreg s2;
	s2 =	sshrl.u32 @!p0 s6, $0x3;
	s6 =	simm.s32 $0x4  }
0x1c: {  	s7 =	simm.s32 $0x3;
	[dreg:$0xb] =	wrdreg s2;
	s2 =	sshrl.u32 @!p0 s10, $0x3  }
0x1d: {  	s24 =	sshrl.u32 @!p0 s12, $0x3;
	s25 =	sshrl.u32 @!p0 s0, $0x3;
	s0 =	simm.s32 $0x9400  }
0x1e: {  	s10 =	simm.s32 $0x5;
	[dreg:$0xc] =	wrdreg s2;
	s2 =	sshrl.u32 @!p0 s13, $0x3  }
0x1f: {  	s12 =	simm.s32 $0x0;
	[dreg:$0xd] =	wrdreg s2;
	s2 =	simm.s32 $0x2  }
.LBB2_1:
0x20: {  	s13 =	simm.s32 $0x0;
	s15 =	rddreg [dreg:$0x3]  }
0x21: {  	[tilespmem:s13], [sflag:$0x7] =	stream.linear.gather [hbm4b:s15+s13], $0x3E80, $0x38;
	[tilespmem:$0x1F480] =	vst v63  }
0x22: {  	s13 =	stileid.u32;
	_ =	swait.ge [sflag:s14], $0x3E80  }
0x23: {  	s16 =	simm.s32 @!p0 $0x7;
	s13 =	sshll.u32 @!p0 s13, $0x6;
	[sflag:s14] =	ssyncset.done $0x0  }
0x24: {  	s15 =	sshrl.u32 @!p0 s8, $0x3;
	s13 =	sor.u32 @!p0 $0x1C07, s13;
	[sflag:s14] =	ssyncadd.s32 $0xFFFFC180  }
0x25: {  	[spmem:s15], [sflag:s13] =	dma.local @!p0 [hbm:s5], $0xC80  }
0x26: {  	_ =	swait.ge @!p0 [sflag:s16], $0xC80  }
0x27: {  	[sflag:s16] =	ssyncset.done @!p0 $0x0  }
0x28: {  	s17 =	rddreg [dreg:$0xa];
	[sflag:s16] =	ssyncadd.s32 @!p0 $0xFFFFF380  }
0x29: {  	[spmem:s17], [sflag:s13] =	dma.local @!p0 [hbm:s5], $0xC80  }
0x2a: {  	_ =	swait.ge @!p0 [sflag:s16], $0xC80  }
0x2b: {  	[sflag:s16] =	ssyncset.done @!p0 $0x0  }
0x2c: {  	s17 =	rddreg [dreg:$0xb];
	[sflag:s16] =	ssyncadd.s32 @!p0 $0xFFFFF380  }
0x2d: {  	[spmem:s17], [sflag:s13] =	dma.local @!p0 [hbm:s5], $0xC80  }
0x2e: {  	_ =	swait.ge @!p0 [sflag:s16], $0xC80  }
0x2f: {  	[sflag:s16] =	ssyncset.done @!p0 $0x0  }
0x30: {  	s17 =	rddreg [dreg:$0xc];
	[sflag:s16] =	ssyncadd.s32 @!p0 $0xFFFFF380  }
0x31: {  	[spmem:s17], [sflag:s13] =	dma.local @!p0 [hbm:s5], $0xC80  }
0x32: {  	_ =	swait.ge @!p0 [sflag:s16], $0xC80  }
0x33: {  	[sflag:s16] =	ssyncset.done @!p0 $0x0  }
0x34: {  	s17 =	rddreg [dreg:$0xd];
	[sflag:s16] =	ssyncadd.s32 @!p0 $0xFFFFF380  }
0x35: {  	[spmem:s17], [sflag:s13] =	dma.local @!p0 [hbm:s5], $0xC80  }
0x36: {  	_ =	swait.ge @!p0 [sflag:s16], $0xC80  }
0x37: {  	[sflag:s16] =	ssyncset.done @!p0 $0x0  }
0x38: {  	[sflag:s16] =	ssyncadd.s32 @!p0 $0xFFFFF380  }
0x39: {  	[bflag:$0x0] =	sbarrier.arrive $0xFFFF  }
0x3a: {  	v0 =	vld [tilespmem:$0x0];
	_ =	sdelay $0x1  }
0x3b: {  	v1 =	vld [tilespmem:$0x10];
	_ =	sdelay $0x1  }
0x3c: {  	v2 =	vld [tilespmem:$0x20]  }
0x3d: {  	v3 =	vshra.s32 v0, $0xE  }
0x3e: {  	v0 =	vand.u32 $0x3FFF, v0;
	[tilespmem:$0x4000] =	vst v3;
	v3 =	vld [tilespmem:$0x30]  }
0x3f: {  	[tilespmem:$0x4200] =	vst v0;
	v0 =	vshra.s32 v1, $0xE  }
0x40: {  	[tilespmem:$0x4010] =	vst v0;
	v0 =	vand.u32 $0x3FFF, v1;
	v1 =	vld [tilespmem:$0x40]  }
0x41: {  	[tilespmem:$0x4210] =	vst v0;
	v0 =	vshra.s32 v2, $0xE  }
0x42: {  	[tilespmem:$0x4020] =	vst v0;
	v0 =	vand.u32 $0x3FFF, v2  }
0x43: {  	[tilespmem:$0x4220] =	vst v0;
	v0 =	vshra.s32 v3, $0xE  }
0x44: {  	[tilespmem:$0x4030] =	vst v0;
	v0 =	vand.u32 $0x3FFF, v3  }
0x45: {  	[tilespmem:$0x4230] =	vst v0;
	v0 =	vshra.s32 v1, $0xE  }
0x46: {  	[tilespmem:$0x4040] =	vst v0;
	v0 =	vand.u32 $0x3FFF, v1  }
0x47: {  	[tilespmem:$0x4240] =	vst v0  }
0x48: {  	[tilespmem:s21], [sflag:$0x1] =	stream.indirect.gather [hbm4b:s4+s19], $0x80, s20, s19, $0xb8;
	[tilespmem:$0x1F480] =	vst v63  }
0x49: {  	v0 =	vld [tilespmem:$0x80];
	_ =	sdelay $0x1  }
0x4a: {  	v1 =	vld [tilespmem:$0x90];
	_ =	sdelay $0x1  }
0x4b: {  	v2 =	vld [tilespmem:$0xA0]  }
0x4c: {  	v3 =	vshra.s32 v0, $0xE  }
0x4d: {  	v0 =	vand.u32 $0x3FFF, v0;
	[tilespmem:$0x4080] =	vst v3;
	v3 =	vld [tilespmem:$0xB0]  }
0x4e: {  	[tilespmem:$0x4280] =	vst v0;
	v0 =	vshra.s32 v1, $0xE  }
0x4f: {  	[tilespmem:$0x4090] =	vst v0;
	v0 =	vand.u32 $0x3FFF, v1;
	v1 =	vld [tilespmem:$0xC0]  }
0x50: {  	[tilespmem:$0x4290] =	vst v0;
	v0 =	vshra.s32 v2, $0xE  }
0x51: {  	[tilespmem:$0x40A0] =	vst v0;
	v0 =	vand.u32 $0x3FFF, v2  }
0x52: {  	[tilespmem:$0x42A0] =	vst v0;
	v0 =	vshra.s32 v3, $0xE  }
0x53: {  	[tilespmem:$0x40B0] =	vst v0;
	v0 =	vand.u32 $0x3FFF, v3  }
0x54: {  	[tilespmem:$0x42B0] =	vst v0;
	v0 =	vshra.s32 v1, $0xE  }
0x55: {  	[tilespmem:$0x40C0] =	vst v0;
	v0 =	vand.u32 $0x3FFF, v1  }
0x56: {  	[tilespmem:$0x42C0] =	vst v0  }
0x57: {  	[tilespmem:s28], [sflag:$0x2] =	stream.indirect.gather [hbm4b:s4+s19], $0x80, s26, s19, $0xb8;
	[tilespmem:$0x1F480] =	vst v63  }
0x58: {  	_ =	swait.ge [sflag:s29], $0x2800  }
0x59: {  	[sflag:s29] =	ssyncset.done $0x0  }
0x5a: {  	[sflag:s29] =	ssyncadd.s32 $0xFFFFD800  }
0x5b: {  	[spmem:s1] =	stream.indirect.scatter.add.f32 [tilespmem:s21], [sflag:$0x4], $0x80, s30, s19, $0xb8;
	[tilespmem:$0x1F480] =	vst v63  }
0x5c: {  	v0 =	vld [tilespmem:$0x100];
	_ =	sdelay $0x1  }
0x5d: {  	v1 =	vld [tilespmem:$0x110];
	_ =	sdelay $0x1  }
0x5e: {  	v2 =	vld [tilespmem:$0x120]  }
0x5f: {  	v3 =	vshra.s32 v0, $0xE  }
0x60: {  	v0 =	vand.u32 $0x3FFF, v0;
	[tilespmem:$0x4100] =	vst v3;
	v3 =	vld [tilespmem:$0x130]  }
0x61: {  	[tilespmem:$0x4300] =	vst v0;
	v0 =	vshra.s32 v1, $0xE  }
0x62: {  	[tilespmem:$0x4110] =	vst v0;
	v0 =	vand.u32 $0x3FFF, v1;
	v1 =	vld [tilespmem:$0x140]  }
0x63: {  	[tilespmem:$0x4310] =	vst v0;
	v0 =	vshra.s32 v2, $0xE  }
0x64: {  	[tilespmem:$0x4120] =	vst v0;
	v0 =	vand.u32 $0x3FFF, v2  }
0x65: {  	[tilespmem:$0x4320] =	vst v0;
	v0 =	vshra.s32 v3, $0xE  }
0x66: {  	[tilespmem:$0x4130] =	vst v0;
	v0 =	vand.u32 $0x3FFF, v3  }
0x67: {  	[tilespmem:$0x4330] =	vst v0;
	v0 =	vshra.s32 v1, $0xE  }
0x68: {  	[tilespmem:$0x4140] =	vst v0;
	v0 =	vand.u32 $0x3FFF, v1  }
0x69: {  	[tilespmem:$0x4340] =	vst v0  }
0x6a: {  	[tilespmem:s0], [sflag:$0x3] =	stream.indirect.gather [hbm4b:s4+s19], $0x80, s31, s19, $0xb8;
	[tilespmem:$0x1F480] =	vst v63  }
0x6b: {  	_ =	swait.ge [sflag:s2], $0x2800  }
0x6c: {  	[sflag:s2] =	ssyncset.done $0x0  }
0x6d: {  	[sflag:s2] =	ssyncadd.s32 $0xFFFFD800  }
0x6e: {  	[spmem:s1] =	stream.indirect.scatter.add.f32 [tilespmem:s28], [sflag:$0x5], $0x80, s3, s19, $0xb8;
	[tilespmem:$0x1F480] =	vst v63  }
0x6f: {  	_ =	swait.ge [sflag:s6], $0x2800  }
0x70: {  	[sflag:s6] =	ssyncset.done $0x0  }
0x71: {  	[sflag:s6] =	ssyncadd.s32 $0xFFFFD800  }
0x72: {  	v0 =	vld [tilespmem:$0x180];
	_ =	sdelay $0x1  }
0x73: {  	v1 =	vld [tilespmem:$0x190];
	_ =	sdelay $0x1  }
0x74: {  	v2 =	vld [tilespmem:$0x1A0]  }
0x75: {  	v3 =	vshra.s32 v0, $0xE  }
0x76: {  	v0 =	vand.u32 $0x3FFF, v0;
	[tilespmem:$0x4000] =	vst v3;
	v3 =	vld [tilespmem:$0x1B0]  }
0x77: {  	[tilespmem:$0x4200] =	vst v0;
	v0 =	vshra.s32 v1, $0xE  }
0x78: {  	[tilespmem:$0x4010] =	vst v0;
	v0 =	vand.u32 $0x3FFF, v1;
	v1 =	vld [tilespmem:$0x1C0]  }
0x79: {  	[tilespmem:$0x4210] =	vst v0;
	v0 =	vshra.s32 v2, $0xE  }
0x7a: {  	[tilespmem:$0x4020] =	vst v0;
	v0 =	vand.u32 $0x3FFF, v2  }
0x7b: {  	[tilespmem:$0x4220] =	vst v0;
	v0 =	vshra.s32 v3, $0xE  }
0x7c: {  	[tilespmem:$0x4030] =	vst v0;
	v0 =	vand.u32 $0x3FFF, v3  }
0x7d: {  	[tilespmem:$0x4230] =	vst v0;
	v0 =	vshra.s32 v1, $0xE  }
0x7e: {  	[tilespmem:$0x4040] =	vst v0;
	v0 =	vand.u32 $0x3FFF, v1  }
0x7f: {  	[tilespmem:$0x4240] =	vst v0  }
0x80: {  	[tilespmem:s21], [sflag:$0x1] =	stream.indirect.gather [hbm4b:s4+s19], $0x80, s20, s19, $0xb8;
	[tilespmem:$0x1F480] =	vst v63  }
0x81: {  	_ =	swait.ge [sflag:s7], $0x2800  }
0x82: {  	[sflag:s7] =	ssyncset.done $0x0  }
0x83: {  	[sflag:s7] =	ssyncadd.s32 $0xFFFFD800  }
0x84: {  	[spmem:s1] =	stream.indirect.scatter.add.f32 [tilespmem:s0], [sflag:$0x6], $0x80, s9, s19, $0xb8;
	[tilespmem:$0x1F480] =	vst v63  }
0x85: {  	_ =	swait.ge [sflag:s10], $0x2800  }
0x86: {  	[sflag:s10] =	ssyncset.done $0x0  }
0x87: {  	[sflag:s10] =	ssyncadd.s32 $0xFFFFD800  }
0x88: {  	v0 =	vld [tilespmem:$0x200];
	_ =	sdelay $0x1  }
0x89: {  	v1 =	vld [tilespmem:$0x210];
	_ =	sdelay $0x1  }
0x8a: {  	v2 =	vld [tilespmem:$0x220]  }
0x8b: {  	v3 =	vshra.s32 v0, $0xE  }
0x8c: {  	v0 =	vand.u32 $0x3FFF, v0;
	[tilespmem:$0x4080] =	vst v3;
	v3 =	vld [tilespmem:$0x230]  }
0x8d: {  	[tilespmem:$0x4280] =	vst v0;
	v0 =	vshra.s32 v1, $0xE  }
0x8e: {  	[tilespmem:$0x4090] =	vst v0;
	v0 =	vand.u32 $0x3FFF, v1;
	v1 =	vld [tilespmem:$0x240]  }
0x8f: {  	[tilespmem:$0x4290] =	vst v0;
	v0 =	vshra.s32 v2, $0xE  }
0x90: {  	[tilespmem:$0x40A0] =	vst v0;
	v0 =	vand.u32 $0x3FFF, v2  }
0x91: {  	[tilespmem:$0x42A0] =	vst v0;
	v0 =	vshra.s32 v3, $0xE  }
0x92: {  	[tilespmem:$0x40B0] =	vst v0;
	v0 =	vand.u32 $0x3FFF, v3  }
0x93: {  	[tilespmem:$0x42B0] =	vst v0;
	v0 =	vshra.s32 v1, $0xE  }
0x94: {  	[tilespmem:$0x40C0] =	vst v0;
	v0 =	vand.u32 $0x3FFF, v1  }
0x95: {  	[tilespmem:$0x42C0] =	vst v0  }
0x96: {  	[tilespmem:s28], [sflag:$0x2] =	stream.indirect.gather [hbm4b:s4+s19], $0x80, s26, s19, $0xb8;
	[tilespmem:$0x1F480] =	vst v63  }
0x97: {  	_ =	swait.ge [sflag:s29], $0x2800  }
0x98: {  	[sflag:s29] =	ssyncset.done $0x0  }
0x99: {  	[sflag:s29] =	ssyncadd.s32 $0xFFFFD800  }
0x9a: {  	[spmem:s1] =	stream.indirect.scatter.add.f32 [tilespmem:s21], [sflag:$0x4], $0x80, s30, s19, $0xb8;
	[tilespmem:$0x1F480] =	vst v63  }
0x9b: {  	_ =	swait.ge [sflag:s11], $0x2800  }
0x9c: {  	[sflag:s11] =	ssyncset.done $0x0  }
0x9d: {  	s16 =	simm.s32 $0x0;
	[sflag:s11] =	ssyncadd.s32 $0xFFFFD800  }
0x9e: {  	v0 =	vld [tilespmem:s16+$0x280];
	_ =	sdelay $0x4  }
0x9f: {  	v1 =	vshra.s32 v0, $0xE  }
0xa0: {  	v0 =	vand.u32 $0x3FFF, v0;
	[tilespmem:$0x4100] =	vst v1  }
0xa1: {  	[tilespmem:$0x4300] =	vst v0  }
0xa2: {  	v0 =	vld [tilespmem:s16+$0x290];
	_ =	sdelay $0x4  }
0xa3: {  	v1 =	vshra.s32 v0, $0xE  }
0xa4: {  	v0 =	vand.u32 $0x3FFF, v0;
	[tilespmem:$0x4110] =	vst v1  }
0xa5: {  	[tilespmem:$0x4310] =	vst v0  }
0xa6: {  	v0 =	vld [tilespmem:s16+$0x2A0];
	_ =	sdelay $0x4  }
0xa7: {  	v1 =	vshra.s32 v0, $0xE  }
0xa8: {  	v0 =	vand.u32 $0x3FFF, v0;
	[tilespmem:$0x4120] =	vst v1  }
0xa9: {  	[tilespmem:$0x4320] =	vst v0  }
0xaa: {  	v0 =	vld [tilespmem:s16+$0x2B0];
	_ =	sdelay $0x4  }
0xab: {  	v1 =	vshra.s32 v0, $0xE  }
0xac: {  	v0 =	vand.u32 $0x3FFF, v0;
	[tilespmem:$0x4130] =	vst v1  }
0xad: {  	[tilespmem:$0x4330] =	vst v0  }
0xae: {  	v0 =	vld [tilespmem:s16+$0x2C0];
	_ =	sdelay $0x4  }
0xaf: {  	v1 =	vshra.s32 v0, $0xE  }
0xb0: {  	v0 =	vand.u32 $0x3FFF, v0;
	[tilespmem:$0x4140] =	vst v1  }
0xb1: {  	[tilespmem:$0x4340] =	vst v0  }
0xb2: {  	[tilespmem:s0], [sflag:$0x3] =	stream.indirect.gather [hbm4b:s4+s19], $0x80, s31, s19, $0xb8;
	[tilespmem:$0x1F480] =	vst v63  }
0xb3: {  	_ =	swait.ge [sflag:s2], $0x2800  }
0xb4: {  	[sflag:s2] =	ssyncset.done $0x0  }
0xb5: {  	[sflag:s2] =	ssyncadd.s32 $0xFFFFD800  }
0xb6: {  	[spmem:s1] =	stream.indirect.scatter.add.f32 [tilespmem:s28], [sflag:$0x5], $0x80, s3, s19, $0xb8;
	[tilespmem:$0x1F480] =	vst v63  }
0xb7: {  	_ =	swait.ge [sflag:s6], $0x2800  }
0xb8: {  	[sflag:s6] =	ssyncset.done $0x0  }
0xb9: {  	[sflag:s6] =	ssyncadd.s32 $0xFFFFD800  }
0xba: {  	v0 =	vld [tilespmem:s16+$0x300];
	_ =	sdelay $0x4  }
0xbb: {  	v1 =	vshra.s32 v0, $0xE  }
0xbc: {  	v0 =	vand.u32 $0x3FFF, v0;
	[tilespmem:$0x4000] =	vst v1  }
0xbd: {  	[tilespmem:$0x4200] =	vst v0  }
0xbe: {  	v0 =	vld [tilespmem:s16+$0x310];
	_ =	sdelay $0x4  }
0xbf: {  	v1 =	vshra.s32 v0, $0xE  }
0xc0: {  	v0 =	vand.u32 $0x3FFF, v0;
	[tilespmem:$0x4010] =	vst v1  }
0xc1: {  	[tilespmem:$0x4210] =	vst v0  }
0xc2: {  	v0 =	vld [tilespmem:s16+$0x320];
	_ =	sdelay $0x4  }
0xc3: {  	v1 =	vshra.s32 v0, $0xE  }
0xc4: {  	v0 =	vand.u32 $0x3FFF, v0;
	[tilespmem:$0x4020] =	vst v1  }
0xc5: {  	[tilespmem:$0x4220] =	vst v0  }
0xc6: {  	v0 =	vld [tilespmem:s16+$0x330];
	_ =	sdelay $0x4  }
0xc7: {  	v1 =	vshra.s32 v0, $0xE  }
0xc8: {  	v0 =	vand.u32 $0x3FFF, v0;
	[tilespmem:$0x4030] =	vst v1  }
0xc9: {  	[tilespmem:$0x4230] =	vst v0  }
0xca: {  	v0 =	vld [tilespmem:s16+$0x340];
	_ =	sdelay $0x4  }
0xcb: {  	v1 =	vshra.s32 v0, $0xE  }
0xcc: {  	v0 =	vand.u32 $0x3FFF, v0;
	[tilespmem:$0x4040] =	vst v1  }
0xcd: {  	[tilespmem:$0x4240] =	vst v0  }
0xce: {  	[tilespmem:s21], [sflag:$0x1] =	stream.indirect.gather [hbm4b:s4+s19], $0x80, s20, s19, $0xb8;
	[tilespmem:$0x1F480] =	vst v63  }
0xcf: {  	_ =	swait.ge [sflag:s7], $0x2800  }
0xd0: {  	[sflag:s7] =	ssyncset.done $0x0  }
0xd1: {  	[sflag:s7] =	ssyncadd.s32 $0xFFFFD800  }
0xd2: {  	[spmem:s1] =	stream.indirect.scatter.add.f32 [tilespmem:s0], [sflag:$0x6], $0x80, s9, s19, $0xb8;
	[tilespmem:$0x1F480] =	vst v63  }
0xd3: {  	_ =	swait.ge [sflag:s10], $0x2800  }
0xd4: {  	[sflag:s10] =	ssyncset.done $0x0  }
0xd5: {  	[sflag:s10] =	ssyncadd.s32 $0xFFFFD800  }
0xd6: {  	v0 =	vld [tilespmem:s16+$0x380];
	_ =	sdelay $0x4  }
0xd7: {  	v1 =	vshra.s32 v0, $0xE  }
0xd8: {  	v0 =	vand.u32 $0x3FFF, v0;
	[tilespmem:$0x4080] =	vst v1  }
0xd9: {  	[tilespmem:$0x4280] =	vst v0  }
0xda: {  	v0 =	vld [tilespmem:s16+$0x390];
	_ =	sdelay $0x4  }
0xdb: {  	v1 =	vshra.s32 v0, $0xE  }
0xdc: {  	v0 =	vand.u32 $0x3FFF, v0;
	[tilespmem:$0x4090] =	vst v1  }
0xdd: {  	[tilespmem:$0x4290] =	vst v0  }
0xde: {  	v0 =	vld [tilespmem:s16+$0x3A0];
	_ =	sdelay $0x4  }
0xdf: {  	v1 =	vshra.s32 v0, $0xE  }
0xe0: {  	v0 =	vand.u32 $0x3FFF, v0;
	[tilespmem:$0x40A0] =	vst v1  }
0xe1: {  	[tilespmem:$0x42A0] =	vst v0  }
0xe2: {  	s17 =	simm.s32 $0x600;
	v0 =	vld [tilespmem:s16+$0x3B0]  }
.LBB2_2:
0xe3: {  	p1 =	sne.s32 s17, $0xEA00;
	s18 =	smov.u32 s17;
	s17 =	sadd.s32 $0x600, s17  }
0xe4: {  	_ =	sdelay $0x2  }
0xe5: {  	v1 =	vshra.s32 v0, $0xE;
	v0 =	vand.u32 $0x3FFF, v0  }
0xe6: {  	[tilespmem:$0x40B0] =	vst v1  }
0xe7: {  	[tilespmem:$0x42B0] =	vst v0  }
0xe8: {  	v0 =	vld [tilespmem:s16+$0x3C0];
	_ =	sdelay $0x4  }
0xe9: {  	v1 =	vshra.s32 v0, $0xE;
	v0 =	vand.u32 $0x3FFF, v0  }
0xea: {  	[tilespmem:$0x40C0] =	vst v1  }
0xeb: {  	[tilespmem:$0x42C0] =	vst v0  }
0xec: {  	[tilespmem:s28], [sflag:$0x2] =	stream.indirect.gather [hbm4b:s4+s19], $0x80, s26, s19, $0xb8;
	[tilespmem:$0x1F480] =	vst v63  }
0xed: {  	_ =	swait.ge [sflag:s29], $0x2800  }
0xee: {  	[sflag:s29] =	ssyncset.done $0x0  }
0xef: {  	[sflag:s29] =	ssyncadd.s32 $0xFFFFD800  }
0xf0: {  	[spmem:s1] =	stream.indirect.scatter.add.f32 [tilespmem:s21], [sflag:$0x4], $0x80, s30, s19, $0xb8;
	[tilespmem:$0x1F480] =	vst v63  }
0xf1: {  	_ =	swait.ge [sflag:s11], $0x2800  }
0xf2: {  	[sflag:s11] =	ssyncset.done $0x0  }
0xf3: {  	s16 =	sshra.s32 s18, $0x2;
	[sflag:s11] =	ssyncadd.s32 $0xFFFFD800  }
0xf4: {  	v0 =	vld [tilespmem:s16+$0x280];
	_ =	sdelay $0x4  }
0xf5: {  	v1 =	vshra.s32 v0, $0xE;
	v0 =	vand.u32 $0x3FFF, v0  }
0xf6: {  	[tilespmem:$0x4100] =	vst v1  }
0xf7: {  	[tilespmem:$0x4300] =	vst v0  }
0xf8: {  	v0 =	vld [tilespmem:s16+$0x290];
	_ =	sdelay $0x4  }
0xf9: {  	v1 =	vshra.s32 v0, $0xE;
	v0 =	vand.u32 $0x3FFF, v0  }
0xfa: {  	[tilespmem:$0x4110] =	vst v1  }
0xfb: {  	[tilespmem:$0x4310] =	vst v0  }
0xfc: {  	v0 =	vld [tilespmem:s16+$0x2A0];
	_ =	sdelay $0x4  }
0xfd: {  	v1 =	vshra.s32 v0, $0xE;
	v0 =	vand.u32 $0x3FFF, v0  }
0xfe: {  	[tilespmem:$0x4120] =	vst v1  }
0xff: {  	[tilespmem:$0x4320] =	vst v0  }
0x100: {  	v0 =	vld [tilespmem:s16+$0x2B0];
	_ =	sdelay $0x4  }
0x101: {  	v1 =	vshra.s32 v0, $0xE;
	v0 =	vand.u32 $0x3FFF, v0  }
0x102: {  	[tilespmem:$0x4130] =	vst v1  }
0x103: {  	[tilespmem:$0x4330] =	vst v0  }
0x104: {  	v0 =	vld [tilespmem:s16+$0x2C0];
	_ =	sdelay $0x4  }
0x105: {  	v1 =	vshra.s32 v0, $0xE;
	v0 =	vand.u32 $0x3FFF, v0  }
0x106: {  	[tilespmem:$0x4140] =	vst v1  }
0x107: {  	[tilespmem:$0x4340] =	vst v0  }
0x108: {  	[tilespmem:s0], [sflag:$0x3] =	stream.indirect.gather [hbm4b:s4+s19], $0x80, s31, s19, $0xb8;
	[tilespmem:$0x1F480] =	vst v63  }
0x109: {  	_ =	swait.ge [sflag:s2], $0x2800  }
0x10a: {  	[sflag:s2] =	ssyncset.done $0x0  }
0x10b: {  	[sflag:s2] =	ssyncadd.s32 $0xFFFFD800  }
0x10c: {  	[spmem:s1] =	stream.indirect.scatter.add.f32 [tilespmem:s28], [sflag:$0x5], $0x80, s3, s19, $0xb8;
	[tilespmem:$0x1F480] =	vst v63  }
0x10d: {  	_ =	swait.ge [sflag:s6], $0x2800  }
0x10e: {  	[sflag:s6] =	ssyncset.done $0x0  }
0x10f: {  	[sflag:s6] =	ssyncadd.s32 $0xFFFFD800  }
0x110: {  	v0 =	vld [tilespmem:s16+$0x300];
	_ =	sdelay $0x4  }
0x111: {  	v1 =	vshra.s32 v0, $0xE;
	v0 =	vand.u32 $0x3FFF, v0  }
0x112: {  	[tilespmem:$0x4000] =	vst v1  }
0x113: {  	[tilespmem:$0x4200] =	vst v0  }
0x114: {  	v0 =	vld [tilespmem:s16+$0x310];
	_ =	sdelay $0x4  }
0x115: {  	v1 =	vshra.s32 v0, $0xE;
	v0 =	vand.u32 $0x3FFF, v0  }
0x116: {  	[tilespmem:$0x4010] =	vst v1  }
0x117: {  	[tilespmem:$0x4210] =	vst v0  }
0x118: {  	v0 =	vld [tilespmem:s16+$0x320];
	_ =	sdelay $0x4  }
0x119: {  	v1 =	vshra.s32 v0, $0xE;
	v0 =	vand.u32 $0x3FFF, v0  }
0x11a: {  	[tilespmem:$0x4020] =	vst v1  }
0x11b: {  	[tilespmem:$0x4220] =	vst v0  }
0x11c: {  	v0 =	vld [tilespmem:s16+$0x330];
	_ =	sdelay $0x4  }
0x11d: {  	v1 =	vshra.s32 v0, $0xE;
	v0 =	vand.u32 $0x3FFF, v0  }
0x11e: {  	[tilespmem:$0x4030] =	vst v1  }
0x11f: {  	[tilespmem:$0x4230] =	vst v0  }
0x120: {  	v0 =	vld [tilespmem:s16+$0x340];
	_ =	sdelay $0x4  }
0x121: {  	v1 =	vshra.s32 v0, $0xE;
	v0 =	vand.u32 $0x3FFF, v0  }
0x122: {  	[tilespmem:$0x4040] =	vst v1  }
0x123: {  	[tilespmem:$0x4240] =	vst v0  }
0x124: {  	[tilespmem:s21], [sflag:$0x1] =	stream.indirect.gather [hbm4b:s4+s19], $0x80, s20, s19, $0xb8;
	[tilespmem:$0x1F480] =	vst v63  }
0x125: {  	_ =	swait.ge [sflag:s7], $0x2800  }
0x126: {  	[sflag:s7] =	ssyncset.done $0x0  }
0x127: {  	[sflag:s7] =	ssyncadd.s32 $0xFFFFD800  }
0x128: {  	[spmem:s1] =	stream.indirect.scatter.add.f32 [tilespmem:s0], [sflag:$0x6], $0x80, s9, s19, $0xb8;
	[tilespmem:$0x1F480] =	vst v63  }
0x129: {  	_ =	swait.ge [sflag:s10], $0x2800  }
0x12a: {  	[sflag:s10] =	ssyncset.done $0x0  }
0x12b: {  	[sflag:s10] =	ssyncadd.s32 $0xFFFFD800  }
0x12c: {  	v0 =	vld [tilespmem:s16+$0x380];
	_ =	sdelay $0x4  }
0x12d: {  	v1 =	vshra.s32 v0, $0xE;
	v0 =	vand.u32 $0x3FFF, v0  }
0x12e: {  	[tilespmem:$0x4080] =	vst v1  }
0x12f: {  	[tilespmem:$0x4280] =	vst v0  }
0x130: {  	v0 =	vld [tilespmem:s16+$0x390];
	_ =	sdelay $0x4  }
0x131: {  	v1 =	vshra.s32 v0, $0xE;
	v0 =	vand.u32 $0x3FFF, v0  }
0x132: {  	[tilespmem:$0x4090] =	vst v1  }
0x133: {  	[tilespmem:$0x4290] =	vst v0  }
0x134: {  	v0 =	vld [tilespmem:s16+$0x3A0];
	_ =	sdelay $0x3  }
.Ltmp0:
0x135: {  	(pc) =	sbr.rel @p1 .LBB2_2-.Ltmp0, $4  }
0x136: {  	v1 =	vshra.s32 v0, $0xE;
	v0 =	vand.u32 $0x3FFF, v0  }
0x137: {  	[tilespmem:$0x40A0] =	vst v1  }
0x138: {  	[tilespmem:$0x42A0] =	vst v0  }
0x139: {  	v0 =	vld [tilespmem:s16+$0x3B0]  }
0x13a: {  	_ =	sdelay $0x3  }
0x13b: {  	v1 =	vshra.s32 v0, $0xE  }
0x13c: {  	v62 =	vand.u32 $0x3FFF, v0;
	[tilespmem:$0x40B0] =	vst v1  }
0x13d: {  	[tilespmem:$0x42B0] =	vst v62  }
0x13e: {  	v0 =	vld [tilespmem:s16+$0x3C0];
	_ =	sdelay $0x4  }
0x13f: {  	v63 =	vshra.s32 v0, $0xE  }
0x140: {  	v0 =	vand.u32 $0x3FFF, v0;
	[tilespmem:$0x40C0] =	vst v63  }
0x141: {  	[tilespmem:$0x42C0] =	vst v0  }
0x142: {  	[tilespmem:s28], [sflag:$0x2] =	stream.indirect.gather [hbm4b:s4+s19], $0x80, s26, s19, $0xb8;
	[tilespmem:$0x1F480] =	vst v63  }
0x143: {  	_ =	swait.ge [sflag:s29], $0x2800  }
0x144: {  	[sflag:s29] =	ssyncset.done $0x0  }
0x145: {  	[sflag:s29] =	ssyncadd.s32 $0xFFFFD800  }
0x146: {  	[spmem:s1] =	stream.indirect.scatter.add.f32 [tilespmem:s21], [sflag:$0x4], $0x80, s30, s19, $0xb8;
	[tilespmem:$0x1F480] =	vst v63  }
0x147: {  	_ =	swait.ge [sflag:s2], $0x2800  }
0x148: {  	[sflag:s2] =	ssyncset.done $0x0  }
0x149: {  	[sflag:s2] =	ssyncadd.s32 $0xFFFFD800  }
0x14a: {  	[spmem:s1] =	stream.indirect.scatter.add.f32 [tilespmem:s28], [sflag:$0x5], $0x80, s3, s19, $0xb8;
	[tilespmem:$0x1F480] =	vst v63  }
0x14b: {  	_ =	swait.ge [sflag:s11], $0x2800  }
0x14c: {  	[sflag:s11] =	ssyncset.done $0x0  }
0x14d: {  	[sflag:s11] =	ssyncadd.s32 $0xFFFFD800  }
0x14e: {  	_ =	swait.ge [sflag:s6], $0x2800  }
0x14f: {  	[sflag:s6] =	ssyncset.done $0x0  }
0x150: {  	[sflag:s6] =	ssyncadd.s32 $0xFFFFD800  }
0x151: {  	_ =	swait.ge [sflag:s10], $0x2800  }
0x152: {  	[sflag:s10] =	ssyncset.done $0x0  }
0x153: {  	[sflag:s10] =	ssyncadd.s32 $0xFFFFD800  }
0x154: {  	[bflag:$0x0] =	sbarrier.arrive $0xFFFF  }
0x155: {  	s16 =	rddreg [dreg:$0x5]  }
0x156: {  	[hbm:s16], [sflag:s13] =	dma.local @!p0 [spmem:s15], $0xC80  }
0x157: {  	s15 =	simm.s32 @!p0 $0x7  }
0x158: {  	_ =	swait.ge @!p0 [sflag:s15], $0xC80  }
0x159: {  	[sflag:s15] =	ssyncset.done @!p0 $0x0  }
0x15a: {  	s16 =	rddreg [dreg:$0x6];
	[sflag:s15] =	ssyncadd.s32 @!p0 $0xFFFFF380  }
0x15b: {  	[hbm:s16], [sflag:s13] =	dma.local @!p0 [spmem:s22], $0xC80  }
0x15c: {  	_ =	swait.ge @!p0 [sflag:s15], $0xC80  }
0x15d: {  	[sflag:s15] =	ssyncset.done @!p0 $0x0  }
0x15e: {  	s16 =	rddreg [dreg:$0x7];
	[sflag:s15] =	ssyncadd.s32 @!p0 $0xFFFFF380  }
0x15f: {  	[hbm:s16], [sflag:s13] =	dma.local @!p0 [spmem:s23], $0xC80  }
0x160: {  	_ =	swait.ge @!p0 [sflag:s15], $0xC80  }
0x161: {  	[sflag:s15] =	ssyncset.done @!p0 $0x0  }
0x162: {  	s16 =	rddreg [dreg:$0x8];
	[sflag:s15] =	ssyncadd.s32 @!p0 $0xFFFFF380  }
0x163: {  	[hbm:s16], [sflag:s13] =	dma.local @!p0 [spmem:s24], $0xC80  }
0x164: {  	_ =	swait.ge @!p0 [sflag:s15], $0xC80  }
0x165: {  	[sflag:s15] =	ssyncset.done @!p0 $0x0  }
0x166: {  	s16 =	rddreg [dreg:$0x9];
	[sflag:s15] =	ssyncadd.s32 @!p0 $0xFFFFF380  }
0x167: {  	[hbm:s16], [sflag:s13] =	dma.local @!p0 [spmem:s25], $0xC80  }
0x168: {  	_ =	swait.ge @!p0 [sflag:s15], $0xC80  }
0x169: {  	s12 =	sadd.s32 $0x1, s12;
	s18 =	rddreg [dreg:$0x4]  }
0x16a: {  	p1 =	sne.s32 s12, s18  }
.Ltmp1:
0x16b: {  	_ = 	snop;
	(pc) =	sbr.rel @p1 .LBB2_1-.Ltmp1, $3  }
0x16c: {  	_ =	sdelay $0x1  }
0x16d: {  	[sflag:s15] =	ssyncset.done @!p0 $0x0  }
0x16e: {  	[sflag:s15] =	ssyncadd.s32 @!p0 $0xFFFFF380  }
0x16f: {  	_ =	sfence.sel $0x180000  }
0x170: {  	[bflag:$0x0] =	sbarrier.arrive $0xFFFF  }
0x171: {  	_ =	strace $0x9000004A  }
0x172: {  	s0 =	stileid.u32;
	[bflag:$0x2] =	sbarrier.arrive $0xFFFF  }
0x173: {  	p0 =	sne.s32 s0, $0x0;
	s0 =	rddreg [dreg:$0x2]  }
0x174: {  	s0 =	sadd.s32 @!p0 $0x100000, s0  }
0x175: {  	[sflag:s0] =	ssyncadd.tile.s32 @!p0 $0x1;
	_ =	shalt  }
.Lfunc_end2:
_tile_overlayer_lowered:
.L_overlay_start_2:
0x176: {  	(tag) =	ssettag $0x2  }
0x177: {  	s0 =	rddreg [dreg:$0x0];
	s2 =	stileid.u32  }
0x178: {  	s1 =	rddreg [dreg:$0x1];
	p0 =	sne.s32 s2, $0x0  }
0x179: {  	s3 =	rddreg [dreg:$0x2];
	[bflag:$0x3] =	sbarrier.arrive $0xFFFF;
	s2 =	simm.s32 @!p0 $0x1C07  }
0x17a: {  	[timem:s3], [sflag:s2] =	dma.local @!p0 [hbm:s0], s1  }
0x17b: {  	s0 =	simm.s32 @!p0 $0x7  }
0x17c: {  	_ =	swait.ge @!p0 [sflag:s0], s1  }
0x17d: {  	s1 =	ssub.s32 @!p0 $0x0, s1;
	[sflag:s0] =	ssyncset.done @!p0 $0x0  }
0x17e: {  	[sflag:s0] =	ssyncadd.s32 @!p0 s1  }
0x17f: {  	[bflag:$0x3] =	sbarrier.arrive $0xFFFF  }
0x180: {  	_ =	shalt  }

// kernel: kernel.15.cloned.1.call-start
scs
__scs_entry_jumppad:
0x0: {  	(pc) =	sbr.rel $0x88, $3  }
0x1: {  	(tag) =	ssettag $0x0;
	lr =	simm.s32 $0x1  }
0x2: {  	[smem:$0x3F92] =	sst lr;
	_ =	strace $0xD0000000  }
0x3: {  	_ = 	snop  }
0x4: {  	_ = 	snop  }
0x5: {  	_ = 	snop  }
0x6: {  	_ = 	snop  }
0x7: {  	_ = 	snop  }
__scs_overlays_trampoline_lowered:
0x8: {  	[smem:$0x3FA1] =	sst s0  }
0x9: {  	[smem:$0x3FA2] =	sst s1  }
0xa: {  	[smem:$0x3FA3] =	sst s2  }
0xb: {  	[smem:$0x3FA4] =	sst s3  }
0xc: {  	[smem:$0x3FA5] =	sst s4  }
0xd: {  	[smem:$0x3FA6] =	sst s5  }
0xe: {  	[smem:$0x3FA7] =	sst s6  }
0xf: {  	[smem:$0x3FA8] =	sst s7  }
0x10: {  	[smem:$0x3FA9] =	sst s8  }
0x11: {  	[smem:$0x3FAA] =	sst s9;
	s0 =	simm.s32 @!p0 $0x0  }
0x12: {  	s1 =	sld [smem:$0x3F90];
	s0 =	simm.s32 @p0 $0x1  }
0x13: {  	[smem:$0x3FAB] =	sst s0;
	s0 =	simm.s32 @!p1 $0x0  }
0x14: {  	s2 =	sld [smem:$0x3F8F];
	s0 =	simm.s32 @p1 $0x1  }
0x15: {  	[smem:$0x3FAC] =	sst s0;
	s0 =	simm.s32 @!p2 $0x0  }
0x16: {  	s3 =	sld [smem:$0x3FDB];
	s0 =	simm.s32 @p2 $0x1  }
0x17: {  	s4 =	simm.s32 $0x1BF5;
	[smem:$0x3FAE] =	sst s0  }
0x18: {  	s0 =	sld [smem:$0x3F91];
	_ =	swait.ge [sflag:s4], $0x0  }
0x19: {  	s7 =	sld [smem:$0x3F92]  }
0x1a: {  	s8 =	sadd.s32 $0xFFFFE003, lr  }
0x1b: {  	s9 =	sadd.s32 $0xFFFFFEF7, lr;
	s5 =	simm.s32 $0xFFFFFFFF;
	p2 =	slt.u32 s8, $0xFFFFF086  }
0x1c: {  	p1 =	slt.u32 s9, $0xF7A;
	s5 =	simm.s32 @!p2 $0x0  }
0x1d: {  	s5 =	simm.s32 @p1 $0x1;
	p0 =	seq.s32 s7, s2  }
0x1e: {  	s7 =	smul.u32 @!p0 $0xF7A, s2;
	p2 =	seq.s32 @!p0 s5, $0x0  }
0x1f: {  	s9 =	smul.u32 $0xF7A, s1;
	s8 =	simm.s32 @!p0 $0x1BF5;
	p2 =	por !p2, p0  }
0x20: {  	[sflag:s8] =	ssyncset.s32 @!p0 $0xFFFFF086;
	s6 =	sadd.s32 @!p0 s3, s7;
	s7 =	simm.s32 @!p0 $0x108  }
0x21: {  	s3 =	sadd.s32 s3, s9;
	s6 =	sadd.s32 @!p0 $0x88, s6;
	s7 =	simm.s32 @p2 $0x1082  }
0x22: {  	[simem:s7], [sflag:s8] =	dma.local @!p0 [hbm:s6], $0xF7A  }
0x23: {  	s9 =	sor.u32 $0xD0000000, s2;
	s6 =	simm.s32 $0x108;
	_ =	swait.ge @!p0 [sflag:s8], $0x0  }
0x24: {  	s3 =	sadd.s32 $0x88, s3;
	s6 =	simm.s32 @!p1 $0x1082;
	[sflag:s4] =	ssyncset.s32 $0xFFFFF086  }
0x25: {  	[simem:s6], [sflag:s4] =	dma.local [hbm:s3], $0xF7A  }
0x26: {  	[smem:$0x3F92] =	sst s1;
	(tag) =	ssettag s2;
	_ =	strace s9  }
0x27: {  	s1 =	sld [smem:$0x3FA2]  }
0x28: {  	s2 =	sld [smem:$0x3FA3]  }
0x29: {  	s4 =	sld [smem:$0x3FA5]  }
0x2a: {  	p0 =	seq.s32 s5, $0x0;
	s5 =	sld [smem:$0x3FA6]  }
0x2b: {  	s6 =	sld [smem:$0x3FA7]  }
0x2c: {  	s7 =	sld [smem:$0x3FA8]  }
0x2d: {  	s3 =	simm.s32 $0x108;
	s8 =	sld [smem:$0x3FA9]  }
0x2e: {  	s3 =	simm.s32 @!p0 $0x1082;
	s9 =	sld [smem:$0x3FAA]  }
0x2f: {  	lr =	sadd.s32 s0, s3;
	s0 =	sld [smem:$0x3FA1]  }
0x30: {  	s3 =	sld [smem:$0x3FA4]  }
0x31: {  	[smem:$0x3FAD] =	sst s10  }
0x32: {  	s10 =	sld [smem:$0x3FAB];
	_ =	sdelay $0x3  }
0x33: {  	p0 =	seq.s32 s10, $0x1;
	s10 =	sld [smem:$0x3FAD];
	_ =	sdelay $0x3  }
0x34: {  	[smem:$0x3FAD] =	sst s10  }
0x35: {  	s10 =	sld [smem:$0x3FAC];
	_ =	sdelay $0x3  }
0x36: {  	p1 =	seq.s32 s10, $0x1;
	s10 =	sld [smem:$0x3FAD];
	_ =	sdelay $0x3  }
0x37: {  	[smem:$0x3FAD] =	sst s10  }
0x38: {  	s10 =	sld [smem:$0x3FAE]  }
0x39: {  	_ = 	snop;
	(pc) =	sbr.ind lr, $3  }
0x3a: {  	_ = 	snop  }
0x3b: {  	_ = 	snop  }
0x3c: {  	p2 =	seq.s32 s10, $0x1;
	s10 =	sld [smem:$0x3FAD]  }
0x3d: {  	_ =	shalt  }
0x3e: {  	_ =	shalt  }
0x3f: {  	_ =	shalt  }
0x40: {  	_ =	shalt  }
0x41: {  	_ =	shalt  }
0x42: {  	_ =	shalt  }
0x43: {  	_ =	shalt  }
0x44: {  	_ =	shalt  }
0x45: {  	_ =	shalt  }
0x46: {  	_ =	shalt  }
0x47: {  	_ =	shalt  }
0x48: {  	_ =	shalt  }
0x49: {  	_ =	shalt  }
0x4a: {  	_ =	shalt  }
0x4b: {  	_ =	shalt  }
0x4c: {  	_ =	shalt  }
0x4d: {  	_ =	shalt  }
0x4e: {  	_ =	shalt  }
0x4f: {  	_ =	shalt  }
0x50: {  	_ =	shalt  }
0x51: {  	_ =	shalt  }
0x52: {  	_ =	shalt  }
0x53: {  	_ =	shalt  }
0x54: {  	_ =	shalt  }
0x55: {  	_ =	shalt  }
0x56: {  	_ =	shalt  }
0x57: {  	_ =	shalt  }
0x58: {  	_ =	shalt  }
0x59: {  	_ =	shalt  }
0x5a: {  	_ =	shalt  }
0x5b: {  	_ =	shalt  }
0x5c: {  	_ =	shalt  }
0x5d: {  	_ =	shalt  }
0x5e: {  	_ =	shalt  }
0x5f: {  	_ =	shalt  }
0x60: {  	_ =	shalt  }
0x61: {  	_ =	shalt  }
0x62: {  	_ =	shalt  }
0x63: {  	_ =	shalt  }
0x64: {  	_ =	shalt  }
0x65: {  	_ =	shalt  }
0x66: {  	_ =	shalt  }
0x67: {  	_ =	shalt  }
0x68: {  	_ =	shalt  }
0x69: {  	_ =	shalt  }
0x6a: {  	_ =	shalt  }
0x6b: {  	_ =	shalt  }
0x6c: {  	_ =	shalt  }
0x6d: {  	_ =	shalt  }
0x6e: {  	_ =	shalt  }
0x6f: {  	_ =	shalt  }
0x70: {  	_ =	shalt  }
0x71: {  	_ =	shalt  }
0x72: {  	_ =	shalt  }
0x73: {  	_ =	shalt  }
0x74: {  	_ =	shalt  }
0x75: {  	_ =	shalt  }
0x76: {  	_ =	shalt  }
0x77: {  	_ =	shalt  }
0x78: {  	_ =	shalt  }
0x79: {  	_ =	shalt  }
0x7a: {  	_ =	shalt  }
0x7b: {  	_ =	shalt  }
0x7c: {  	_ =	shalt  }
0x7d: {  	_ =	shalt  }
0x7e: {  	_ =	shalt  }
0x7f: {  	_ =	shalt  }
0x80: {  	_ =	shalt  }
0x81: {  	_ =	shalt  }
0x82: {  	_ =	shalt  }
0x83: {  	_ =	shalt  }
0x84: {  	_ =	shalt  }
0x85: {  	_ =	shalt  }
0x86: {  	_ =	shalt  }
0x87: {  	_ =	shalt  }
.Lfunc_end0:
.L_simem_size_0:
called_computation.2_lowered:
.L_overlay_start_0:
0x88: {  	s2 =	sld [smem:$0x3FD9]  }
0x89: {  	s3 =	sld [smem:$0x3FFE];
	_ =	sdelay $0x1  }
0x8a: {  	s1 =	srdreg.scid  }
0x8b: {  	s0 =	sand.u32 $0x1, s1  }
0x8c: {  	s16 =	sshll.u32 s0, $0xA;
	s2 =	sadd.s32 s3, s2  }
0x8d: {  	s2 =	sadd.s32 s2, s16  }
0x8e: {  	[smem:$0x3FB9] =	sst s2  }
0x8f: {  	_ = 	snop  }
0x90: {  	(tm) =	ssettm $0x1  }
0x91: {  	s17 =	sld [smem:$0x3FFB];
	_ =	sdelay $0x3  }
0x92: {  	_ =	strace s17  }
0x93: {  	s2 =	sld [smem:$0x3FFC];
	_ =	sdelay $0x3  }
0x94: {  	_ =	strace s2  }
0x95: {  	s2 =	sld [smem:$0x3FFD];
	_ =	sdelay $0x3  }
0x96: {  	_ =	strace s2  }
0x97: {  	_ =	strace $0x8FFFFFFF  }
0x98: {  	s18 =	sld [smem:$0x3FDB];
	_ =	sdelay $0x1  }
0x99: {  	s19 =	simm.s32 $_scs_section_size  }
0x9a: {  	s4 =	simm.s32 $_size__tile_overlayer_lowered;
	s5 =	simm.s32 $_tile_overlayer_lowered  }
0x9b: {  	s22 =	simm.s32 $0x1BFF;
	s21 =	sshll.u32 s5, $0x1;
	s2 =	sadd.s32 s19, s18  }
0x9c: {  	s6 =	simm.s32 $0x0;
	s20 =	sshll.u32 s4, $0x1;
	s4 =	sadd.s32 s21, s2  }
0x9d: {  	[timem:s6], [sflag:s22] =	dma.local [hbm:s4], s20  }
0x9e: {  	_ =	swait.ge [sflag:s22], s20  }
0x9f: {  	s3 =	ssub.s32 $0x0, s20;
	[sflag:s22] =	ssyncset.done $0x0  }
0xa0: {  	[sflag:s22] =	ssyncadd.s32 s3;
	_ =	sdelay $0x1  }
0xa1: {  	s23 =	simm.s32 $0x1B8B  }
0xa2: {  	_ =	swait.ge [sflag:s23], $0x1  }
0xa3: {  	[sflag:s23] =	ssyncset.done $0x0  }
0xa4: {  	s25 =	simm.s32 $0x1B8E;
	s24 =	sld [smem:$0x3FFE];
	[sflag:s23] =	ssyncadd.s32 $0xFFFFFFFF  }
0xa5: {  	s26 =	simm.s32 $execute0_lowered;
	[smem:$0x3FD2] =	sst s25  }
0xa6: {  	s4 =	sshll.u32 s26, $0x1;
	_ =	strace $0x8000004C;
	[dreg:$0x1] =	wrdreg $0xFFFFFFFF  }
0xa7: {  	s28 =	simm.s32 $_size_execute0_lowered;
	s2 =	sadd.s32 s2, s4;
	[dreg:$0x0] =	wrdreg $0x0  }
0xa8: {  	s4 =	sshll.u32 s28, $0x1;
	[dreg:$0x2] =	wrdreg s2  }
0xa9: {  	[dreg:$0x3] =	wrdreg s4  }
0xaa: {  	[dreg:$0x4] =	wrdreg $0xC0  }
0xab: {  	_ =	task [dreg:s6], $0x5FFFF  }
0xac: {  	[dreg:$0x1] =	wrdreg $0xFFFFFFFF  }
0xad: {  	[dreg:$0x0] =	wrdreg $0x60  }
0xae: {  	[dreg:$0x2] =	wrdreg s24  }
0xaf: {  	[dreg:$0x3] =	wrdreg $0xBC000  }
0xb0: {  	[dreg:$0x4] =	wrdreg $0x9  }
0xb1: {  	_ =	task.clear_ibuf [dreg:s6], $0x5FFFF;
	_ =	strace $0x9000004C  }
0xb2: {  	s29 =	simm.s32 $0x9;
	_ =	strace $0x8000004E  }
0xb3: {  	_ =	swait.ge [sflag:s29], $0x1  }
0xb4: {  	[sflag:s29] =	ssyncadd.s32 $0xFFFFFFFF  }
0xb5: {  	_ =	strace $0x9000004E  }
0xb6: {  	_ =	sfence  }
0xb7: {  	s30 =	sld [smem:$0x0];
	_ =	sdelay $0x2  }
0xb8: {  	s31 =	sshll.u32 s1, $0xD;
	s1 =	sshrl.u32 s1, $0x2  }
0xb9: {  	s3 =	sand.u32 $0x4000, s31;
	s1 =	sadd.s32 s1, s30  }
0xba: {  	s0 =	sor.u32 s3, s0;
	s1 =	sshll.u32 s1, $0x11  }
0xbb: {  	s0 =	sor.u32 s1, s0  }
0xbc: {  	s0 =	sadd.s32 $0x8F2B, s0  }
0xbd: {  	[sflag:s0] =	ssyncadd.remote.s32 $0x1  }
0xbe: {  	_ =	sfence.sel $0xFFFF  }
0xbf: {  	[dreg:$0x0] =	wrdreg $0xFFFFFFFF;
	(pc) =	sbr.abs _section_cstart, $3  }
0xc0: {  	[dreg:$0x1] =	wrdreg $0xFFFFFFFF  }
0xc1: {  	_ =	task.clear_ibuf [dreg:s6], $0x2FFFF;
	_ =	strace $0x9FFFFFFF  }
0xc2: {  	(tm) =	ssettm $0x7FFFFFFF  }
0xc3: {  	_ =	shalt  }
tec
execute0_lowered:
.L_overlay_start_1:
0x0: {  	(tag) =	ssettag $0x1  }
0x1: {  	s0 =	rddreg [dreg:$0x0]  }
0x2: {  	s1 =	rddreg [dreg:$0x1];
	s2 =	srdreg.scid  }
0x3: {  	s3 =	simm.s32 $0x0;
	s16 =	stileid.u32;
	s28 =	simm.s32 $0x6C00  }
0x4: {  	s29 =	simm.s32 $0x1;
	s30 =	simm.s32 $0x4200;
	s31 =	simm.s32 $0x4100  }
0x5: {  	s2 =	sand.u32 $0x1, s2;
	[smem:$0x7FF] =	sst s3;
	s4 =	sadd.s32 $0x13E00, s0  }
0x6: {  	s5 =	sadd.s32 $0xB0400, s0;
	s8 =	sshll.u32 s16, $0xC;
	s9 =	smul.u32 $0x7D000, s16  }
0x7: {  	s21 =	smul.u32 $0x1F400, s16;
	p0 =	sgt.u32 s16, $0x9;
	s19 =	sshll.u32 s2, $0xB  }
0x8: {  	_ =	strace $0x8000004D;
	s6 =	ssub.s32 $0x2, s2;
	s2 =	smul.u32 $0x138800, s2  }
0x9: {  	s3 =	sadd.s32 s19, s0;
	s7 =	sshrl.u32 s6, $0x1;
	s0 =	sadd.s32 $0x3B000, s0  }
0xa: {  	s20 =	sshrl.u32 s9, $0x2;
	s22 =	sadd.s32 $0x6400, s21;
	s24 =	sadd.s32 $0xC800, s21  }
0xb: {  	s14 =	sadd.s32 $0x12C00, s21;
	s19 =	simm.s32 $0x50;
	s6 =	ssub.s32 s6, s7  }
0xc: {  	s3 =	sadd.s32 s8, s3;
	s8 =	sadd.s32 s20, s1;
	s11 =	sadd.s32 s2, s21  }
0xd: {  	s12 =	sadd.s32 s2, s22;
	s9 =	sadd.s32 s22, s1;
	s25 =	sadd.s32 s2, s24  }
0xe: {  	s15 =	sadd.s32 s2, s14;
	s7 =	sadd.s32 $0x19000, s21;
	s20 =	simm.s32 $0x4000  }
0xf: {  	s21 =	simm.s32 $0x4400;
	s3 =	sadd.s32 $0x3E00, s3;
	s6 =	smax.u32 s6, $0x1  }
0x10: {  	s10 =	sadd.s32 $0x12C00, s8;
	s13 =	sadd.s32 $0x19000, s8;
	s11 =	sshrl.u32 s11, $0x3  }
0x11: {  	s12 =	sshrl.u32 s12, $0x3;
	s26 =	sshrl.u32 s15, $0x3;
	s2 =	sadd.s32 s2, s7  }
0x12: {  	s22 =	sshrl.u32 @!p0 s9, $0x3;
	s9 =	simm.s32 $0x4300;
	[dreg:$0x3] =	wrdreg s3  }
0x13: {  	[dreg:$0x4] =	wrdreg s6;
	s3 =	sadd.s32 $0x6400, s8;
	s11 =	sadd.s32 s0, s11  }
0x14: {  	s23 =	sadd.s32 s0, s12;
	s12 =	sshrl.u32 s25, $0x3;
	[dreg:$0x5] =	wrdreg s11  }
0x15: {  	s6 =	sadd.s32 $0xC800, s8;
	[dreg:$0x6] =	wrdreg s23;
	s12 =	sadd.s32 s0, s12  }
0x16: {  	s2 =	sshrl.u32 s2, $0x3;
	s11 =	sadd.s32 s24, s1;
	[dreg:$0x7] =	wrdreg s12  }
0x17: {  	s12 =	sadd.s32 s0, s26;
	s0 =	sadd.s32 s0, s2;
	s2 =	sshrl.u32 @!p0 s3, $0x3  }
0x18: {  	s23 =	sshrl.u32 @!p0 s11, $0x3;
	s26 =	simm.s32 $0x4080;
	s3 =	simm.s32 $0x4280  }
0x19: {  	s11 =	simm.s32 $0x6;
	[dreg:$0x8] =	wrdreg s12;
	s12 =	sadd.s32 s14, s1  }
0x1a: {  	[dreg:$0x9] =	wrdreg s0;
	s0 =	sadd.s32 s7, s1;
	s14 =	simm.s32 $0x7  }
0x1b: {  	[dreg:$0xa] =	wrdreg s2;
	s2 =	sshrl.u32 @!p0 s6, $0x3;
	s6 =	simm.s32 $0x4  }
0x1c: {  	s7 =	simm.s32 $0x3;
	[dreg:$0xb] =	wrdreg s2;
	s2 =	sshrl.u32 @!p0 s10, $0x3  }
0x1d: {  	s24 =	sshrl.u32 @!p0 s12, $0x3;
	s25 =	sshrl.u32 @!p0 s0, $0x3;
	s0 =	simm.s32 $0x9400  }
0x1e: {  	s10 =	simm.s32 $0x5;
	[dreg:$0xc] =	wrdreg s2;
	s2 =	sshrl.u32 @!p0 s13, $0x3  }
0x1f: {  	s12 =	simm.s32 $0x0;
	[dreg:$0xd] =	wrdreg s2;
	s2 =	simm.s32 $0x2  }
.LBB2_1:
0x20: {  	s13 =	simm.s32 $0x0;
	s15 =	rddreg [dreg:$0x3]  }
0x21: {  	[tilespmem:s13], [sflag:$0x7] =	stream.linear.gather [hbm4b:s15+s13], $0x3E80, $0x38;
	[tilespmem:$0x1F480] =	vst v63  }
0x22: {  	s13 =	stileid.u32;
	_ =	swait.ge [sflag:s14], $0x3E80  }
0x23: {  	s16 =	simm.s32 @!p0 $0x7;
	s13 =	sshll.u32 @!p0 s13, $0x6;
	[sflag:s14] =	ssyncset.done $0x0  }
0x24: {  	s15 =	sshrl.u32 @!p0 s8, $0x3;
	s13 =	sor.u32 @!p0 $0x1C07, s13;
	[sflag:s14] =	ssyncadd.s32 $0xFFFFC180  }
0x25: {  	[spmem:s15], [sflag:s13] =	dma.local @!p0 [hbm:s5], $0xC80  }
0x26: {  	_ =	swait.ge @!p0 [sflag:s16], $0xC80  }
0x27: {  	[sflag:s16] =	ssyncset.done @!p0 $0x0  }
0x28: {  	s17 =	rddreg [dreg:$0xa];
	[sflag:s16] =	ssyncadd.s32 @!p0 $0xFFFFF380  }
0x29: {  	[spmem:s17], [sflag:s13] =	dma.local @!p0 [hbm:s5], $0xC80  }
0x2a: {  	_ =	swait.ge @!p0 [sflag:s16], $0xC80  }
0x2b: {  	[sflag:s16] =	ssyncset.done @!p0 $0x0  }
0x2c: {  	s17 =	rddreg [dreg:$0xb];
	[sflag:s16] =	ssyncadd.s32 @!p0 $0xFFFFF380  }
0x2d: {  	[spmem:s17], [sflag:s13] =	dma.local @!p0 [hbm:s5], $0xC80  }
0x2e: {  	_ =	swait.ge @!p0 [sflag:s16], $0xC80  }
0x2f: {  	[sflag:s16] =	ssyncset.done @!p0 $0x0  }
0x30: {  	s17 =	rddreg [dreg:$0xc];
	[sflag:s16] =	ssyncadd.s32 @!p0 $0xFFFFF380  }
0x31: {  	[spmem:s17], [sflag:s13] =	dma.local @!p0 [hbm:s5], $0xC80  }
0x32: {  	_ =	swait.ge @!p0 [sflag:s16], $0xC80  }
0x33: {  	[sflag:s16] =	ssyncset.done @!p0 $0x0  }
0x34: {  	s17 =	rddreg [dreg:$0xd];
	[sflag:s16] =	ssyncadd.s32 @!p0 $0xFFFFF380  }
0x35: {  	[spmem:s17], [sflag:s13] =	dma.local @!p0 [hbm:s5], $0xC80  }
0x36: {  	_ =	swait.ge @!p0 [sflag:s16], $0xC80  }
0x37: {  	[sflag:s16] =	ssyncset.done @!p0 $0x0  }
0x38: {  	[sflag:s16] =	ssyncadd.s32 @!p0 $0xFFFFF380  }
0x39: {  	[bflag:$0x0] =	sbarrier.arrive $0xFFFF  }
0x3a: {  	v0 =	vld [tilespmem:$0x0];
	_ =	sdelay $0x1  }
0x3b: {  	v1 =	vld [tilespmem:$0x10];
	_ =	sdelay $0x1  }
0x3c: {  	v2 =	vld [tilespmem:$0x20]  }
0x3d: {  	v3 =	vshra.s32 v0, $0xE  }
0x3e: {  	v0 =	vand.u32 $0x3FFF, v0;
	[tilespmem:$0x4000] =	vst v3;
	v3 =	vld [tilespmem:$0x30]  }
0x3f: {  	[tilespmem:$0x4200] =	vst v0;
	v0 =	vshra.s32 v1, $0xE  }
0x40: {  	[tilespmem:$0x4010] =	vst v0;
	v0 =	vand.u32 $0x3FFF, v1;
	v1 =	vld [tilespmem:$0x40]  }
0x41: {  	[tilespmem:$0x4210] =	vst v0;
	v0 =	vshra.s32 v2, $0xE  }
0x42: {  	[tilespmem:$0x4020] =	vst v0;
	v0 =	vand.u32 $0x3FFF, v2  }
0x43: {  	[tilespmem:$0x4220] =	vst v0;
	v0 =	vshra.s32 v3, $0xE  }
0x44: {  	[tilespmem:$0x4030] =	vst v0;
	v0 =	vand.u32 $0x3FFF, v3  }
0x45: {  	[tilespmem:$0x4230] =	vst v0;
	v0 =	vshra.s32 v1, $0xE  }
0x46: {  	[tilespmem:$0x4040] =	vst v0;
	v0 =	vand.u32 $0x3FFF, v1  }
0x47: {  	[tilespmem:$0x4240] =	vst v0  }
0x48: {  	[tilespmem:s21], [sflag:$0x1] =	stream.indirect.gather [hbm4b:s4+s19], $0x80, s20, s19, $0xb8;
	[tilespmem:$0x1F480] =	vst v63  }
0x49: {  	v0 =	vld [tilespmem:$0x80];
	_ =	sdelay $0x1  }
0x4a: {  	v1 =	vld [tilespmem:$0x90];
	_ =	sdelay $0x1  }
0x4b: {  	v2 =	vld [tilespmem:$0xA0]  }
0x4c: {  	v3 =	vshra.s32 v0, $0xE  }
0x4d: {  	v0 =	vand.u32 $0x3FFF, v0;
	[tilespmem:$0x4080] =	vst v3;
	v3 =	vld [tilespmem:$0xB0]  }
0x4e: {  	[tilespmem:$0x4280] =	vst v0;
	v0 =	vshra.s32 v1, $0xE  }
0x4f: {  	[tilespmem:$0x4090] =	vst v0;
	v0 =	vand.u32 $0x3FFF, v1;
	v1 =	vld [tilespmem:$0xC0]  }
0x50: {  	[tilespmem:$0x4290] =	vst v0;
	v0 =	vshra.s32 v2, $0xE  }
0x51: {  	[tilespmem:$0x40A0] =	vst v0;
	v0 =	vand.u32 $0x3FFF, v2  }
0x52: {  	[tilespmem:$0x42A0] =	vst v0;
	v0 =	vshra.s32 v3, $0xE  }
0x53: {  	[tilespmem:$0x40B0] =	vst v0;
	v0 =	vand.u32 $0x3FFF, v3  }
0x54: {  	[tilespmem:$0x42B0] =	vst v0;
	v0 =	vshra.s32 v1, $0xE  }
0x55: {  	[tilespmem:$0x40C0] =	vst v0;
	v0 =	vand.u32 $0x3FFF, v1  }
0x56: {  	[tilespmem:$0x42C0] =	vst v0  }
0x57: {  	[tilespmem:s28], [sflag:$0x2] =	stream.indirect.gather [hbm4b:s4+s19], $0x80, s26, s19, $0xb8;
	[tilespmem:$0x1F480] =	vst v63  }
0x58: {  	_ =	swait.ge [sflag:s29], $0x2800  }
0x59: {  	[sflag:s29] =	ssyncset.done $0x0  }
0x5a: {  	[sflag:s29] =	ssyncadd.s32 $0xFFFFD800  }
0x5b: {  	[spmem:s1] =	stream.indirect.scatter.add.f32 [tilespmem:s21], [sflag:$0x4], $0x80, s30, s19, $0xb8;
	[tilespmem:$0x1F480] =	vst v63  }
0x5c: {  	v0 =	vld [tilespmem:$0x100];
	_ =	sdelay $0x1  }
0x5d: {  	v1 =	vld [tilespmem:$0x110];
	_ =	sdelay $0x1  }
0x5e: {  	v2 =	vld [tilespmem:$0x120]  }
0x5f: {  	v3 =	vshra.s32 v0, $0xE  }
0x60: {  	v0 =	vand.u32 $0x3FFF, v0;
	[tilespmem:$0x4100] =	vst v3;
	v3 =	vld [tilespmem:$0x130]  }
0x61: {  	[tilespmem:$0x4300] =	vst v0;
	v0 =	vshra.s32 v1, $0xE  }
0x62: {  	[tilespmem:$0x4110] =	vst v0;
	v0 =	vand.u32 $0x3FFF, v1;
	v1 =	vld [tilespmem:$0x140]  }
0x63: {  	[tilespmem:$0x4310] =	vst v0;
	v0 =	vshra.s32 v2, $0xE  }
0x64: {  	[tilespmem:$0x4120] =	vst v0;
	v0 =	vand.u32 $0x3FFF, v2  }
0x65: {  	[tilespmem:$0x4320] =	vst v0;
	v0 =	vshra.s32 v3, $0xE  }
0x66: {  	[tilespmem:$0x4130] =	vst v0;
	v0 =	vand.u32 $0x3FFF, v3  }
0x67: {  	[tilespmem:$0x4330] =	vst v0;
	v0 =	vshra.s32 v1, $0xE  }
0x68: {  	[tilespmem:$0x4140] =	vst v0;
	v0 =	vand.u32 $0x3FFF, v1  }
0x69: {  	[tilespmem:$0x4340] =	vst v0  }
0x6a: {  	[tilespmem:s0], [sflag:$0x3] =	stream.indirect.gather [hbm4b:s4+s19], $0x80, s31, s19, $0xb8;
	[tilespmem:$0x1F480] =	vst v63  }
0x6b: {  	_ =	swait.ge [sflag:s2], $0x2800  }
0x6c: {  	[sflag:s2] =	ssyncset.done $0x0  }
0x6d: {  	[sflag:s2] =	ssyncadd.s32 $0xFFFFD800  }
0x6e: {  	[spmem:s1] =	stream.indirect.scatter.add.f32 [tilespmem:s28], [sflag:$0x5], $0x80, s3, s19, $0xb8;
	[tilespmem:$0x1F480] =	vst v63  }
0x6f: {  	_ =	swait.ge [sflag:s6], $0x2800  }
0x70: {  	[sflag:s6] =	ssyncset.done $0x0  }
0x71: {  	[sflag:s6] =	ssyncadd.s32 $0xFFFFD800  }
0x72: {  	v0 =	vld [tilespmem:$0x180];
	_ =	sdelay $0x1  }
0x73: {  	v1 =	vld [tilespmem:$0x190];
	_ =	sdelay $0x1  }
0x74: {  	v2 =	vld [tilespmem:$0x1A0]  }
0x75: {  	v3 =	vshra.s32 v0, $0xE  }
0x76: {  	v0 =	vand.u32 $0x3FFF, v0;
	[tilespmem:$0x4000] =	vst v3;
	v3 =	vld [tilespmem:$0x1B0]  }
0x77: {  	[tilespmem:$0x4200] =	vst v0;
	v0 =	vshra.s32 v1, $0xE  }
0x78: {  	[tilespmem:$0x4010] =	vst v0;
	v0 =	vand.u32 $0x3FFF, v1;
	v1 =	vld [tilespmem:$0x1C0]  }
0x79: {  	[tilespmem:$0x4210] =	vst v0;
	v0 =	vshra.s32 v2, $0xE  }
0x7a: {  	[tilespmem:$0x4020] =	vst v0;
	v0 =	vand.u32 $0x3FFF, v2  }
0x7b: {  	[tilespmem:$0x4220] =	vst v0;
	v0 =	vshra.s32 v3, $0xE  }
0x7c: {  	[tilespmem:$0x4030] =	vst v0;
	v0 =	vand.u32 $0x3FFF, v3  }
0x7d: {  	[tilespmem:$0x4230] =	vst v0;
	v0 =	vshra.s32 v1, $0xE  }
0x7e: {  	[tilespmem:$0x4040] =	vst v0;
	v0 =	vand.u32 $0x3FFF, v1  }
0x7f: {  	[tilespmem:$0x4240] =	vst v0  }
0x80: {  	[tilespmem:s21], [sflag:$0x1] =	stream.indirect.gather [hbm4b:s4+s19], $0x80, s20, s19, $0xb8;
	[tilespmem:$0x1F480] =	vst v63  }
0x81: {  	_ =	swait.ge [sflag:s7], $0x2800  }
0x82: {  	[sflag:s7] =	ssyncset.done $0x0  }
0x83: {  	[sflag:s7] =	ssyncadd.s32 $0xFFFFD800  }
0x84: {  	[spmem:s1] =	stream.indirect.scatter.add.f32 [tilespmem:s0], [sflag:$0x6], $0x80, s9, s19, $0xb8;
	[tilespmem:$0x1F480] =	vst v63  }
0x85: {  	_ =	swait.ge [sflag:s10], $0x2800  }
0x86: {  	[sflag:s10] =	ssyncset.done $0x0  }
0x87: {  	[sflag:s10] =	ssyncadd.s32 $0xFFFFD800  }
0x88: {  	v0 =	vld [tilespmem:$0x200];
	_ =	sdelay $0x1  }
0x89: {  	v1 =	vld [tilespmem:$0x210];
	_ =	sdelay $0x1  }
0x8a: {  	v2 =	vld [tilespmem:$0x220]  }
0x8b: {  	v3 =	vshra.s32 v0, $0xE  }
0x8c: {  	v0 =	vand.u32 $0x3FFF, v0;
	[tilespmem:$0x4080] =	vst v3;
	v3 =	vld [tilespmem:$0x230]  }
0x8d: {  	[tilespmem:$0x4280] =	vst v0;
	v0 =	vshra.s32 v1, $0xE  }
0x8e: {  	[tilespmem:$0x4090] =	vst v0;
	v0 =	vand.u32 $0x3FFF, v1;
	v1 =	vld [tilespmem:$0x240]  }
0x8f: {  	[tilespmem:$0x4290] =	vst v0;
	v0 =	vshra.s32 v2, $0xE  }
0x90: {  	[tilespmem:$0x40A0] =	vst v0;
	v0 =	vand.u32 $0x3FFF, v2  }
0x91: {  	[tilespmem:$0x42A0] =	vst v0;
	v0 =	vshra.s32 v3, $0xE  }
0x92: {  	[tilespmem:$0x40B0] =	vst v0;
	v0 =	vand.u32 $0x3FFF, v3  }
0x93: {  	[tilespmem:$0x42B0] =	vst v0;
	v0 =	vshra.s32 v1, $0xE  }
0x94: {  	[tilespmem:$0x40C0] =	vst v0;
	v0 =	vand.u32 $0x3FFF, v1  }
0x95: {  	[tilespmem:$0x42C0] =	vst v0  }
0x96: {  	[tilespmem:s28], [sflag:$0x2] =	stream.indirect.gather [hbm4b:s4+s19], $0x80, s26, s19, $0xb8;
	[tilespmem:$0x1F480] =	vst v63  }
0x97: {  	_ =	swait.ge [sflag:s29], $0x2800  }
0x98: {  	[sflag:s29] =	ssyncset.done $0x0  }
0x99: {  	[sflag:s29] =	ssyncadd.s32 $0xFFFFD800  }
0x9a: {  	[spmem:s1] =	stream.indirect.scatter.add.f32 [tilespmem:s21], [sflag:$0x4], $0x80, s30, s19, $0xb8;
	[tilespmem:$0x1F480] =	vst v63  }
0x9b: {  	_ =	swait.ge [sflag:s11], $0x2800  }
0x9c: {  	[sflag:s11] =	ssyncset.done $0x0  }
0x9d: {  	s16 =	simm.s32 $0x0;
	[sflag:s11] =	ssyncadd.s32 $0xFFFFD800  }
0x9e: {  	v0 =	vld [tilespmem:s16+$0x280];
	_ =	sdelay $0x4  }
0x9f: {  	v1 =	vshra.s32 v0, $0xE  }
0xa0: {  	v0 =	vand.u32 $0x3FFF, v0;
	[tilespmem:$0x4100] =	vst v1  }
0xa1: {  	[tilespmem:$0x4300] =	vst v0  }
0xa2: {  	v0 =	vld [tilespmem:s16+$0x290];
	_ =	sdelay $0x4  }
0xa3: {  	v1 =	vshra.s32 v0, $0xE  }
0xa4: {  	v0 =	vand.u32 $0x3FFF, v0;
	[tilespmem:$0x4110] =	vst v1  }
0xa5: {  	[tilespmem:$0x4310] =	vst v0  }
0xa6: {  	v0 =	vld [tilespmem:s16+$0x2A0];
	_ =	sdelay $0x4  }
0xa7: {  	v1 =	vshra.s32 v0, $0xE  }
0xa8: {  	v0 =	vand.u32 $0x3FFF, v0;
	[tilespmem:$0x4120] =	vst v1  }
0xa9: {  	[tilespmem:$0x4320] =	vst v0  }
0xaa: {  	v0 =	vld [tilespmem:s16+$0x2B0];
	_ =	sdelay $0x4  }
0xab: {  	v1 =	vshra.s32 v0, $0xE  }
0xac: {  	v0 =	vand.u32 $0x3FFF, v0;
	[tilespmem:$0x4130] =	vst v1  }
0xad: {  	[tilespmem:$0x4330] =	vst v0  }
0xae: {  	v0 =	vld [tilespmem:s16+$0x2C0];
	_ =	sdelay $0x4  }
0xaf: {  	v1 =	vshra.s32 v0, $0xE  }
0xb0: {  	v0 =	vand.u32 $0x3FFF, v0;
	[tilespmem:$0x4140] =	vst v1  }
0xb1: {  	[tilespmem:$0x4340] =	vst v0  }
0xb2: {  	[tilespmem:s0], [sflag:$0x3] =	stream.indirect.gather [hbm4b:s4+s19], $0x80, s31, s19, $0xb8;
	[tilespmem:$0x1F480] =	vst v63  }
0xb3: {  	_ =	swait.ge [sflag:s2], $0x2800  }
0xb4: {  	[sflag:s2] =	ssyncset.done $0x0  }
0xb5: {  	[sflag:s2] =	ssyncadd.s32 $0xFFFFD800  }
0xb6: {  	[spmem:s1] =	stream.indirect.scatter.add.f32 [tilespmem:s28], [sflag:$0x5], $0x80, s3, s19, $0xb8;
	[tilespmem:$0x1F480] =	vst v63  }
0xb7: {  	_ =	swait.ge [sflag:s6], $0x2800  }
0xb8: {  	[sflag:s6] =	ssyncset.done $0x0  }
0xb9: {  	[sflag:s6] =	ssyncadd.s32 $0xFFFFD800  }
0xba: {  	v0 =	vld [tilespmem:s16+$0x300];
	_ =	sdelay $0x4  }
0xbb: {  	v1 =	vshra.s32 v0, $0xE  }
0xbc: {  	v0 =	vand.u32 $0x3FFF, v0;
	[tilespmem:$0x4000] =	vst v1  }
0xbd: {  	[tilespmem:$0x4200] =	vst v0  }
0xbe: {  	v0 =	vld [tilespmem:s16+$0x310];
	_ =	sdelay $0x4  }
0xbf: {  	v1 =	vshra.s32 v0, $0xE  }
0xc0: {  	v0 =	vand.u32 $0x3FFF, v0;
	[tilespmem:$0x4010] =	vst v1  }
0xc1: {  	[tilespmem:$0x4210] =	vst v0  }
0xc2: {  	v0 =	vld [tilespmem:s16+$0x320];
	_ =	sdelay $0x4  }
0xc3: {  	v1 =	vshra.s32 v0, $0xE  }
0xc4: {  	v0 =	vand.u32 $0x3FFF, v0;
	[tilespmem:$0x4020] =	vst v1  }
0xc5: {  	[tilespmem:$0x4220] =	vst v0  }
0xc6: {  	v0 =	vld [tilespmem:s16+$0x330];
	_ =	sdelay $0x4  }
0xc7: {  	v1 =	vshra.s32 v0, $0xE  }
0xc8: {  	v0 =	vand.u32 $0x3FFF, v0;
	[tilespmem:$0x4030] =	vst v1  }
0xc9: {  	[tilespmem:$0x4230] =	vst v0  }
0xca: {  	v0 =	vld [tilespmem:s16+$0x340];
	_ =	sdelay $0x4  }
0xcb: {  	v1 =	vshra.s32 v0, $0xE  }
0xcc: {  	v0 =	vand.u32 $0x3FFF, v0;
	[tilespmem:$0x4040] =	vst v1  }
0xcd: {  	[tilespmem:$0x4240] =	vst v0  }
0xce: {  	[tilespmem:s21], [sflag:$0x1] =	stream.indirect.gather [hbm4b:s4+s19], $0x80, s20, s19, $0xb8;
	[tilespmem:$0x1F480] =	vst v63  }
0xcf: {  	_ =	swait.ge [sflag:s7], $0x2800  }
0xd0: {  	[sflag:s7] =	ssyncset.done $0x0  }
0xd1: {  	[sflag:s7] =	ssyncadd.s32 $0xFFFFD800  }
0xd2: {  	[spmem:s1] =	stream.indirect.scatter.add.f32 [tilespmem:s0], [sflag:$0x6], $0x80, s9, s19, $0xb8;
	[tilespmem:$0x1F480] =	vst v63  }
0xd3: {  	_ =	swait.ge [sflag:s10], $0x2800  }
0xd4: {  	[sflag:s10] =	ssyncset.done $0x0  }
0xd5: {  	[sflag:s10] =	ssyncadd.s32 $0xFFFFD800  }
0xd6: {  	v0 =	vld [tilespmem:s16+$0x380];
	_ =	sdelay $0x4  }
0xd7: {  	v1 =	vshra.s32 v0, $0xE  }
0xd8: {  	v0 =	vand.u32 $0x3FFF, v0;
	[tilespmem:$0x4080] =	vst v1  }
0xd9: {  	[tilespmem:$0x4280] =	vst v0  }
0xda: {  	v0 =	vld [tilespmem:s16+$0x390];
	_ =	sdelay $0x4  }
0xdb: {  	v1 =	vshra.s32 v0, $0xE  }
0xdc: {  	v0 =	vand.u32 $0x3FFF, v0;
	[tilespmem:$0x4090] =	vst v1  }
0xdd: {  	[tilespmem:$0x4290] =	vst v0  }
0xde: {  	v0 =	vld [tilespmem:s16+$0x3A0];
	_ =	sdelay $0x4  }
0xdf: {  	v1 =	vshra.s32 v0, $0xE  }
0xe0: {  	v0 =	vand.u32 $0x3FFF, v0;
	[tilespmem:$0x40A0] =	vst v1  }
0xe1: {  	[tilespmem:$0x42A0] =	vst v0  }
0xe2: {  	s17 =	simm.s32 $0x600;
	v0 =	vld [tilespmem:s16+$0x3B0]  }
.LBB2_2:
0xe3: {  	p1 =	sne.s32 s17, $0xEA00;
	s18 =	smov.u32 s17;
	s17 =	sadd.s32 $0x600, s17  }
0xe4: {  	_ =	sdelay $0x2  }
0xe5: {  	v1 =	vshra.s32 v0, $0xE;
	v0 =	vand.u32 $0x3FFF, v0  }
0xe6: {  	[tilespmem:$0x40B0] =	vst v1  }
0xe7: {  	[tilespmem:$0x42B0] =	vst v0  }
0xe8: {  	v0 =	vld [tilespmem:s16+$0x3C0];
	_ =	sdelay $0x4  }
0xe9: {  	v1 =	vshra.s32 v0, $0xE;
	v0 =	vand.u32 $0x3FFF, v0  }
0xea: {  	[tilespmem:$0x40C0] =	vst v1  }
0xeb: {  	[tilespmem:$0x42C0] =	vst v0  }
0xec: {  	[tilespmem:s28], [sflag:$0x2] =	stream.indirect.gather [hbm4b:s4+s19], $0x80, s26, s19, $0xb8;
	[tilespmem:$0x1F480] =	vst v63  }
0xed: {  	_ =	swait.ge [sflag:s29], $0x2800  }
0xee: {  	[sflag:s29] =	ssyncset.done $0x0  }
0xef: {  	[sflag:s29] =	ssyncadd.s32 $0xFFFFD800  }
0xf0: {  	[spmem:s1] =	stream.indirect.scatter.add.f32 [tilespmem:s21], [sflag:$0x4], $0x80, s30, s19, $0xb8;
	[tilespmem:$0x1F480] =	vst v63  }
0xf1: {  	_ =	swait.ge [sflag:s11], $0x2800  }
0xf2: {  	[sflag:s11] =	ssyncset.done $0x0  }
0xf3: {  	s16 =	sshra.s32 s18, $0x2;
	[sflag:s11] =	ssyncadd.s32 $0xFFFFD800  }
0xf4: {  	v0 =	vld [tilespmem:s16+$0x280];
	_ =	sdelay $0x4  }
0xf5: {  	v1 =	vshra.s32 v0, $0xE;
	v0 =	vand.u32 $0x3FFF, v0  }
0xf6: {  	[tilespmem:$0x4100] =	vst v1  }
0xf7: {  	[tilespmem:$0x4300] =	vst v0  }
0xf8: {  	v0 =	vld [tilespmem:s16+$0x290];
	_ =	sdelay $0x4  }
0xf9: {  	v1 =	vshra.s32 v0, $0xE;
	v0 =	vand.u32 $0x3FFF, v0  }
0xfa: {  	[tilespmem:$0x4110] =	vst v1  }
0xfb: {  	[tilespmem:$0x4310] =	vst v0  }
0xfc: {  	v0 =	vld [tilespmem:s16+$0x2A0];
	_ =	sdelay $0x4  }
0xfd: {  	v1 =	vshra.s32 v0, $0xE;
	v0 =	vand.u32 $0x3FFF, v0  }
0xfe: {  	[tilespmem:$0x4120] =	vst v1  }
0xff: {  	[tilespmem:$0x4320] =	vst v0  }
0x100: {  	v0 =	vld [tilespmem:s16+$0x2B0];
	_ =	sdelay $0x4  }
0x101: {  	v1 =	vshra.s32 v0, $0xE;
	v0 =	vand.u32 $0x3FFF, v0  }
0x102: {  	[tilespmem:$0x4130] =	vst v1  }
0x103: {  	[tilespmem:$0x4330] =	vst v0  }
0x104: {  	v0 =	vld [tilespmem:s16+$0x2C0];
	_ =	sdelay $0x4  }
0x105: {  	v1 =	vshra.s32 v0, $0xE;
	v0 =	vand.u32 $0x3FFF, v0  }
0x106: {  	[tilespmem:$0x4140] =	vst v1  }
0x107: {  	[tilespmem:$0x4340] =	vst v0  }
0x108: {  	[tilespmem:s0], [sflag:$0x3] =	stream.indirect.gather [hbm4b:s4+s19], $0x80, s31, s19, $0xb8;
	[tilespmem:$0x1F480] =	vst v63  }
0x109: {  	_ =	swait.ge [sflag:s2], $0x2800  }
0x10a: {  	[sflag:s2] =	ssyncset.done $0x0  }
0x10b: {  	[sflag:s2] =	ssyncadd.s32 $0xFFFFD800  }
0x10c: {  	[spmem:s1] =	stream.indirect.scatter.add.f32 [tilespmem:s28], [sflag:$0x5], $0x80, s3, s19, $0xb8;
	[tilespmem:$0x1F480] =	vst v63  }
0x10d: {  	_ =	swait.ge [sflag:s6], $0x2800  }
0x10e: {  	[sflag:s6] =	ssyncset.done $0x0  }
0x10f: {  	[sflag:s6] =	ssyncadd.s32 $0xFFFFD800  }
0x110: {  	v0 =	vld [tilespmem:s16+$0x300];
	_ =	sdelay $0x4  }
0x111: {  	v1 =	vshra.s32 v0, $0xE;
	v0 =	vand.u32 $0x3FFF, v0  }
0x112: {  	[tilespmem:$0x4000] =	vst v1  }
0x113: {  	[tilespmem:$0x4200] =	vst v0  }
0x114: {  	v0 =	vld [tilespmem:s16+$0x310];
	_ =	sdelay $0x4  }
0x115: {  	v1 =	vshra.s32 v0, $0xE;
	v0 =	vand.u32 $0x3FFF, v0  }
0x116: {  	[tilespmem:$0x4010] =	vst v1  }
0x117: {  	[tilespmem:$0x4210] =	vst v0  }
0x118: {  	v0 =	vld [tilespmem:s16+$0x320];
	_ =	sdelay $0x4  }
0x119: {  	v1 =	vshra.s32 v0, $0xE;
	v0 =	vand.u32 $0x3FFF, v0  }
0x11a: {  	[tilespmem:$0x4020] =	vst v1  }
0x11b: {  	[tilespmem:$0x4220] =	vst v0  }
0x11c: {  	v0 =	vld [tilespmem:s16+$0x330];
	_ =	sdelay $0x4  }
0x11d: {  	v1 =	vshra.s32 v0, $0xE;
	v0 =	vand.u32 $0x3FFF, v0  }
0x11e: {  	[tilespmem:$0x4030] =	vst v1  }
0x11f: {  	[tilespmem:$0x4230] =	vst v0  }
0x120: {  	v0 =	vld [tilespmem:s16+$0x340];
	_ =	sdelay $0x4  }
0x121: {  	v1 =	vshra.s32 v0, $0xE;
	v0 =	vand.u32 $0x3FFF, v0  }
0x122: {  	[tilespmem:$0x4040] =	vst v1  }
0x123: {  	[tilespmem:$0x4240] =	vst v0  }
0x124: {  	[tilespmem:s21], [sflag:$0x1] =	stream.indirect.gather [hbm4b:s4+s19], $0x80, s20, s19, $0xb8;
	[tilespmem:$0x1F480] =	vst v63  }
0x125: {  	_ =	swait.ge [sflag:s7], $0x2800  }
0x126: {  	[sflag:s7] =	ssyncset.done $0x0  }
0x127: {  	[sflag:s7] =	ssyncadd.s32 $0xFFFFD800  }
0x128: {  	[spmem:s1] =	stream.indirect.scatter.add.f32 [tilespmem:s0], [sflag:$0x6], $0x80, s9, s19, $0xb8;
	[tilespmem:$0x1F480] =	vst v63  }
0x129: {  	_ =	swait.ge [sflag:s10], $0x2800  }
0x12a: {  	[sflag:s10] =	ssyncset.done $0x0  }
0x12b: {  	[sflag:s10] =	ssyncadd.s32 $0xFFFFD800  }
0x12c: {  	v0 =	vld [tilespmem:s16+$0x380];
	_ =	sdelay $0x4  }
0x12d: {  	v1 =	vshra.s32 v0, $0xE;
	v0 =	vand.u32 $0x3FFF, v0  }
0x12e: {  	[tilespmem:$0x4080] =	vst v1  }
0x12f: {  	[tilespmem:$0x4280] =	vst v0  }
0x130: {  	v0 =	vld [tilespmem:s16+$0x390];
	_ =	sdelay $0x4  }
0x131: {  	v1 =	vshra.s32 v0, $0xE;
	v0 =	vand.u32 $0x3FFF, v0  }
0x132: {  	[tilespmem:$0x4090] =	vst v1  }
0x133: {  	[tilespmem:$0x4290] =	vst v0  }
0x134: {  	v0 =	vld [tilespmem:s16+$0x3A0];
	_ =	sdelay $0x3  }
.Ltmp0:
0x135: {  	(pc) =	sbr.rel @p1 .LBB2_2-.Ltmp0, $4  }
0x136: {  	v1 =	vshra.s32 v0, $0xE;
	v0 =	vand.u32 $0x3FFF, v0  }
0x137: {  	[tilespmem:$0x40A0] =	vst v1  }
0x138: {  	[tilespmem:$0x42A0] =	vst v0  }
0x139: {  	v0 =	vld [tilespmem:s16+$0x3B0]  }
0x13a: {  	_ =	sdelay $0x3  }
0x13b: {  	v1 =	vshra.s32 v0, $0xE  }
0x13c: {  	v62 =	vand.u32 $0x3FFF, v0;
	[tilespmem:$0x40B0] =	vst v1  }
0x13d: {  	[tilespmem:$0x42B0] =	vst v62  }
0x13e: {  	v0 =	vld [tilespmem:s16+$0x3C0];
	_ =	sdelay $0x4  }
0x13f: {  	v63 =	vshra.s32 v0, $0xE  }
0x140: {  	v0 =	vand.u32 $0x3FFF, v0;
	[tilespmem:$0x40C0] =	vst v63  }
0x141: {  	[tilespmem:$0x42C0] =	vst v0  }
0x142: {  	[tilespmem:s28], [sflag:$0x2] =	stream.indirect.gather [hbm4b:s4+s19], $0x80, s26, s19, $0xb8;
	[tilespmem:$0x1F480] =	vst v63  }
0x143: {  	_ =	swait.ge [sflag:s29], $0x2800  }
0x144: {  	[sflag:s29] =	ssyncset.done $0x0  }
0x145: {  	[sflag:s29] =	ssyncadd.s32 $0xFFFFD800  }
0x146: {  	[spmem:s1] =	stream.indirect.scatter.add.f32 [tilespmem:s21], [sflag:$0x4], $0x80, s30, s19, $0xb8;
	[tilespmem:$0x1F480] =	vst v63  }
0x147: {  	_ =	swait.ge [sflag:s2], $0x2800  }
0x148: {  	[sflag:s2] =	ssyncset.done $0x0  }
0x149: {  	[sflag:s2] =	ssyncadd.s32 $0xFFFFD800  }
0x14a: {  	[spmem:s1] =	stream.indirect.scatter.add.f32 [tilespmem:s28], [sflag:$0x5], $0x80, s3, s19, $0xb8;
	[tilespmem:$0x1F480] =	vst v63  }
0x14b: {  	_ =	swait.ge [sflag:s11], $0x2800  }
0x14c: {  	[sflag:s11] =	ssyncset.done $0x0  }
0x14d: {  	[sflag:s11] =	ssyncadd.s32 $0xFFFFD800  }
0x14e: {  	_ =	swait.ge [sflag:s6], $0x2800  }
0x14f: {  	[sflag:s6] =	ssyncset.done $0x0  }
0x150: {  	[sflag:s6] =	ssyncadd.s32 $0xFFFFD800  }
0x151: {  	_ =	swait.ge [sflag:s10], $0x2800  }
0x152: {  	[sflag:s10] =	ssyncset.done $0x0  }
0x153: {  	[sflag:s10] =	ssyncadd.s32 $0xFFFFD800  }
0x154: {  	[bflag:$0x0] =	sbarrier.arrive $0xFFFF  }
0x155: {  	s16 =	rddreg [dreg:$0x5]  }
0x156: {  	[hbm:s16], [sflag:s13] =	dma.local @!p0 [spmem:s15], $0xC80  }
0x157: {  	s15 =	simm.s32 @!p0 $0x7  }
0x158: {  	_ =	swait.ge @!p0 [sflag:s15], $0xC80  }
0x159: {  	[sflag:s15] =	ssyncset.done @!p0 $0x0  }
0x15a: {  	s16 =	rddreg [dreg:$0x6];
	[sflag:s15] =	ssyncadd.s32 @!p0 $0xFFFFF380  }
0x15b: {  	[hbm:s16], [sflag:s13] =	dma.local @!p0 [spmem:s22], $0xC80  }
0x15c: {  	_ =	swait.ge @!p0 [sflag:s15], $0xC80  }
0x15d: {  	[sflag:s15] =	ssyncset.done @!p0 $0x0  }
0x15e: {  	s16 =	rddreg [dreg:$0x7];
	[sflag:s15] =	ssyncadd.s32 @!p0 $0xFFFFF380  }
0x15f: {  	[hbm:s16], [sflag:s13] =	dma.local @!p0 [spmem:s23], $0xC80  }
0x160: {  	_ =	swait.ge @!p0 [sflag:s15], $0xC80  }
0x161: {  	[sflag:s15] =	ssyncset.done @!p0 $0x0  }
0x162: {  	s16 =	rddreg [dreg:$0x8];
	[sflag:s15] =	ssyncadd.s32 @!p0 $0xFFFFF380  }
0x163: {  	[hbm:s16], [sflag:s13] =	dma.local @!p0 [spmem:s24], $0xC80  }
0x164: {  	_ =	swait.ge @!p0 [sflag:s15], $0xC80  }
0x165: {  	[sflag:s15] =	ssyncset.done @!p0 $0x0  }
0x166: {  	s16 =	rddreg [dreg:$0x9];
	[sflag:s15] =	ssyncadd.s32 @!p0 $0xFFFFF380  }
0x167: {  	[hbm:s16], [sflag:s13] =	dma.local @!p0 [spmem:s25], $0xC80  }
0x168: {  	_ =	swait.ge @!p0 [sflag:s15], $0xC80  }
0x169: {  	s12 =	sadd.s32 $0x1, s12;
	s18 =	rddreg [dreg:$0x4]  }
0x16a: {  	p1 =	sne.s32 s12, s18  }
.Ltmp1:
0x16b: {  	_ = 	snop;
	(pc) =	sbr.rel @p1 .LBB2_1-.Ltmp1, $3  }
0x16c: {  	_ =	sdelay $0x1  }
0x16d: {  	[sflag:s15] =	ssyncset.done @!p0 $0x0  }
0x16e: {  	[sflag:s15] =	ssyncadd.s32 @!p0 $0xFFFFF380  }
0x16f: {  	_ =	sfence.sel $0x180000  }
0x170: {  	[bflag:$0x0] =	sbarrier.arrive $0xFFFF  }
0x171: {  	_ =	strace $0x9000004D  }
0x172: {  	s0 =	stileid.u32;
	[bflag:$0x2] =	sbarrier.arrive $0xFFFF  }
0x173: {  	p0 =	sne.s32 s0, $0x0;
	s0 =	rddreg [dreg:$0x2]  }
0x174: {  	s0 =	sadd.s32 @!p0 $0x100000, s0  }
0x175: {  	[sflag:s0] =	ssyncadd.tile.s32 @!p0 $0x1;
	_ =	shalt  }
.Lfunc_end2:
_tile_overlayer_lowered:
.L_overlay_start_2:
0x176: {  	(tag) =	ssettag $0x2  }
0x177: {  	s0 =	rddreg [dreg:$0x0];
	s2 =	stileid.u32  }
0x178: {  	s1 =	rddreg [dreg:$0x1];
	p0 =	sne.s32 s2, $0x0  }
0x179: {  	s3 =	rddreg [dreg:$0x2];
	[bflag:$0x3] =	sbarrier.arrive $0xFFFF;
	s2 =	simm.s32 @!p0 $0x1C07  }
0x17a: {  	[timem:s3], [sflag:s2] =	dma.local @!p0 [hbm:s0], s1  }
0x17b: {  	s0 =	simm.s32 @!p0 $0x7  }
0x17c: {  	_ =	swait.ge @!p0 [sflag:s0], s1  }
0x17d: {  	s1 =	ssub.s32 @!p0 $0x0, s1;
	[sflag:s0] =	ssyncset.done @!p0 $0x0  }
0x17e: {  	[sflag:s0] =	ssyncadd.s32 @!p0 s1  }
0x17f: {  	[bflag:$0x3] =	sbarrier.arrive $0xFFFF  }
0x180: {  	_ =	shalt  }

// kernel: kernel.9.cloned.1.call-start
scs
__scs_entry_jumppad:
0x0: {  	(pc) =	sbr.rel $0x88, $3  }
0x1: {  	(tag) =	ssettag $0x0;
	lr =	simm.s32 $0x1  }
0x2: {  	[smem:$0x3F92] =	sst lr;
	_ =	strace $0xD0000000  }
0x3: {  	_ = 	snop  }
0x4: {  	_ = 	snop  }
0x5: {  	_ = 	snop  }
0x6: {  	_ = 	snop  }
0x7: {  	_ = 	snop  }
__scs_overlays_trampoline_lowered:
0x8: {  	[smem:$0x3FA1] =	sst s0  }
0x9: {  	[smem:$0x3FA2] =	sst s1  }
0xa: {  	[smem:$0x3FA3] =	sst s2  }
0xb: {  	[smem:$0x3FA4] =	sst s3  }
0xc: {  	[smem:$0x3FA5] =	sst s4  }
0xd: {  	[smem:$0x3FA6] =	sst s5  }
0xe: {  	[smem:$0x3FA7] =	sst s6  }
0xf: {  	[smem:$0x3FA8] =	sst s7  }
0x10: {  	[smem:$0x3FA9] =	sst s8  }
0x11: {  	[smem:$0x3FAA] =	sst s9;
	s0 =	simm.s32 @!p0 $0x0  }
0x12: {  	s1 =	sld [smem:$0x3F90];
	s0 =	simm.s32 @p0 $0x1  }
0x13: {  	[smem:$0x3FAB] =	sst s0;
	s0 =	simm.s32 @!p1 $0x0  }
0x14: {  	s2 =	sld [smem:$0x3F8F];
	s0 =	simm.s32 @p1 $0x1  }
0x15: {  	[smem:$0x3FAC] =	sst s0;
	s0 =	simm.s32 @!p2 $0x0  }
0x16: {  	s3 =	sld [smem:$0x3FDB];
	s0 =	simm.s32 @p2 $0x1  }
0x17: {  	s4 =	simm.s32 $0x1BF5;
	[smem:$0x3FAE] =	sst s0  }
0x18: {  	s0 =	sld [smem:$0x3F91];
	_ =	swait.ge [sflag:s4], $0x0  }
0x19: {  	s7 =	sld [smem:$0x3F92]  }
0x1a: {  	s8 =	sadd.s32 $0xFFFFE003, lr  }
0x1b: {  	s9 =	sadd.s32 $0xFFFFFEF7, lr;
	s5 =	simm.s32 $0xFFFFFFFF;
	p2 =	slt.u32 s8, $0xFFFFF086  }
0x1c: {  	p1 =	slt.u32 s9, $0xF7A;
	s5 =	simm.s32 @!p2 $0x0  }
0x1d: {  	s5 =	simm.s32 @p1 $0x1;
	p0 =	seq.s32 s7, s2  }
0x1e: {  	s7 =	smul.u32 @!p0 $0xF7A, s2;
	p2 =	seq.s32 @!p0 s5, $0x0  }
0x1f: {  	s9 =	smul.u32 $0xF7A, s1;
	s8 =	simm.s32 @!p0 $0x1BF5;
	p2 =	por !p2, p0  }
0x20: {  	[sflag:s8] =	ssyncset.s32 @!p0 $0xFFFFF086;
	s6 =	sadd.s32 @!p0 s3, s7;
	s7 =	simm.s32 @!p0 $0x108  }
0x21: {  	s3 =	sadd.s32 s3, s9;
	s6 =	sadd.s32 @!p0 $0x88, s6;
	s7 =	simm.s32 @p2 $0x1082  }
0x22: {  	[simem:s7], [sflag:s8] =	dma.local @!p0 [hbm:s6], $0xF7A  }
0x23: {  	s9 =	sor.u32 $0xD0000000, s2;
	s6 =	simm.s32 $0x108;
	_ =	swait.ge @!p0 [sflag:s8], $0x0  }
0x24: {  	s3 =	sadd.s32 $0x88, s3;
	s6 =	simm.s32 @!p1 $0x1082;
	[sflag:s4] =	ssyncset.s32 $0xFFFFF086  }
0x25: {  	[simem:s6], [sflag:s4] =	dma.local [hbm:s3], $0xF7A  }
0x26: {  	[smem:$0x3F92] =	sst s1;
	(tag) =	ssettag s2;
	_ =	strace s9  }
0x27: {  	s1 =	sld [smem:$0x3FA2]  }
0x28: {  	s2 =	sld [smem:$0x3FA3]  }
0x29: {  	s4 =	sld [smem:$0x3FA5]  }
0x2a: {  	p0 =	seq.s32 s5, $0x0;
	s5 =	sld [smem:$0x3FA6]  }
0x2b: {  	s6 =	sld [smem:$0x3FA7]  }
0x2c: {  	s7 =	sld [smem:$0x3FA8]  }
0x2d: {  	s3 =	simm.s32 $0x108;
	s8 =	sld [smem:$0x3FA9]  }
0x2e: {  	s3 =	simm.s32 @!p0 $0x1082;
	s9 =	sld [smem:$0x3FAA]  }
0x2f: {  	lr =	sadd.s32 s0, s3;
	s0 =	sld [smem:$0x3FA1]  }
0x30: {  	s3 =	sld [smem:$0x3FA4]  }
0x31: {  	[smem:$0x3FAD] =	sst s10  }
0x32: {  	s10 =	sld [smem:$0x3FAB];
	_ =	sdelay $0x3  }
0x33: {  	p0 =	seq.s32 s10, $0x1;
	s10 =	sld [smem:$0x3FAD];
	_ =	sdelay $0x3  }
0x34: {  	[smem:$0x3FAD] =	sst s10  }
0x35: {  	s10 =	sld [smem:$0x3FAC];
	_ =	sdelay $0x3  }
0x36: {  	p1 =	seq.s32 s10, $0x1;
	s10 =	sld [smem:$0x3FAD];
	_ =	sdelay $0x3  }
0x37: {  	[smem:$0x3FAD] =	sst s10  }
0x38: {  	s10 =	sld [smem:$0x3FAE]  }
0x39: {  	_ = 	snop;
	(pc) =	sbr.ind lr, $3  }
0x3a: {  	_ = 	snop  }
0x3b: {  	_ = 	snop  }
0x3c: {  	p2 =	seq.s32 s10, $0x1;
	s10 =	sld [smem:$0x3FAD]  }
0x3d: {  	_ =	shalt  }
0x3e: {  	_ =	shalt  }
0x3f: {  	_ =	shalt  }
0x40: {  	_ =	shalt  }
0x41: {  	_ =	shalt  }
0x42: {  	_ =	shalt  }
0x43: {  	_ =	shalt  }
0x44: {  	_ =	shalt  }
0x45: {  	_ =	shalt  }
0x46: {  	_ =	shalt  }
0x47: {  	_ =	shalt  }
0x48: {  	_ =	shalt  }
0x49: {  	_ =	shalt  }
0x4a: {  	_ =	shalt  }
0x4b: {  	_ =	shalt  }
0x4c: {  	_ =	shalt  }
0x4d: {  	_ =	shalt  }
0x4e: {  	_ =	shalt  }
0x4f: {  	_ =	shalt  }
0x50: {  	_ =	shalt  }
0x51: {  	_ =	shalt  }
0x52: {  	_ =	shalt  }
0x53: {  	_ =	shalt  }
0x54: {  	_ =	shalt  }
0x55: {  	_ =	shalt  }
0x56: {  	_ =	shalt  }
0x57: {  	_ =	shalt  }
0x58: {  	_ =	shalt  }
0x59: {  	_ =	shalt  }
0x5a: {  	_ =	shalt  }
0x5b: {  	_ =	shalt  }
0x5c: {  	_ =	shalt  }
0x5d: {  	_ =	shalt  }
0x5e: {  	_ =	shalt  }
0x5f: {  	_ =	shalt  }
0x60: {  	_ =	shalt  }
0x61: {  	_ =	shalt  }
0x62: {  	_ =	shalt  }
0x63: {  	_ =	shalt  }
0x64: {  	_ =	shalt  }
0x65: {  	_ =	shalt  }
0x66: {  	_ =	shalt  }
0x67: {  	_ =	shalt  }
0x68: {  	_ =	shalt  }
0x69: {  	_ =	shalt  }
0x6a: {  	_ =	shalt  }
0x6b: {  	_ =	shalt  }
0x6c: {  	_ =	shalt  }
0x6d: {  	_ =	shalt  }
0x6e: {  	_ =	shalt  }
0x6f: {  	_ =	shalt  }
0x70: {  	_ =	shalt  }
0x71: {  	_ =	shalt  }
0x72: {  	_ =	shalt  }
0x73: {  	_ =	shalt  }
0x74: {  	_ =	shalt  }
0x75: {  	_ =	shalt  }
0x76: {  	_ =	shalt  }
0x77: {  	_ =	shalt  }
0x78: {  	_ =	shalt  }
0x79: {  	_ =	shalt  }
0x7a: {  	_ =	shalt  }
0x7b: {  	_ =	shalt  }
0x7c: {  	_ =	shalt  }
0x7d: {  	_ =	shalt  }
0x7e: {  	_ =	shalt  }
0x7f: {  	_ =	shalt  }
0x80: {  	_ =	shalt  }
0x81: {  	_ =	shalt  }
0x82: {  	_ =	shalt  }
0x83: {  	_ =	shalt  }
0x84: {  	_ =	shalt  }
0x85: {  	_ =	shalt  }
0x86: {  	_ =	shalt  }
0x87: {  	_ =	shalt  }
.Lfunc_end0:
.L_simem_size_0:
called_computation_lowered:
.L_overlay_start_0:
0x88: {  	s2 =	sld [smem:$0x3FD9]  }
0x89: {  	s3 =	sld [smem:$0x3FFE];
	_ =	sdelay $0x1  }
0x8a: {  	s1 =	srdreg.scid  }
0x8b: {  	s0 =	sand.u32 $0x1, s1  }
0x8c: {  	s16 =	sshll.u32 s0, $0xA;
	s2 =	sadd.s32 s3, s2  }
0x8d: {  	s2 =	sadd.s32 s2, s16  }
0x8e: {  	[smem:$0x3FB9] =	sst s2  }
0x8f: {  	_ = 	snop  }
0x90: {  	(tm) =	ssettm $0x1  }
0x91: {  	s17 =	sld [smem:$0x3FFB];
	_ =	sdelay $0x3  }
0x92: {  	_ =	strace s17  }
0x93: {  	s2 =	sld [smem:$0x3FFC];
	_ =	sdelay $0x3  }
0x94: {  	_ =	strace s2  }
0x95: {  	s2 =	sld [smem:$0x3FFD];
	_ =	sdelay $0x3  }
0x96: {  	_ =	strace s2  }
0x97: {  	_ =	strace $0x8FFFFFFF  }
0x98: {  	s18 =	sld [smem:$0x3FDB];
	_ =	sdelay $0x1  }
0x99: {  	s19 =	simm.s32 $_scs_section_size  }
0x9a: {  	s4 =	simm.s32 $_size__tile_overlayer_lowered;
	s5 =	simm.s32 $_tile_overlayer_lowered  }
0x9b: {  	s22 =	simm.s32 $0x1BFF;
	s21 =	sshll.u32 s5, $0x1;
	s2 =	sadd.s32 s19, s18  }
0x9c: {  	s6 =	simm.s32 $0x0;
	s20 =	sshll.u32 s4, $0x1;
	s4 =	sadd.s32 s21, s2  }
0x9d: {  	[timem:s6], [sflag:s22] =	dma.local [hbm:s4], s20  }
0x9e: {  	_ =	swait.ge [sflag:s22], s20  }
0x9f: {  	s3 =	ssub.s32 $0x0, s20;
	[sflag:s22] =	ssyncset.done $0x0  }
0xa0: {  	[sflag:s22] =	ssyncadd.s32 s3;
	_ =	sdelay $0x1  }
0xa1: {  	s23 =	simm.s32 $0x1B8B  }
0xa2: {  	_ =	swait.ge [sflag:s23], $0x1  }
0xa3: {  	[sflag:s23] =	ssyncset.done $0x0  }
0xa4: {  	s25 =	simm.s32 $0x1B8E;
	s24 =	sld [smem:$0x3FFE];
	[sflag:s23] =	ssyncadd.s32 $0xFFFFFFFF  }
0xa5: {  	s26 =	simm.s32 $execute0_lowered;
	[smem:$0x3FD2] =	sst s25  }
0xa6: {  	s4 =	sshll.u32 s26, $0x1;
	_ =	strace $0x80000046;
	[dreg:$0x1] =	wrdreg $0xFFFFFFFF  }
0xa7: {  	s28 =	simm.s32 $_size_execute0_lowered;
	s2 =	sadd.s32 s2, s4;
	[dreg:$0x0] =	wrdreg $0x0  }
0xa8: {  	s4 =	sshll.u32 s28, $0x1;
	[dreg:$0x2] =	wrdreg s2  }
0xa9: {  	[dreg:$0x3] =	wrdreg s4  }
0xaa: {  	[dreg:$0x4] =	wrdreg $0xC0  }
0xab: {  	_ =	task [dreg:s6], $0x5FFFF  }
0xac: {  	[dreg:$0x1] =	wrdreg $0xFFFFFFFF  }
0xad: {  	[dreg:$0x0] =	wrdreg $0x60  }
0xae: {  	[dreg:$0x2] =	wrdreg s24  }
0xaf: {  	[dreg:$0x3] =	wrdreg $0xBC000  }
0xb0: {  	[dreg:$0x4] =	wrdreg $0x9  }
0xb1: {  	_ =	task.clear_ibuf [dreg:s6], $0x5FFFF;
	_ =	strace $0x90000046  }
0xb2: {  	s29 =	simm.s32 $0x9;
	_ =	strace $0x80000048  }
0xb3: {  	_ =	swait.ge [sflag:s29], $0x1  }
0xb4: {  	[sflag:s29] =	ssyncadd.s32 $0xFFFFFFFF  }
0xb5: {  	_ =	strace $0x90000048  }
0xb6: {  	_ =	sfence  }
0xb7: {  	s30 =	sld [smem:$0x0];
	_ =	sdelay $0x2  }
0xb8: {  	s31 =	sshll.u32 s1, $0xD;
	s1 =	sshrl.u32 s1, $0x2  }
0xb9: {  	s3 =	sand.u32 $0x4000, s31;
	s1 =	sadd.s32 s1, s30  }
0xba: {  	s0 =	sor.u32 s3, s0;
	s1 =	sshll.u32 s1, $0x11  }
0xbb: {  	s0 =	sor.u32 s1, s0  }
0xbc: {  	s0 =	sadd.s32 $0x8F2B, s0  }
0xbd: {  	[sflag:s0] =	ssyncadd.remote.s32 $0x1  }
0xbe: {  	_ =	sfence.sel $0xFFFF  }
0xbf: {  	[dreg:$0x0] =	wrdreg $0xFFFFFFFF;
	(pc) =	sbr.abs _section_cstart, $3  }
0xc0: {  	[dreg:$0x1] =	wrdreg $0xFFFFFFFF  }
0xc1: {  	_ =	task.clear_ibuf [dreg:s6], $0x2FFFF;
	_ =	strace $0x9FFFFFFF  }
0xc2: {  	(tm) =	ssettm $0x7FFFFFFF  }
0xc3: {  	_ =	shalt  }
tec
execute0_lowered:
.L_overlay_start_1:
0x0: {  	(tag) =	ssettag $0x1  }
0x1: {  	s0 =	rddreg [dreg:$0x0]  }
0x2: {  	s1 =	rddreg [dreg:$0x1];
	s2 =	srdreg.scid  }
0x3: {  	s3 =	simm.s32 $0x0;
	s16 =	stileid.u32;
	s28 =	simm.s32 $0x6C00  }
0x4: {  	s29 =	simm.s32 $0x1;
	s30 =	simm.s32 $0x4200;
	s31 =	simm.s32 $0x4100  }
0x5: {  	s2 =	sand.u32 $0x1, s2;
	[smem:$0x7FF] =	sst s3;
	s4 =	sadd.s32 $0x89200, s0  }
0x6: {  	s5 =	sadd.s32 $0xB0400, s0;
	s8 =	sshll.u32 s16, $0xC;
	s9 =	smul.u32 $0x7D000, s16  }
0x7: {  	s21 =	smul.u32 $0x1F400, s16;
	p0 =	sgt.u32 s16, $0x9;
	s19 =	sshll.u32 s2, $0xB  }
0x8: {  	_ =	strace $0x80000047;
	s6 =	ssub.s32 $0x2, s2;
	s2 =	smul.u32 $0x138800, s2  }
0x9: {  	s3 =	sadd.s32 s19, s0;
	s7 =	sshrl.u32 s6, $0x1;
	s0 =	sadd.s32 $0xB1200, s0  }
0xa: {  	s20 =	sshrl.u32 s9, $0x2;
	s22 =	sadd.s32 $0x6400, s21;
	s24 =	sadd.s32 $0xC800, s21  }
0xb: {  	s14 =	sadd.s32 $0x12C00, s21;
	s19 =	simm.s32 $0x50;
	s6 =	ssub.s32 s6, s7  }
0xc: {  	s3 =	sadd.s32 s8, s3;
	s8 =	sadd.s32 s20, s1;
	s11 =	sadd.s32 s2, s21  }
0xd: {  	s12 =	sadd.s32 s2, s22;
	s9 =	sadd.s32 s22, s1;
	s25 =	sadd.s32 s2, s24  }
0xe: {  	s15 =	sadd.s32 s2, s14;
	s7 =	sadd.s32 $0x19000, s21;
	s20 =	simm.s32 $0x4000  }
0xf: {  	s21 =	simm.s32 $0x4400;
	s3 =	sadd.s32 $0x3E00, s3;
	s6 =	smax.u32 s6, $0x1  }
0x10: {  	s10 =	sadd.s32 $0x12C00, s8;
	s13 =	sadd.s32 $0x19000, s8;
	s11 =	sshrl.u32 s11, $0x3  }
0x11: {  	s12 =	sshrl.u32 s12, $0x3;
	s26 =	sshrl.u32 s15, $0x3;
	s2 =	sadd.s32 s2, s7  }
0x12: {  	s22 =	sshrl.u32 @!p0 s9, $0x3;
	s9 =	simm.s32 $0x4300;
	[dreg:$0x3] =	wrdreg s3  }
0x13: {  	[dreg:$0x4] =	wrdreg s6;
	s3 =	sadd.s32 $0x6400, s8;
	s11 =	sadd.s32 s0, s11  }
0x14: {  	s23 =	sadd.s32 s0, s12;
	s12 =	sshrl.u32 s25, $0x3;
	[dreg:$0x5] =	wrdreg s11  }
0x15: {  	s6 =	sadd.s32 $0xC800, s8;
	[dreg:$0x6] =	wrdreg s23;
	s12 =	sadd.s32 s0, s12  }
0x16: {  	s2 =	sshrl.u32 s2, $0x3;
	s11 =	sadd.s32 s24, s1;
	[dreg:$0x7] =	wrdreg s12  }
0x17: {  	s12 =	sadd.s32 s0, s26;
	s0 =	sadd.s32 s0, s2;
	s2 =	sshrl.u32 @!p0 s3, $0x3  }
0x18: {  	s23 =	sshrl.u32 @!p0 s11, $0x3;
	s26 =	simm.s32 $0x4080;
	s3 =	simm.s32 $0x4280  }
0x19: {  	s11 =	simm.s32 $0x6;
	[dreg:$0x8] =	wrdreg s12;
	s12 =	sadd.s32 s14, s1  }
0x1a: {  	[dreg:$0x9] =	wrdreg s0;
	s0 =	sadd.s32 s7, s1;
	s14 =	simm.s32 $0x7  }
0x1b: {  	[dreg:$0xa] =	wrdreg s2;
	s2 =	sshrl.u32 @!p0 s6, $0x3;
	s6 =	simm.s32 $0x4  }
0x1c: {  	s7 =	simm.s32 $0x3;
	[dreg:$0xb] =	wrdreg s2;
	s2 =	sshrl.u32 @!p0 s10, $0x3  }
0x1d: {  	s24 =	sshrl.u32 @!p0 s12, $0x3;
	s25 =	sshrl.u32 @!p0 s0, $0x3;
	s0 =	simm.s32 $0x9400  }
0x1e: {  	s10 =	simm.s32 $0x5;
	[dreg:$0xc] =	wrdreg s2;
	s2 =	sshrl.u32 @!p0 s13, $0x3  }
0x1f: {  	s12 =	simm.s32 $0x0;
	[dreg:$0xd] =	wrdreg s2;
	s2 =	simm.s32 $0x2  }
.LBB2_1:
0x20: {  	s13 =	simm.s32 $0x0;
	s15 =	rddreg [dreg:$0x3]  }
0x21: {  	[tilespmem:s13], [sflag:$0x7] =	stream.linear.gather [hbm4b:s15+s13], $0x3E80, $0x38;
	[tilespmem:$0x1F480] =	vst v63  }
0x22: {  	s13 =	stileid.u32;
	_ =	swait.ge [sflag:s14], $0x3E80  }
0x23: {  	s16 =	simm.s32 @!p0 $0x7;
	s13 =	sshll.u32 @!p0 s13, $0x6;
	[sflag:s14] =	ssyncset.done $0x0  }
0x24: {  	s15 =	sshrl.u32 @!p0 s8, $0x3;
	s13 =	sor.u32 @!p0 $0x1C07, s13;
	[sflag:s14] =	ssyncadd.s32 $0xFFFFC180  }
0x25: {  	[spmem:s15], [sflag:s13] =	dma.local @!p0 [hbm:s5], $0xC80  }
0x26: {  	_ =	swait.ge @!p0 [sflag:s16], $0xC80  }
0x27: {  	[sflag:s16] =	ssyncset.done @!p0 $0x0  }
0x28: {  	s17 =	rddreg [dreg:$0xa];
	[sflag:s16] =	ssyncadd.s32 @!p0 $0xFFFFF380  }
0x29: {  	[spmem:s17], [sflag:s13] =	dma.local @!p0 [hbm:s5], $0xC80  }
0x2a: {  	_ =	swait.ge @!p0 [sflag:s16], $0xC80  }
0x2b: {  	[sflag:s16] =	ssyncset.done @!p0 $0x0  }
0x2c: {  	s17 =	rddreg [dreg:$0xb];
	[sflag:s16] =	ssyncadd.s32 @!p0 $0xFFFFF380  }
0x2d: {  	[spmem:s17], [sflag:s13] =	dma.local @!p0 [hbm:s5], $0xC80  }
0x2e: {  	_ =	swait.ge @!p0 [sflag:s16], $0xC80  }
0x2f: {  	[sflag:s16] =	ssyncset.done @!p0 $0x0  }
0x30: {  	s17 =	rddreg [dreg:$0xc];
	[sflag:s16] =	ssyncadd.s32 @!p0 $0xFFFFF380  }
0x31: {  	[spmem:s17], [sflag:s13] =	dma.local @!p0 [hbm:s5], $0xC80  }
0x32: {  	_ =	swait.ge @!p0 [sflag:s16], $0xC80  }
0x33: {  	[sflag:s16] =	ssyncset.done @!p0 $0x0  }
0x34: {  	s17 =	rddreg [dreg:$0xd];
	[sflag:s16] =	ssyncadd.s32 @!p0 $0xFFFFF380  }
0x35: {  	[spmem:s17], [sflag:s13] =	dma.local @!p0 [hbm:s5], $0xC80  }
0x36: {  	_ =	swait.ge @!p0 [sflag:s16], $0xC80  }
0x37: {  	[sflag:s16] =	ssyncset.done @!p0 $0x0  }
0x38: {  	[sflag:s16] =	ssyncadd.s32 @!p0 $0xFFFFF380  }
0x39: {  	[bflag:$0x0] =	sbarrier.arrive $0xFFFF  }
0x3a: {  	v0 =	vld [tilespmem:$0x0];
	_ =	sdelay $0x1  }
0x3b: {  	v1 =	vld [tilespmem:$0x10];
	_ =	sdelay $0x1  }
0x3c: {  	v2 =	vld [tilespmem:$0x20]  }
0x3d: {  	v3 =	vshra.s32 v0, $0xE  }
0x3e: {  	v0 =	vand.u32 $0x3FFF, v0;
	[tilespmem:$0x4000] =	vst v3;
	v3 =	vld [tilespmem:$0x30]  }
0x3f: {  	[tilespmem:$0x4200] =	vst v0;
	v0 =	vshra.s32 v1, $0xE  }
0x40: {  	[tilespmem:$0x4010] =	vst v0;
	v0 =	vand.u32 $0x3FFF, v1;
	v1 =	vld [tilespmem:$0x40]  }
0x41: {  	[tilespmem:$0x4210] =	vst v0;
	v0 =	vshra.s32 v2, $0xE  }
0x42: {  	[tilespmem:$0x4020] =	vst v0;
	v0 =	vand.u32 $0x3FFF, v2  }
0x43: {  	[tilespmem:$0x4220] =	vst v0;
	v0 =	vshra.s32 v3, $0xE  }
0x44: {  	[tilespmem:$0x4030] =	vst v0;
	v0 =	vand.u32 $0x3FFF, v3  }
0x45: {  	[tilespmem:$0x4230] =	vst v0;
	v0 =	vshra.s32 v1, $0xE  }
0x46: {  	[tilespmem:$0x4040] =	vst v0;
	v0 =	vand.u32 $0x3FFF, v1  }
0x47: {  	[tilespmem:$0x4240] =	vst v0  }
0x48: {  	[tilespmem:s21], [sflag:$0x1] =	stream.indirect.gather [hbm4b:s4+s19], $0x80, s20, s19, $0xb8;
	[tilespmem:$0x1F480] =	vst v63  }
0x49: {  	v0 =	vld [tilespmem:$0x80];
	_ =	sdelay $0x1  }
0x4a: {  	v1 =	vld [tilespmem:$0x90];
	_ =	sdelay $0x1  }
0x4b: {  	v2 =	vld [tilespmem:$0xA0]  }
0x4c: {  	v3 =	vshra.s32 v0, $0xE  }
0x4d: {  	v0 =	vand.u32 $0x3FFF, v0;
	[tilespmem:$0x4080] =	vst v3;
	v3 =	vld [tilespmem:$0xB0]  }
0x4e: {  	[tilespmem:$0x4280] =	vst v0;
	v0 =	vshra.s32 v1, $0xE  }
0x4f: {  	[tilespmem:$0x4090] =	vst v0;
	v0 =	vand.u32 $0x3FFF, v1;
	v1 =	vld [tilespmem:$0xC0]  }
0x50: {  	[tilespmem:$0x4290] =	vst v0;
	v0 =	vshra.s32 v2, $0xE  }
0x51: {  	[tilespmem:$0x40A0] =	vst v0;
	v0 =	vand.u32 $0x3FFF, v2  }
0x52: {  	[tilespmem:$0x42A0] =	vst v0;
	v0 =	vshra.s32 v3, $0xE  }
0x53: {  	[tilespmem:$0x40B0] =	vst v0;
	v0 =	vand.u32 $0x3FFF, v3  }
0x54: {  	[tilespmem:$0x42B0] =	vst v0;
	v0 =	vshra.s32 v1, $0xE  }
0x55: {  	[tilespmem:$0x40C0] =	vst v0;
	v0 =	vand.u32 $0x3FFF, v1  }
0x56: {  	[tilespmem:$0x42C0] =	vst v0  }
0x57: {  	[tilespmem:s28], [sflag:$0x2] =	stream.indirect.gather [hbm4b:s4+s19], $0x80, s26, s19, $0xb8;
	[tilespmem:$0x1F480] =	vst v63  }
0x58: {  	_ =	swait.ge [sflag:s29], $0x2800  }
0x59: {  	[sflag:s29] =	ssyncset.done $0x0  }
0x5a: {  	[sflag:s29] =	ssyncadd.s32 $0xFFFFD800  }
0x5b: {  	[spmem:s1] =	stream.indirect.scatter.add.f32 [tilespmem:s21], [sflag:$0x4], $0x80, s30, s19, $0xb8;
	[tilespmem:$0x1F480] =	vst v63  }
0x5c: {  	v0 =	vld [tilespmem:$0x100];
	_ =	sdelay $0x1  }
0x5d: {  	v1 =	vld [tilespmem:$0x110];
	_ =	sdelay $0x1  }
0x5e: {  	v2 =	vld [tilespmem:$0x120]  }
0x5f: {  	v3 =	vshra.s32 v0, $0xE  }
0x60: {  	v0 =	vand.u32 $0x3FFF, v0;
	[tilespmem:$0x4100] =	vst v3;
	v3 =	vld [tilespmem:$0x130]  }
0x61: {  	[tilespmem:$0x4300] =	vst v0;
	v0 =	vshra.s32 v1, $0xE  }
0x62: {  	[tilespmem:$0x4110] =	vst v0;
	v0 =	vand.u32 $0x3FFF, v1;
	v1 =	vld [tilespmem:$0x140]  }
0x63: {  	[tilespmem:$0x4310] =	vst v0;
	v0 =	vshra.s32 v2, $0xE  }
0x64: {  	[tilespmem:$0x4120] =	vst v0;
	v0 =	vand.u32 $0x3FFF, v2  }
0x65: {  	[tilespmem:$0x4320] =	vst v0;
	v0 =	vshra.s32 v3, $0xE  }
0x66: {  	[tilespmem:$0x4130] =	vst v0;
	v0 =	vand.u32 $0x3FFF, v3  }
0x67: {  	[tilespmem:$0x4330] =	vst v0;
	v0 =	vshra.s32 v1, $0xE  }
0x68: {  	[tilespmem:$0x4140] =	vst v0;
	v0 =	vand.u32 $0x3FFF, v1  }
0x69: {  	[tilespmem:$0x4340] =	vst v0  }
0x6a: {  	[tilespmem:s0], [sflag:$0x3] =	stream.indirect.gather [hbm4b:s4+s19], $0x80, s31, s19, $0xb8;
	[tilespmem:$0x1F480] =	vst v63  }
0x6b: {  	_ =	swait.ge [sflag:s2], $0x2800  }
0x6c: {  	[sflag:s2] =	ssyncset.done $0x0  }
0x6d: {  	[sflag:s2] =	ssyncadd.s32 $0xFFFFD800  }
0x6e: {  	[spmem:s1] =	stream.indirect.scatter.add.f32 [tilespmem:s28], [sflag:$0x5], $0x80, s3, s19, $0xb8;
	[tilespmem:$0x1F480] =	vst v63  }
0x6f: {  	_ =	swait.ge [sflag:s6], $0x2800  }
0x70: {  	[sflag:s6] =	ssyncset.done $0x0  }
0x71: {  	[sflag:s6] =	ssyncadd.s32 $0xFFFFD800  }
0x72: {  	v0 =	vld [tilespmem:$0x180];
	_ =	sdelay $0x1  }
0x73: {  	v1 =	vld [tilespmem:$0x190];
	_ =	sdelay $0x1  }
0x74: {  	v2 =	vld [tilespmem:$0x1A0]  }
0x75: {  	v3 =	vshra.s32 v0, $0xE  }
0x76: {  	v0 =	vand.u32 $0x3FFF, v0;
	[tilespmem:$0x4000] =	vst v3;
	v3 =	vld [tilespmem:$0x1B0]  }
0x77: {  	[tilespmem:$0x4200] =	vst v0;
	v0 =	vshra.s32 v1, $0xE  }
0x78: {  	[tilespmem:$0x4010] =	vst v0;
	v0 =	vand.u32 $0x3FFF, v1;
	v1 =	vld [tilespmem:$0x1C0]  }
0x79: {  	[tilespmem:$0x4210] =	vst v0;
	v0 =	vshra.s32 v2, $0xE  }
0x7a: {  	[tilespmem:$0x4020] =	vst v0;
	v0 =	vand.u32 $0x3FFF, v2  }
0x7b: {  	[tilespmem:$0x4220] =	vst v0;
	v0 =	vshra.s32 v3, $0xE  }
0x7c: {  	[tilespmem:$0x4030] =	vst v0;
	v0 =	vand.u32 $0x3FFF, v3  }
0x7d: {  	[tilespmem:$0x4230] =	vst v0;
	v0 =	vshra.s32 v1, $0xE  }
0x7e: {  	[tilespmem:$0x4040] =	vst v0;
	v0 =	vand.u32 $0x3FFF, v1  }
0x7f: {  	[tilespmem:$0x4240] =	vst v0  }
0x80: {  	[tilespmem:s21], [sflag:$0x1] =	stream.indirect.gather [hbm4b:s4+s19], $0x80, s20, s19, $0xb8;
	[tilespmem:$0x1F480] =	vst v63  }
0x81: {  	_ =	swait.ge [sflag:s7], $0x2800  }
0x82: {  	[sflag:s7] =	ssyncset.done $0x0  }
0x83: {  	[sflag:s7] =	ssyncadd.s32 $0xFFFFD800  }
0x84: {  	[spmem:s1] =	stream.indirect.scatter.add.f32 [tilespmem:s0], [sflag:$0x6], $0x80, s9, s19, $0xb8;
	[tilespmem:$0x1F480] =	vst v63  }
0x85: {  	_ =	swait.ge [sflag:s10], $0x2800  }
0x86: {  	[sflag:s10] =	ssyncset.done $0x0  }
0x87: {  	[sflag:s10] =	ssyncadd.s32 $0xFFFFD800  }
0x88: {  	v0 =	vld [tilespmem:$0x200];
	_ =	sdelay $0x1  }
0x89: {  	v1 =	vld [tilespmem:$0x210];
	_ =	sdelay $0x1  }
0x8a: {  	v2 =	vld [tilespmem:$0x220]  }
0x8b: {  	v3 =	vshra.s32 v0, $0xE  }
0x8c: {  	v0 =	vand.u32 $0x3FFF, v0;
	[tilespmem:$0x4080] =	vst v3;
	v3 =	vld [tilespmem:$0x230]  }
0x8d: {  	[tilespmem:$0x4280] =	vst v0;
	v0 =	vshra.s32 v1, $0xE  }
0x8e: {  	[tilespmem:$0x4090] =	vst v0;
	v0 =	vand.u32 $0x3FFF, v1;
	v1 =	vld [tilespmem:$0x240]  }
0x8f: {  	[tilespmem:$0x4290] =	vst v0;
	v0 =	vshra.s32 v2, $0xE  }
0x90: {  	[tilespmem:$0x40A0] =	vst v0;
	v0 =	vand.u32 $0x3FFF, v2  }
0x91: {  	[tilespmem:$0x42A0] =	vst v0;
	v0 =	vshra.s32 v3, $0xE  }
0x92: {  	[tilespmem:$0x40B0] =	vst v0;
	v0 =	vand.u32 $0x3FFF, v3  }
0x93: {  	[tilespmem:$0x42B0] =	vst v0;
	v0 =	vshra.s32 v1, $0xE  }
0x94: {  	[tilespmem:$0x40C0] =	vst v0;
	v0 =	vand.u32 $0x3FFF, v1  }
0x95: {  	[tilespmem:$0x42C0] =	vst v0  }
0x96: {  	[tilespmem:s28], [sflag:$0x2] =	stream.indirect.gather [hbm4b:s4+s19], $0x80, s26, s19, $0xb8;
	[tilespmem:$0x1F480] =	vst v63  }
0x97: {  	_ =	swait.ge [sflag:s29], $0x2800  }
0x98: {  	[sflag:s29] =	ssyncset.done $0x0  }
0x99: {  	[sflag:s29] =	ssyncadd.s32 $0xFFFFD800  }
0x9a: {  	[spmem:s1] =	stream.indirect.scatter.add.f32 [tilespmem:s21], [sflag:$0x4], $0x80, s30, s19, $0xb8;
	[tilespmem:$0x1F480] =	vst v63  }
0x9b: {  	_ =	swait.ge [sflag:s11], $0x2800  }
0x9c: {  	[sflag:s11] =	ssyncset.done $0x0  }
0x9d: {  	s16 =	simm.s32 $0x0;
	[sflag:s11] =	ssyncadd.s32 $0xFFFFD800  }
0x9e: {  	v0 =	vld [tilespmem:s16+$0x280];
	_ =	sdelay $0x4  }
0x9f: {  	v1 =	vshra.s32 v0, $0xE  }
0xa0: {  	v0 =	vand.u32 $0x3FFF, v0;
	[tilespmem:$0x4100] =	vst v1  }
0xa1: {  	[tilespmem:$0x4300] =	vst v0  }
0xa2: {  	v0 =	vld [tilespmem:s16+$0x290];
	_ =	sdelay $0x4  }
0xa3: {  	v1 =	vshra.s32 v0, $0xE  }
0xa4: {  	v0 =	vand.u32 $0x3FFF, v0;
	[tilespmem:$0x4110] =	vst v1  }
0xa5: {  	[tilespmem:$0x4310] =	vst v0  }
0xa6: {  	v0 =	vld [tilespmem:s16+$0x2A0];
	_ =	sdelay $0x4  }
0xa7: {  	v1 =	vshra.s32 v0, $0xE  }
0xa8: {  	v0 =	vand.u32 $0x3FFF, v0;
	[tilespmem:$0x4120] =	vst v1  }
0xa9: {  	[tilespmem:$0x4320] =	vst v0  }
0xaa: {  	v0 =	vld [tilespmem:s16+$0x2B0];
	_ =	sdelay $0x4  }
0xab: {  	v1 =	vshra.s32 v0, $0xE  }
0xac: {  	v0 =	vand.u32 $0x3FFF, v0;
	[tilespmem:$0x4130] =	vst v1  }
0xad: {  	[tilespmem:$0x4330] =	vst v0  }
0xae: {  	v0 =	vld [tilespmem:s16+$0x2C0];
	_ =	sdelay $0x4  }
0xaf: {  	v1 =	vshra.s32 v0, $0xE  }
0xb0: {  	v0 =	vand.u32 $0x3FFF, v0;
	[tilespmem:$0x4140] =	vst v1  }
0xb1: {  	[tilespmem:$0x4340] =	vst v0  }
0xb2: {  	[tilespmem:s0], [sflag:$0x3] =	stream.indirect.gather [hbm4b:s4+s19], $0x80, s31, s19, $0xb8;
	[tilespmem:$0x1F480] =	vst v63  }
0xb3: {  	_ =	swait.ge [sflag:s2], $0x2800  }
0xb4: {  	[sflag:s2] =	ssyncset.done $0x0  }
0xb5: {  	[sflag:s2] =	ssyncadd.s32 $0xFFFFD800  }
0xb6: {  	[spmem:s1] =	stream.indirect.scatter.add.f32 [tilespmem:s28], [sflag:$0x5], $0x80, s3, s19, $0xb8;
	[tilespmem:$0x1F480] =	vst v63  }
0xb7: {  	_ =	swait.ge [sflag:s6], $0x2800  }
0xb8: {  	[sflag:s6] =	ssyncset.done $0x0  }
0xb9: {  	[sflag:s6] =	ssyncadd.s32 $0xFFFFD800  }
0xba: {  	v0 =	vld [tilespmem:s16+$0x300];
	_ =	sdelay $0x4  }
0xbb: {  	v1 =	vshra.s32 v0, $0xE  }
0xbc: {  	v0 =	vand.u32 $0x3FFF, v0;
	[tilespmem:$0x4000] =	vst v1  }
0xbd: {  	[tilespmem:$0x4200] =	vst v0  }
0xbe: {  	v0 =	vld [tilespmem:s16+$0x310];
	_ =	sdelay $0x4  }
0xbf: {  	v1 =	vshra.s32 v0, $0xE  }
0xc0: {  	v0 =	vand.u32 $0x3FFF, v0;
	[tilespmem:$0x4010] =	vst v1  }
0xc1: {  	[tilespmem:$0x4210] =	vst v0  }
0xc2: {  	v0 =	vld [tilespmem:s16+$0x320];
	_ =	sdelay $0x4  }
0xc3: {  	v1 =	vshra.s32 v0, $0xE  }
0xc4: {  	v0 =	vand.u32 $0x3FFF, v0;
	[tilespmem:$0x4020] =	vst v1  }
0xc5: {  	[tilespmem:$0x4220] =	vst v0  }
0xc6: {  	v0 =	vld [tilespmem:s16+$0x330];
	_ =	sdelay $0x4  }
0xc7: {  	v1 =	vshra.s32 v0, $0xE  }
0xc8: {  	v0 =	vand.u32 $0x3FFF, v0;
	[tilespmem:$0x4030] =	vst v1  }
0xc9: {  	[tilespmem:$0x4230] =	vst v0  }
0xca: {  	v0 =	vld [tilespmem:s16+$0x340];
	_ =	sdelay $0x4  }
0xcb: {  	v1 =	vshra.s32 v0, $0xE  }
0xcc: {  	v0 =	vand.u32 $0x3FFF, v0;
	[tilespmem:$0x4040] =	vst v1  }
0xcd: {  	[tilespmem:$0x4240] =	vst v0  }
0xce: {  	[tilespmem:s21], [sflag:$0x1] =	stream.indirect.gather [hbm4b:s4+s19], $0x80, s20, s19, $0xb8;
	[tilespmem:$0x1F480] =	vst v63  }
0xcf: {  	_ =	swait.ge [sflag:s7], $0x2800  }
0xd0: {  	[sflag:s7] =	ssyncset.done $0x0  }
0xd1: {  	[sflag:s7] =	ssyncadd.s32 $0xFFFFD800  }
0xd2: {  	[spmem:s1] =	stream.indirect.scatter.add.f32 [tilespmem:s0], [sflag:$0x6], $0x80, s9, s19, $0xb8;
	[tilespmem:$0x1F480] =	vst v63  }
0xd3: {  	_ =	swait.ge [sflag:s10], $0x2800  }
0xd4: {  	[sflag:s10] =	ssyncset.done $0x0  }
0xd5: {  	[sflag:s10] =	ssyncadd.s32 $0xFFFFD800  }
0xd6: {  	v0 =	vld [tilespmem:s16+$0x380];
	_ =	sdelay $0x4  }
0xd7: {  	v1 =	vshra.s32 v0, $0xE  }
0xd8: {  	v0 =	vand.u32 $0x3FFF, v0;
	[tilespmem:$0x4080] =	vst v1  }
0xd9: {  	[tilespmem:$0x4280] =	vst v0  }
0xda: {  	v0 =	vld [tilespmem:s16+$0x390];
	_ =	sdelay $0x4  }
0xdb: {  	v1 =	vshra.s32 v0, $0xE  }
0xdc: {  	v0 =	vand.u32 $0x3FFF, v0;
	[tilespmem:$0x4090] =	vst v1  }
0xdd: {  	[tilespmem:$0x4290] =	vst v0  }
0xde: {  	v0 =	vld [tilespmem:s16+$0x3A0];
	_ =	sdelay $0x4  }
0xdf: {  	v1 =	vshra.s32 v0, $0xE  }
0xe0: {  	v0 =	vand.u32 $0x3FFF, v0;
	[tilespmem:$0x40A0] =	vst v1  }
0xe1: {  	[tilespmem:$0x42A0] =	vst v0  }
0xe2: {  	s17 =	simm.s32 $0x600;
	v0 =	vld [tilespmem:s16+$0x3B0]  }
.LBB2_2:
0xe3: {  	p1 =	sne.s32 s17, $0xEA00;
	s18 =	smov.u32 s17;
	s17 =	sadd.s32 $0x600, s17  }
0xe4: {  	_ =	sdelay $0x2  }
0xe5: {  	v1 =	vshra.s32 v0, $0xE;
	v0 =	vand.u32 $0x3FFF, v0  }
0xe6: {  	[tilespmem:$0x40B0] =	vst v1  }
0xe7: {  	[tilespmem:$0x42B0] =	vst v0  }
0xe8: {  	v0 =	vld [tilespmem:s16+$0x3C0];
	_ =	sdelay $0x4  }
0xe9: {  	v1 =	vshra.s32 v0, $0xE;
	v0 =	vand.u32 $0x3FFF, v0  }
0xea: {  	[tilespmem:$0x40C0] =	vst v1  }
0xeb: {  	[tilespmem:$0x42C0] =	vst v0  }
0xec: {  	[tilespmem:s28], [sflag:$0x2] =	stream.indirect.gather [hbm4b:s4+s19], $0x80, s26, s19, $0xb8;
	[tilespmem:$0x1F480] =	vst v63  }
0xed: {  	_ =	swait.ge [sflag:s29], $0x2800  }
0xee: {  	[sflag:s29] =	ssyncset.done $0x0  }
0xef: {  	[sflag:s29] =	ssyncadd.s32 $0xFFFFD800  }
0xf0: {  	[spmem:s1] =	stream.indirect.scatter.add.f32 [tilespmem:s21], [sflag:$0x4], $0x80, s30, s19, $0xb8;
	[tilespmem:$0x1F480] =	vst v63  }
0xf1: {  	_ =	swait.ge [sflag:s11], $0x2800  }
0xf2: {  	[sflag:s11] =	ssyncset.done $0x0  }
0xf3: {  	s16 =	sshra.s32 s18, $0x2;
	[sflag:s11] =	ssyncadd.s32 $0xFFFFD800  }
0xf4: {  	v0 =	vld [tilespmem:s16+$0x280];
	_ =	sdelay $0x4  }
0xf5: {  	v1 =	vshra.s32 v0, $0xE;
	v0 =	vand.u32 $0x3FFF, v0  }
0xf6: {  	[tilespmem:$0x4100] =	vst v1  }
0xf7: {  	[tilespmem:$0x4300] =	vst v0  }
0xf8: {  	v0 =	vld [tilespmem:s16+$0x290];
	_ =	sdelay $0x4  }
0xf9: {  	v1 =	vshra.s32 v0, $0xE;
	v0 =	vand.u32 $0x3FFF, v0  }
0xfa: {  	[tilespmem:$0x4110] =	vst v1  }
0xfb: {  	[tilespmem:$0x4310] =	vst v0  }
0xfc: {  	v0 =	vld [tilespmem:s16+$0x2A0];
	_ =	sdelay $0x4  }
0xfd: {  	v1 =	vshra.s32 v0, $0xE;
	v0 =	vand.u32 $0x3FFF, v0  }
0xfe: {  	[tilespmem:$0x4120] =	vst v1  }
0xff: {  	[tilespmem:$0x4320] =	vst v0  }
0x100: {  	v0 =	vld [tilespmem:s16+$0x2B0];
	_ =	sdelay $0x4  }
0x101: {  	v1 =	vshra.s32 v0, $0xE;
	v0 =	vand.u32 $0x3FFF, v0  }
0x102: {  	[tilespmem:$0x4130] =	vst v1  }
0x103: {  	[tilespmem:$0x4330] =	vst v0  }
0x104: {  	v0 =	vld [tilespmem:s16+$0x2C0];
	_ =	sdelay $0x4  }
0x105: {  	v1 =	vshra.s32 v0, $0xE;
	v0 =	vand.u32 $0x3FFF, v0  }
0x106: {  	[tilespmem:$0x4140] =	vst v1  }
0x107: {  	[tilespmem:$0x4340] =	vst v0  }
0x108: {  	[tilespmem:s0], [sflag:$0x3] =	stream.indirect.gather [hbm4b:s4+s19], $0x80, s31, s19, $0xb8;
	[tilespmem:$0x1F480] =	vst v63  }
0x109: {  	_ =	swait.ge [sflag:s2], $0x2800  }
0x10a: {  	[sflag:s2] =	ssyncset.done $0x0  }
0x10b: {  	[sflag:s2] =	ssyncadd.s32 $0xFFFFD800  }
0x10c: {  	[spmem:s1] =	stream.indirect.scatter.add.f32 [tilespmem:s28], [sflag:$0x5], $0x80, s3, s19, $0xb8;
	[tilespmem:$0x1F480] =	vst v63  }
0x10d: {  	_ =	swait.ge [sflag:s6], $0x2800  }
0x10e: {  	[sflag:s6] =	ssyncset.done $0x0  }
0x10f: {  	[sflag:s6] =	ssyncadd.s32 $0xFFFFD800  }
0x110: {  	v0 =	vld [tilespmem:s16+$0x300];
	_ =	sdelay $0x4  }
0x111: {  	v1 =	vshra.s32 v0, $0xE;
	v0 =	vand.u32 $0x3FFF, v0  }
0x112: {  	[tilespmem:$0x4000] =	vst v1  }
0x113: {  	[tilespmem:$0x4200] =	vst v0  }
0x114: {  	v0 =	vld [tilespmem:s16+$0x310];
	_ =	sdelay $0x4  }
0x115: {  	v1 =	vshra.s32 v0, $0xE;
	v0 =	vand.u32 $0x3FFF, v0  }
0x116: {  	[tilespmem:$0x4010] =	vst v1  }
0x117: {  	[tilespmem:$0x4210] =	vst v0  }
0x118: {  	v0 =	vld [tilespmem:s16+$0x320];
	_ =	sdelay $0x4  }
0x119: {  	v1 =	vshra.s32 v0, $0xE;
	v0 =	vand.u32 $0x3FFF, v0  }
0x11a: {  	[tilespmem:$0x4020] =	vst v1  }
0x11b: {  	[tilespmem:$0x4220] =	vst v0  }
0x11c: {  	v0 =	vld [tilespmem:s16+$0x330];
	_ =	sdelay $0x4  }
0x11d: {  	v1 =	vshra.s32 v0, $0xE;
	v0 =	vand.u32 $0x3FFF, v0  }
0x11e: {  	[tilespmem:$0x4030] =	vst v1  }
0x11f: {  	[tilespmem:$0x4230] =	vst v0  }
0x120: {  	v0 =	vld [tilespmem:s16+$0x340];
	_ =	sdelay $0x4  }
0x121: {  	v1 =	vshra.s32 v0, $0xE;
	v0 =	vand.u32 $0x3FFF, v0  }
0x122: {  	[tilespmem:$0x4040] =	vst v1  }
0x123: {  	[tilespmem:$0x4240] =	vst v0  }
0x124: {  	[tilespmem:s21], [sflag:$0x1] =	stream.indirect.gather [hbm4b:s4+s19], $0x80, s20, s19, $0xb8;
	[tilespmem:$0x1F480] =	vst v63  }
0x125: {  	_ =	swait.ge [sflag:s7], $0x2800  }
0x126: {  	[sflag:s7] =	ssyncset.done $0x0  }
0x127: {  	[sflag:s7] =	ssyncadd.s32 $0xFFFFD800  }
0x128: {  	[spmem:s1] =	stream.indirect.scatter.add.f32 [tilespmem:s0], [sflag:$0x6], $0x80, s9, s19, $0xb8;
	[tilespmem:$0x1F480] =	vst v63  }
0x129: {  	_ =	swait.ge [sflag:s10], $0x2800  }
0x12a: {  	[sflag:s10] =	ssyncset.done $0x0  }
0x12b: {  	[sflag:s10] =	ssyncadd.s32 $0xFFFFD800  }
0x12c: {  	v0 =	vld [tilespmem:s16+$0x380];
	_ =	sdelay $0x4  }
0x12d: {  	v1 =	vshra.s32 v0, $0xE;
	v0 =	vand.u32 $0x3FFF, v0  }
0x12e: {  	[tilespmem:$0x4080] =	vst v1  }
0x12f: {  	[tilespmem:$0x4280] =	vst v0  }
0x130: {  	v0 =	vld [tilespmem:s16+$0x390];
	_ =	sdelay $0x4  }
0x131: {  	v1 =	vshra.s32 v0, $0xE;
	v0 =	vand.u32 $0x3FFF, v0  }
0x132: {  	[tilespmem:$0x4090] =	vst v1  }
0x133: {  	[tilespmem:$0x4290] =	vst v0  }
0x134: {  	v0 =	vld [tilespmem:s16+$0x3A0];
	_ =	sdelay $0x3  }
.Ltmp0:
0x135: {  	(pc) =	sbr.rel @p1 .LBB2_2-.Ltmp0, $4  }
0x136: {  	v1 =	vshra.s32 v0, $0xE;
	v0 =	vand.u32 $0x3FFF, v0  }
0x137: {  	[tilespmem:$0x40A0] =	vst v1  }
0x138: {  	[tilespmem:$0x42A0] =	vst v0  }
0x139: {  	v0 =	vld [tilespmem:s16+$0x3B0]  }
0x13a: {  	_ =	sdelay $0x3  }
0x13b: {  	v1 =	vshra.s32 v0, $0xE  }
0x13c: {  	v62 =	vand.u32 $0x3FFF, v0;
	[tilespmem:$0x40B0] =	vst v1  }
0x13d: {  	[tilespmem:$0x42B0] =	vst v62  }
0x13e: {  	v0 =	vld [tilespmem:s16+$0x3C0];
	_ =	sdelay $0x4  }
0x13f: {  	v63 =	vshra.s32 v0, $0xE  }
0x140: {  	v0 =	vand.u32 $0x3FFF, v0;
	[tilespmem:$0x40C0] =	vst v63  }
0x141: {  	[tilespmem:$0x42C0] =	vst v0  }
0x142: {  	[tilespmem:s28], [sflag:$0x2] =	stream.indirect.gather [hbm4b:s4+s19], $0x80, s26, s19, $0xb8;
	[tilespmem:$0x1F480] =	vst v63  }
0x143: {  	_ =	swait.ge [sflag:s29], $0x2800  }
0x144: {  	[sflag:s29] =	ssyncset.done $0x0  }
0x145: {  	[sflag:s29] =	ssyncadd.s32 $0xFFFFD800  }
0x146: {  	[spmem:s1] =	stream.indirect.scatter.add.f32 [tilespmem:s21], [sflag:$0x4], $0x80, s30, s19, $0xb8;
	[tilespmem:$0x1F480] =	vst v63  }
0x147: {  	_ =	swait.ge [sflag:s2], $0x2800  }
0x148: {  	[sflag:s2] =	ssyncset.done $0x0  }
0x149: {  	[sflag:s2] =	ssyncadd.s32 $0xFFFFD800  }
0x14a: {  	[spmem:s1] =	stream.indirect.scatter.add.f32 [tilespmem:s28], [sflag:$0x5], $0x80, s3, s19, $0xb8;
	[tilespmem:$0x1F480] =	vst v63  }
0x14b: {  	_ =	swait.ge [sflag:s11], $0x2800  }
0x14c: {  	[sflag:s11] =	ssyncset.done $0x0  }
0x14d: {  	[sflag:s11] =	ssyncadd.s32 $0xFFFFD800  }
0x14e: {  	_ =	swait.ge [sflag:s6], $0x2800  }
0x14f: {  	[sflag:s6] =	ssyncset.done $0x0  }
0x150: {  	[sflag:s6] =	ssyncadd.s32 $0xFFFFD800  }
0x151: {  	_ =	swait.ge [sflag:s10], $0x2800  }
0x152: {  	[sflag:s10] =	ssyncset.done $0x0  }
0x153: {  	[sflag:s10] =	ssyncadd.s32 $0xFFFFD800  }
0x154: {  	[bflag:$0x0] =	sbarrier.arrive $0xFFFF  }
0x155: {  	s16 =	rddreg [dreg:$0x5]  }
0x156: {  	[hbm:s16], [sflag:s13] =	dma.local @!p0 [spmem:s15], $0xC80  }
0x157: {  	s15 =	simm.s32 @!p0 $0x7  }
0x158: {  	_ =	swait.ge @!p0 [sflag:s15], $0xC80  }
0x159: {  	[sflag:s15] =	ssyncset.done @!p0 $0x0  }
0x15a: {  	s16 =	rddreg [dreg:$0x6];
	[sflag:s15] =	ssyncadd.s32 @!p0 $0xFFFFF380  }
0x15b: {  	[hbm:s16], [sflag:s13] =	dma.local @!p0 [spmem:s22], $0xC80  }
0x15c: {  	_ =	swait.ge @!p0 [sflag:s15], $0xC80  }
0x15d: {  	[sflag:s15] =	ssyncset.done @!p0 $0x0  }
0x15e: {  	s16 =	rddreg [dreg:$0x7];
	[sflag:s15] =	ssyncadd.s32 @!p0 $0xFFFFF380  }
0x15f: {  	[hbm:s16], [sflag:s13] =	dma.local @!p0 [spmem:s23], $0xC80  }
0x160: {  	_ =	swait.ge @!p0 [sflag:s15], $0xC80  }
0x161: {  	[sflag:s15] =	ssyncset.done @!p0 $0x0  }
0x162: {  	s16 =	rddreg [dreg:$0x8];
	[sflag:s15] =	ssyncadd.s32 @!p0 $0xFFFFF380  }
0x163: {  	[hbm:s16], [sflag:s13] =	dma.local @!p0 [spmem:s24], $0xC80  }
0x164: {  	_ =	swait.ge @!p0 [sflag:s15], $0xC80  }
0x165: {  	[sflag:s15] =	ssyncset.done @!p0 $0x0  }
0x166: {  	s16 =	rddreg [dreg:$0x9];
	[sflag:s15] =	ssyncadd.s32 @!p0 $0xFFFFF380  }
0x167: {  	[hbm:s16], [sflag:s13] =	dma.local @!p0 [spmem:s25], $0xC80  }
0x168: {  	_ =	swait.ge @!p0 [sflag:s15], $0xC80  }
0x169: {  	s12 =	sadd.s32 $0x1, s12;
	s18 =	rddreg [dreg:$0x4]  }
0x16a: {  	p1 =	sne.s32 s12, s18  }
.Ltmp1:
0x16b: {  	_ = 	snop;
	(pc) =	sbr.rel @p1 .LBB2_1-.Ltmp1, $3  }
0x16c: {  	_ =	sdelay $0x1  }
0x16d: {  	[sflag:s15] =	ssyncset.done @!p0 $0x0  }
0x16e: {  	[sflag:s15] =	ssyncadd.s32 @!p0 $0xFFFFF380  }
0x16f: {  	_ =	sfence.sel $0x180000  }
0x170: {  	[bflag:$0x0] =	sbarrier.arrive $0xFFFF  }
0x171: {  	_ =	strace $0x90000047  }
0x172: {  	s0 =	stileid.u32;
	[bflag:$0x2] =	sbarrier.arrive $0xFFFF  }
0x173: {  	p0 =	sne.s32 s0, $0x0;
	s0 =	rddreg [dreg:$0x2]  }
0x174: {  	s0 =	sadd.s32 @!p0 $0x100000, s0  }
0x175: {  	[sflag:s0] =	ssyncadd.tile.s32 @!p0 $0x1;
	_ =	shalt  }
.Lfunc_end2:
_tile_overlayer_lowered:
.L_overlay_start_2:
0x176: {  	(tag) =	ssettag $0x2  }
0x177: {  	s0 =	rddreg [dreg:$0x0];
	s2 =	stileid.u32  }
0x178: {  	s1 =	rddreg [dreg:$0x1];
	p0 =	sne.s32 s2, $0x0  }
0x179: {  	s3 =	rddreg [dreg:$0x2];
	[bflag:$0x3] =	sbarrier.arrive $0xFFFF;
	s2 =	simm.s32 @!p0 $0x1C07  }
0x17a: {  	[timem:s3], [sflag:s2] =	dma.local @!p0 [hbm:s0], s1  }
0x17b: {  	s0 =	simm.s32 @!p0 $0x7  }
0x17c: {  	_ =	swait.ge @!p0 [sflag:s0], s1  }
0x17d: {  	s1 =	ssub.s32 @!p0 $0x0, s1;
	[sflag:s0] =	ssyncset.done @!p0 $0x0  }
0x17e: {  	[sflag:s0] =	ssyncadd.s32 @!p0 s1  }
0x17f: {  	[bflag:$0x3] =	sbarrier.arrive $0xFFFF  }
0x180: {  	_ =	shalt  }

</sc_bundles>
